<compile_context>
chip_gen: v7x
topology: tpu7x:2x2x1
jax: 0.10.2.dev20260603
libtpu: 0.0.44.dev20260713+nightly
codegen_flags: <defaults>
</compile_context>

<pallas_src>
import functools

import jax
import jax.numpy as jnp
from jax import lax
from jax.experimental import pallas as pl
from jax.experimental.pallas import tpu as pltpu
from jax.experimental.pallas import tpu_sc as plsc

N = 10000
E = 320000
F = 128
H = 128
STEPS = 4
G = 64

ROWS_BLK = 1000
GRID = N // ROWS_BLK

NW = 32
NCH = 100
HCH = NCH // 2
CH = 100
NP = 10240
TILE_ROWS = NP // 16


def _gru(p0, p1, h, wih, bih, whh, bhh):
    agg = p0 + p1
    gi = jnp.dot(agg, wih, preferred_element_type=jnp.float32) + bih
    gh = jnp.dot(h, whh, preferred_element_type=jnp.float32) + bhh
    r = jax.nn.sigmoid(gi[:, 0:H] + gh[:, 0:H])
    z = jax.nn.sigmoid(gi[:, H:2 * H] + gh[:, H:2 * H])
    n = jnp.tanh(gi[:, 2 * H:3 * H] + r * gh[:, 2 * H:3 * H])
    return (1.0 - z) * n + z * h


def _tc_init(voro_x, W1t, Wc0):
    def body(x_ref, w1_ref, wc_ref, h_ref, m_ref):
        h = jnp.tanh(jnp.dot(x_ref[...], w1_ref[...],
                             preferred_element_type=jnp.float32))
        h_ref[...] = h
        m_ref[...] = jnp.dot(h, wc_ref[...], preferred_element_type=jnp.float32)

    return pl.pallas_call(
        body,
        grid=(GRID,),
        in_specs=[
            pl.BlockSpec((ROWS_BLK, F), lambda i: (i, 0)),
            pl.BlockSpec((F, H), lambda i: (0, 0)),
            pl.BlockSpec((H, H), lambda i: (0, 0)),
        ],
        out_specs=[
            pl.BlockSpec((ROWS_BLK, H), lambda i: (i, 0)),
            pl.BlockSpec((ROWS_BLK, H), lambda i: (i, 0)),
        ],
        out_shape=[
            jax.ShapeDtypeStruct((N, H), jnp.float32),
            jax.ShapeDtypeStruct((N, H), jnp.float32),
        ],
    )(voro_x, W1t, Wc0)


def _tc_step(p0, p1, h, W_iht, b_ih2, Wc_next, W_hht, b_hh2):
    def body(p0_ref, p1_ref, h_ref, wih_ref, bih_ref, wc_ref,
             whh_ref, bhh_ref, hn_ref, m_ref):
        h_new = _gru(p0_ref[...], p1_ref[...], h_ref[...],
                     wih_ref[...], bih_ref[...], whh_ref[...], bhh_ref[...])
        hn_ref[...] = h_new
        m_ref[...] = jnp.dot(h_new, wc_ref[...],
                             preferred_element_type=jnp.float32)

    return pl.pallas_call(
        body,
        grid=(GRID,),
        in_specs=[
            pl.BlockSpec((ROWS_BLK, H), lambda i: (i, 0)),
            pl.BlockSpec((ROWS_BLK, H), lambda i: (i, 0)),
            pl.BlockSpec((ROWS_BLK, H), lambda i: (i, 0)),
            pl.BlockSpec((H, 3 * H), lambda i: (0, 0)),
            pl.BlockSpec((1, 3 * H), lambda i: (0, 0)),
            pl.BlockSpec((H, H), lambda i: (0, 0)),
            pl.BlockSpec((H, 3 * H), lambda i: (0, 0)),
            pl.BlockSpec((1, 3 * H), lambda i: (0, 0)),
        ],
        out_specs=[
            pl.BlockSpec((ROWS_BLK, H), lambda i: (i, 0)),
            pl.BlockSpec((ROWS_BLK, H), lambda i: (i, 0)),
        ],
        out_shape=[
            jax.ShapeDtypeStruct((N, H), jnp.float32),
            jax.ShapeDtypeStruct((N, H), jnp.float32),
        ],
    )(p0, p1, h, W_iht, b_ih2, Wc_next, W_hht, b_hh2)


def _tc_final(p0, p1, h, W_iht, b_ih2, W_hht, b_hh2, batch_r, Wp, bp2):
    def body(p0_ref, p1_ref, h_ref, wih_ref, bih_ref, whh_ref, bhh_ref,
             b_ref, wp_ref, bp_ref, out_ref, sums_ref, cnt_ref):
        i = pl.program_id(0)
        h_new = _gru(p0_ref[...], p1_ref[...], h_ref[...],
                     wih_ref[...], bih_ref[...], whh_ref[...], bhh_ref[...])
        seg = b_ref[0]
        oh = (lax.broadcasted_iota(jnp.int32, (G, ROWS_BLK), 0)
              == seg).astype(jnp.float32)

        @pl.when(i == 0)
        def _():
            sums_ref[...] = jnp.zeros_like(sums_ref)
            cnt_ref[...] = jnp.zeros_like(cnt_ref)

        oh16 = oh.astype(jnp.bfloat16)
        h_hi = h_new.astype(jnp.bfloat16)
        r1 = h_new - h_hi.astype(jnp.float32)
        h_mid = r1.astype(jnp.bfloat16)
        h_lo = (r1 - h_mid.astype(jnp.float32)).astype(jnp.bfloat16)
        s = (jnp.dot(oh16, h_lo, preferred_element_type=jnp.float32)
             + jnp.dot(oh16, h_mid, preferred_element_type=jnp.float32)
             + jnp.dot(oh16, h_hi, preferred_element_type=jnp.float32))
        sums_ref[...] += s
        cnt_ref[...] += jnp.sum(oh, axis=1, keepdims=True)

        @pl.when(i == GRID - 1)
        def _():
            pooled = sums_ref[...] / jnp.maximum(cnt_ref[...], 1.0)
            act = jnp.maximum(pooled, 0.0)
            pred = lax.dot_general(
                wp_ref[...], act, (((1,), (1,)), ((), ())),
                preferred_element_type=jnp.float32) + bp_ref[...]
            out_ref[...] = pred

    return pl.pallas_call(
        body,
        grid=(GRID,),
        in_specs=[
            pl.BlockSpec((ROWS_BLK, H), lambda i: (i, 0)),
            pl.BlockSpec((ROWS_BLK, H), lambda i: (i, 0)),
            pl.BlockSpec((ROWS_BLK, H), lambda i: (i, 0)),
            pl.BlockSpec((H, 3 * H), lambda i: (0, 0)),
            pl.BlockSpec((1, 3 * H), lambda i: (0, 0)),
            pl.BlockSpec((H, 3 * H), lambda i: (0, 0)),
            pl.BlockSpec((1, 3 * H), lambda i: (0, 0)),
            pl.BlockSpec((1, 1, ROWS_BLK), lambda i: (i, 0, 0)),
            pl.BlockSpec((1, H), lambda i: (0, 0)),
            pl.BlockSpec((1, 1), lambda i: (0, 0)),
        ],
        out_specs=pl.BlockSpec((1, G), lambda i: (0, 0)),
        out_shape=jax.ShapeDtypeStruct((1, G), jnp.float32),
        scratch_shapes=[
            pltpu.VMEM((G, H), jnp.float32),
            pltpu.VMEM((G, 1), jnp.float32),
        ],
    )(p0, p1, h, W_iht, b_ih2, W_hht, b_hh2, batch_r, Wp, bp2)


def _sc_agg(m, srcr, dstr, zeros):
    mesh = plsc.VectorSubcoreMesh(core_axis_name="c", subcore_axis_name="s")

    @functools.partial(
        pl.kernel,
        out_type=[
            jax.ShapeDtypeStruct((NP, H), jnp.float32),
            jax.ShapeDtypeStruct((NP, H), jnp.float32),
        ],
        mesh=mesh,
        scratch_types=[
            pltpu.VMEM((HCH, CH), jnp.int32),
            pltpu.VMEM((HCH, CH), jnp.int32),
            pltpu.VMEM((2, CH, H), jnp.float32),
            pltpu.VMEM_SHARED((NP, H), jnp.float32),
            pltpu.SemaphoreType.DMA,
        ],
    )
    def agg_k(m_hbm, src_hbm, dst_hbm, z_hbm, out0_hbm, out1_hbm,
              src_v, dst_v, rows_v, acc_sh, sem):
        cid = lax.axis_index("c")
        sid = lax.axis_index("s")
        wid = sid * 2 + cid
        pltpu.sync_copy(z_hbm, acc_sh.at[pl.ds(sid * TILE_ROWS, TILE_ROWS)])
        plsc.subcore_barrier()

        buf_a = rows_v.at[0]
        buf_b = rows_v.at[1]

        def drain_one():
            pltpu.make_async_copy(m_hbm.at[src_v.at[0]], buf_a, sem).wait()

        def half_pass(half):
            pltpu.sync_copy(src_hbm.at[wid * 2 + half], src_v)
            pltpu.sync_copy(dst_hbm.at[wid * 2 + half], dst_v)
            pltpu.async_copy(m_hbm.at[src_v.at[0]], buf_a, sem)

            def body(k, c):
                j0 = 2 * k
                drain_one()
                pltpu.async_copy(m_hbm.at[src_v.at[j0 + 1]], buf_b, sem)
                pltpu.sync_copy(buf_a, acc_sh.at[dst_v.at[j0]], add=True)
                drain_one()

                @pl.when(k < HCH // 2 - 1)
                def _():
                    pltpu.async_copy(m_hbm.at[src_v.at[j0 + 2]], buf_a, sem)

                pltpu.sync_copy(buf_b, acc_sh.at[dst_v.at[j0 + 1]], add=True)
                return c

            lax.fori_loop(0, HCH // 2, body, 0)

        half_pass(0)
        half_pass(1)
        plsc.subcore_barrier()

        @pl.when(cid == 0)
        def _():
            pltpu.sync_copy(acc_sh.at[pl.ds(sid * TILE_ROWS, TILE_ROWS)],
                            out0_hbm.at[pl.ds(sid * TILE_ROWS, TILE_ROWS)])

        @pl.when(cid == 1)
        def _():
            pltpu.sync_copy(acc_sh.at[pl.ds(sid * TILE_ROWS, TILE_ROWS)],
                            out1_hbm.at[pl.ds(sid * TILE_ROWS, TILE_ROWS)])

    return agg_k(m, srcr, dstr, zeros)


def kernel(voro_x, edge_index, batch, W1, Wconv, W_ih, W_hh, b_ih, b_hh, Wp, bp):
    W1t = W1.T
    W_iht = W_ih.T
    W_hht = W_hh.T
    b_ih2 = b_ih.reshape(1, 3 * H)
    b_hh2 = b_hh.reshape(1, 3 * H)
    src = edge_index[0].astype(jnp.int32).reshape(NW * 2, HCH, CH)
    dst = edge_index[1].astype(jnp.int32).reshape(NW * 2, HCH, CH)
    zeros = jnp.zeros((TILE_ROWS, H), jnp.float32)
    batch_r = batch.astype(jnp.int32).reshape(GRID, 1, ROWS_BLK)

    h, m = _tc_init(voro_x, W1t, Wconv[0])
    out2 = None
    for i in range(STEPS):
        p0, p1 = _sc_agg(m, src, dst, zeros)
        if i < STEPS - 1:
            h, m = _tc_step(p0, p1, h, W_iht, b_ih2, Wconv[i + 1],
                            W_hht, b_hh2)
        else:
            out2 = _tc_final(p0, p1, h, W_iht, b_ih2, W_hht, b_hh2,
                             batch_r, Wp, bp.reshape(1, 1))
    return out2.reshape(G)

# --- scband reference (transcript-rebuilt; emitter-appended) ---
"""Pipeline reference for scband-pore-graph-gnn-6339371729326 (READ-ONLY COPY).

The authoritative reference and input builder live on the scoring server;
editing this copy changes nothing except your own understanding.
"""

import jax, jax.numpy as jnp
import numpy as np

N = 10000
E = 320000
F = 128
H = 128
STEPS = 4
G = 64


def setup_inputs(seed: int = 0):
    key = jax.random.key(seed)
    ks = jax.random.split(key, 10)
    voro_x = jax.random.normal(ks[0], (N, F), dtype=jnp.float32)
    edge_index = jax.random.randint(ks[1], (2, E), 0, N)
    batch = jnp.sort(jax.random.randint(ks[2], (N,), 0, G))
    W1 = jax.random.normal(ks[3], (H, F), dtype=jnp.float32) * 0.05
    Wconv = jax.random.normal(ks[4], (STEPS, H, H), dtype=jnp.float32) * 0.05
    W_ih = jax.random.normal(ks[5], (3 * H, H), dtype=jnp.float32) * 0.05
    W_hh = jax.random.normal(ks[6], (3 * H, H), dtype=jnp.float32) * 0.05
    b_ih = jnp.zeros((3 * H,), jnp.float32)
    b_hh = jnp.zeros((3 * H,), jnp.float32)
    Wp = jax.random.normal(ks[7], (1, H), dtype=jnp.float32) * 0.05
    bp = jnp.zeros((1,), jnp.float32)
    return dict(voro_x=voro_x, edge_index=edge_index, batch=batch, W1=W1,
                Wconv=Wconv, W_ih=W_ih, W_hh=W_hh, b_ih=b_ih, b_hh=b_hh,
                Wp=Wp, bp=bp)


def _gru_cell(a, h, W_ih, W_hh, b_ih, b_hh):
    gi = a @ W_ih.T + b_ih
    gh = h @ W_hh.T + b_hh
    i_r, i_z, i_n = jnp.split(gi, 3, axis=-1)
    h_r, h_z, h_n = jnp.split(gh, 3, axis=-1)
    r = jax.nn.sigmoid(i_r + h_r)
    z = jax.nn.sigmoid(i_z + h_z)
    n = jnp.tanh(i_n + r * h_n)
    return (1.0 - z) * n + z * h


def reference(voro_x, edge_index, batch, W1, Wconv, W_ih, W_hh, b_ih, b_hh, Wp, bp):
    # voro_input (no bias) + tanh
    x = jnp.tanh(voro_x @ W1.T)
    # GatedGraphConv: pad to out_channels if needed
    if x.shape[1] < H:
        x = jnp.concatenate([x, jnp.zeros((x.shape[0], H - x.shape[1]), x.dtype)], axis=1)
    src = edge_index[0]
    dst = edge_index[1]
    h = x
    for i in range(STEPS):
        m = h @ Wconv[i]
        # message from src aggregated (add) at dst
        agg = jnp.zeros_like(h).at[dst].add(m[src])
        h = _gru_cell(agg, h, W_ih, W_hh, b_ih, b_hh)
    # global_mean_pool over batch ids
    sums = jax.ops.segment_sum(h, batch, num_segments=G)
    cnt = jax.ops.segment_sum(jnp.ones((h.shape[0],), h.dtype), batch, num_segments=G)
    pooled = sums / jnp.maximum(cnt, 1.0)[:, None]
    out = jax.nn.relu(pooled)
    pred = out @ Wp.T + bp
    return pred.squeeze(1)

if __name__ == "__main__":
    import jax
    _d = setup_inputs()
    print(jax.jit(kernel)(*tuple(_d.values())))

</pallas_src>

<mosaic_0001>
#map = affine_map<(d0, d1) -> (0, 0)>
#map1 = affine_map<(d0, d1) -> (0, 0, 0)>
module attributes {stable_mosaic.version = 14 : i64} {
  func.func @agg_k(%arg0: i32, %arg1: i32, %arg2: memref<10000x128xf32, #tpu.memory_space<hbm>>, %arg3: memref<64x50x100xi32, #tpu.memory_space<hbm>>, %arg4: memref<64x50x100xi32, #tpu.memory_space<hbm>>, %arg5: memref<640x128xf32, #tpu.memory_space<hbm>>, %arg6: memref<10240x128xf32, #tpu.memory_space<hbm>>, %arg7: memref<10240x128xf32, #tpu.memory_space<hbm>>, %arg8: memref<50x100xi32, #tpu.memory_space<vmem>>, %arg9: memref<50x100xi32, #tpu.memory_space<vmem>>, %arg10: memref<2x100x128xf32, #tpu.memory_space<vmem>>, %arg11: memref<10240x128xf32, #tpu.memory_space<vmem_shared>>, %arg12: memref<!tpu.dma_semaphore, #tpu.memory_space<semaphore_mem>>) attributes {dimension_semantics = [#tpu.dimension_semantics<core_parallel>, #tpu.dimension_semantics<subcore_parallel>], iteration_bounds = array<i64: 2, 16>, scalar_prefetch = 0 : i64, scratch_operands = 5 : i64, tpu.core_type = #tpu.core_type<sc_vector_subcore>, window_params = [{transform_indices = #map}, {transform_indices = #map1}, {transform_indices = #map1}, {transform_indices = #map}, {transform_indices = #map}, {transform_indices = #map}]} {
    %mul3A = arith.constant 2 : i32
    %mul3A_0 = arith.muli %arg1, %mul3A : i32
    %add3A = arith.addi %mul3A_0, %arg0 : i32
    %mul3A_1 = arith.constant 640 : i32
    %mul3A_2 = arith.muli %arg1, %mul3A_1 : i32
    "tpu.region"() ({
      %run_scoped3A = tpu.sem_alloc : memref<!tpu.dma_semaphore, #tpu.memory_space<semaphore_mem>>
      %dma_start3A_65 = arith.constant 0 : i32
      %dma_start3A_66 = tpu.memref_slice %arg11[%mul3A_2, %dma_start3A_65] : memref<10240x128xf32, #tpu.memory_space<vmem_shared>> -> memref<640x128xf32, #tpu.memory_space<vmem_shared>>
      tpu.enqueue_dma source(%arg5 : memref<640x128xf32, #tpu.memory_space<hbm>>) target(%dma_start3A_66 : memref<640x128xf32, #tpu.memory_space<vmem_shared>>) target_semaphore(%run_scoped3A : memref<!tpu.dma_semaphore, #tpu.memory_space<semaphore_mem>>)
      %dma_wait3A = arith.constant 0 : i32
      %dma_wait3A_67 = tpu.memref_slice %arg11[%mul3A_2, %dma_wait3A] : memref<10240x128xf32, #tpu.memory_space<vmem_shared>> -> memref<640x128xf32, #tpu.memory_space<vmem_shared>>
      tpu.wait_dma2 semaphore(%run_scoped3A : memref<!tpu.dma_semaphore, #tpu.memory_space<semaphore_mem>>) src(%arg5 : memref<640x128xf32, #tpu.memory_space<hbm>>) dst(%dma_wait3A_67 : memref<640x128xf32, #tpu.memory_space<vmem_shared>>)
      tpu.yield
    }) : () -> ()
    %barrier3A = arith.constant 0 : index
    tpu.barrier barrier_id(%barrier3A)
    %mul3A_3 = arith.constant 2 : i32
    %mul3A_4 = arith.muli %add3A, %mul3A_3 : i32
    %add3A_5 = arith.constant 0 : i32
    %add3A_6 = arith.addi %mul3A_4, %add3A_5 : i32
    "tpu.region"() ({
      %run_scoped3A = tpu.sem_alloc : memref<!tpu.dma_semaphore, #tpu.memory_space<semaphore_mem>>
      %dma_start3A_65 = arith.constant 0 : i32
      %dma_start3A_66 = arith.constant 0 : i32
      %dma_start3A_67 = tpu.memref_slice %arg3[%add3A_6, %dma_start3A_65, %dma_start3A_66] : memref<64x50x100xi32, #tpu.memory_space<hbm>> -> memref<1x50x100xi32, #tpu.memory_space<hbm>>
      %dma_start3A_68 = tpu.memref_squeeze %dma_start3A_67 : memref<1x50x100xi32, #tpu.memory_space<hbm>> -> memref<50x100xi32, #tpu.memory_space<hbm>>
      %dma_start3A_69 = arith.constant 0 : i32
      %dma_start3A_70 = arith.constant 0 : i32
      %dma_start3A_71 = tpu.memref_slice %arg3[%add3A_6, %dma_start3A_69, %dma_start3A_70] : memref<64x50x100xi32, #tpu.memory_space<hbm>> -> memref<1x50x100xi32, #tpu.memory_space<hbm>>
      %dma_start3A_72 = tpu.memref_squeeze %dma_start3A_71 : memref<1x50x100xi32, #tpu.memory_space<hbm>> -> memref<50x100xi32, #tpu.memory_space<hbm>>
      tpu.enqueue_dma source(%dma_start3A_72 : memref<50x100xi32, #tpu.memory_space<hbm>>) target(%arg8 : memref<50x100xi32, #tpu.memory_space<vmem>>) target_semaphore(%run_scoped3A : memref<!tpu.dma_semaphore, #tpu.memory_space<semaphore_mem>>)
      %dma_wait3A = arith.constant 0 : i32
      %dma_wait3A_73 = arith.constant 0 : i32
      %dma_wait3A_74 = tpu.memref_slice %arg3[%add3A_6, %dma_wait3A, %dma_wait3A_73] : memref<64x50x100xi32, #tpu.memory_space<hbm>> -> memref<1x50x100xi32, #tpu.memory_space<hbm>>
      %dma_wait3A_75 = tpu.memref_squeeze %dma_wait3A_74 : memref<1x50x100xi32, #tpu.memory_space<hbm>> -> memref<50x100xi32, #tpu.memory_space<hbm>>
      %dma_wait3A_76 = arith.constant 0 : i32
      %dma_wait3A_77 = arith.constant 0 : i32
      %dma_wait3A_78 = tpu.memref_slice %arg3[%add3A_6, %dma_wait3A_76, %dma_wait3A_77] : memref<64x50x100xi32, #tpu.memory_space<hbm>> -> memref<1x50x100xi32, #tpu.memory_space<hbm>>
      %dma_wait3A_79 = tpu.memref_squeeze %dma_wait3A_78 : memref<1x50x100xi32, #tpu.memory_space<hbm>> -> memref<50x100xi32, #tpu.memory_space<hbm>>
      tpu.wait_dma2 semaphore(%run_scoped3A : memref<!tpu.dma_semaphore, #tpu.memory_space<semaphore_mem>>) src(%dma_wait3A_79 : memref<50x100xi32, #tpu.memory_space<hbm>>) dst(%arg8 : memref<50x100xi32, #tpu.memory_space<vmem>>)
      tpu.yield
    }) : () -> ()
    %mul3A_7 = arith.constant 2 : i32
    %mul3A_8 = arith.muli %add3A, %mul3A_7 : i32
    %add3A_9 = arith.constant 0 : i32
    %add3A_10 = arith.addi %mul3A_8, %add3A_9 : i32
    "tpu.region"() ({
      %run_scoped3A = tpu.sem_alloc : memref<!tpu.dma_semaphore, #tpu.memory_space<semaphore_mem>>
      %dma_start3A_65 = arith.constant 0 : i32
      %dma_start3A_66 = arith.constant 0 : i32
      %dma_start3A_67 = tpu.memref_slice %arg4[%add3A_10, %dma_start3A_65, %dma_start3A_66] : memref<64x50x100xi32, #tpu.memory_space<hbm>> -> memref<1x50x100xi32, #tpu.memory_space<hbm>>
      %dma_start3A_68 = tpu.memref_squeeze %dma_start3A_67 : memref<1x50x100xi32, #tpu.memory_space<hbm>> -> memref<50x100xi32, #tpu.memory_space<hbm>>
      %dma_start3A_69 = arith.constant 0 : i32
      %dma_start3A_70 = arith.constant 0 : i32
      %dma_start3A_71 = tpu.memref_slice %arg4[%add3A_10, %dma_start3A_69, %dma_start3A_70] : memref<64x50x100xi32, #tpu.memory_space<hbm>> -> memref<1x50x100xi32, #tpu.memory_space<hbm>>
      %dma_start3A_72 = tpu.memref_squeeze %dma_start3A_71 : memref<1x50x100xi32, #tpu.memory_space<hbm>> -> memref<50x100xi32, #tpu.memory_space<hbm>>
      tpu.enqueue_dma source(%dma_start3A_72 : memref<50x100xi32, #tpu.memory_space<hbm>>) target(%arg9 : memref<50x100xi32, #tpu.memory_space<vmem>>) target_semaphore(%run_scoped3A : memref<!tpu.dma_semaphore, #tpu.memory_space<semaphore_mem>>)
      %dma_wait3A = arith.constant 0 : i32
      %dma_wait3A_73 = arith.constant 0 : i32
      %dma_wait3A_74 = tpu.memref_slice %arg4[%add3A_10, %dma_wait3A, %dma_wait3A_73] : memref<64x50x100xi32, #tpu.memory_space<hbm>> -> memref<1x50x100xi32, #tpu.memory_space<hbm>>
      %dma_wait3A_75 = tpu.memref_squeeze %dma_wait3A_74 : memref<1x50x100xi32, #tpu.memory_space<hbm>> -> memref<50x100xi32, #tpu.memory_space<hbm>>
      %dma_wait3A_76 = arith.constant 0 : i32
      %dma_wait3A_77 = arith.constant 0 : i32
      %dma_wait3A_78 = tpu.memref_slice %arg4[%add3A_10, %dma_wait3A_76, %dma_wait3A_77] : memref<64x50x100xi32, #tpu.memory_space<hbm>> -> memref<1x50x100xi32, #tpu.memory_space<hbm>>
      %dma_wait3A_79 = tpu.memref_squeeze %dma_wait3A_78 : memref<1x50x100xi32, #tpu.memory_space<hbm>> -> memref<50x100xi32, #tpu.memory_space<hbm>>
      tpu.wait_dma2 semaphore(%run_scoped3A : memref<!tpu.dma_semaphore, #tpu.memory_space<semaphore_mem>>) src(%dma_wait3A_79 : memref<50x100xi32, #tpu.memory_space<hbm>>) dst(%arg9 : memref<50x100xi32, #tpu.memory_space<vmem>>)
      tpu.yield
    }) : () -> ()
    %dma_start3A = arith.constant 0 : i32
    %dma_start3A_11 = arith.constant 0 : i32
    %dma_start3A_12 = arith.constant 0 : i32
    %dma_start3A_13 = arith.constant 0 : i32
    %dma_start3A_14 = tpu.memref_slice %arg10[%dma_start3A_11, %dma_start3A_12, %dma_start3A_13] : memref<2x100x128xf32, #tpu.memory_space<vmem>> -> memref<1x100x128xf32, #tpu.memory_space<vmem>>
    %dma_start3A_15 = tpu.memref_squeeze %dma_start3A_14 : memref<1x100x128xf32, #tpu.memory_space<vmem>> -> memref<100x128xf32, #tpu.memory_space<vmem>>
    %dma_start3A_16 = arith.constant 0 : i32
    %dma_start3A_17 = tpu.memref_slice %arg8[%dma_start3A, %dma_start3A_16] : memref<50x100xi32, #tpu.memory_space<vmem>> -> memref<1x100xi32, #tpu.memory_space<vmem>>
    %dma_start3A_18 = tpu.memref_squeeze %dma_start3A_17 : memref<1x100xi32, #tpu.memory_space<vmem>> -> memref<100xi32, #tpu.memory_space<vmem>>
    %dma_start3A_19 = arith.constant 0 : i32
    %dma_start3A_20 = arith.constant 0 : i32
    %dma_start3A_21 = tpu.memref_slice %arg2[%dma_start3A_19, %dma_start3A_20] : memref<10000x128xf32, #tpu.memory_space<hbm>> -> memref<10000x128xf32, #tpu.memory_space<hbm>>
    tpu.enqueue_indirect_dma source(%dma_start3A_21 : memref<10000x128xf32, #tpu.memory_space<hbm>>) target(%dma_start3A_15 : memref<100x128xf32, #tpu.memory_space<vmem>>) offsets(%dma_start3A_18 : memref<100xi32, #tpu.memory_space<vmem>>) semaphore(%arg12 : memref<!tpu.dma_semaphore, #tpu.memory_space<semaphore_mem>>)
    %scan3A = arith.constant 0 : i32
    %scan3A_22 = arith.constant 0 : i32
    %scan3A_23 = arith.constant 1 : i32
    %scan3A_24 = arith.constant 0 : i32
    %scan3A_25 = arith.constant 25 : i32
    %scan3A_26 = arith.addi %scan3A_24, %scan3A_25 : i32
    %scan3A_27 = arith.constant 1 : i32
    scf.for %scan3A_65 = %scan3A_24 to %scan3A_26 step %scan3A_27  : i32 {
      %mul3A_66 = arith.constant 2 : i32
      %mul3A_67 = arith.muli %mul3A_66, %scan3A_65 : i32
      %dma_wait3A = arith.constant 0 : i32
      %dma_wait3A_68 = arith.constant 0 : i32
      %dma_wait3A_69 = arith.constant 0 : i32
      %dma_wait3A_70 = tpu.memref_slice %arg10[%scan3A_22, %dma_wait3A_68, %dma_wait3A_69] : memref<2x100x128xf32, #tpu.memory_space<vmem>> -> memref<1x100x128xf32, #tpu.memory_space<vmem>>
      %dma_wait3A_71 = tpu.memref_squeeze %dma_wait3A_70 : memref<1x100x128xf32, #tpu.memory_space<vmem>> -> memref<100x128xf32, #tpu.memory_space<vmem>>
      %dma_wait3A_72 = arith.constant 0 : i32
      %dma_wait3A_73 = tpu.memref_slice %arg8[%dma_wait3A, %dma_wait3A_72] : memref<50x100xi32, #tpu.memory_space<vmem>> -> memref<1x100xi32, #tpu.memory_space<vmem>>
      %dma_wait3A_74 = tpu.memref_squeeze %dma_wait3A_73 : memref<1x100xi32, #tpu.memory_space<vmem>> -> memref<100xi32, #tpu.memory_space<vmem>>
      %dma_wait3A_75 = arith.constant 0 : i32
      %dma_wait3A_76 = arith.constant 0 : i32
      %dma_wait3A_77 = tpu.memref_slice %arg2[%dma_wait3A_75, %dma_wait3A_76] : memref<10000x128xf32, #tpu.memory_space<hbm>> -> memref<10000x128xf32, #tpu.memory_space<hbm>>
      tpu.wait_indirect_dma semaphore(%arg12 : memref<!tpu.dma_semaphore, #tpu.memory_space<semaphore_mem>>) src(%dma_wait3A_77 : memref<10000x128xf32, #tpu.memory_space<hbm>>) dst(%dma_wait3A_71 : memref<100x128xf32, #tpu.memory_space<vmem>>)
      %add3A_78 = arith.constant 1 : i32
      %add3A_79 = arith.addi %mul3A_67, %add3A_78 : i32
      %dma_start3A_80 = arith.constant 0 : i32
      %dma_start3A_81 = arith.constant 0 : i32
      %dma_start3A_82 = tpu.memref_slice %arg10[%scan3A_23, %dma_start3A_80, %dma_start3A_81] : memref<2x100x128xf32, #tpu.memory_space<vmem>> -> memref<1x100x128xf32, #tpu.memory_space<vmem>>
      %dma_start3A_83 = tpu.memref_squeeze %dma_start3A_82 : memref<1x100x128xf32, #tpu.memory_space<vmem>> -> memref<100x128xf32, #tpu.memory_space<vmem>>
      %dma_start3A_84 = arith.constant 0 : i32
      %dma_start3A_85 = tpu.memref_slice %arg8[%add3A_79, %dma_start3A_84] : memref<50x100xi32, #tpu.memory_space<vmem>> -> memref<1x100xi32, #tpu.memory_space<vmem>>
      %dma_start3A_86 = tpu.memref_squeeze %dma_start3A_85 : memref<1x100xi32, #tpu.memory_space<vmem>> -> memref<100xi32, #tpu.memory_space<vmem>>
      %dma_start3A_87 = arith.constant 0 : i32
      %dma_start3A_88 = arith.constant 0 : i32
      %dma_start3A_89 = tpu.memref_slice %arg2[%dma_start3A_87, %dma_start3A_88] : memref<10000x128xf32, #tpu.memory_space<hbm>> -> memref<10000x128xf32, #tpu.memory_space<hbm>>
      tpu.enqueue_indirect_dma source(%dma_start3A_89 : memref<10000x128xf32, #tpu.memory_space<hbm>>) target(%dma_start3A_83 : memref<100x128xf32, #tpu.memory_space<vmem>>) offsets(%dma_start3A_86 : memref<100xi32, #tpu.memory_space<vmem>>) semaphore(%arg12 : memref<!tpu.dma_semaphore, #tpu.memory_space<semaphore_mem>>)
      "tpu.region"() ({
        %run_scoped3A = tpu.sem_alloc : memref<!tpu.dma_semaphore, #tpu.memory_space<semaphore_mem>>
        %dma_start3A_107 = arith.constant 0 : i32
        %dma_start3A_108 = arith.constant 0 : i32
        %dma_start3A_109 = tpu.memref_slice %arg10[%scan3A_22, %dma_start3A_107, %dma_start3A_108] : memref<2x100x128xf32, #tpu.memory_space<vmem>> -> memref<1x100x128xf32, #tpu.memory_space<vmem>>
        %dma_start3A_110 = tpu.memref_squeeze %dma_start3A_109 : memref<1x100x128xf32, #tpu.memory_space<vmem>> -> memref<100x128xf32, #tpu.memory_space<vmem>>
        %dma_start3A_111 = arith.constant 0 : i32
        %dma_start3A_112 = tpu.memref_slice %arg9[%mul3A_67, %dma_start3A_111] : memref<50x100xi32, #tpu.memory_space<vmem>> -> memref<1x100xi32, #tpu.memory_space<vmem>>
        %dma_start3A_113 = tpu.memref_squeeze %dma_start3A_112 : memref<1x100xi32, #tpu.memory_space<vmem>> -> memref<100xi32, #tpu.memory_space<vmem>>
        %dma_start3A_114 = arith.constant 0 : i32
        %dma_start3A_115 = arith.constant 0 : i32
        %dma_start3A_116 = tpu.memref_slice %arg11[%dma_start3A_114, %dma_start3A_115] : memref<10240x128xf32, #tpu.memory_space<vmem_shared>> -> memref<10240x128xf32, #tpu.memory_space<vmem_shared>>
        tpu.enqueue_indirect_dma source(%dma_start3A_110 : memref<100x128xf32, #tpu.memory_space<vmem>>) target(%dma_start3A_116 : memref<10240x128xf32, #tpu.memory_space<vmem_shared>>) offsets(%dma_start3A_113 : memref<100xi32, #tpu.memory_space<vmem>>) semaphore(%run_scoped3A : memref<!tpu.dma_semaphore, #tpu.memory_space<semaphore_mem>>) {add = true}
        %dma_wait3A_117 = arith.constant 0 : i32
        %dma_wait3A_118 = arith.constant 0 : i32
        %dma_wait3A_119 = tpu.memref_slice %arg10[%scan3A_22, %dma_wait3A_117, %dma_wait3A_118] : memref<2x100x128xf32, #tpu.memory_space<vmem>> -> memref<1x100x128xf32, #tpu.memory_space<vmem>>
        %dma_wait3A_120 = tpu.memref_squeeze %dma_wait3A_119 : memref<1x100x128xf32, #tpu.memory_space<vmem>> -> memref<100x128xf32, #tpu.memory_space<vmem>>
        %dma_wait3A_121 = arith.constant 0 : i32
        %dma_wait3A_122 = tpu.memref_slice %arg9[%mul3A_67, %dma_wait3A_121] : memref<50x100xi32, #tpu.memory_space<vmem>> -> memref<1x100xi32, #tpu.memory_space<vmem>>
        %dma_wait3A_123 = tpu.memref_squeeze %dma_wait3A_122 : memref<1x100xi32, #tpu.memory_space<vmem>> -> memref<100xi32, #tpu.memory_space<vmem>>
        %dma_wait3A_124 = arith.constant 0 : i32
        %dma_wait3A_125 = arith.constant 0 : i32
        %dma_wait3A_126 = tpu.memref_slice %arg11[%dma_wait3A_124, %dma_wait3A_125] : memref<10240x128xf32, #tpu.memory_space<vmem_shared>> -> memref<10240x128xf32, #tpu.memory_space<vmem_shared>>
        tpu.wait_indirect_dma semaphore(%run_scoped3A : memref<!tpu.dma_semaphore, #tpu.memory_space<semaphore_mem>>) src(%dma_wait3A_120 : memref<100x128xf32, #tpu.memory_space<vmem>>) dst(%dma_wait3A_126 : memref<10240x128xf32, #tpu.memory_space<vmem_shared>>)
        tpu.yield
      }) : () -> ()
      %dma_wait3A_90 = arith.constant 0 : i32
      %dma_wait3A_91 = arith.constant 0 : i32
      %dma_wait3A_92 = arith.constant 0 : i32
      %dma_wait3A_93 = tpu.memref_slice %arg10[%scan3A_22, %dma_wait3A_91, %dma_wait3A_92] : memref<2x100x128xf32, #tpu.memory_space<vmem>> -> memref<1x100x128xf32, #tpu.memory_space<vmem>>
      %dma_wait3A_94 = tpu.memref_squeeze %dma_wait3A_93 : memref<1x100x128xf32, #tpu.memory_space<vmem>> -> memref<100x128xf32, #tpu.memory_space<vmem>>
      %dma_wait3A_95 = arith.constant 0 : i32
      %dma_wait3A_96 = tpu.memref_slice %arg8[%dma_wait3A_90, %dma_wait3A_95] : memref<50x100xi32, #tpu.memory_space<vmem>> -> memref<1x100xi32, #tpu.memory_space<vmem>>
      %dma_wait3A_97 = tpu.memref_squeeze %dma_wait3A_96 : memref<1x100xi32, #tpu.memory_space<vmem>> -> memref<100xi32, #tpu.memory_space<vmem>>
      %dma_wait3A_98 = arith.constant 0 : i32
      %dma_wait3A_99 = arith.constant 0 : i32
      %dma_wait3A_100 = tpu.memref_slice %arg2[%dma_wait3A_98, %dma_wait3A_99] : memref<10000x128xf32, #tpu.memory_space<hbm>> -> memref<10000x128xf32, #tpu.memory_space<hbm>>
      tpu.wait_indirect_dma semaphore(%arg12 : memref<!tpu.dma_semaphore, #tpu.memory_space<semaphore_mem>>) src(%dma_wait3A_100 : memref<10000x128xf32, #tpu.memory_space<hbm>>) dst(%dma_wait3A_94 : memref<100x128xf32, #tpu.memory_space<vmem>>)
      %lt3A = arith.constant 24 : i32
      %lt3A_101 = arith.cmpi slt, %scan3A_65, %lt3A : i32
      %convert_element_type3A_102 = arith.extui %lt3A_101 : i1 to i32
      %cond3A_103 = arith.constant 0 : i32
      %cond3A_104 = arith.cmpi ne, %convert_element_type3A_102, %cond3A_103 : i32
      scf.if %cond3A_104 {
        %add3A_107 = arith.constant 2 : i32
        %add3A_108 = arith.addi %mul3A_67, %add3A_107 : i32
        %dma_start3A_109 = arith.constant 0 : i32
        %dma_start3A_110 = arith.constant 0 : i32
        %dma_start3A_111 = tpu.memref_slice %arg10[%scan3A_22, %dma_start3A_109, %dma_start3A_110] : memref<2x100x128xf32, #tpu.memory_space<vmem>> -> memref<1x100x128xf32, #tpu.memory_space<vmem>>
        %dma_start3A_112 = tpu.memref_squeeze %dma_start3A_111 : memref<1x100x128xf32, #tpu.memory_space<vmem>> -> memref<100x128xf32, #tpu.memory_space<vmem>>
        %dma_start3A_113 = arith.constant 0 : i32
        %dma_start3A_114 = tpu.memref_slice %arg8[%add3A_108, %dma_start3A_113] : memref<50x100xi32, #tpu.memory_space<vmem>> -> memref<1x100xi32, #tpu.memory_space<vmem>>
        %dma_start3A_115 = tpu.memref_squeeze %dma_start3A_114 : memref<1x100xi32, #tpu.memory_space<vmem>> -> memref<100xi32, #tpu.memory_space<vmem>>
        %dma_start3A_116 = arith.constant 0 : i32
        %dma_start3A_117 = arith.constant 0 : i32
        %dma_start3A_118 = tpu.memref_slice %arg2[%dma_start3A_116, %dma_start3A_117] : memref<10000x128xf32, #tpu.memory_space<hbm>> -> memref<10000x128xf32, #tpu.memory_space<hbm>>
        tpu.enqueue_indirect_dma source(%dma_start3A_118 : memref<10000x128xf32, #tpu.memory_space<hbm>>) target(%dma_start3A_112 : memref<100x128xf32, #tpu.memory_space<vmem>>) offsets(%dma_start3A_115 : memref<100xi32, #tpu.memory_space<vmem>>) semaphore(%arg12 : memref<!tpu.dma_semaphore, #tpu.memory_space<semaphore_mem>>)
      } else {
      }
      %add3A_105 = arith.constant 1 : i32
      %add3A_106 = arith.addi %mul3A_67, %add3A_105 : i32
      "tpu.region"() ({
        %run_scoped3A = tpu.sem_alloc : memref<!tpu.dma_semaphore, #tpu.memory_space<semaphore_mem>>
        %dma_start3A_107 = arith.constant 0 : i32
        %dma_start3A_108 = arith.constant 0 : i32
        %dma_start3A_109 = tpu.memref_slice %arg10[%scan3A_23, %dma_start3A_107, %dma_start3A_108] : memref<2x100x128xf32, #tpu.memory_space<vmem>> -> memref<1x100x128xf32, #tpu.memory_space<vmem>>
        %dma_start3A_110 = tpu.memref_squeeze %dma_start3A_109 : memref<1x100x128xf32, #tpu.memory_space<vmem>> -> memref<100x128xf32, #tpu.memory_space<vmem>>
        %dma_start3A_111 = arith.constant 0 : i32
        %dma_start3A_112 = tpu.memref_slice %arg9[%add3A_106, %dma_start3A_111] : memref<50x100xi32, #tpu.memory_space<vmem>> -> memref<1x100xi32, #tpu.memory_space<vmem>>
        %dma_start3A_113 = tpu.memref_squeeze %dma_start3A_112 : memref<1x100xi32, #tpu.memory_space<vmem>> -> memref<100xi32, #tpu.memory_space<vmem>>
        %dma_start3A_114 = arith.constant 0 : i32
        %dma_start3A_115 = arith.constant 0 : i32
        %dma_start3A_116 = tpu.memref_slice %arg11[%dma_start3A_114, %dma_start3A_115] : memref<10240x128xf32, #tpu.memory_space<vmem_shared>> -> memref<10240x128xf32, #tpu.memory_space<vmem_shared>>
        tpu.enqueue_indirect_dma source(%dma_start3A_110 : memref<100x128xf32, #tpu.memory_space<vmem>>) target(%dma_start3A_116 : memref<10240x128xf32, #tpu.memory_space<vmem_shared>>) offsets(%dma_start3A_113 : memref<100xi32, #tpu.memory_space<vmem>>) semaphore(%run_scoped3A : memref<!tpu.dma_semaphore, #tpu.memory_space<semaphore_mem>>) {add = true}
        %dma_wait3A_117 = arith.constant 0 : i32
        %dma_wait3A_118 = arith.constant 0 : i32
        %dma_wait3A_119 = tpu.memref_slice %arg10[%scan3A_23, %dma_wait3A_117, %dma_wait3A_118] : memref<2x100x128xf32, #tpu.memory_space<vmem>> -> memref<1x100x128xf32, #tpu.memory_space<vmem>>
        %dma_wait3A_120 = tpu.memref_squeeze %dma_wait3A_119 : memref<1x100x128xf32, #tpu.memory_space<vmem>> -> memref<100x128xf32, #tpu.memory_space<vmem>>
        %dma_wait3A_121 = arith.constant 0 : i32
        %dma_wait3A_122 = tpu.memref_slice %arg9[%add3A_106, %dma_wait3A_121] : memref<50x100xi32, #tpu.memory_space<vmem>> -> memref<1x100xi32, #tpu.memory_space<vmem>>
        %dma_wait3A_123 = tpu.memref_squeeze %dma_wait3A_122 : memref<1x100xi32, #tpu.memory_space<vmem>> -> memref<100xi32, #tpu.memory_space<vmem>>
        %dma_wait3A_124 = arith.constant 0 : i32
        %dma_wait3A_125 = arith.constant 0 : i32
        %dma_wait3A_126 = tpu.memref_slice %arg11[%dma_wait3A_124, %dma_wait3A_125] : memref<10240x128xf32, #tpu.memory_space<vmem_shared>> -> memref<10240x128xf32, #tpu.memory_space<vmem_shared>>
        tpu.wait_indirect_dma semaphore(%run_scoped3A : memref<!tpu.dma_semaphore, #tpu.memory_space<semaphore_mem>>) src(%dma_wait3A_120 : memref<100x128xf32, #tpu.memory_space<vmem>>) dst(%dma_wait3A_126 : memref<10240x128xf32, #tpu.memory_space<vmem_shared>>)
        tpu.yield
      }) : () -> ()
    }
    %scan3A_28 = arith.constant 25 : i32
    %mul3A_29 = arith.constant 2 : i32
    %mul3A_30 = arith.muli %add3A, %mul3A_29 : i32
    %add3A_31 = arith.constant 1 : i32
    %add3A_32 = arith.addi %mul3A_30, %add3A_31 : i32
    "tpu.region"() ({
      %run_scoped3A = tpu.sem_alloc : memref<!tpu.dma_semaphore, #tpu.memory_space<semaphore_mem>>
      %dma_start3A_65 = arith.constant 0 : i32
      %dma_start3A_66 = arith.constant 0 : i32
      %dma_start3A_67 = tpu.memref_slice %arg3[%add3A_32, %dma_start3A_65, %dma_start3A_66] : memref<64x50x100xi32, #tpu.memory_space<hbm>> -> memref<1x50x100xi32, #tpu.memory_space<hbm>>
      %dma_start3A_68 = tpu.memref_squeeze %dma_start3A_67 : memref<1x50x100xi32, #tpu.memory_space<hbm>> -> memref<50x100xi32, #tpu.memory_space<hbm>>
      %dma_start3A_69 = arith.constant 0 : i32
      %dma_start3A_70 = arith.constant 0 : i32
      %dma_start3A_71 = tpu.memref_slice %arg3[%add3A_32, %dma_start3A_69, %dma_start3A_70] : memref<64x50x100xi32, #tpu.memory_space<hbm>> -> memref<1x50x100xi32, #tpu.memory_space<hbm>>
      %dma_start3A_72 = tpu.memref_squeeze %dma_start3A_71 : memref<1x50x100xi32, #tpu.memory_space<hbm>> -> memref<50x100xi32, #tpu.memory_space<hbm>>
      tpu.enqueue_dma source(%dma_start3A_72 : memref<50x100xi32, #tpu.memory_space<hbm>>) target(%arg8 : memref<50x100xi32, #tpu.memory_space<vmem>>) target_semaphore(%run_scoped3A : memref<!tpu.dma_semaphore, #tpu.memory_space<semaphore_mem>>)
      %dma_wait3A = arith.constant 0 : i32
      %dma_wait3A_73 = arith.constant 0 : i32
      %dma_wait3A_74 = tpu.memref_slice %arg3[%add3A_32, %dma_wait3A, %dma_wait3A_73] : memref<64x50x100xi32, #tpu.memory_space<hbm>> -> memref<1x50x100xi32, #tpu.memory_space<hbm>>
      %dma_wait3A_75 = tpu.memref_squeeze %dma_wait3A_74 : memref<1x50x100xi32, #tpu.memory_space<hbm>> -> memref<50x100xi32, #tpu.memory_space<hbm>>
      %dma_wait3A_76 = arith.constant 0 : i32
      %dma_wait3A_77 = arith.constant 0 : i32
      %dma_wait3A_78 = tpu.memref_slice %arg3[%add3A_32, %dma_wait3A_76, %dma_wait3A_77] : memref<64x50x100xi32, #tpu.memory_space<hbm>> -> memref<1x50x100xi32, #tpu.memory_space<hbm>>
      %dma_wait3A_79 = tpu.memref_squeeze %dma_wait3A_78 : memref<1x50x100xi32, #tpu.memory_space<hbm>> -> memref<50x100xi32, #tpu.memory_space<hbm>>
      tpu.wait_dma2 semaphore(%run_scoped3A : memref<!tpu.dma_semaphore, #tpu.memory_space<semaphore_mem>>) src(%dma_wait3A_79 : memref<50x100xi32, #tpu.memory_space<hbm>>) dst(%arg8 : memref<50x100xi32, #tpu.memory_space<vmem>>)
      tpu.yield
    }) : () -> ()
    %mul3A_33 = arith.constant 2 : i32
    %mul3A_34 = arith.muli %add3A, %mul3A_33 : i32
    %add3A_35 = arith.constant 1 : i32
    %add3A_36 = arith.addi %mul3A_34, %add3A_35 : i32
    "tpu.region"() ({
      %run_scoped3A = tpu.sem_alloc : memref<!tpu.dma_semaphore, #tpu.memory_space<semaphore_mem>>
      %dma_start3A_65 = arith.constant 0 : i32
      %dma_start3A_66 = arith.constant 0 : i32
      %dma_start3A_67 = tpu.memref_slice %arg4[%add3A_36, %dma_start3A_65, %dma_start3A_66] : memref<64x50x100xi32, #tpu.memory_space<hbm>> -> memref<1x50x100xi32, #tpu.memory_space<hbm>>
      %dma_start3A_68 = tpu.memref_squeeze %dma_start3A_67 : memref<1x50x100xi32, #tpu.memory_space<hbm>> -> memref<50x100xi32, #tpu.memory_space<hbm>>
      %dma_start3A_69 = arith.constant 0 : i32
      %dma_start3A_70 = arith.constant 0 : i32
      %dma_start3A_71 = tpu.memref_slice %arg4[%add3A_36, %dma_start3A_69, %dma_start3A_70] : memref<64x50x100xi32, #tpu.memory_space<hbm>> -> memref<1x50x100xi32, #tpu.memory_space<hbm>>
      %dma_start3A_72 = tpu.memref_squeeze %dma_start3A_71 : memref<1x50x100xi32, #tpu.memory_space<hbm>> -> memref<50x100xi32, #tpu.memory_space<hbm>>
      tpu.enqueue_dma source(%dma_start3A_72 : memref<50x100xi32, #tpu.memory_space<hbm>>) target(%arg9 : memref<50x100xi32, #tpu.memory_space<vmem>>) target_semaphore(%run_scoped3A : memref<!tpu.dma_semaphore, #tpu.memory_space<semaphore_mem>>)
      %dma_wait3A = arith.constant 0 : i32
      %dma_wait3A_73 = arith.constant 0 : i32
      %dma_wait3A_74 = tpu.memref_slice %arg4[%add3A_36, %dma_wait3A, %dma_wait3A_73] : memref<64x50x100xi32, #tpu.memory_space<hbm>> -> memref<1x50x100xi32, #tpu.memory_space<hbm>>
      %dma_wait3A_75 = tpu.memref_squeeze %dma_wait3A_74 : memref<1x50x100xi32, #tpu.memory_space<hbm>> -> memref<50x100xi32, #tpu.memory_space<hbm>>
      %dma_wait3A_76 = arith.constant 0 : i32
      %dma_wait3A_77 = arith.constant 0 : i32
      %dma_wait3A_78 = tpu.memref_slice %arg4[%add3A_36, %dma_wait3A_76, %dma_wait3A_77] : memref<64x50x100xi32, #tpu.memory_space<hbm>> -> memref<1x50x100xi32, #tpu.memory_space<hbm>>
      %dma_wait3A_79 = tpu.memref_squeeze %dma_wait3A_78 : memref<1x50x100xi32, #tpu.memory_space<hbm>> -> memref<50x100xi32, #tpu.memory_space<hbm>>
      tpu.wait_dma2 semaphore(%run_scoped3A : memref<!tpu.dma_semaphore, #tpu.memory_space<semaphore_mem>>) src(%dma_wait3A_79 : memref<50x100xi32, #tpu.memory_space<hbm>>) dst(%arg9 : memref<50x100xi32, #tpu.memory_space<vmem>>)
      tpu.yield
    }) : () -> ()
    %dma_start3A_37 = arith.constant 0 : i32
    %dma_start3A_38 = arith.constant 0 : i32
    %dma_start3A_39 = arith.constant 0 : i32
    %dma_start3A_40 = arith.constant 0 : i32
    %dma_start3A_41 = tpu.memref_slice %arg10[%dma_start3A_38, %dma_start3A_39, %dma_start3A_40] : memref<2x100x128xf32, #tpu.memory_space<vmem>> -> memref<1x100x128xf32, #tpu.memory_space<vmem>>
    %dma_start3A_42 = tpu.memref_squeeze %dma_start3A_41 : memref<1x100x128xf32, #tpu.memory_space<vmem>> -> memref<100x128xf32, #tpu.memory_space<vmem>>
    %dma_start3A_43 = arith.constant 0 : i32
    %dma_start3A_44 = tpu.memref_slice %arg8[%dma_start3A_37, %dma_start3A_43] : memref<50x100xi32, #tpu.memory_space<vmem>> -> memref<1x100xi32, #tpu.memory_space<vmem>>
    %dma_start3A_45 = tpu.memref_squeeze %dma_start3A_44 : memref<1x100xi32, #tpu.memory_space<vmem>> -> memref<100xi32, #tpu.memory_space<vmem>>
    %dma_start3A_46 = arith.constant 0 : i32
    %dma_start3A_47 = arith.constant 0 : i32
    %dma_start3A_48 = tpu.memref_slice %arg2[%dma_start3A_46, %dma_start3A_47] : memref<10000x128xf32, #tpu.memory_space<hbm>> -> memref<10000x128xf32, #tpu.memory_space<hbm>>
    tpu.enqueue_indirect_dma source(%dma_start3A_48 : memref<10000x128xf32, #tpu.memory_space<hbm>>) target(%dma_start3A_42 : memref<100x128xf32, #tpu.memory_space<vmem>>) offsets(%dma_start3A_45 : memref<100xi32, #tpu.memory_space<vmem>>) semaphore(%arg12 : memref<!tpu.dma_semaphore, #tpu.memory_space<semaphore_mem>>)
    %scan3A_49 = arith.constant 0 : i32
    %scan3A_50 = arith.constant 0 : i32
    %scan3A_51 = arith.constant 1 : i32
    %scan3A_52 = arith.constant 0 : i32
    %scan3A_53 = arith.constant 25 : i32
    %scan3A_54 = arith.addi %scan3A_52, %scan3A_53 : i32
    %scan3A_55 = arith.constant 1 : i32
    scf.for %scan3A_65 = %scan3A_52 to %scan3A_54 step %scan3A_55  : i32 {
      %mul3A_66 = arith.constant 2 : i32
      %mul3A_67 = arith.muli %mul3A_66, %scan3A_65 : i32
      %dma_wait3A = arith.constant 0 : i32
      %dma_wait3A_68 = arith.constant 0 : i32
      %dma_wait3A_69 = arith.constant 0 : i32
      %dma_wait3A_70 = tpu.memref_slice %arg10[%scan3A_50, %dma_wait3A_68, %dma_wait3A_69] : memref<2x100x128xf32, #tpu.memory_space<vmem>> -> memref<1x100x128xf32, #tpu.memory_space<vmem>>
      %dma_wait3A_71 = tpu.memref_squeeze %dma_wait3A_70 : memref<1x100x128xf32, #tpu.memory_space<vmem>> -> memref<100x128xf32, #tpu.memory_space<vmem>>
      %dma_wait3A_72 = arith.constant 0 : i32
      %dma_wait3A_73 = tpu.memref_slice %arg8[%dma_wait3A, %dma_wait3A_72] : memref<50x100xi32, #tpu.memory_space<vmem>> -> memref<1x100xi32, #tpu.memory_space<vmem>>
      %dma_wait3A_74 = tpu.memref_squeeze %dma_wait3A_73 : memref<1x100xi32, #tpu.memory_space<vmem>> -> memref<100xi32, #tpu.memory_space<vmem>>
      %dma_wait3A_75 = arith.constant 0 : i32
      %dma_wait3A_76 = arith.constant 0 : i32
      %dma_wait3A_77 = tpu.memref_slice %arg2[%dma_wait3A_75, %dma_wait3A_76] : memref<10000x128xf32, #tpu.memory_space<hbm>> -> memref<10000x128xf32, #tpu.memory_space<hbm>>
      tpu.wait_indirect_dma semaphore(%arg12 : memref<!tpu.dma_semaphore, #tpu.memory_space<semaphore_mem>>) src(%dma_wait3A_77 : memref<10000x128xf32, #tpu.memory_space<hbm>>) dst(%dma_wait3A_71 : memref<100x128xf32, #tpu.memory_space<vmem>>)
      %add3A_78 = arith.constant 1 : i32
      %add3A_79 = arith.addi %mul3A_67, %add3A_78 : i32
      %dma_start3A_80 = arith.constant 0 : i32
      %dma_start3A_81 = arith.constant 0 : i32
      %dma_start3A_82 = tpu.memref_slice %arg10[%scan3A_51, %dma_start3A_80, %dma_start3A_81] : memref<2x100x128xf32, #tpu.memory_space<vmem>> -> memref<1x100x128xf32, #tpu.memory_space<vmem>>
      %dma_start3A_83 = tpu.memref_squeeze %dma_start3A_82 : memref<1x100x128xf32, #tpu.memory_space<vmem>> -> memref<100x128xf32, #tpu.memory_space<vmem>>
      %dma_start3A_84 = arith.constant 0 : i32
      %dma_start3A_85 = tpu.memref_slice %arg8[%add3A_79, %dma_start3A_84] : memref<50x100xi32, #tpu.memory_space<vmem>> -> memref<1x100xi32, #tpu.memory_space<vmem>>
      %dma_start3A_86 = tpu.memref_squeeze %dma_start3A_85 : memref<1x100xi32, #tpu.memory_space<vmem>> -> memref<100xi32, #tpu.memory_space<vmem>>
      %dma_start3A_87 = arith.constant 0 : i32
      %dma_start3A_88 = arith.constant 0 : i32
      %dma_start3A_89 = tpu.memref_slice %arg2[%dma_start3A_87, %dma_start3A_88] : memref<10000x128xf32, #tpu.memory_space<hbm>> -> memref<10000x128xf32, #tpu.memory_space<hbm>>
      tpu.enqueue_indirect_dma source(%dma_start3A_89 : memref<10000x128xf32, #tpu.memory_space<hbm>>) target(%dma_start3A_83 : memref<100x128xf32, #tpu.memory_space<vmem>>) offsets(%dma_start3A_86 : memref<100xi32, #tpu.memory_space<vmem>>) semaphore(%arg12 : memref<!tpu.dma_semaphore, #tpu.memory_space<semaphore_mem>>)
      "tpu.region"() ({
        %run_scoped3A = tpu.sem_alloc : memref<!tpu.dma_semaphore, #tpu.memory_space<semaphore_mem>>
        %dma_start3A_107 = arith.constant 0 : i32
        %dma_start3A_108 = arith.constant 0 : i32
        %dma_start3A_109 = tpu.memref_slice %arg10[%scan3A_50, %dma_start3A_107, %dma_start3A_108] : memref<2x100x128xf32, #tpu.memory_space<vmem>> -> memref<1x100x128xf32, #tpu.memory_space<vmem>>
        %dma_start3A_110 = tpu.memref_squeeze %dma_start3A_109 : memref<1x100x128xf32, #tpu.memory_space<vmem>> -> memref<100x128xf32, #tpu.memory_space<vmem>>
        %dma_start3A_111 = arith.constant 0 : i32
        %dma_start3A_112 = tpu.memref_slice %arg9[%mul3A_67, %dma_start3A_111] : memref<50x100xi32, #tpu.memory_space<vmem>> -> memref<1x100xi32, #tpu.memory_space<vmem>>
        %dma_start3A_113 = tpu.memref_squeeze %dma_start3A_112 : memref<1x100xi32, #tpu.memory_space<vmem>> -> memref<100xi32, #tpu.memory_space<vmem>>
        %dma_start3A_114 = arith.constant 0 : i32
        %dma_start3A_115 = arith.constant 0 : i32
        %dma_start3A_116 = tpu.memref_slice %arg11[%dma_start3A_114, %dma_start3A_115] : memref<10240x128xf32, #tpu.memory_space<vmem_shared>> -> memref<10240x128xf32, #tpu.memory_space<vmem_shared>>
        tpu.enqueue_indirect_dma source(%dma_start3A_110 : memref<100x128xf32, #tpu.memory_space<vmem>>) target(%dma_start3A_116 : memref<10240x128xf32, #tpu.memory_space<vmem_shared>>) offsets(%dma_start3A_113 : memref<100xi32, #tpu.memory_space<vmem>>) semaphore(%run_scoped3A : memref<!tpu.dma_semaphore, #tpu.memory_space<semaphore_mem>>) {add = true}
        %dma_wait3A_117 = arith.constant 0 : i32
        %dma_wait3A_118 = arith.constant 0 : i32
        %dma_wait3A_119 = tpu.memref_slice %arg10[%scan3A_50, %dma_wait3A_117, %dma_wait3A_118] : memref<2x100x128xf32, #tpu.memory_space<vmem>> -> memref<1x100x128xf32, #tpu.memory_space<vmem>>
        %dma_wait3A_120 = tpu.memref_squeeze %dma_wait3A_119 : memref<1x100x128xf32, #tpu.memory_space<vmem>> -> memref<100x128xf32, #tpu.memory_space<vmem>>
        %dma_wait3A_121 = arith.constant 0 : i32
        %dma_wait3A_122 = tpu.memref_slice %arg9[%mul3A_67, %dma_wait3A_121] : memref<50x100xi32, #tpu.memory_space<vmem>> -> memref<1x100xi32, #tpu.memory_space<vmem>>
        %dma_wait3A_123 = tpu.memref_squeeze %dma_wait3A_122 : memref<1x100xi32, #tpu.memory_space<vmem>> -> memref<100xi32, #tpu.memory_space<vmem>>
        %dma_wait3A_124 = arith.constant 0 : i32
        %dma_wait3A_125 = arith.constant 0 : i32
        %dma_wait3A_126 = tpu.memref_slice %arg11[%dma_wait3A_124, %dma_wait3A_125] : memref<10240x128xf32, #tpu.memory_space<vmem_shared>> -> memref<10240x128xf32, #tpu.memory_space<vmem_shared>>
        tpu.wait_indirect_dma semaphore(%run_scoped3A : memref<!tpu.dma_semaphore, #tpu.memory_space<semaphore_mem>>) src(%dma_wait3A_120 : memref<100x128xf32, #tpu.memory_space<vmem>>) dst(%dma_wait3A_126 : memref<10240x128xf32, #tpu.memory_space<vmem_shared>>)
        tpu.yield
      }) : () -> ()
      %dma_wait3A_90 = arith.constant 0 : i32
      %dma_wait3A_91 = arith.constant 0 : i32
      %dma_wait3A_92 = arith.constant 0 : i32
      %dma_wait3A_93 = tpu.memref_slice %arg10[%scan3A_50, %dma_wait3A_91, %dma_wait3A_92] : memref<2x100x128xf32, #tpu.memory_space<vmem>> -> memref<1x100x128xf32, #tpu.memory_space<vmem>>
      %dma_wait3A_94 = tpu.memref_squeeze %dma_wait3A_93 : memref<1x100x128xf32, #tpu.memory_space<vmem>> -> memref<100x128xf32, #tpu.memory_space<vmem>>
      %dma_wait3A_95 = arith.constant 0 : i32
      %dma_wait3A_96 = tpu.memref_slice %arg8[%dma_wait3A_90, %dma_wait3A_95] : memref<50x100xi32, #tpu.memory_space<vmem>> -> memref<1x100xi32, #tpu.memory_space<vmem>>
      %dma_wait3A_97 = tpu.memref_squeeze %dma_wait3A_96 : memref<1x100xi32, #tpu.memory_space<vmem>> -> memref<100xi32, #tpu.memory_space<vmem>>
      %dma_wait3A_98 = arith.constant 0 : i32
      %dma_wait3A_99 = arith.constant 0 : i32
      %dma_wait3A_100 = tpu.memref_slice %arg2[%dma_wait3A_98, %dma_wait3A_99] : memref<10000x128xf32, #tpu.memory_space<hbm>> -> memref<10000x128xf32, #tpu.memory_space<hbm>>
      tpu.wait_indirect_dma semaphore(%arg12 : memref<!tpu.dma_semaphore, #tpu.memory_space<semaphore_mem>>) src(%dma_wait3A_100 : memref<10000x128xf32, #tpu.memory_space<hbm>>) dst(%dma_wait3A_94 : memref<100x128xf32, #tpu.memory_space<vmem>>)
      %lt3A = arith.constant 24 : i32
      %lt3A_101 = arith.cmpi slt, %scan3A_65, %lt3A : i32
      %convert_element_type3A_102 = arith.extui %lt3A_101 : i1 to i32
      %cond3A_103 = arith.constant 0 : i32
      %cond3A_104 = arith.cmpi ne, %convert_element_type3A_102, %cond3A_103 : i32
      scf.if %cond3A_104 {
        %add3A_107 = arith.constant 2 : i32
        %add3A_108 = arith.addi %mul3A_67, %add3A_107 : i32
        %dma_start3A_109 = arith.constant 0 : i32
        %dma_start3A_110 = arith.constant 0 : i32
        %dma_start3A_111 = tpu.memref_slice %arg10[%scan3A_50, %dma_start3A_109, %dma_start3A_110] : memref<2x100x128xf32, #tpu.memory_space<vmem>> -> memref<1x100x128xf32, #tpu.memory_space<vmem>>
        %dma_start3A_112 = tpu.memref_squeeze %dma_start3A_111 : memref<1x100x128xf32, #tpu.memory_space<vmem>> -> memref<100x128xf32, #tpu.memory_space<vmem>>
        %dma_start3A_113 = arith.constant 0 : i32
        %dma_start3A_114 = tpu.memref_slice %arg8[%add3A_108, %dma_start3A_113] : memref<50x100xi32, #tpu.memory_space<vmem>> -> memref<1x100xi32, #tpu.memory_space<vmem>>
        %dma_start3A_115 = tpu.memref_squeeze %dma_start3A_114 : memref<1x100xi32, #tpu.memory_space<vmem>> -> memref<100xi32, #tpu.memory_space<vmem>>
        %dma_start3A_116 = arith.constant 0 : i32
        %dma_start3A_117 = arith.constant 0 : i32
        %dma_start3A_118 = tpu.memref_slice %arg2[%dma_start3A_116, %dma_start3A_117] : memref<10000x128xf32, #tpu.memory_space<hbm>> -> memref<10000x128xf32, #tpu.memory_space<hbm>>
        tpu.enqueue_indirect_dma source(%dma_start3A_118 : memref<10000x128xf32, #tpu.memory_space<hbm>>) target(%dma_start3A_112 : memref<100x128xf32, #tpu.memory_space<vmem>>) offsets(%dma_start3A_115 : memref<100xi32, #tpu.memory_space<vmem>>) semaphore(%arg12 : memref<!tpu.dma_semaphore, #tpu.memory_space<semaphore_mem>>)
      } else {
      }
      %add3A_105 = arith.constant 1 : i32
      %add3A_106 = arith.addi %mul3A_67, %add3A_105 : i32
      "tpu.region"() ({
        %run_scoped3A = tpu.sem_alloc : memref<!tpu.dma_semaphore, #tpu.memory_space<semaphore_mem>>
        %dma_start3A_107 = arith.constant 0 : i32
        %dma_start3A_108 = arith.constant 0 : i32
        %dma_start3A_109 = tpu.memref_slice %arg10[%scan3A_51, %dma_start3A_107, %dma_start3A_108] : memref<2x100x128xf32, #tpu.memory_space<vmem>> -> memref<1x100x128xf32, #tpu.memory_space<vmem>>
        %dma_start3A_110 = tpu.memref_squeeze %dma_start3A_109 : memref<1x100x128xf32, #tpu.memory_space<vmem>> -> memref<100x128xf32, #tpu.memory_space<vmem>>
        %dma_start3A_111 = arith.constant 0 : i32
        %dma_start3A_112 = tpu.memref_slice %arg9[%add3A_106, %dma_start3A_111] : memref<50x100xi32, #tpu.memory_space<vmem>> -> memref<1x100xi32, #tpu.memory_space<vmem>>
        %dma_start3A_113 = tpu.memref_squeeze %dma_start3A_112 : memref<1x100xi32, #tpu.memory_space<vmem>> -> memref<100xi32, #tpu.memory_space<vmem>>
        %dma_start3A_114 = arith.constant 0 : i32
        %dma_start3A_115 = arith.constant 0 : i32
        %dma_start3A_116 = tpu.memref_slice %arg11[%dma_start3A_114, %dma_start3A_115] : memref<10240x128xf32, #tpu.memory_space<vmem_shared>> -> memref<10240x128xf32, #tpu.memory_space<vmem_shared>>
        tpu.enqueue_indirect_dma source(%dma_start3A_110 : memref<100x128xf32, #tpu.memory_space<vmem>>) target(%dma_start3A_116 : memref<10240x128xf32, #tpu.memory_space<vmem_shared>>) offsets(%dma_start3A_113 : memref<100xi32, #tpu.memory_space<vmem>>) semaphore(%run_scoped3A : memref<!tpu.dma_semaphore, #tpu.memory_space<semaphore_mem>>) {add = true}
        %dma_wait3A_117 = arith.constant 0 : i32
        %dma_wait3A_118 = arith.constant 0 : i32
        %dma_wait3A_119 = tpu.memref_slice %arg10[%scan3A_51, %dma_wait3A_117, %dma_wait3A_118] : memref<2x100x128xf32, #tpu.memory_space<vmem>> -> memref<1x100x128xf32, #tpu.memory_space<vmem>>
        %dma_wait3A_120 = tpu.memref_squeeze %dma_wait3A_119 : memref<1x100x128xf32, #tpu.memory_space<vmem>> -> memref<100x128xf32, #tpu.memory_space<vmem>>
        %dma_wait3A_121 = arith.constant 0 : i32
        %dma_wait3A_122 = tpu.memref_slice %arg9[%add3A_106, %dma_wait3A_121] : memref<50x100xi32, #tpu.memory_space<vmem>> -> memref<1x100xi32, #tpu.memory_space<vmem>>
        %dma_wait3A_123 = tpu.memref_squeeze %dma_wait3A_122 : memref<1x100xi32, #tpu.memory_space<vmem>> -> memref<100xi32, #tpu.memory_space<vmem>>
        %dma_wait3A_124 = arith.constant 0 : i32
        %dma_wait3A_125 = arith.constant 0 : i32
        %dma_wait3A_126 = tpu.memref_slice %arg11[%dma_wait3A_124, %dma_wait3A_125] : memref<10240x128xf32, #tpu.memory_space<vmem_shared>> -> memref<10240x128xf32, #tpu.memory_space<vmem_shared>>
        tpu.wait_indirect_dma semaphore(%run_scoped3A : memref<!tpu.dma_semaphore, #tpu.memory_space<semaphore_mem>>) src(%dma_wait3A_120 : memref<100x128xf32, #tpu.memory_space<vmem>>) dst(%dma_wait3A_126 : memref<10240x128xf32, #tpu.memory_space<vmem_shared>>)
        tpu.yield
      }) : () -> ()
    }
    %scan3A_56 = arith.constant 25 : i32
    %barrier3A_57 = arith.constant 0 : index
    tpu.barrier barrier_id(%barrier3A_57)
    %eq3A = arith.constant 0 : i32
    %eq3A_58 = arith.cmpi eq, %arg0, %eq3A : i32
    %convert_element_type3A = arith.extui %eq3A_58 : i1 to i32
    %cond3A = arith.constant 0 : i32
    %cond3A_59 = arith.cmpi ne, %convert_element_type3A, %cond3A : i32
    scf.if %cond3A_59 {
      %mul3A_65 = arith.constant 640 : i32
      %mul3A_66 = arith.muli %arg1, %mul3A_65 : i32
      %mul3A_67 = arith.constant 640 : i32
      %mul3A_68 = arith.muli %arg1, %mul3A_67 : i32
      "tpu.region"() ({
        %run_scoped3A = tpu.sem_alloc : memref<!tpu.dma_semaphore, #tpu.memory_space<semaphore_mem>>
        %dma_start3A_69 = arith.constant 0 : i32
        %dma_start3A_70 = tpu.memref_slice %arg6[%mul3A_68, %dma_start3A_69] : memref<10240x128xf32, #tpu.memory_space<hbm>> -> memref<640x128xf32, #tpu.memory_space<hbm>>
        %dma_start3A_71 = arith.constant 0 : i32
        %dma_start3A_72 = tpu.memref_slice %arg11[%mul3A_66, %dma_start3A_71] : memref<10240x128xf32, #tpu.memory_space<vmem_shared>> -> memref<640x128xf32, #tpu.memory_space<vmem_shared>>
        tpu.enqueue_dma source(%dma_start3A_72 : memref<640x128xf32, #tpu.memory_space<vmem_shared>>) target(%dma_start3A_70 : memref<640x128xf32, #tpu.memory_space<hbm>>) target_semaphore(%run_scoped3A : memref<!tpu.dma_semaphore, #tpu.memory_space<semaphore_mem>>)
        %dma_wait3A = arith.constant 0 : i32
        %dma_wait3A_73 = tpu.memref_slice %arg6[%mul3A_68, %dma_wait3A] : memref<10240x128xf32, #tpu.memory_space<hbm>> -> memref<640x128xf32, #tpu.memory_space<hbm>>
        %dma_wait3A_74 = arith.constant 0 : i32
        %dma_wait3A_75 = tpu.memref_slice %arg11[%mul3A_66, %dma_wait3A_74] : memref<10240x128xf32, #tpu.memory_space<vmem_shared>> -> memref<640x128xf32, #tpu.memory_space<vmem_shared>>
        tpu.wait_dma2 semaphore(%run_scoped3A : memref<!tpu.dma_semaphore, #tpu.memory_space<semaphore_mem>>) src(%dma_wait3A_75 : memref<640x128xf32, #tpu.memory_space<vmem_shared>>) dst(%dma_wait3A_73 : memref<640x128xf32, #tpu.memory_space<hbm>>)
        tpu.yield
      }) : () -> ()
    } else {
    }
    %eq3A_60 = arith.constant 1 : i32
    %eq3A_61 = arith.cmpi eq, %arg0, %eq3A_60 : i32
    %convert_element_type3A_62 = arith.extui %eq3A_61 : i1 to i32
    %cond3A_63 = arith.constant 0 : i32
    %cond3A_64 = arith.cmpi ne, %convert_element_type3A_62, %cond3A_63 : i32
    scf.if %cond3A_64 {
      %mul3A_65 = arith.constant 640 : i32
      %mul3A_66 = arith.muli %arg1, %mul3A_65 : i32
      %mul3A_67 = arith.constant 640 : i32
      %mul3A_68 = arith.muli %arg1, %mul3A_67 : i32
      "tpu.region"() ({
        %run_scoped3A = tpu.sem_alloc : memref<!tpu.dma_semaphore, #tpu.memory_space<semaphore_mem>>
        %dma_start3A_69 = arith.constant 0 : i32
        %dma_start3A_70 = tpu.memref_slice %arg7[%mul3A_68, %dma_start3A_69] : memref<10240x128xf32, #tpu.memory_space<hbm>> -> memref<640x128xf32, #tpu.memory_space<hbm>>
        %dma_start3A_71 = arith.constant 0 : i32
        %dma_start3A_72 = tpu.memref_slice %arg11[%mul3A_66, %dma_start3A_71] : memref<10240x128xf32, #tpu.memory_space<vmem_shared>> -> memref<640x128xf32, #tpu.memory_space<vmem_shared>>
        tpu.enqueue_dma source(%dma_start3A_72 : memref<640x128xf32, #tpu.memory_space<vmem_shared>>) target(%dma_start3A_70 : memref<640x128xf32, #tpu.memory_space<hbm>>) target_semaphore(%run_scoped3A : memref<!tpu.dma_semaphore, #tpu.memory_space<semaphore_mem>>)
        %dma_wait3A = arith.constant 0 : i32
        %dma_wait3A_73 = tpu.memref_slice %arg7[%mul3A_68, %dma_wait3A] : memref<10240x128xf32, #tpu.memory_space<hbm>> -> memref<640x128xf32, #tpu.memory_space<hbm>>
        %dma_wait3A_74 = arith.constant 0 : i32
        %dma_wait3A_75 = tpu.memref_slice %arg11[%mul3A_66, %dma_wait3A_74] : memref<10240x128xf32, #tpu.memory_space<vmem_shared>> -> memref<640x128xf32, #tpu.memory_space<vmem_shared>>
        tpu.wait_dma2 semaphore(%run_scoped3A : memref<!tpu.dma_semaphore, #tpu.memory_space<semaphore_mem>>) src(%dma_wait3A_75 : memref<640x128xf32, #tpu.memory_space<vmem_shared>>) dst(%dma_wait3A_73 : memref<640x128xf32, #tpu.memory_space<hbm>>)
        tpu.yield
      }) : () -> ()
    } else {
    }
    return
  }
}

#map = affine_map<(d0, d1) -> (0, 0)>
#map1 = affine_map<(d0, d1) -> (0, 0, 0)>
module attributes {stable_mosaic.version = 14 : i64} {
  func.func @agg_k(%arg0: i32, %arg1: i32, %arg2: memref<10000x128xf32, #tpu.memory_space<hbm>>, %arg3: memref<64x50x100xi32, #tpu.memory_space<hbm>>, %arg4: memref<64x50x100xi32, #tpu.memory_space<hbm>>, %arg5: memref<640x128xf32, #tpu.memory_space<hbm>>, %arg6: memref<10240x128xf32, #tpu.memory_space<hbm>>, %arg7: memref<10240x128xf32, #tpu.memory_space<hbm>>, %arg8: memref<50x100xi32, #tpu.memory_space<vmem>>, %arg9: memref<50x100xi32, #tpu.memory_space<vmem>>, %arg10: memref<2x100x128xf32, #tpu.memory_space<vmem>>, %arg11: memref<10240x128xf32, #tpu.memory_space<vmem_shared>>, %arg12: memref<!tpu.dma_semaphore, #tpu.memory_space<semaphore_mem>>) attributes {dimension_semantics = [#tpu.dimension_semantics<core_parallel>, #tpu.dimension_semantics<subcore_parallel>], iteration_bounds = array<i64: 2, 16>, scalar_prefetch = 0 : i64, scratch_operands = 5 : i64, tpu.core_type = #tpu.core_type<sc_vector_subcore>, window_params = [{transform_indices = #map}, {transform_indices = #map1}, {transform_indices = #map1}, {transform_indices = #map}, {transform_indices = #map}, {transform_indices = #map}]} {
    %mul3A = arith.constant 2 : i32
    %mul3A_0 = arith.muli %arg1, %mul3A : i32
    %add3A = arith.addi %mul3A_0, %arg0 : i32
    %mul3A_1 = arith.constant 640 : i32
    %mul3A_2 = arith.muli %arg1, %mul3A_1 : i32
    "tpu.region"() ({
      %run_scoped3A = tpu.sem_alloc : memref<!tpu.dma_semaphore, #tpu.memory_space<semaphore_mem>>
      %dma_start3A_65 = arith.constant 0 : i32
      %dma_start3A_66 = tpu.memref_slice %arg11[%mul3A_2, %dma_start3A_65] : memref<10240x128xf32, #tpu.memory_space<vmem_shared>> -> memref<640x128xf32, #tpu.memory_space<vmem_shared>>
      tpu.enqueue_dma source(%arg5 : memref<640x128xf32, #tpu.memory_space<hbm>>) target(%dma_start3A_66 : memref<640x128xf32, #tpu.memory_space<vmem_shared>>) target_semaphore(%run_scoped3A : memref<!tpu.dma_semaphore, #tpu.memory_space<semaphore_mem>>)
      %dma_wait3A = arith.constant 0 : i32
      %dma_wait3A_67 = tpu.memref_slice %arg11[%mul3A_2, %dma_wait3A] : memref<10240x128xf32, #tpu.memory_space<vmem_shared>> -> memref<640x128xf32, #tpu.memory_space<vmem_shared>>
      tpu.wait_dma2 semaphore(%run_scoped3A : memref<!tpu.dma_semaphore, #tpu.memory_space<semaphore_mem>>) src(%arg5 : memref<640x128xf32, #tpu.memory_space<hbm>>) dst(%dma_wait3A_67 : memref<640x128xf32, #tpu.memory_space<vmem_shared>>)
      tpu.yield
    }) : () -> ()
    %barrier3A = arith.constant 0 : index
    tpu.barrier barrier_id(%barrier3A)
    %mul3A_3 = arith.constant 2 : i32
    %mul3A_4 = arith.muli %add3A, %mul3A_3 : i32
    %add3A_5 = arith.constant 0 : i32
    %add3A_6 = arith.addi %mul3A_4, %add3A_5 : i32
    "tpu.region"() ({
      %run_scoped3A = tpu.sem_alloc : memref<!tpu.dma_semaphore, #tpu.memory_space<semaphore_mem>>
      %dma_start3A_65 = arith.constant 0 : i32
      %dma_start3A_66 = arith.constant 0 : i32
      %dma_start3A_67 = tpu.memref_slice %arg3[%add3A_6, %dma_start3A_65, %dma_start3A_66] : memref<64x50x100xi32, #tpu.memory_space<hbm>> -> memref<1x50x100xi32, #tpu.memory_space<hbm>>
      %dma_start3A_68 = tpu.memref_squeeze %dma_start3A_67 : memref<1x50x100xi32, #tpu.memory_space<hbm>> -> memref<50x100xi32, #tpu.memory_space<hbm>>
      %dma_start3A_69 = arith.constant 0 : i32
      %dma_start3A_70 = arith.constant 0 : i32
      %dma_start3A_71 = tpu.memref_slice %arg3[%add3A_6, %dma_start3A_69, %dma_start3A_70] : memref<64x50x100xi32, #tpu.memory_space<hbm>> -> memref<1x50x100xi32, #tpu.memory_space<hbm>>
      %dma_start3A_72 = tpu.memref_squeeze %dma_start3A_71 : memref<1x50x100xi32, #tpu.memory_space<hbm>> -> memref<50x100xi32, #tpu.memory_space<hbm>>
      tpu.enqueue_dma source(%dma_start3A_72 : memref<50x100xi32, #tpu.memory_space<hbm>>) target(%arg8 : memref<50x100xi32, #tpu.memory_space<vmem>>) target_semaphore(%run_scoped3A : memref<!tpu.dma_semaphore, #tpu.memory_space<semaphore_mem>>)
      %dma_wait3A = arith.constant 0 : i32
      %dma_wait3A_73 = arith.constant 0 : i32
      %dma_wait3A_74 = tpu.memref_slice %arg3[%add3A_6, %dma_wait3A, %dma_wait3A_73] : memref<64x50x100xi32, #tpu.memory_space<hbm>> -> memref<1x50x100xi32, #tpu.memory_space<hbm>>
      %dma_wait3A_75 = tpu.memref_squeeze %dma_wait3A_74 : memref<1x50x100xi32, #tpu.memory_space<hbm>> -> memref<50x100xi32, #tpu.memory_space<hbm>>
      %dma_wait3A_76 = arith.constant 0 : i32
      %dma_wait3A_77 = arith.constant 0 : i32
      %dma_wait3A_78 = tpu.memref_slice %arg3[%add3A_6, %dma_wait3A_76, %dma_wait3A_77] : memref<64x50x100xi32, #tpu.memory_space<hbm>> -> memref<1x50x100xi32, #tpu.memory_space<hbm>>
      %dma_wait3A_79 = tpu.memref_squeeze %dma_wait3A_78 : memref<1x50x100xi32, #tpu.memory_space<hbm>> -> memref<50x100xi32, #tpu.memory_space<hbm>>
      tpu.wait_dma2 semaphore(%run_scoped3A : memref<!tpu.dma_semaphore, #tpu.memory_space<semaphore_mem>>) src(%dma_wait3A_79 : memref<50x100xi32, #tpu.memory_space<hbm>>) dst(%arg8 : memref<50x100xi32, #tpu.memory_space<vmem>>)
      tpu.yield
    }) : () -> ()
    %mul3A_7 = arith.constant 2 : i32
    %mul3A_8 = arith.muli %add3A, %mul3A_7 : i32
    %add3A_9 = arith.constant 0 : i32
    %add3A_10 = arith.addi %mul3A_8, %add3A_9 : i32
    "tpu.region"() ({
      %run_scoped3A = tpu.sem_alloc : memref<!tpu.dma_semaphore, #tpu.memory_space<semaphore_mem>>
      %dma_start3A_65 = arith.constant 0 : i32
      %dma_start3A_66 = arith.constant 0 : i32
      %dma_start3A_67 = tpu.memref_slice %arg4[%add3A_10, %dma_start3A_65, %dma_start3A_66] : memref<64x50x100xi32, #tpu.memory_space<hbm>> -> memref<1x50x100xi32, #tpu.memory_space<hbm>>
      %dma_start3A_68 = tpu.memref_squeeze %dma_start3A_67 : memref<1x50x100xi32, #tpu.memory_space<hbm>> -> memref<50x100xi32, #tpu.memory_space<hbm>>
      %dma_start3A_69 = arith.constant 0 : i32
      %dma_start3A_70 = arith.constant 0 : i32
      %dma_start3A_71 = tpu.memref_slice %arg4[%add3A_10, %dma_start3A_69, %dma_start3A_70] : memref<64x50x100xi32, #tpu.memory_space<hbm>> -> memref<1x50x100xi32, #tpu.memory_space<hbm>>
      %dma_start3A_72 = tpu.memref_squeeze %dma_start3A_71 : memref<1x50x100xi32, #tpu.memory_space<hbm>> -> memref<50x100xi32, #tpu.memory_space<hbm>>
      tpu.enqueue_dma source(%dma_start3A_72 : memref<50x100xi32, #tpu.memory_space<hbm>>) target(%arg9 : memref<50x100xi32, #tpu.memory_space<vmem>>) target_semaphore(%run_scoped3A : memref<!tpu.dma_semaphore, #tpu.memory_space<semaphore_mem>>)
      %dma_wait3A = arith.constant 0 : i32
      %dma_wait3A_73 = arith.constant 0 : i32
      %dma_wait3A_74 = tpu.memref_slice %arg4[%add3A_10, %dma_wait3A, %dma_wait3A_73] : memref<64x50x100xi32, #tpu.memory_space<hbm>> -> memref<1x50x100xi32, #tpu.memory_space<hbm>>
      %dma_wait3A_75 = tpu.memref_squeeze %dma_wait3A_74 : memref<1x50x100xi32, #tpu.memory_space<hbm>> -> memref<50x100xi32, #tpu.memory_space<hbm>>
      %dma_wait3A_76 = arith.constant 0 : i32
      %dma_wait3A_77 = arith.constant 0 : i32
      %dma_wait3A_78 = tpu.memref_slice %arg4[%add3A_10, %dma_wait3A_76, %dma_wait3A_77] : memref<64x50x100xi32, #tpu.memory_space<hbm>> -> memref<1x50x100xi32, #tpu.memory_space<hbm>>
      %dma_wait3A_79 = tpu.memref_squeeze %dma_wait3A_78 : memref<1x50x100xi32, #tpu.memory_space<hbm>> -> memref<50x100xi32, #tpu.memory_space<hbm>>
      tpu.wait_dma2 semaphore(%run_scoped3A : memref<!tpu.dma_semaphore, #tpu.memory_space<semaphore_mem>>) src(%dma_wait3A_79 : memref<50x100xi32, #tpu.memory_space<hbm>>) dst(%arg9 : memref<50x100xi32, #tpu.memory_space<vmem>>)
      tpu.yield
    }) : () -> ()
    %dma_start3A = arith.constant 0 : i32
    %dma_start3A_11 = arith.constant 0 : i32
    %dma_start3A_12 = arith.constant 0 : i32
    %dma_start3A_13 = arith.constant 0 : i32
    %dma_start3A_14 = tpu.memref_slice %arg10[%dma_start3A_11, %dma_start3A_12, %dma_start3A_13] : memref<2x100x128xf32, #tpu.memory_space<vmem>> -> memref<1x100x128xf32, #tpu.memory_space<vmem>>
    %dma_start3A_15 = tpu.memref_squeeze %dma_start3A_14 : memref<1x100x128xf32, #tpu.memory_space<vmem>> -> memref<100x128xf32, #tpu.memory_space<vmem>>
    %dma_start3A_16 = arith.constant 0 : i32
    %dma_start3A_17 = tpu.memref_slice %arg8[%dma_start3A, %dma_start3A_16] : memref<50x100xi32, #tpu.memory_space<vmem>> -> memref<1x100xi32, #tpu.memory_space<vmem>>
    %dma_start3A_18 = tpu.memref_squeeze %dma_start3A_17 : memref<1x100xi32, #tpu.memory_space<vmem>> -> memref<100xi32, #tpu.memory_space<vmem>>
    %dma_start3A_19 = arith.constant 0 : i32
    %dma_start3A_20 = arith.constant 0 : i32
    %dma_start3A_21 = tpu.memref_slice %arg2[%dma_start3A_19, %dma_start3A_20] : memref<10000x128xf32, #tpu.memory_space<hbm>> -> memref<10000x128xf32, #tpu.memory_space<hbm>>
    tpu.enqueue_indirect_dma source(%dma_start3A_21 : memref<10000x128xf32, #tpu.memory_space<hbm>>) target(%dma_start3A_15 : memref<100x128xf32, #tpu.memory_space<vmem>>) offsets(%dma_start3A_18 : memref<100xi32, #tpu.memory_space<vmem>>) semaphore(%arg12 : memref<!tpu.dma_semaphore, #tpu.memory_space<semaphore_mem>>)
    %scan3A = arith.constant 0 : i32
    %scan3A_22 = arith.constant 0 : i32
    %scan3A_23 = arith.constant 1 : i32
    %scan3A_24 = arith.constant 0 : i32
    %scan3A_25 = arith.constant 25 : i32
    %scan3A_26 = arith.addi %scan3A_24, %scan3A_25 : i32
    %scan3A_27 = arith.constant 1 : i32
    scf.for %scan3A_65 = %scan3A_24 to %scan3A_26 step %scan3A_27  : i32 {
      %mul3A_66 = arith.constant 2 : i32
      %mul3A_67 = arith.muli %mul3A_66, %scan3A_65 : i32
      %dma_wait3A = arith.constant 0 : i32
      %dma_wait3A_68 = arith.constant 0 : i32
      %dma_wait3A_69 = arith.constant 0 : i32
      %dma_wait3A_70 = tpu.memref_slice %arg10[%scan3A_22, %dma_wait3A_68, %dma_wait3A_69] : memref<2x100x128xf32, #tpu.memory_space<vmem>> -> memref<1x100x128xf32, #tpu.memory_space<vmem>>
      %dma_wait3A_71 = tpu.memref_squeeze %dma_wait3A_70 : memref<1x100x128xf32, #tpu.memory_space<vmem>> -> memref<100x128xf32, #tpu.memory_space<vmem>>
      %dma_wait3A_72 = arith.constant 0 : i32
      %dma_wait3A_73 = tpu.memref_slice %arg8[%dma_wait3A, %dma_wait3A_72] : memref<50x100xi32, #tpu.memory_space<vmem>> -> memref<1x100xi32, #tpu.memory_space<vmem>>
      %dma_wait3A_74 = tpu.memref_squeeze %dma_wait3A_73 : memref<1x100xi32, #tpu.memory_space<vmem>> -> memref<100xi32, #tpu.memory_space<vmem>>
      %dma_wait3A_75 = arith.constant 0 : i32
      %dma_wait3A_76 = arith.constant 0 : i32
      %dma_wait3A_77 = tpu.memref_slice %arg2[%dma_wait3A_75, %dma_wait3A_76] : memref<10000x128xf32, #tpu.memory_space<hbm>> -> memref<10000x128xf32, #tpu.memory_space<hbm>>
      tpu.wait_indirect_dma semaphore(%arg12 : memref<!tpu.dma_semaphore, #tpu.memory_space<semaphore_mem>>) src(%dma_wait3A_77 : memref<10000x128xf32, #tpu.memory_space<hbm>>) dst(%dma_wait3A_71 : memref<100x128xf32, #tpu.memory_space<vmem>>)
      %add3A_78 = arith.constant 1 : i32
      %add3A_79 = arith.addi %mul3A_67, %add3A_78 : i32
      %dma_start3A_80 = arith.constant 0 : i32
      %dma_start3A_81 = arith.constant 0 : i32
      %dma_start3A_82 = tpu.memref_slice %arg10[%scan3A_23, %dma_start3A_80, %dma_start3A_81] : memref<2x100x128xf32, #tpu.memory_space<vmem>> -> memref<1x100x128xf32, #tpu.memory_space<vmem>>
      %dma_start3A_83 = tpu.memref_squeeze %dma_start3A_82 : memref<1x100x128xf32, #tpu.memory_space<vmem>> -> memref<100x128xf32, #tpu.memory_space<vmem>>
      %dma_start3A_84 = arith.constant 0 : i32
      %dma_start3A_85 = tpu.memref_slice %arg8[%add3A_79, %dma_start3A_84] : memref<50x100xi32, #tpu.memory_space<vmem>> -> memref<1x100xi32, #tpu.memory_space<vmem>>
      %dma_start3A_86 = tpu.memref_squeeze %dma_start3A_85 : memref<1x100xi32, #tpu.memory_space<vmem>> -> memref<100xi32, #tpu.memory_space<vmem>>
      %dma_start3A_87 = arith.constant 0 : i32
      %dma_start3A_88 = arith.constant 0 : i32
      %dma_start3A_89 = tpu.memref_slice %arg2[%dma_start3A_87, %dma_start3A_88] : memref<10000x128xf32, #tpu.memory_space<hbm>> -> memref<10000x128xf32, #tpu.memory_space<hbm>>
      tpu.enqueue_indirect_dma source(%dma_start3A_89 : memref<10000x128xf32, #tpu.memory_space<hbm>>) target(%dma_start3A_83 : memref<100x128xf32, #tpu.memory_space<vmem>>) offsets(%dma_start3A_86 : memref<100xi32, #tpu.memory_space<vmem>>) semaphore(%arg12 : memref<!tpu.dma_semaphore, #tpu.memory_space<semaphore_mem>>)
      "tpu.region"() ({
        %run_scoped3A = tpu.sem_alloc : memref<!tpu.dma_semaphore, #tpu.memory_space<semaphore_mem>>
        %dma_start3A_107 = arith.constant 0 : i32
        %dma_start3A_108 = arith.constant 0 : i32
        %dma_start3A_109 = tpu.memref_slice %arg10[%scan3A_22, %dma_start3A_107, %dma_start3A_108] : memref<2x100x128xf32, #tpu.memory_space<vmem>> -> memref<1x100x128xf32, #tpu.memory_space<vmem>>
        %dma_start3A_110 = tpu.memref_squeeze %dma_start3A_109 : memref<1x100x128xf32, #tpu.memory_space<vmem>> -> memref<100x128xf32, #tpu.memory_space<vmem>>
        %dma_start3A_111 = arith.constant 0 : i32
        %dma_start3A_112 = tpu.memref_slice %arg9[%mul3A_67, %dma_start3A_111] : memref<50x100xi32, #tpu.memory_space<vmem>> -> memref<1x100xi32, #tpu.memory_space<vmem>>
        %dma_start3A_113 = tpu.memref_squeeze %dma_start3A_112 : memref<1x100xi32, #tpu.memory_space<vmem>> -> memref<100xi32, #tpu.memory_space<vmem>>
        %dma_start3A_114 = arith.constant 0 : i32
        %dma_start3A_115 = arith.constant 0 : i32
        %dma_start3A_116 = tpu.memref_slice %arg11[%dma_start3A_114, %dma_start3A_115] : memref<10240x128xf32, #tpu.memory_space<vmem_shared>> -> memref<10240x128xf32, #tpu.memory_space<vmem_shared>>
        tpu.enqueue_indirect_dma source(%dma_start3A_110 : memref<100x128xf32, #tpu.memory_space<vmem>>) target(%dma_start3A_116 : memref<10240x128xf32, #tpu.memory_space<vmem_shared>>) offsets(%dma_start3A_113 : memref<100xi32, #tpu.memory_space<vmem>>) semaphore(%run_scoped3A : memref<!tpu.dma_semaphore, #tpu.memory_space<semaphore_mem>>) {add = true}
        %dma_wait3A_117 = arith.constant 0 : i32
        %dma_wait3A_118 = arith.constant 0 : i32
        %dma_wait3A_119 = tpu.memref_slice %arg10[%scan3A_22, %dma_wait3A_117, %dma_wait3A_118] : memref<2x100x128xf32, #tpu.memory_space<vmem>> -> memref<1x100x128xf32, #tpu.memory_space<vmem>>
        %dma_wait3A_120 = tpu.memref_squeeze %dma_wait3A_119 : memref<1x100x128xf32, #tpu.memory_space<vmem>> -> memref<100x128xf32, #tpu.memory_space<vmem>>
        %dma_wait3A_121 = arith.constant 0 : i32
        %dma_wait3A_122 = tpu.memref_slice %arg9[%mul3A_67, %dma_wait3A_121] : memref<50x100xi32, #tpu.memory_space<vmem>> -> memref<1x100xi32, #tpu.memory_space<vmem>>
        %dma_wait3A_123 = tpu.memref_squeeze %dma_wait3A_122 : memref<1x100xi32, #tpu.memory_space<vmem>> -> memref<100xi32, #tpu.memory_space<vmem>>
        %dma_wait3A_124 = arith.constant 0 : i32
        %dma_wait3A_125 = arith.constant 0 : i32
        %dma_wait3A_126 = tpu.memref_slice %arg11[%dma_wait3A_124, %dma_wait3A_125] : memref<10240x128xf32, #tpu.memory_space<vmem_shared>> -> memref<10240x128xf32, #tpu.memory_space<vmem_shared>>
        tpu.wait_indirect_dma semaphore(%run_scoped3A : memref<!tpu.dma_semaphore, #tpu.memory_space<semaphore_mem>>) src(%dma_wait3A_120 : memref<100x128xf32, #tpu.memory_space<vmem>>) dst(%dma_wait3A_126 : memref<10240x128xf32, #tpu.memory_space<vmem_shared>>)
        tpu.yield
      }) : () -> ()
      %dma_wait3A_90 = arith.constant 0 : i32
      %dma_wait3A_91 = arith.constant 0 : i32
      %dma_wait3A_92 = arith.constant 0 : i32
      %dma_wait3A_93 = tpu.memref_slice %arg10[%scan3A_22, %dma_wait3A_91, %dma_wait3A_92] : memref<2x100x128xf32, #tpu.memory_space<vmem>> -> memref<1x100x128xf32, #tpu.memory_space<vmem>>
      %dma_wait3A_94 = tpu.memref_squeeze %dma_wait3A_93 : memref<1x100x128xf32, #tpu.memory_space<vmem>> -> memref<100x128xf32, #tpu.memory_space<vmem>>
      %dma_wait3A_95 = arith.constant 0 : i32
      %dma_wait3A_96 = tpu.memref_slice %arg8[%dma_wait3A_90, %dma_wait3A_95] : memref<50x100xi32, #tpu.memory_space<vmem>> -> memref<1x100xi32, #tpu.memory_space<vmem>>
      %dma_wait3A_97 = tpu.memref_squeeze %dma_wait3A_96 : memref<1x100xi32, #tpu.memory_space<vmem>> -> memref<100xi32, #tpu.memory_space<vmem>>
      %dma_wait3A_98 = arith.constant 0 : i32
      %dma_wait3A_99 = arith.constant 0 : i32
      %dma_wait3A_100 = tpu.memref_slice %arg2[%dma_wait3A_98, %dma_wait3A_99] : memref<10000x128xf32, #tpu.memory_space<hbm>> -> memref<10000x128xf32, #tpu.memory_space<hbm>>
      tpu.wait_indirect_dma semaphore(%arg12 : memref<!tpu.dma_semaphore, #tpu.memory_space<semaphore_mem>>) src(%dma_wait3A_100 : memref<10000x128xf32, #tpu.memory_space<hbm>>) dst(%dma_wait3A_94 : memref<100x128xf32, #tpu.memory_space<vmem>>)
      %lt3A = arith.constant 24 : i32
      %lt3A_101 = arith.cmpi slt, %scan3A_65, %lt3A : i32
      %convert_element_type3A_102 = arith.extui %lt3A_101 : i1 to i32
      %cond3A_103 = arith.constant 0 : i32
      %cond3A_104 = arith.cmpi ne, %convert_element_type3A_102, %cond3A_103 : i32
      scf.if %cond3A_104 {
        %add3A_107 = arith.constant 2 : i32
        %add3A_108 = arith.addi %mul3A_67, %add3A_107 : i32
        %dma_start3A_109 = arith.constant 0 : i32
        %dma_start3A_110 = arith.constant 0 : i32
        %dma_start3A_111 = tpu.memref_slice %arg10[%scan3A_22, %dma_start3A_109, %dma_start3A_110] : memref<2x100x128xf32, #tpu.memory_space<vmem>> -> memref<1x100x128xf32, #tpu.memory_space<vmem>>
        %dma_start3A_112 = tpu.memref_squeeze %dma_start3A_111 : memref<1x100x128xf32, #tpu.memory_space<vmem>> -> memref<100x128xf32, #tpu.memory_space<vmem>>
        %dma_start3A_113 = arith.constant 0 : i32
        %dma_start3A_114 = tpu.memref_slice %arg8[%add3A_108, %dma_start3A_113] : memref<50x100xi32, #tpu.memory_space<vmem>> -> memref<1x100xi32, #tpu.memory_space<vmem>>
        %dma_start3A_115 = tpu.memref_squeeze %dma_start3A_114 : memref<1x100xi32, #tpu.memory_space<vmem>> -> memref<100xi32, #tpu.memory_space<vmem>>
        %dma_start3A_116 = arith.constant 0 : i32
        %dma_start3A_117 = arith.constant 0 : i32
        %dma_start3A_118 = tpu.memref_slice %arg2[%dma_start3A_116, %dma_start3A_117] : memref<10000x128xf32, #tpu.memory_space<hbm>> -> memref<10000x128xf32, #tpu.memory_space<hbm>>
        tpu.enqueue_indirect_dma source(%dma_start3A_118 : memref<10000x128xf32, #tpu.memory_space<hbm>>) target(%dma_start3A_112 : memref<100x128xf32, #tpu.memory_space<vmem>>) offsets(%dma_start3A_115 : memref<100xi32, #tpu.memory_space<vmem>>) semaphore(%arg12 : memref<!tpu.dma_semaphore, #tpu.memory_space<semaphore_mem>>)
      } else {
      }
      %add3A_105 = arith.constant 1 : i32
      %add3A_106 = arith.addi %mul3A_67, %add3A_105 : i32
      "tpu.region"() ({
        %run_scoped3A = tpu.sem_alloc : memref<!tpu.dma_semaphore, #tpu.memory_space<semaphore_mem>>
        %dma_start3A_107 = arith.constant 0 : i32
        %dma_start3A_108 = arith.constant 0 : i32
        %dma_start3A_109 = tpu.memref_slice %arg10[%scan3A_23, %dma_start3A_107, %dma_start3A_108] : memref<2x100x128xf32, #tpu.memory_space<vmem>> -> memref<1x100x128xf32, #tpu.memory_space<vmem>>
        %dma_start3A_110 = tpu.memref_squeeze %dma_start3A_109 : memref<1x100x128xf32, #tpu.memory_space<vmem>> -> memref<100x128xf32, #tpu.memory_space<vmem>>
        %dma_start3A_111 = arith.constant 0 : i32
        %dma_start3A_112 = tpu.memref_slice %arg9[%add3A_106, %dma_start3A_111] : memref<50x100xi32, #tpu.memory_space<vmem>> -> memref<1x100xi32, #tpu.memory_space<vmem>>
        %dma_start3A_113 = tpu.memref_squeeze %dma_start3A_112 : memref<1x100xi32, #tpu.memory_space<vmem>> -> memref<100xi32, #tpu.memory_space<vmem>>
        %dma_start3A_114 = arith.constant 0 : i32
        %dma_start3A_115 = arith.constant 0 : i32
        %dma_start3A_116 = tpu.memref_slice %arg11[%dma_start3A_114, %dma_start3A_115] : memref<10240x128xf32, #tpu.memory_space<vmem_shared>> -> memref<10240x128xf32, #tpu.memory_space<vmem_shared>>
        tpu.enqueue_indirect_dma source(%dma_start3A_110 : memref<100x128xf32, #tpu.memory_space<vmem>>) target(%dma_start3A_116 : memref<10240x128xf32, #tpu.memory_space<vmem_shared>>) offsets(%dma_start3A_113 : memref<100xi32, #tpu.memory_space<vmem>>) semaphore(%run_scoped3A : memref<!tpu.dma_semaphore, #tpu.memory_space<semaphore_mem>>) {add = true}
        %dma_wait3A_117 = arith.constant 0 : i32
        %dma_wait3A_118 = arith.constant 0 : i32
        %dma_wait3A_119 = tpu.memref_slice %arg10[%scan3A_23, %dma_wait3A_117, %dma_wait3A_118] : memref<2x100x128xf32, #tpu.memory_space<vmem>> -> memref<1x100x128xf32, #tpu.memory_space<vmem>>
        %dma_wait3A_120 = tpu.memref_squeeze %dma_wait3A_119 : memref<1x100x128xf32, #tpu.memory_space<vmem>> -> memref<100x128xf32, #tpu.memory_space<vmem>>
        %dma_wait3A_121 = arith.constant 0 : i32
        %dma_wait3A_122 = tpu.memref_slice %arg9[%add3A_106, %dma_wait3A_121] : memref<50x100xi32, #tpu.memory_space<vmem>> -> memref<1x100xi32, #tpu.memory_space<vmem>>
        %dma_wait3A_123 = tpu.memref_squeeze %dma_wait3A_122 : memref<1x100xi32, #tpu.memory_space<vmem>> -> memref<100xi32, #tpu.memory_space<vmem>>
        %dma_wait3A_124 = arith.constant 0 : i32
        %dma_wait3A_125 = arith.constant 0 : i32
        %dma_wait3A_126 = tpu.memref_slice %arg11[%dma_wait3A_124, %dma_wait3A_125] : memref<10240x128xf32, #tpu.memory_space<vmem_shared>> -> memref<10240x128xf32, #tpu.memory_space<vmem_shared>>
        tpu.wait_indirect_dma semaphore(%run_scoped3A : memref<!tpu.dma_semaphore, #tpu.memory_space<semaphore_mem>>) src(%dma_wait3A_120 : memref<100x128xf32, #tpu.memory_space<vmem>>) dst(%dma_wait3A_126 : memref<10240x128xf32, #tpu.memory_space<vmem_shared>>)
        tpu.yield
      }) : () -> ()
    }
    %scan3A_28 = arith.constant 25 : i32
    %mul3A_29 = arith.constant 2 : i32
    %mul3A_30 = arith.muli %add3A, %mul3A_29 : i32
    %add3A_31 = arith.constant 1 : i32
    %add3A_32 = arith.addi %mul3A_30, %add3A_31 : i32
    "tpu.region"() ({
      %run_scoped3A = tpu.sem_alloc : memref<!tpu.dma_semaphore, #tpu.memory_space<semaphore_mem>>
      %dma_start3A_65 = arith.constant 0 : i32
      %dma_start3A_66 = arith.constant 0 : i32
      %dma_start3A_67 = tpu.memref_slice %arg3[%add3A_32, %dma_start3A_65, %dma_start3A_66] : memref<64x50x100xi32, #tpu.memory_space<hbm>> -> memref<1x50x100xi32, #tpu.memory_space<hbm>>
      %dma_start3A_68 = tpu.memref_squeeze %dma_start3A_67 : memref<1x50x100xi32, #tpu.memory_space<hbm>> -> memref<50x100xi32, #tpu.memory_space<hbm>>
      %dma_start3A_69 = arith.constant 0 : i32
      %dma_start3A_70 = arith.constant 0 : i32
      %dma_start3A_71 = tpu.memref_slice %arg3[%add3A_32, %dma_start3A_69, %dma_start3A_70] : memref<64x50x100xi32, #tpu.memory_space<hbm>> -> memref<1x50x100xi32, #tpu.memory_space<hbm>>
      %dma_start3A_72 = tpu.memref_squeeze %dma_start3A_71 : memref<1x50x100xi32, #tpu.memory_space<hbm>> -> memref<50x100xi32, #tpu.memory_space<hbm>>
      tpu.enqueue_dma source(%dma_start3A_72 : memref<50x100xi32, #tpu.memory_space<hbm>>) target(%arg8 : memref<50x100xi32, #tpu.memory_space<vmem>>) target_semaphore(%run_scoped3A : memref<!tpu.dma_semaphore, #tpu.memory_space<semaphore_mem>>)
      %dma_wait3A = arith.constant 0 : i32
      %dma_wait3A_73 = arith.constant 0 : i32
      %dma_wait3A_74 = tpu.memref_slice %arg3[%add3A_32, %dma_wait3A, %dma_wait3A_73] : memref<64x50x100xi32, #tpu.memory_space<hbm>> -> memref<1x50x100xi32, #tpu.memory_space<hbm>>
      %dma_wait3A_75 = tpu.memref_squeeze %dma_wait3A_74 : memref<1x50x100xi32, #tpu.memory_space<hbm>> -> memref<50x100xi32, #tpu.memory_space<hbm>>
      %dma_wait3A_76 = arith.constant 0 : i32
      %dma_wait3A_77 = arith.constant 0 : i32
      %dma_wait3A_78 = tpu.memref_slice %arg3[%add3A_32, %dma_wait3A_76, %dma_wait3A_77] : memref<64x50x100xi32, #tpu.memory_space<hbm>> -> memref<1x50x100xi32, #tpu.memory_space<hbm>>
      %dma_wait3A_79 = tpu.memref_squeeze %dma_wait3A_78 : memref<1x50x100xi32, #tpu.memory_space<hbm>> -> memref<50x100xi32, #tpu.memory_space<hbm>>
      tpu.wait_dma2 semaphore(%run_scoped3A : memref<!tpu.dma_semaphore, #tpu.memory_space<semaphore_mem>>) src(%dma_wait3A_79 : memref<50x100xi32, #tpu.memory_space<hbm>>) dst(%arg8 : memref<50x100xi32, #tpu.memory_space<vmem>>)
      tpu.yield
    }) : () -> ()
    %mul3A_33 = arith.constant 2 : i32
    %mul3A_34 = arith.muli %add3A, %mul3A_33 : i32
    %add3A_35 = arith.constant 1 : i32
    %add3A_36 = arith.addi %mul3A_34, %add3A_35 : i32
    "tpu.region"() ({
      %run_scoped3A = tpu.sem_alloc : memref<!tpu.dma_semaphore, #tpu.memory_space<semaphore_mem>>
      %dma_start3A_65 = arith.constant 0 : i32
      %dma_start3A_66 = arith.constant 0 : i32
      %dma_start3A_67 = tpu.memref_slice %arg4[%add3A_36, %dma_start3A_65, %dma_start3A_66] : memref<64x50x100xi32, #tpu.memory_space<hbm>> -> memref<1x50x100xi32, #tpu.memory_space<hbm>>
      %dma_start3A_68 = tpu.memref_squeeze %dma_start3A_67 : memref<1x50x100xi32, #tpu.memory_space<hbm>> -> memref<50x100xi32, #tpu.memory_space<hbm>>
      %dma_start3A_69 = arith.constant 0 : i32
      %dma_start3A_70 = arith.constant 0 : i32
      %dma_start3A_71 = tpu.memref_slice %arg4[%add3A_36, %dma_start3A_69, %dma_start3A_70] : memref<64x50x100xi32, #tpu.memory_space<hbm>> -> memref<1x50x100xi32, #tpu.memory_space<hbm>>
      %dma_start3A_72 = tpu.memref_squeeze %dma_start3A_71 : memref<1x50x100xi32, #tpu.memory_space<hbm>> -> memref<50x100xi32, #tpu.memory_space<hbm>>
      tpu.enqueue_dma source(%dma_start3A_72 : memref<50x100xi32, #tpu.memory_space<hbm>>) target(%arg9 : memref<50x100xi32, #tpu.memory_space<vmem>>) target_semaphore(%run_scoped3A : memref<!tpu.dma_semaphore, #tpu.memory_space<semaphore_mem>>)
      %dma_wait3A = arith.constant 0 : i32
      %dma_wait3A_73 = arith.constant 0 : i32
      %dma_wait3A_74 = tpu.memref_slice %arg4[%add3A_36, %dma_wait3A, %dma_wait3A_73] : memref<64x50x100xi32, #tpu.memory_space<hbm>> -> memref<1x50x100xi32, #tpu.memory_space<hbm>>
      %dma_wait3A_75 = tpu.memref_squeeze %dma_wait3A_74 : memref<1x50x100xi32, #tpu.memory_space<hbm>> -> memref<50x100xi32, #tpu.memory_space<hbm>>
      %dma_wait3A_76 = arith.constant 0 : i32
      %dma_wait3A_77 = arith.constant 0 : i32
      %dma_wait3A_78 = tpu.memref_slice %arg4[%add3A_36, %dma_wait3A_76, %dma_wait3A_77] : memref<64x50x100xi32, #tpu.memory_space<hbm>> -> memref<1x50x100xi32, #tpu.memory_space<hbm>>
      %dma_wait3A_79 = tpu.memref_squeeze %dma_wait3A_78 : memref<1x50x100xi32, #tpu.memory_space<hbm>> -> memref<50x100xi32, #tpu.memory_space<hbm>>
      tpu.wait_dma2 semaphore(%run_scoped3A : memref<!tpu.dma_semaphore, #tpu.memory_space<semaphore_mem>>) src(%dma_wait3A_79 : memref<50x100xi32, #tpu.memory_space<hbm>>) dst(%arg9 : memref<50x100xi32, #tpu.memory_space<vmem>>)
      tpu.yield
    }) : () -> ()
    %dma_start3A_37 = arith.constant 0 : i32
    %dma_start3A_38 = arith.constant 0 : i32
    %dma_start3A_39 = arith.constant 0 : i32
    %dma_start3A_40 = arith.constant 0 : i32
    %dma_start3A_41 = tpu.memref_slice %arg10[%dma_start3A_38, %dma_start3A_39, %dma_start3A_40] : memref<2x100x128xf32, #tpu.memory_space<vmem>> -> memref<1x100x128xf32, #tpu.memory_space<vmem>>
    %dma_start3A_42 = tpu.memref_squeeze %dma_start3A_41 : memref<1x100x128xf32, #tpu.memory_space<vmem>> -> memref<100x128xf32, #tpu.memory_space<vmem>>
    %dma_start3A_43 = arith.constant 0 : i32
    %dma_start3A_44 = tpu.memref_slice %arg8[%dma_start3A_37, %dma_start3A_43] : memref<50x100xi32, #tpu.memory_space<vmem>> -> memref<1x100xi32, #tpu.memory_space<vmem>>
    %dma_start3A_45 = tpu.memref_squeeze %dma_start3A_44 : memref<1x100xi32, #tpu.memory_space<vmem>> -> memref<100xi32, #tpu.memory_space<vmem>>
    %dma_start3A_46 = arith.constant 0 : i32
    %dma_start3A_47 = arith.constant 0 : i32
    %dma_start3A_48 = tpu.memref_slice %arg2[%dma_start3A_46, %dma_start3A_47] : memref<10000x128xf32, #tpu.memory_space<hbm>> -> memref<10000x128xf32, #tpu.memory_space<hbm>>
    tpu.enqueue_indirect_dma source(%dma_start3A_48 : memref<10000x128xf32, #tpu.memory_space<hbm>>) target(%dma_start3A_42 : memref<100x128xf32, #tpu.memory_space<vmem>>) offsets(%dma_start3A_45 : memref<100xi32, #tpu.memory_space<vmem>>) semaphore(%arg12 : memref<!tpu.dma_semaphore, #tpu.memory_space<semaphore_mem>>)
    %scan3A_49 = arith.constant 0 : i32
    %scan3A_50 = arith.constant 0 : i32
    %scan3A_51 = arith.constant 1 : i32
    %scan3A_52 = arith.constant 0 : i32
    %scan3A_53 = arith.constant 25 : i32
    %scan3A_54 = arith.addi %scan3A_52, %scan3A_53 : i32
    %scan3A_55 = arith.constant 1 : i32
    scf.for %scan3A_65 = %scan3A_52 to %scan3A_54 step %scan3A_55  : i32 {
      %mul3A_66 = arith.constant 2 : i32
      %mul3A_67 = arith.muli %mul3A_66, %scan3A_65 : i32
      %dma_wait3A = arith.constant 0 : i32
      %dma_wait3A_68 = arith.constant 0 : i32
      %dma_wait3A_69 = arith.constant 0 : i32
      %dma_wait3A_70 = tpu.memref_slice %arg10[%scan3A_50, %dma_wait3A_68, %dma_wait3A_69] : memref<2x100x128xf32, #tpu.memory_space<vmem>> -> memref<1x100x128xf32, #tpu.memory_space<vmem>>
      %dma_wait3A_71 = tpu.memref_squeeze %dma_wait3A_70 : memref<1x100x128xf32, #tpu.memory_space<vmem>> -> memref<100x128xf32, #tpu.memory_space<vmem>>
      %dma_wait3A_72 = arith.constant 0 : i32
      %dma_wait3A_73 = tpu.memref_slice %arg8[%dma_wait3A, %dma_wait3A_72] : memref<50x100xi32, #tpu.memory_space<vmem>> -> memref<1x100xi32, #tpu.memory_space<vmem>>
      %dma_wait3A_74 = tpu.memref_squeeze %dma_wait3A_73 : memref<1x100xi32, #tpu.memory_space<vmem>> -> memref<100xi32, #tpu.memory_space<vmem>>
      %dma_wait3A_75 = arith.constant 0 : i32
      %dma_wait3A_76 = arith.constant 0 : i32
      %dma_wait3A_77 = tpu.memref_slice %arg2[%dma_wait3A_75, %dma_wait3A_76] : memref<10000x128xf32, #tpu.memory_space<hbm>> -> memref<10000x128xf32, #tpu.memory_space<hbm>>
      tpu.wait_indirect_dma semaphore(%arg12 : memref<!tpu.dma_semaphore, #tpu.memory_space<semaphore_mem>>) src(%dma_wait3A_77 : memref<10000x128xf32, #tpu.memory_space<hbm>>) dst(%dma_wait3A_71 : memref<100x128xf32, #tpu.memory_space<vmem>>)
      %add3A_78 = arith.constant 1 : i32
      %add3A_79 = arith.addi %mul3A_67, %add3A_78 : i32
      %dma_start3A_80 = arith.constant 0 : i32
      %dma_start3A_81 = arith.constant 0 : i32
      %dma_start3A_82 = tpu.memref_slice %arg10[%scan3A_51, %dma_start3A_80, %dma_start3A_81] : memref<2x100x128xf32, #tpu.memory_space<vmem>> -> memref<1x100x128xf32, #tpu.memory_space<vmem>>
      %dma_start3A_83 = tpu.memref_squeeze %dma_start3A_82 : memref<1x100x128xf32, #tpu.memory_space<vmem>> -> memref<100x128xf32, #tpu.memory_space<vmem>>
      %dma_start3A_84 = arith.constant 0 : i32
      %dma_start3A_85 = tpu.memref_slice %arg8[%add3A_79, %dma_start3A_84] : memref<50x100xi32, #tpu.memory_space<vmem>> -> memref<1x100xi32, #tpu.memory_space<vmem>>
      %dma_start3A_86 = tpu.memref_squeeze %dma_start3A_85 : memref<1x100xi32, #tpu.memory_space<vmem>> -> memref<100xi32, #tpu.memory_space<vmem>>
      %dma_start3A_87 = arith.constant 0 : i32
      %dma_start3A_88 = arith.constant 0 : i32
      %dma_start3A_89 = tpu.memref_slice %arg2[%dma_start3A_87, %dma_start3A_88] : memref<10000x128xf32, #tpu.memory_space<hbm>> -> memref<10000x128xf32, #tpu.memory_space<hbm>>
      tpu.enqueue_indirect_dma source(%dma_start3A_89 : memref<10000x128xf32, #tpu.memory_space<hbm>>) target(%dma_start3A_83 : memref<100x128xf32, #tpu.memory_space<vmem>>) offsets(%dma_start3A_86 : memref<100xi32, #tpu.memory_space<vmem>>) semaphore(%arg12 : memref<!tpu.dma_semaphore, #tpu.memory_space<semaphore_mem>>)
      "tpu.region"() ({
        %run_scoped3A = tpu.sem_alloc : memref<!tpu.dma_semaphore, #tpu.memory_space<semaphore_mem>>
        %dma_start3A_107 = arith.constant 0 : i32
        %dma_start3A_108 = arith.constant 0 : i32
        %dma_start3A_109 = tpu.memref_slice %arg10[%scan3A_50, %dma_start3A_107, %dma_start3A_108] : memref<2x100x128xf32, #tpu.memory_space<vmem>> -> memref<1x100x128xf32, #tpu.memory_space<vmem>>
        %dma_start3A_110 = tpu.memref_squeeze %dma_start3A_109 : memref<1x100x128xf32, #tpu.memory_space<vmem>> -> memref<100x128xf32, #tpu.memory_space<vmem>>
        %dma_start3A_111 = arith.constant 0 : i32
        %dma_start3A_112 = tpu.memref_slice %arg9[%mul3A_67, %dma_start3A_111] : memref<50x100xi32, #tpu.memory_space<vmem>> -> memref<1x100xi32, #tpu.memory_space<vmem>>
        %dma_start3A_113 = tpu.memref_squeeze %dma_start3A_112 : memref<1x100xi32, #tpu.memory_space<vmem>> -> memref<100xi32, #tpu.memory_space<vmem>>
        %dma_start3A_114 = arith.constant 0 : i32
        %dma_start3A_115 = arith.constant 0 : i32
        %dma_start3A_116 = tpu.memref_slice %arg11[%dma_start3A_114, %dma_start3A_115] : memref<10240x128xf32, #tpu.memory_space<vmem_shared>> -> memref<10240x128xf32, #tpu.memory_space<vmem_shared>>
        tpu.enqueue_indirect_dma source(%dma_start3A_110 : memref<100x128xf32, #tpu.memory_space<vmem>>) target(%dma_start3A_116 : memref<10240x128xf32, #tpu.memory_space<vmem_shared>>) offsets(%dma_start3A_113 : memref<100xi32, #tpu.memory_space<vmem>>) semaphore(%run_scoped3A : memref<!tpu.dma_semaphore, #tpu.memory_space<semaphore_mem>>) {add = true}
        %dma_wait3A_117 = arith.constant 0 : i32
        %dma_wait3A_118 = arith.constant 0 : i32
        %dma_wait3A_119 = tpu.memref_slice %arg10[%scan3A_50, %dma_wait3A_117, %dma_wait3A_118] : memref<2x100x128xf32, #tpu.memory_space<vmem>> -> memref<1x100x128xf32, #tpu.memory_space<vmem>>
        %dma_wait3A_120 = tpu.memref_squeeze %dma_wait3A_119 : memref<1x100x128xf32, #tpu.memory_space<vmem>> -> memref<100x128xf32, #tpu.memory_space<vmem>>
        %dma_wait3A_121 = arith.constant 0 : i32
        %dma_wait3A_122 = tpu.memref_slice %arg9[%mul3A_67, %dma_wait3A_121] : memref<50x100xi32, #tpu.memory_space<vmem>> -> memref<1x100xi32, #tpu.memory_space<vmem>>
        %dma_wait3A_123 = tpu.memref_squeeze %dma_wait3A_122 : memref<1x100xi32, #tpu.memory_space<vmem>> -> memref<100xi32, #tpu.memory_space<vmem>>
        %dma_wait3A_124 = arith.constant 0 : i32
        %dma_wait3A_125 = arith.constant 0 : i32
        %dma_wait3A_126 = tpu.memref_slice %arg11[%dma_wait3A_124, %dma_wait3A_125] : memref<10240x128xf32, #tpu.memory_space<vmem_shared>> -> memref<10240x128xf32, #tpu.memory_space<vmem_shared>>
        tpu.wait_indirect_dma semaphore(%run_scoped3A : memref<!tpu.dma_semaphore, #tpu.memory_space<semaphore_mem>>) src(%dma_wait3A_120 : memref<100x128xf32, #tpu.memory_space<vmem>>) dst(%dma_wait3A_126 : memref<10240x128xf32, #tpu.memory_space<vmem_shared>>)
        tpu.yield
      }) : () -> ()
      %dma_wait3A_90 = arith.constant 0 : i32
      %dma_wait3A_91 = arith.constant 0 : i32
      %dma_wait3A_92 = arith.constant 0 : i32
      %dma_wait3A_93 = tpu.memref_slice %arg10[%scan3A_50, %dma_wait3A_91, %dma_wait3A_92] : memref<2x100x128xf32, #tpu.memory_space<vmem>> -> memref<1x100x128xf32, #tpu.memory_space<vmem>>
      %dma_wait3A_94 = tpu.memref_squeeze %dma_wait3A_93 : memref<1x100x128xf32, #tpu.memory_space<vmem>> -> memref<100x128xf32, #tpu.memory_space<vmem>>
      %dma_wait3A_95 = arith.constant 0 : i32
      %dma_wait3A_96 = tpu.memref_slice %arg8[%dma_wait3A_90, %dma_wait3A_95] : memref<50x100xi32, #tpu.memory_space<vmem>> -> memref<1x100xi32, #tpu.memory_space<vmem>>
      %dma_wait3A_97 = tpu.memref_squeeze %dma_wait3A_96 : memref<1x100xi32, #tpu.memory_space<vmem>> -> memref<100xi32, #tpu.memory_space<vmem>>
      %dma_wait3A_98 = arith.constant 0 : i32
      %dma_wait3A_99 = arith.constant 0 : i32
      %dma_wait3A_100 = tpu.memref_slice %arg2[%dma_wait3A_98, %dma_wait3A_99] : memref<10000x128xf32, #tpu.memory_space<hbm>> -> memref<10000x128xf32, #tpu.memory_space<hbm>>
      tpu.wait_indirect_dma semaphore(%arg12 : memref<!tpu.dma_semaphore, #tpu.memory_space<semaphore_mem>>) src(%dma_wait3A_100 : memref<10000x128xf32, #tpu.memory_space<hbm>>) dst(%dma_wait3A_94 : memref<100x128xf32, #tpu.memory_space<vmem>>)
      %lt3A = arith.constant 24 : i32
      %lt3A_101 = arith.cmpi slt, %scan3A_65, %lt3A : i32
      %convert_element_type3A_102 = arith.extui %lt3A_101 : i1 to i32
      %cond3A_103 = arith.constant 0 : i32
      %cond3A_104 = arith.cmpi ne, %convert_element_type3A_102, %cond3A_103 : i32
      scf.if %cond3A_104 {
        %add3A_107 = arith.constant 2 : i32
        %add3A_108 = arith.addi %mul3A_67, %add3A_107 : i32
        %dma_start3A_109 = arith.constant 0 : i32
        %dma_start3A_110 = arith.constant 0 : i32
        %dma_start3A_111 = tpu.memref_slice %arg10[%scan3A_50, %dma_start3A_109, %dma_start3A_110] : memref<2x100x128xf32, #tpu.memory_space<vmem>> -> memref<1x100x128xf32, #tpu.memory_space<vmem>>
        %dma_start3A_112 = tpu.memref_squeeze %dma_start3A_111 : memref<1x100x128xf32, #tpu.memory_space<vmem>> -> memref<100x128xf32, #tpu.memory_space<vmem>>
        %dma_start3A_113 = arith.constant 0 : i32
        %dma_start3A_114 = tpu.memref_slice %arg8[%add3A_108, %dma_start3A_113] : memref<50x100xi32, #tpu.memory_space<vmem>> -> memref<1x100xi32, #tpu.memory_space<vmem>>
        %dma_start3A_115 = tpu.memref_squeeze %dma_start3A_114 : memref<1x100xi32, #tpu.memory_space<vmem>> -> memref<100xi32, #tpu.memory_space<vmem>>
        %dma_start3A_116 = arith.constant 0 : i32
        %dma_start3A_117 = arith.constant 0 : i32
        %dma_start3A_118 = tpu.memref_slice %arg2[%dma_start3A_116, %dma_start3A_117] : memref<10000x128xf32, #tpu.memory_space<hbm>> -> memref<10000x128xf32, #tpu.memory_space<hbm>>
        tpu.enqueue_indirect_dma source(%dma_start3A_118 : memref<10000x128xf32, #tpu.memory_space<hbm>>) target(%dma_start3A_112 : memref<100x128xf32, #tpu.memory_space<vmem>>) offsets(%dma_start3A_115 : memref<100xi32, #tpu.memory_space<vmem>>) semaphore(%arg12 : memref<!tpu.dma_semaphore, #tpu.memory_space<semaphore_mem>>)
      } else {
      }
      %add3A_105 = arith.constant 1 : i32
      %add3A_106 = arith.addi %mul3A_67, %add3A_105 : i32
      "tpu.region"() ({
        %run_scoped3A = tpu.sem_alloc : memref<!tpu.dma_semaphore, #tpu.memory_space<semaphore_mem>>
        %dma_start3A_107 = arith.constant 0 : i32
        %dma_start3A_108 = arith.constant 0 : i32
        %dma_start3A_109 = tpu.memref_slice %arg10[%scan3A_51, %dma_start3A_107, %dma_start3A_108] : memref<2x100x128xf32, #tpu.memory_space<vmem>> -> memref<1x100x128xf32, #tpu.memory_space<vmem>>
        %dma_start3A_110 = tpu.memref_squeeze %dma_start3A_109 : memref<1x100x128xf32, #tpu.memory_space<vmem>> -> memref<100x128xf32, #tpu.memory_space<vmem>>
        %dma_start3A_111 = arith.constant 0 : i32
        %dma_start3A_112 = tpu.memref_slice %arg9[%add3A_106, %dma_start3A_111] : memref<50x100xi32, #tpu.memory_space<vmem>> -> memref<1x100xi32, #tpu.memory_space<vmem>>
        %dma_start3A_113 = tpu.memref_squeeze %dma_start3A_112 : memref<1x100xi32, #tpu.memory_space<vmem>> -> memref<100xi32, #tpu.memory_space<vmem>>
        %dma_start3A_114 = arith.constant 0 : i32
        %dma_start3A_115 = arith.constant 0 : i32
        %dma_start3A_116 = tpu.memref_slice %arg11[%dma_start3A_114, %dma_start3A_115] : memref<10240x128xf32, #tpu.memory_space<vmem_shared>> -> memref<10240x128xf32, #tpu.memory_space<vmem_shared>>
        tpu.enqueue_indirect_dma source(%dma_start3A_110 : memref<100x128xf32, #tpu.memory_space<vmem>>) target(%dma_start3A_116 : memref<10240x128xf32, #tpu.memory_space<vmem_shared>>) offsets(%dma_start3A_113 : memref<100xi32, #tpu.memory_space<vmem>>) semaphore(%run_scoped3A : memref<!tpu.dma_semaphore, #tpu.memory_space<semaphore_mem>>) {add = true}
        %dma_wait3A_117 = arith.constant 0 : i32
        %dma_wait3A_118 = arith.constant 0 : i32
        %dma_wait3A_119 = tpu.memref_slice %arg10[%scan3A_51, %dma_wait3A_117, %dma_wait3A_118] : memref<2x100x128xf32, #tpu.memory_space<vmem>> -> memref<1x100x128xf32, #tpu.memory_space<vmem>>
        %dma_wait3A_120 = tpu.memref_squeeze %dma_wait3A_119 : memref<1x100x128xf32, #tpu.memory_space<vmem>> -> memref<100x128xf32, #tpu.memory_space<vmem>>
        %dma_wait3A_121 = arith.constant 0 : i32
        %dma_wait3A_122 = tpu.memref_slice %arg9[%add3A_106, %dma_wait3A_121] : memref<50x100xi32, #tpu.memory_space<vmem>> -> memref<1x100xi32, #tpu.memory_space<vmem>>
        %dma_wait3A_123 = tpu.memref_squeeze %dma_wait3A_122 : memref<1x100xi32, #tpu.memory_space<vmem>> -> memref<100xi32, #tpu.memory_space<vmem>>
        %dma_wait3A_124 = arith.constant 0 : i32
        %dma_wait3A_125 = arith.constant 0 : i32
        %dma_wait3A_126 = tpu.memref_slice %arg11[%dma_wait3A_124, %dma_wait3A_125] : memref<10240x128xf32, #tpu.memory_space<vmem_shared>> -> memref<10240x128xf32, #tpu.memory_space<vmem_shared>>
        tpu.wait_indirect_dma semaphore(%run_scoped3A : memref<!tpu.dma_semaphore, #tpu.memory_space<semaphore_mem>>) src(%dma_wait3A_120 : memref<100x128xf32, #tpu.memory_space<vmem>>) dst(%dma_wait3A_126 : memref<10240x128xf32, #tpu.memory_space<vmem_shared>>)
        tpu.yield
      }) : () -> ()
    }
    %scan3A_56 = arith.constant 25 : i32
    %barrier3A_57 = arith.constant 0 : index
    tpu.barrier barrier_id(%barrier3A_57)
    %eq3A = arith.constant 0 : i32
    %eq3A_58 = arith.cmpi eq, %arg0, %eq3A : i32
    %convert_element_type3A = arith.extui %eq3A_58 : i1 to i32
    %cond3A = arith.constant 0 : i32
    %cond3A_59 = arith.cmpi ne, %convert_element_type3A, %cond3A : i32
    scf.if %cond3A_59 {
      %mul3A_65 = arith.constant 640 : i32
      %mul3A_66 = arith.muli %arg1, %mul3A_65 : i32
      %mul3A_67 = arith.constant 640 : i32
      %mul3A_68 = arith.muli %arg1, %mul3A_67 : i32
      "tpu.region"() ({
        %run_scoped3A = tpu.sem_alloc : memref<!tpu.dma_semaphore, #tpu.memory_space<semaphore_mem>>
        %dma_start3A_69 = arith.constant 0 : i32
        %dma_start3A_70 = tpu.memref_slice %arg6[%mul3A_68, %dma_start3A_69] : memref<10240x128xf32, #tpu.memory_space<hbm>> -> memref<640x128xf32, #tpu.memory_space<hbm>>
        %dma_start3A_71 = arith.constant 0 : i32
        %dma_start3A_72 = tpu.memref_slice %arg11[%mul3A_66, %dma_start3A_71] : memref<10240x128xf32, #tpu.memory_space<vmem_shared>> -> memref<640x128xf32, #tpu.memory_space<vmem_shared>>
        tpu.enqueue_dma source(%dma_start3A_72 : memref<640x128xf32, #tpu.memory_space<vmem_shared>>) target(%dma_start3A_70 : memref<640x128xf32, #tpu.memory_space<hbm>>) target_semaphore(%run_scoped3A : memref<!tpu.dma_semaphore, #tpu.memory_space<semaphore_mem>>)
        %dma_wait3A = arith.constant 0 : i32
        %dma_wait3A_73 = tpu.memref_slice %arg6[%mul3A_68, %dma_wait3A] : memref<10240x128xf32, #tpu.memory_space<hbm>> -> memref<640x128xf32, #tpu.memory_space<hbm>>
        %dma_wait3A_74 = arith.constant 0 : i32
        %dma_wait3A_75 = tpu.memref_slice %arg11[%mul3A_66, %dma_wait3A_74] : memref<10240x128xf32, #tpu.memory_space<vmem_shared>> -> memref<640x128xf32, #tpu.memory_space<vmem_shared>>
        tpu.wait_dma2 semaphore(%run_scoped3A : memref<!tpu.dma_semaphore, #tpu.memory_space<semaphore_mem>>) src(%dma_wait3A_75 : memref<640x128xf32, #tpu.memory_space<vmem_shared>>) dst(%dma_wait3A_73 : memref<640x128xf32, #tpu.memory_space<hbm>>)
        tpu.yield
      }) : () -> ()
    } else {
    }
    %eq3A_60 = arith.constant 1 : i32
    %eq3A_61 = arith.cmpi eq, %arg0, %eq3A_60 : i32
    %convert_element_type3A_62 = arith.extui %eq3A_61 : i1 to i32
    %cond3A_63 = arith.constant 0 : i32
    %cond3A_64 = arith.cmpi ne, %convert_element_type3A_62, %cond3A_63 : i32
    scf.if %cond3A_64 {
      %mul3A_65 = arith.constant 640 : i32
      %mul3A_66 = arith.muli %arg1, %mul3A_65 : i32
      %mul3A_67 = arith.constant 640 : i32
      %mul3A_68 = arith.muli %arg1, %mul3A_67 : i32
      "tpu.region"() ({
        %run_scoped3A = tpu.sem_alloc : memref<!tpu.dma_semaphore, #tpu.memory_space<semaphore_mem>>
        %dma_start3A_69 = arith.constant 0 : i32
        %dma_start3A_70 = tpu.memref_slice %arg7[%mul3A_68, %dma_start3A_69] : memref<10240x128xf32, #tpu.memory_space<hbm>> -> memref<640x128xf32, #tpu.memory_space<hbm>>
        %dma_start3A_71 = arith.constant 0 : i32
        %dma_start3A_72 = tpu.memref_slice %arg11[%mul3A_66, %dma_start3A_71] : memref<10240x128xf32, #tpu.memory_space<vmem_shared>> -> memref<640x128xf32, #tpu.memory_space<vmem_shared>>
        tpu.enqueue_dma source(%dma_start3A_72 : memref<640x128xf32, #tpu.memory_space<vmem_shared>>) target(%dma_start3A_70 : memref<640x128xf32, #tpu.memory_space<hbm>>) target_semaphore(%run_scoped3A : memref<!tpu.dma_semaphore, #tpu.memory_space<semaphore_mem>>)
        %dma_wait3A = arith.constant 0 : i32
        %dma_wait3A_73 = tpu.memref_slice %arg7[%mul3A_68, %dma_wait3A] : memref<10240x128xf32, #tpu.memory_space<hbm>> -> memref<640x128xf32, #tpu.memory_space<hbm>>
        %dma_wait3A_74 = arith.constant 0 : i32
        %dma_wait3A_75 = tpu.memref_slice %arg11[%mul3A_66, %dma_wait3A_74] : memref<10240x128xf32, #tpu.memory_space<vmem_shared>> -> memref<640x128xf32, #tpu.memory_space<vmem_shared>>
        tpu.wait_dma2 semaphore(%run_scoped3A : memref<!tpu.dma_semaphore, #tpu.memory_space<semaphore_mem>>) src(%dma_wait3A_75 : memref<640x128xf32, #tpu.memory_space<vmem_shared>>) dst(%dma_wait3A_73 : memref<640x128xf32, #tpu.memory_space<hbm>>)
        tpu.yield
      }) : () -> ()
    } else {
    }
    return
  }
}

#map = affine_map<(d0, d1) -> (0, 0)>
#map1 = affine_map<(d0, d1) -> (0, 0, 0)>
module attributes {stable_mosaic.version = 14 : i64} {
  func.func @agg_k(%arg0: i32, %arg1: i32, %arg2: memref<10000x128xf32, #tpu.memory_space<hbm>>, %arg3: memref<64x50x100xi32, #tpu.memory_space<hbm>>, %arg4: memref<64x50x100xi32, #tpu.memory_space<hbm>>, %arg5: memref<640x128xf32, #tpu.memory_space<hbm>>, %arg6: memref<10240x128xf32, #tpu.memory_space<hbm>>, %arg7: memref<10240x128xf32, #tpu.memory_space<hbm>>, %arg8: memref<50x100xi32, #tpu.memory_space<vmem>>, %arg9: memref<50x100xi32, #tpu.memory_space<vmem>>, %arg10: memref<2x100x128xf32, #tpu.memory_space<vmem>>, %arg11: memref<10240x128xf32, #tpu.memory_space<vmem_shared>>, %arg12: memref<!tpu.dma_semaphore, #tpu.memory_space<semaphore_mem>>) attributes {dimension_semantics = [#tpu.dimension_semantics<core_parallel>, #tpu.dimension_semantics<subcore_parallel>], iteration_bounds = array<i64: 2, 16>, scalar_prefetch = 0 : i64, scratch_operands = 5 : i64, tpu.core_type = #tpu.core_type<sc_vector_subcore>, window_params = [{transform_indices = #map}, {transform_indices = #map1}, {transform_indices = #map1}, {transform_indices = #map}, {transform_indices = #map}, {transform_indices = #map}]} {
    %mul3A = arith.constant 2 : i32
    %mul3A_0 = arith.muli %arg1, %mul3A : i32
    %add3A = arith.addi %mul3A_0, %arg0 : i32
    %mul3A_1 = arith.constant 640 : i32
    %mul3A_2 = arith.muli %arg1, %mul3A_1 : i32
    "tpu.region"() ({
      %run_scoped3A = tpu.sem_alloc : memref<!tpu.dma_semaphore, #tpu.memory_space<semaphore_mem>>
      %dma_start3A_65 = arith.constant 0 : i32
      %dma_start3A_66 = tpu.memref_slice %arg11[%mul3A_2, %dma_start3A_65] : memref<10240x128xf32, #tpu.memory_space<vmem_shared>> -> memref<640x128xf32, #tpu.memory_space<vmem_shared>>
      tpu.enqueue_dma source(%arg5 : memref<640x128xf32, #tpu.memory_space<hbm>>) target(%dma_start3A_66 : memref<640x128xf32, #tpu.memory_space<vmem_shared>>) target_semaphore(%run_scoped3A : memref<!tpu.dma_semaphore, #tpu.memory_space<semaphore_mem>>)
      %dma_wait3A = arith.constant 0 : i32
      %dma_wait3A_67 = tpu.memref_slice %arg11[%mul3A_2, %dma_wait3A] : memref<10240x128xf32, #tpu.memory_space<vmem_shared>> -> memref<640x128xf32, #tpu.memory_space<vmem_shared>>
      tpu.wait_dma2 semaphore(%run_scoped3A : memref<!tpu.dma_semaphore, #tpu.memory_space<semaphore_mem>>) src(%arg5 : memref<640x128xf32, #tpu.memory_space<hbm>>) dst(%dma_wait3A_67 : memref<640x128xf32, #tpu.memory_space<vmem_shared>>)
      tpu.yield
    }) : () -> ()
    %barrier3A = arith.constant 0 : index
    tpu.barrier barrier_id(%barrier3A)
    %mul3A_3 = arith.constant 2 : i32
    %mul3A_4 = arith.muli %add3A, %mul3A_3 : i32
    %add3A_5 = arith.constant 0 : i32
    %add3A_6 = arith.addi %mul3A_4, %add3A_5 : i32
    "tpu.region"() ({
      %run_scoped3A = tpu.sem_alloc : memref<!tpu.dma_semaphore, #tpu.memory_space<semaphore_mem>>
      %dma_start3A_65 = arith.constant 0 : i32
      %dma_start3A_66 = arith.constant 0 : i32
      %dma_start3A_67 = tpu.memref_slice %arg3[%add3A_6, %dma_start3A_65, %dma_start3A_66] : memref<64x50x100xi32, #tpu.memory_space<hbm>> -> memref<1x50x100xi32, #tpu.memory_space<hbm>>
      %dma_start3A_68 = tpu.memref_squeeze %dma_start3A_67 : memref<1x50x100xi32, #tpu.memory_space<hbm>> -> memref<50x100xi32, #tpu.memory_space<hbm>>
      %dma_start3A_69 = arith.constant 0 : i32
      %dma_start3A_70 = arith.constant 0 : i32
      %dma_start3A_71 = tpu.memref_slice %arg3[%add3A_6, %dma_start3A_69, %dma_start3A_70] : memref<64x50x100xi32, #tpu.memory_space<hbm>> -> memref<1x50x100xi32, #tpu.memory_space<hbm>>
      %dma_start3A_72 = tpu.memref_squeeze %dma_start3A_71 : memref<1x50x100xi32, #tpu.memory_space<hbm>> -> memref<50x100xi32, #tpu.memory_space<hbm>>
      tpu.enqueue_dma source(%dma_start3A_72 : memref<50x100xi32, #tpu.memory_space<hbm>>) target(%arg8 : memref<50x100xi32, #tpu.memory_space<vmem>>) target_semaphore(%run_scoped3A : memref<!tpu.dma_semaphore, #tpu.memory_space<semaphore_mem>>)
      %dma_wait3A = arith.constant 0 : i32
      %dma_wait3A_73 = arith.constant 0 : i32
      %dma_wait3A_74 = tpu.memref_slice %arg3[%add3A_6, %dma_wait3A, %dma_wait3A_73] : memref<64x50x100xi32, #tpu.memory_space<hbm>> -> memref<1x50x100xi32, #tpu.memory_space<hbm>>
      %dma_wait3A_75 = tpu.memref_squeeze %dma_wait3A_74 : memref<1x50x100xi32, #tpu.memory_space<hbm>> -> memref<50x100xi32, #tpu.memory_space<hbm>>
      %dma_wait3A_76 = arith.constant 0 : i32
      %dma_wait3A_77 = arith.constant 0 : i32
      %dma_wait3A_78 = tpu.memref_slice %arg3[%add3A_6, %dma_wait3A_76, %dma_wait3A_77] : memref<64x50x100xi32, #tpu.memory_space<hbm>> -> memref<1x50x100xi32, #tpu.memory_space<hbm>>
      %dma_wait3A_79 = tpu.memref_squeeze %dma_wait3A_78 : memref<1x50x100xi32, #tpu.memory_space<hbm>> -> memref<50x100xi32, #tpu.memory_space<hbm>>
      tpu.wait_dma2 semaphore(%run_scoped3A : memref<!tpu.dma_semaphore, #tpu.memory_space<semaphore_mem>>) src(%dma_wait3A_79 : memref<50x100xi32, #tpu.memory_space<hbm>>) dst(%arg8 : memref<50x100xi32, #tpu.memory_space<vmem>>)
      tpu.yield
    }) : () -> ()
    %mul3A_7 = arith.constant 2 : i32
    %mul3A_8 = arith.muli %add3A, %mul3A_7 : i32
    %add3A_9 = arith.constant 0 : i32
    %add3A_10 = arith.addi %mul3A_8, %add3A_9 : i32
    "tpu.region"() ({
      %run_scoped3A = tpu.sem_alloc : memref<!tpu.dma_semaphore, #tpu.memory_space<semaphore_mem>>
      %dma_start3A_65 = arith.constant 0 : i32
      %dma_start3A_66 = arith.constant 0 : i32
      %dma_start3A_67 = tpu.memref_slice %arg4[%add3A_10, %dma_start3A_65, %dma_start3A_66] : memref<64x50x100xi32, #tpu.memory_space<hbm>> -> memref<1x50x100xi32, #tpu.memory_space<hbm>>
      %dma_start3A_68 = tpu.memref_squeeze %dma_start3A_67 : memref<1x50x100xi32, #tpu.memory_space<hbm>> -> memref<50x100xi32, #tpu.memory_space<hbm>>
      %dma_start3A_69 = arith.constant 0 : i32
      %dma_start3A_70 = arith.constant 0 : i32
      %dma_start3A_71 = tpu.memref_slice %arg4[%add3A_10, %dma_start3A_69, %dma_start3A_70] : memref<64x50x100xi32, #tpu.memory_space<hbm>> -> memref<1x50x100xi32, #tpu.memory_space<hbm>>
      %dma_start3A_72 = tpu.memref_squeeze %dma_start3A_71 : memref<1x50x100xi32, #tpu.memory_space<hbm>> -> memref<50x100xi32, #tpu.memory_space<hbm>>
      tpu.enqueue_dma source(%dma_start3A_72 : memref<50x100xi32, #tpu.memory_space<hbm>>) target(%arg9 : memref<50x100xi32, #tpu.memory_space<vmem>>) target_semaphore(%run_scoped3A : memref<!tpu.dma_semaphore, #tpu.memory_space<semaphore_mem>>)
      %dma_wait3A = arith.constant 0 : i32
      %dma_wait3A_73 = arith.constant 0 : i32
      %dma_wait3A_74 = tpu.memref_slice %arg4[%add3A_10, %dma_wait3A, %dma_wait3A_73] : memref<64x50x100xi32, #tpu.memory_space<hbm>> -> memref<1x50x100xi32, #tpu.memory_space<hbm>>
      %dma_wait3A_75 = tpu.memref_squeeze %dma_wait3A_74 : memref<1x50x100xi32, #tpu.memory_space<hbm>> -> memref<50x100xi32, #tpu.memory_space<hbm>>
      %dma_wait3A_76 = arith.constant 0 : i32
      %dma_wait3A_77 = arith.constant 0 : i32
      %dma_wait3A_78 = tpu.memref_slice %arg4[%add3A_10, %dma_wait3A_76, %dma_wait3A_77] : memref<64x50x100xi32, #tpu.memory_space<hbm>> -> memref<1x50x100xi32, #tpu.memory_space<hbm>>
      %dma_wait3A_79 = tpu.memref_squeeze %dma_wait3A_78 : memref<1x50x100xi32, #tpu.memory_space<hbm>> -> memref<50x100xi32, #tpu.memory_space<hbm>>
      tpu.wait_dma2 semaphore(%run_scoped3A : memref<!tpu.dma_semaphore, #tpu.memory_space<semaphore_mem>>) src(%dma_wait3A_79 : memref<50x100xi32, #tpu.memory_space<hbm>>) dst(%arg9 : memref<50x100xi32, #tpu.memory_space<vmem>>)
      tpu.yield
    }) : () -> ()
    %dma_start3A = arith.constant 0 : i32
    %dma_start3A_11 = arith.constant 0 : i32
    %dma_start3A_12 = arith.constant 0 : i32
    %dma_start3A_13 = arith.constant 0 : i32
    %dma_start3A_14 = tpu.memref_slice %arg10[%dma_start3A_11, %dma_start3A_12, %dma_start3A_13] : memref<2x100x128xf32, #tpu.memory_space<vmem>> -> memref<1x100x128xf32, #tpu.memory_space<vmem>>
    %dma_start3A_15 = tpu.memref_squeeze %dma_start3A_14 : memref<1x100x128xf32, #tpu.memory_space<vmem>> -> memref<100x128xf32, #tpu.memory_space<vmem>>
    %dma_start3A_16 = arith.constant 0 : i32
    %dma_start3A_17 = tpu.memref_slice %arg8[%dma_start3A, %dma_start3A_16] : memref<50x100xi32, #tpu.memory_space<vmem>> -> memref<1x100xi32, #tpu.memory_space<vmem>>
    %dma_start3A_18 = tpu.memref_squeeze %dma_start3A_17 : memref<1x100xi32, #tpu.memory_space<vmem>> -> memref<100xi32, #tpu.memory_space<vmem>>
    %dma_start3A_19 = arith.constant 0 : i32
    %dma_start3A_20 = arith.constant 0 : i32
    %dma_start3A_21 = tpu.memref_slice %arg2[%dma_start3A_19, %dma_start3A_20] : memref<10000x128xf32, #tpu.memory_space<hbm>> -> memref<10000x128xf32, #tpu.memory_space<hbm>>
    tpu.enqueue_indirect_dma source(%dma_start3A_21 : memref<10000x128xf32, #tpu.memory_space<hbm>>) target(%dma_start3A_15 : memref<100x128xf32, #tpu.memory_space<vmem>>) offsets(%dma_start3A_18 : memref<100xi32, #tpu.memory_space<vmem>>) semaphore(%arg12 : memref<!tpu.dma_semaphore, #tpu.memory_space<semaphore_mem>>)
    %scan3A = arith.constant 0 : i32
    %scan3A_22 = arith.constant 0 : i32
    %scan3A_23 = arith.constant 1 : i32
    %scan3A_24 = arith.constant 0 : i32
    %scan3A_25 = arith.constant 25 : i32
    %scan3A_26 = arith.addi %scan3A_24, %scan3A_25 : i32
    %scan3A_27 = arith.constant 1 : i32
    scf.for %scan3A_65 = %scan3A_24 to %scan3A_26 step %scan3A_27  : i32 {
      %mul3A_66 = arith.constant 2 : i32
      %mul3A_67 = arith.muli %mul3A_66, %scan3A_65 : i32
      %dma_wait3A = arith.constant 0 : i32
      %dma_wait3A_68 = arith.constant 0 : i32
      %dma_wait3A_69 = arith.constant 0 : i32
      %dma_wait3A_70 = tpu.memref_slice %arg10[%scan3A_22, %dma_wait3A_68, %dma_wait3A_69] : memref<2x100x128xf32, #tpu.memory_space<vmem>> -> memref<1x100x128xf32, #tpu.memory_space<vmem>>
      %dma_wait3A_71 = tpu.memref_squeeze %dma_wait3A_70 : memref<1x100x128xf32, #tpu.memory_space<vmem>> -> memref<100x128xf32, #tpu.memory_space<vmem>>
      %dma_wait3A_72 = arith.constant 0 : i32
      %dma_wait3A_73 = tpu.memref_slice %arg8[%dma_wait3A, %dma_wait3A_72] : memref<50x100xi32, #tpu.memory_space<vmem>> -> memref<1x100xi32, #tpu.memory_space<vmem>>
      %dma_wait3A_74 = tpu.memref_squeeze %dma_wait3A_73 : memref<1x100xi32, #tpu.memory_space<vmem>> -> memref<100xi32, #tpu.memory_space<vmem>>
      %dma_wait3A_75 = arith.constant 0 : i32
      %dma_wait3A_76 = arith.constant 0 : i32
      %dma_wait3A_77 = tpu.memref_slice %arg2[%dma_wait3A_75, %dma_wait3A_76] : memref<10000x128xf32, #tpu.memory_space<hbm>> -> memref<10000x128xf32, #tpu.memory_space<hbm>>
      tpu.wait_indirect_dma semaphore(%arg12 : memref<!tpu.dma_semaphore, #tpu.memory_space<semaphore_mem>>) src(%dma_wait3A_77 : memref<10000x128xf32, #tpu.memory_space<hbm>>) dst(%dma_wait3A_71 : memref<100x128xf32, #tpu.memory_space<vmem>>)
      %add3A_78 = arith.constant 1 : i32
      %add3A_79 = arith.addi %mul3A_67, %add3A_78 : i32
      %dma_start3A_80 = arith.constant 0 : i32
      %dma_start3A_81 = arith.constant 0 : i32
      %dma_start3A_82 = tpu.memref_slice %arg10[%scan3A_23, %dma_start3A_80, %dma_start3A_81] : memref<2x100x128xf32, #tpu.memory_space<vmem>> -> memref<1x100x128xf32, #tpu.memory_space<vmem>>
      %dma_start3A_83 = tpu.memref_squeeze %dma_start3A_82 : memref<1x100x128xf32, #tpu.memory_space<vmem>> -> memref<100x128xf32, #tpu.memory_space<vmem>>
      %dma_start3A_84 = arith.constant 0 : i32
      %dma_start3A_85 = tpu.memref_slice %arg8[%add3A_79, %dma_start3A_84] : memref<50x100xi32, #tpu.memory_space<vmem>> -> memref<1x100xi32, #tpu.memory_space<vmem>>
      %dma_start3A_86 = tpu.memref_squeeze %dma_start3A_85 : memref<1x100xi32, #tpu.memory_space<vmem>> -> memref<100xi32, #tpu.memory_space<vmem>>
      %dma_start3A_87 = arith.constant 0 : i32
      %dma_start3A_88 = arith.constant 0 : i32
      %dma_start3A_89 = tpu.memref_slice %arg2[%dma_start3A_87, %dma_start3A_88] : memref<10000x128xf32, #tpu.memory_space<hbm>> -> memref<10000x128xf32, #tpu.memory_space<hbm>>
      tpu.enqueue_indirect_dma source(%dma_start3A_89 : memref<10000x128xf32, #tpu.memory_space<hbm>>) target(%dma_start3A_83 : memref<100x128xf32, #tpu.memory_space<vmem>>) offsets(%dma_start3A_86 : memref<100xi32, #tpu.memory_space<vmem>>) semaphore(%arg12 : memref<!tpu.dma_semaphore, #tpu.memory_space<semaphore_mem>>)
      "tpu.region"() ({
        %run_scoped3A = tpu.sem_alloc : memref<!tpu.dma_semaphore, #tpu.memory_space<semaphore_mem>>
        %dma_start3A_107 = arith.constant 0 : i32
        %dma_start3A_108 = arith.constant 0 : i32
        %dma_start3A_109 = tpu.memref_slice %arg10[%scan3A_22, %dma_start3A_107, %dma_start3A_108] : memref<2x100x128xf32, #tpu.memory_space<vmem>> -> memref<1x100x128xf32, #tpu.memory_space<vmem>>
        %dma_start3A_110 = tpu.memref_squeeze %dma_start3A_109 : memref<1x100x128xf32, #tpu.memory_space<vmem>> -> memref<100x128xf32, #tpu.memory_space<vmem>>
        %dma_start3A_111 = arith.constant 0 : i32
        %dma_start3A_112 = tpu.memref_slice %arg9[%mul3A_67, %dma_start3A_111] : memref<50x100xi32, #tpu.memory_space<vmem>> -> memref<1x100xi32, #tpu.memory_space<vmem>>
        %dma_start3A_113 = tpu.memref_squeeze %dma_start3A_112 : memref<1x100xi32, #tpu.memory_space<vmem>> -> memref<100xi32, #tpu.memory_space<vmem>>
        %dma_start3A_114 = arith.constant 0 : i32
        %dma_start3A_115 = arith.constant 0 : i32
        %dma_start3A_116 = tpu.memref_slice %arg11[%dma_start3A_114, %dma_start3A_115] : memref<10240x128xf32, #tpu.memory_space<vmem_shared>> -> memref<10240x128xf32, #tpu.memory_space<vmem_shared>>
        tpu.enqueue_indirect_dma source(%dma_start3A_110 : memref<100x128xf32, #tpu.memory_space<vmem>>) target(%dma_start3A_116 : memref<10240x128xf32, #tpu.memory_space<vmem_shared>>) offsets(%dma_start3A_113 : memref<100xi32, #tpu.memory_space<vmem>>) semaphore(%run_scoped3A : memref<!tpu.dma_semaphore, #tpu.memory_space<semaphore_mem>>) {add = true}
        %dma_wait3A_117 = arith.constant 0 : i32
        %dma_wait3A_118 = arith.constant 0 : i32
        %dma_wait3A_119 = tpu.memref_slice %arg10[%scan3A_22, %dma_wait3A_117, %dma_wait3A_118] : memref<2x100x128xf32, #tpu.memory_space<vmem>> -> memref<1x100x128xf32, #tpu.memory_space<vmem>>
        %dma_wait3A_120 = tpu.memref_squeeze %dma_wait3A_119 : memref<1x100x128xf32, #tpu.memory_space<vmem>> -> memref<100x128xf32, #tpu.memory_space<vmem>>
        %dma_wait3A_121 = arith.constant 0 : i32
        %dma_wait3A_122 = tpu.memref_slice %arg9[%mul3A_67, %dma_wait3A_121] : memref<50x100xi32, #tpu.memory_space<vmem>> -> memref<1x100xi32, #tpu.memory_space<vmem>>
        %dma_wait3A_123 = tpu.memref_squeeze %dma_wait3A_122 : memref<1x100xi32, #tpu.memory_space<vmem>> -> memref<100xi32, #tpu.memory_space<vmem>>
        %dma_wait3A_124 = arith.constant 0 : i32
        %dma_wait3A_125 = arith.constant 0 : i32
        %dma_wait3A_126 = tpu.memref_slice %arg11[%dma_wait3A_124, %dma_wait3A_125] : memref<10240x128xf32, #tpu.memory_space<vmem_shared>> -> memref<10240x128xf32, #tpu.memory_space<vmem_shared>>
        tpu.wait_indirect_dma semaphore(%run_scoped3A : memref<!tpu.dma_semaphore, #tpu.memory_space<semaphore_mem>>) src(%dma_wait3A_120 : memref<100x128xf32, #tpu.memory_space<vmem>>) dst(%dma_wait3A_126 : memref<10240x128xf32, #tpu.memory_space<vmem_shared>>)
        tpu.yield
      }) : () -> ()
      %dma_wait3A_90 = arith.constant 0 : i32
      %dma_wait3A_91 = arith.constant 0 : i32
      %dma_wait3A_92 = arith.constant 0 : i32
      %dma_wait3A_93 = tpu.memref_slice %arg10[%scan3A_22, %dma_wait3A_91, %dma_wait3A_92] : memref<2x100x128xf32, #tpu.memory_space<vmem>> -> memref<1x100x128xf32, #tpu.memory_space<vmem>>
      %dma_wait3A_94 = tpu.memref_squeeze %dma_wait3A_93 : memref<1x100x128xf32, #tpu.memory_space<vmem>> -> memref<100x128xf32, #tpu.memory_space<vmem>>
      %dma_wait3A_95 = arith.constant 0 : i32
      %dma_wait3A_96 = tpu.memref_slice %arg8[%dma_wait3A_90, %dma_wait3A_95] : memref<50x100xi32, #tpu.memory_space<vmem>> -> memref<1x100xi32, #tpu.memory_space<vmem>>
      %dma_wait3A_97 = tpu.memref_squeeze %dma_wait3A_96 : memref<1x100xi32, #tpu.memory_space<vmem>> -> memref<100xi32, #tpu.memory_space<vmem>>
      %dma_wait3A_98 = arith.constant 0 : i32
      %dma_wait3A_99 = arith.constant 0 : i32
      %dma_wait3A_100 = tpu.memref_slice %arg2[%dma_wait3A_98, %dma_wait3A_99] : memref<10000x128xf32, #tpu.memory_space<hbm>> -> memref<10000x128xf32, #tpu.memory_space<hbm>>
      tpu.wait_indirect_dma semaphore(%arg12 : memref<!tpu.dma_semaphore, #tpu.memory_space<semaphore_mem>>) src(%dma_wait3A_100 : memref<10000x128xf32, #tpu.memory_space<hbm>>) dst(%dma_wait3A_94 : memref<100x128xf32, #tpu.memory_space<vmem>>)
      %lt3A = arith.constant 24 : i32
      %lt3A_101 = arith.cmpi slt, %scan3A_65, %lt3A : i32
      %convert_element_type3A_102 = arith.extui %lt3A_101 : i1 to i32
      %cond3A_103 = arith.constant 0 : i32
      %cond3A_104 = arith.cmpi ne, %convert_element_type3A_102, %cond3A_103 : i32
      scf.if %cond3A_104 {
        %add3A_107 = arith.constant 2 : i32
        %add3A_108 = arith.addi %mul3A_67, %add3A_107 : i32
        %dma_start3A_109 = arith.constant 0 : i32
        %dma_start3A_110 = arith.constant 0 : i32
        %dma_start3A_111 = tpu.memref_slice %arg10[%scan3A_22, %dma_start3A_109, %dma_start3A_110] : memref<2x100x128xf32, #tpu.memory_space<vmem>> -> memref<1x100x128xf32, #tpu.memory_space<vmem>>
        %dma_start3A_112 = tpu.memref_squeeze %dma_start3A_111 : memref<1x100x128xf32, #tpu.memory_space<vmem>> -> memref<100x128xf32, #tpu.memory_space<vmem>>
        %dma_start3A_113 = arith.constant 0 : i32
        %dma_start3A_114 = tpu.memref_slice %arg8[%add3A_108, %dma_start3A_113] : memref<50x100xi32, #tpu.memory_space<vmem>> -> memref<1x100xi32, #tpu.memory_space<vmem>>
        %dma_start3A_115 = tpu.memref_squeeze %dma_start3A_114 : memref<1x100xi32, #tpu.memory_space<vmem>> -> memref<100xi32, #tpu.memory_space<vmem>>
        %dma_start3A_116 = arith.constant 0 : i32
        %dma_start3A_117 = arith.constant 0 : i32
        %dma_start3A_118 = tpu.memref_slice %arg2[%dma_start3A_116, %dma_start3A_117] : memref<10000x128xf32, #tpu.memory_space<hbm>> -> memref<10000x128xf32, #tpu.memory_space<hbm>>
        tpu.enqueue_indirect_dma source(%dma_start3A_118 : memref<10000x128xf32, #tpu.memory_space<hbm>>) target(%dma_start3A_112 : memref<100x128xf32, #tpu.memory_space<vmem>>) offsets(%dma_start3A_115 : memref<100xi32, #tpu.memory_space<vmem>>) semaphore(%arg12 : memref<!tpu.dma_semaphore, #tpu.memory_space<semaphore_mem>>)
      } else {
      }
      %add3A_105 = arith.constant 1 : i32
      %add3A_106 = arith.addi %mul3A_67, %add3A_105 : i32
      "tpu.region"() ({
        %run_scoped3A = tpu.sem_alloc : memref<!tpu.dma_semaphore, #tpu.memory_space<semaphore_mem>>
        %dma_start3A_107 = arith.constant 0 : i32
        %dma_start3A_108 = arith.constant 0 : i32
        %dma_start3A_109 = tpu.memref_slice %arg10[%scan3A_23, %dma_start3A_107, %dma_start3A_108] : memref<2x100x128xf32, #tpu.memory_space<vmem>> -> memref<1x100x128xf32, #tpu.memory_space<vmem>>
        %dma_start3A_110 = tpu.memref_squeeze %dma_start3A_109 : memref<1x100x128xf32, #tpu.memory_space<vmem>> -> memref<100x128xf32, #tpu.memory_space<vmem>>
        %dma_start3A_111 = arith.constant 0 : i32
        %dma_start3A_112 = tpu.memref_slice %arg9[%add3A_106, %dma_start3A_111] : memref<50x100xi32, #tpu.memory_space<vmem>> -> memref<1x100xi32, #tpu.memory_space<vmem>>
        %dma_start3A_113 = tpu.memref_squeeze %dma_start3A_112 : memref<1x100xi32, #tpu.memory_space<vmem>> -> memref<100xi32, #tpu.memory_space<vmem>>
        %dma_start3A_114 = arith.constant 0 : i32
        %dma_start3A_115 = arith.constant 0 : i32
        %dma_start3A_116 = tpu.memref_slice %arg11[%dma_start3A_114, %dma_start3A_115] : memref<10240x128xf32, #tpu.memory_space<vmem_shared>> -> memref<10240x128xf32, #tpu.memory_space<vmem_shared>>
        tpu.enqueue_indirect_dma source(%dma_start3A_110 : memref<100x128xf32, #tpu.memory_space<vmem>>) target(%dma_start3A_116 : memref<10240x128xf32, #tpu.memory_space<vmem_shared>>) offsets(%dma_start3A_113 : memref<100xi32, #tpu.memory_space<vmem>>) semaphore(%run_scoped3A : memref<!tpu.dma_semaphore, #tpu.memory_space<semaphore_mem>>) {add = true}
        %dma_wait3A_117 = arith.constant 0 : i32
        %dma_wait3A_118 = arith.constant 0 : i32
        %dma_wait3A_119 = tpu.memref_slice %arg10[%scan3A_23, %dma_wait3A_117, %dma_wait3A_118] : memref<2x100x128xf32, #tpu.memory_space<vmem>> -> memref<1x100x128xf32, #tpu.memory_space<vmem>>
        %dma_wait3A_120 = tpu.memref_squeeze %dma_wait3A_119 : memref<1x100x128xf32, #tpu.memory_space<vmem>> -> memref<100x128xf32, #tpu.memory_space<vmem>>
        %dma_wait3A_121 = arith.constant 0 : i32
        %dma_wait3A_122 = tpu.memref_slice %arg9[%add3A_106, %dma_wait3A_121] : memref<50x100xi32, #tpu.memory_space<vmem>> -> memref<1x100xi32, #tpu.memory_space<vmem>>
        %dma_wait3A_123 = tpu.memref_squeeze %dma_wait3A_122 : memref<1x100xi32, #tpu.memory_space<vmem>> -> memref<100xi32, #tpu.memory_space<vmem>>
        %dma_wait3A_124 = arith.constant 0 : i32
        %dma_wait3A_125 = arith.constant 0 : i32
        %dma_wait3A_126 = tpu.memref_slice %arg11[%dma_wait3A_124, %dma_wait3A_125] : memref<10240x128xf32, #tpu.memory_space<vmem_shared>> -> memref<10240x128xf32, #tpu.memory_space<vmem_shared>>
        tpu.wait_indirect_dma semaphore(%run_scoped3A : memref<!tpu.dma_semaphore, #tpu.memory_space<semaphore_mem>>) src(%dma_wait3A_120 : memref<100x128xf32, #tpu.memory_space<vmem>>) dst(%dma_wait3A_126 : memref<10240x128xf32, #tpu.memory_space<vmem_shared>>)
        tpu.yield
      }) : () -> ()
    }
    %scan3A_28 = arith.constant 25 : i32
    %mul3A_29 = arith.constant 2 : i32
    %mul3A_30 = arith.muli %add3A, %mul3A_29 : i32
    %add3A_31 = arith.constant 1 : i32
    %add3A_32 = arith.addi %mul3A_30, %add3A_31 : i32
    "tpu.region"() ({
      %run_scoped3A = tpu.sem_alloc : memref<!tpu.dma_semaphore, #tpu.memory_space<semaphore_mem>>
      %dma_start3A_65 = arith.constant 0 : i32
      %dma_start3A_66 = arith.constant 0 : i32
      %dma_start3A_67 = tpu.memref_slice %arg3[%add3A_32, %dma_start3A_65, %dma_start3A_66] : memref<64x50x100xi32, #tpu.memory_space<hbm>> -> memref<1x50x100xi32, #tpu.memory_space<hbm>>
      %dma_start3A_68 = tpu.memref_squeeze %dma_start3A_67 : memref<1x50x100xi32, #tpu.memory_space<hbm>> -> memref<50x100xi32, #tpu.memory_space<hbm>>
      %dma_start3A_69 = arith.constant 0 : i32
      %dma_start3A_70 = arith.constant 0 : i32
      %dma_start3A_71 = tpu.memref_slice %arg3[%add3A_32, %dma_start3A_69, %dma_start3A_70] : memref<64x50x100xi32, #tpu.memory_space<hbm>> -> memref<1x50x100xi32, #tpu.memory_space<hbm>>
      %dma_start3A_72 = tpu.memref_squeeze %dma_start3A_71 : memref<1x50x100xi32, #tpu.memory_space<hbm>> -> memref<50x100xi32, #tpu.memory_space<hbm>>
      tpu.enqueue_dma source(%dma_start3A_72 : memref<50x100xi32, #tpu.memory_space<hbm>>) target(%arg8 : memref<50x100xi32, #tpu.memory_space<vmem>>) target_semaphore(%run_scoped3A : memref<!tpu.dma_semaphore, #tpu.memory_space<semaphore_mem>>)
      %dma_wait3A = arith.constant 0 : i32
      %dma_wait3A_73 = arith.constant 0 : i32
      %dma_wait3A_74 = tpu.memref_slice %arg3[%add3A_32, %dma_wait3A, %dma_wait3A_73] : memref<64x50x100xi32, #tpu.memory_space<hbm>> -> memref<1x50x100xi32, #tpu.memory_space<hbm>>
      %dma_wait3A_75 = tpu.memref_squeeze %dma_wait3A_74 : memref<1x50x100xi32, #tpu.memory_space<hbm>> -> memref<50x100xi32, #tpu.memory_space<hbm>>
      %dma_wait3A_76 = arith.constant 0 : i32
      %dma_wait3A_77 = arith.constant 0 : i32
      %dma_wait3A_78 = tpu.memref_slice %arg3[%add3A_32, %dma_wait3A_76, %dma_wait3A_77] : memref<64x50x100xi32, #tpu.memory_space<hbm>> -> memref<1x50x100xi32, #tpu.memory_space<hbm>>
      %dma_wait3A_79 = tpu.memref_squeeze %dma_wait3A_78 : memref<1x50x100xi32, #tpu.memory_space<hbm>> -> memref<50x100xi32, #tpu.memory_space<hbm>>
      tpu.wait_dma2 semaphore(%run_scoped3A : memref<!tpu.dma_semaphore, #tpu.memory_space<semaphore_mem>>) src(%dma_wait3A_79 : memref<50x100xi32, #tpu.memory_space<hbm>>) dst(%arg8 : memref<50x100xi32, #tpu.memory_space<vmem>>)
      tpu.yield
    }) : () -> ()
    %mul3A_33 = arith.constant 2 : i32
    %mul3A_34 = arith.muli %add3A, %mul3A_33 : i32
    %add3A_35 = arith.constant 1 : i32
    %add3A_36 = arith.addi %mul3A_34, %add3A_35 : i32
    "tpu.region"() ({
      %run_scoped3A = tpu.sem_alloc : memref<!tpu.dma_semaphore, #tpu.memory_space<semaphore_mem>>
      %dma_start3A_65 = arith.constant 0 : i32
      %dma_start3A_66 = arith.constant 0 : i32
      %dma_start3A_67 = tpu.memref_slice %arg4[%add3A_36, %dma_start3A_65, %dma_start3A_66] : memref<64x50x100xi32, #tpu.memory_space<hbm>> -> memref<1x50x100xi32, #tpu.memory_space<hbm>>
      %dma_start3A_68 = tpu.memref_squeeze %dma_start3A_67 : memref<1x50x100xi32, #tpu.memory_space<hbm>> -> memref<50x100xi32, #tpu.memory_space<hbm>>
      %dma_start3A_69 = arith.constant 0 : i32
      %dma_start3A_70 = arith.constant 0 : i32
      %dma_start3A_71 = tpu.memref_slice %arg4[%add3A_36, %dma_start3A_69, %dma_start3A_70] : memref<64x50x100xi32, #tpu.memory_space<hbm>> -> memref<1x50x100xi32, #tpu.memory_space<hbm>>
      %dma_start3A_72 = tpu.memref_squeeze %dma_start3A_71 : memref<1x50x100xi32, #tpu.memory_space<hbm>> -> memref<50x100xi32, #tpu.memory_space<hbm>>
      tpu.enqueue_dma source(%dma_start3A_72 : memref<50x100xi32, #tpu.memory_space<hbm>>) target(%arg9 : memref<50x100xi32, #tpu.memory_space<vmem>>) target_semaphore(%run_scoped3A : memref<!tpu.dma_semaphore, #tpu.memory_space<semaphore_mem>>)
      %dma_wait3A = arith.constant 0 : i32
      %dma_wait3A_73 = arith.constant 0 : i32
      %dma_wait3A_74 = tpu.memref_slice %arg4[%add3A_36, %dma_wait3A, %dma_wait3A_73] : memref<64x50x100xi32, #tpu.memory_space<hbm>> -> memref<1x50x100xi32, #tpu.memory_space<hbm>>
      %dma_wait3A_75 = tpu.memref_squeeze %dma_wait3A_74 : memref<1x50x100xi32, #tpu.memory_space<hbm>> -> memref<50x100xi32, #tpu.memory_space<hbm>>
      %dma_wait3A_76 = arith.constant 0 : i32
      %dma_wait3A_77 = arith.constant 0 : i32
      %dma_wait3A_78 = tpu.memref_slice %arg4[%add3A_36, %dma_wait3A_76, %dma_wait3A_77] : memref<64x50x100xi32, #tpu.memory_space<hbm>> -> memref<1x50x100xi32, #tpu.memory_space<hbm>>
      %dma_wait3A_79 = tpu.memref_squeeze %dma_wait3A_78 : memref<1x50x100xi32, #tpu.memory_space<hbm>> -> memref<50x100xi32, #tpu.memory_space<hbm>>
      tpu.wait_dma2 semaphore(%run_scoped3A : memref<!tpu.dma_semaphore, #tpu.memory_space<semaphore_mem>>) src(%dma_wait3A_79 : memref<50x100xi32, #tpu.memory_space<hbm>>) dst(%arg9 : memref<50x100xi32, #tpu.memory_space<vmem>>)
      tpu.yield
    }) : () -> ()
    %dma_start3A_37 = arith.constant 0 : i32
    %dma_start3A_38 = arith.constant 0 : i32
    %dma_start3A_39 = arith.constant 0 : i32
    %dma_start3A_40 = arith.constant 0 : i32
    %dma_start3A_41 = tpu.memref_slice %arg10[%dma_start3A_38, %dma_start3A_39, %dma_start3A_40] : memref<2x100x128xf32, #tpu.memory_space<vmem>> -> memref<1x100x128xf32, #tpu.memory_space<vmem>>
    %dma_start3A_42 = tpu.memref_squeeze %dma_start3A_41 : memref<1x100x128xf32, #tpu.memory_space<vmem>> -> memref<100x128xf32, #tpu.memory_space<vmem>>
    %dma_start3A_43 = arith.constant 0 : i32
    %dma_start3A_44 = tpu.memref_slice %arg8[%dma_start3A_37, %dma_start3A_43] : memref<50x100xi32, #tpu.memory_space<vmem>> -> memref<1x100xi32, #tpu.memory_space<vmem>>
    %dma_start3A_45 = tpu.memref_squeeze %dma_start3A_44 : memref<1x100xi32, #tpu.memory_space<vmem>> -> memref<100xi32, #tpu.memory_space<vmem>>
    %dma_start3A_46 = arith.constant 0 : i32
    %dma_start3A_47 = arith.constant 0 : i32
    %dma_start3A_48 = tpu.memref_slice %arg2[%dma_start3A_46, %dma_start3A_47] : memref<10000x128xf32, #tpu.memory_space<hbm>> -> memref<10000x128xf32, #tpu.memory_space<hbm>>
    tpu.enqueue_indirect_dma source(%dma_start3A_48 : memref<10000x128xf32, #tpu.memory_space<hbm>>) target(%dma_start3A_42 : memref<100x128xf32, #tpu.memory_space<vmem>>) offsets(%dma_start3A_45 : memref<100xi32, #tpu.memory_space<vmem>>) semaphore(%arg12 : memref<!tpu.dma_semaphore, #tpu.memory_space<semaphore_mem>>)
    %scan3A_49 = arith.constant 0 : i32
    %scan3A_50 = arith.constant 0 : i32
    %scan3A_51 = arith.constant 1 : i32
    %scan3A_52 = arith.constant 0 : i32
    %scan3A_53 = arith.constant 25 : i32
    %scan3A_54 = arith.addi %scan3A_52, %scan3A_53 : i32
    %scan3A_55 = arith.constant 1 : i32
    scf.for %scan3A_65 = %scan3A_52 to %scan3A_54 step %scan3A_55  : i32 {
      %mul3A_66 = arith.constant 2 : i32
      %mul3A_67 = arith.muli %mul3A_66, %scan3A_65 : i32
      %dma_wait3A = arith.constant 0 : i32
      %dma_wait3A_68 = arith.constant 0 : i32
      %dma_wait3A_69 = arith.constant 0 : i32
      %dma_wait3A_70 = tpu.memref_slice %arg10[%scan3A_50, %dma_wait3A_68, %dma_wait3A_69] : memref<2x100x128xf32, #tpu.memory_space<vmem>> -> memref<1x100x128xf32, #tpu.memory_space<vmem>>
      %dma_wait3A_71 = tpu.memref_squeeze %dma_wait3A_70 : memref<1x100x128xf32, #tpu.memory_space<vmem>> -> memref<100x128xf32, #tpu.memory_space<vmem>>
      %dma_wait3A_72 = arith.constant 0 : i32
      %dma_wait3A_73 = tpu.memref_slice %arg8[%dma_wait3A, %dma_wait3A_72] : memref<50x100xi32, #tpu.memory_space<vmem>> -> memref<1x100xi32, #tpu.memory_space<vmem>>
      %dma_wait3A_74 = tpu.memref_squeeze %dma_wait3A_73 : memref<1x100xi32, #tpu.memory_space<vmem>> -> memref<100xi32, #tpu.memory_space<vmem>>
      %dma_wait3A_75 = arith.constant 0 : i32
      %dma_wait3A_76 = arith.constant 0 : i32
      %dma_wait3A_77 = tpu.memref_slice %arg2[%dma_wait3A_75, %dma_wait3A_76] : memref<10000x128xf32, #tpu.memory_space<hbm>> -> memref<10000x128xf32, #tpu.memory_space<hbm>>
      tpu.wait_indirect_dma semaphore(%arg12 : memref<!tpu.dma_semaphore, #tpu.memory_space<semaphore_mem>>) src(%dma_wait3A_77 : memref<10000x128xf32, #tpu.memory_space<hbm>>) dst(%dma_wait3A_71 : memref<100x128xf32, #tpu.memory_space<vmem>>)
      %add3A_78 = arith.constant 1 : i32
      %add3A_79 = arith.addi %mul3A_67, %add3A_78 : i32
      %dma_start3A_80 = arith.constant 0 : i32
      %dma_start3A_81 = arith.constant 0 : i32
      %dma_start3A_82 = tpu.memref_slice %arg10[%scan3A_51, %dma_start3A_80, %dma_start3A_81] : memref<2x100x128xf32, #tpu.memory_space<vmem>> -> memref<1x100x128xf32, #tpu.memory_space<vmem>>
      %dma_start3A_83 = tpu.memref_squeeze %dma_start3A_82 : memref<1x100x128xf32, #tpu.memory_space<vmem>> -> memref<100x128xf32, #tpu.memory_space<vmem>>
      %dma_start3A_84 = arith.constant 0 : i32
      %dma_start3A_85 = tpu.memref_slice %arg8[%add3A_79, %dma_start3A_84] : memref<50x100xi32, #tpu.memory_space<vmem>> -> memref<1x100xi32, #tpu.memory_space<vmem>>
      %dma_start3A_86 = tpu.memref_squeeze %dma_start3A_85 : memref<1x100xi32, #tpu.memory_space<vmem>> -> memref<100xi32, #tpu.memory_space<vmem>>
      %dma_start3A_87 = arith.constant 0 : i32
      %dma_start3A_88 = arith.constant 0 : i32
      %dma_start3A_89 = tpu.memref_slice %arg2[%dma_start3A_87, %dma_start3A_88] : memref<10000x128xf32, #tpu.memory_space<hbm>> -> memref<10000x128xf32, #tpu.memory_space<hbm>>
      tpu.enqueue_indirect_dma source(%dma_start3A_89 : memref<10000x128xf32, #tpu.memory_space<hbm>>) target(%dma_start3A_83 : memref<100x128xf32, #tpu.memory_space<vmem>>) offsets(%dma_start3A_86 : memref<100xi32, #tpu.memory_space<vmem>>) semaphore(%arg12 : memref<!tpu.dma_semaphore, #tpu.memory_space<semaphore_mem>>)
      "tpu.region"() ({
        %run_scoped3A = tpu.sem_alloc : memref<!tpu.dma_semaphore, #tpu.memory_space<semaphore_mem>>
        %dma_start3A_107 = arith.constant 0 : i32
        %dma_start3A_108 = arith.constant 0 : i32
        %dma_start3A_109 = tpu.memref_slice %arg10[%scan3A_50, %dma_start3A_107, %dma_start3A_108] : memref<2x100x128xf32, #tpu.memory_space<vmem>> -> memref<1x100x128xf32, #tpu.memory_space<vmem>>
        %dma_start3A_110 = tpu.memref_squeeze %dma_start3A_109 : memref<1x100x128xf32, #tpu.memory_space<vmem>> -> memref<100x128xf32, #tpu.memory_space<vmem>>
        %dma_start3A_111 = arith.constant 0 : i32
        %dma_start3A_112 = tpu.memref_slice %arg9[%mul3A_67, %dma_start3A_111] : memref<50x100xi32, #tpu.memory_space<vmem>> -> memref<1x100xi32, #tpu.memory_space<vmem>>
        %dma_start3A_113 = tpu.memref_squeeze %dma_start3A_112 : memref<1x100xi32, #tpu.memory_space<vmem>> -> memref<100xi32, #tpu.memory_space<vmem>>
        %dma_start3A_114 = arith.constant 0 : i32
        %dma_start3A_115 = arith.constant 0 : i32
        %dma_start3A_116 = tpu.memref_slice %arg11[%dma_start3A_114, %dma_start3A_115] : memref<10240x128xf32, #tpu.memory_space<vmem_shared>> -> memref<10240x128xf32, #tpu.memory_space<vmem_shared>>
        tpu.enqueue_indirect_dma source(%dma_start3A_110 : memref<100x128xf32, #tpu.memory_space<vmem>>) target(%dma_start3A_116 : memref<10240x128xf32, #tpu.memory_space<vmem_shared>>) offsets(%dma_start3A_113 : memref<100xi32, #tpu.memory_space<vmem>>) semaphore(%run_scoped3A : memref<!tpu.dma_semaphore, #tpu.memory_space<semaphore_mem>>) {add = true}
        %dma_wait3A_117 = arith.constant 0 : i32
        %dma_wait3A_118 = arith.constant 0 : i32
        %dma_wait3A_119 = tpu.memref_slice %arg10[%scan3A_50, %dma_wait3A_117, %dma_wait3A_118] : memref<2x100x128xf32, #tpu.memory_space<vmem>> -> memref<1x100x128xf32, #tpu.memory_space<vmem>>
        %dma_wait3A_120 = tpu.memref_squeeze %dma_wait3A_119 : memref<1x100x128xf32, #tpu.memory_space<vmem>> -> memref<100x128xf32, #tpu.memory_space<vmem>>
        %dma_wait3A_121 = arith.constant 0 : i32
        %dma_wait3A_122 = tpu.memref_slice %arg9[%mul3A_67, %dma_wait3A_121] : memref<50x100xi32, #tpu.memory_space<vmem>> -> memref<1x100xi32, #tpu.memory_space<vmem>>
        %dma_wait3A_123 = tpu.memref_squeeze %dma_wait3A_122 : memref<1x100xi32, #tpu.memory_space<vmem>> -> memref<100xi32, #tpu.memory_space<vmem>>
        %dma_wait3A_124 = arith.constant 0 : i32
        %dma_wait3A_125 = arith.constant 0 : i32
        %dma_wait3A_126 = tpu.memref_slice %arg11[%dma_wait3A_124, %dma_wait3A_125] : memref<10240x128xf32, #tpu.memory_space<vmem_shared>> -> memref<10240x128xf32, #tpu.memory_space<vmem_shared>>
        tpu.wait_indirect_dma semaphore(%run_scoped3A : memref<!tpu.dma_semaphore, #tpu.memory_space<semaphore_mem>>) src(%dma_wait3A_120 : memref<100x128xf32, #tpu.memory_space<vmem>>) dst(%dma_wait3A_126 : memref<10240x128xf32, #tpu.memory_space<vmem_shared>>)
        tpu.yield
      }) : () -> ()
      %dma_wait3A_90 = arith.constant 0 : i32
      %dma_wait3A_91 = arith.constant 0 : i32
      %dma_wait3A_92 = arith.constant 0 : i32
      %dma_wait3A_93 = tpu.memref_slice %arg10[%scan3A_50, %dma_wait3A_91, %dma_wait3A_92] : memref<2x100x128xf32, #tpu.memory_space<vmem>> -> memref<1x100x128xf32, #tpu.memory_space<vmem>>
      %dma_wait3A_94 = tpu.memref_squeeze %dma_wait3A_93 : memref<1x100x128xf32, #tpu.memory_space<vmem>> -> memref<100x128xf32, #tpu.memory_space<vmem>>
      %dma_wait3A_95 = arith.constant 0 : i32
      %dma_wait3A_96 = tpu.memref_slice %arg8[%dma_wait3A_90, %dma_wait3A_95] : memref<50x100xi32, #tpu.memory_space<vmem>> -> memref<1x100xi32, #tpu.memory_space<vmem>>
      %dma_wait3A_97 = tpu.memref_squeeze %dma_wait3A_96 : memref<1x100xi32, #tpu.memory_space<vmem>> -> memref<100xi32, #tpu.memory_space<vmem>>
      %dma_wait3A_98 = arith.constant 0 : i32
      %dma_wait3A_99 = arith.constant 0 : i32
      %dma_wait3A_100 = tpu.memref_slice %arg2[%dma_wait3A_98, %dma_wait3A_99] : memref<10000x128xf32, #tpu.memory_space<hbm>> -> memref<10000x128xf32, #tpu.memory_space<hbm>>
      tpu.wait_indirect_dma semaphore(%arg12 : memref<!tpu.dma_semaphore, #tpu.memory_space<semaphore_mem>>) src(%dma_wait3A_100 : memref<10000x128xf32, #tpu.memory_space<hbm>>) dst(%dma_wait3A_94 : memref<100x128xf32, #tpu.memory_space<vmem>>)
      %lt3A = arith.constant 24 : i32
      %lt3A_101 = arith.cmpi slt, %scan3A_65, %lt3A : i32
      %convert_element_type3A_102 = arith.extui %lt3A_101 : i1 to i32
      %cond3A_103 = arith.constant 0 : i32
      %cond3A_104 = arith.cmpi ne, %convert_element_type3A_102, %cond3A_103 : i32
      scf.if %cond3A_104 {
        %add3A_107 = arith.constant 2 : i32
        %add3A_108 = arith.addi %mul3A_67, %add3A_107 : i32
        %dma_start3A_109 = arith.constant 0 : i32
        %dma_start3A_110 = arith.constant 0 : i32
        %dma_start3A_111 = tpu.memref_slice %arg10[%scan3A_50, %dma_start3A_109, %dma_start3A_110] : memref<2x100x128xf32, #tpu.memory_space<vmem>> -> memref<1x100x128xf32, #tpu.memory_space<vmem>>
        %dma_start3A_112 = tpu.memref_squeeze %dma_start3A_111 : memref<1x100x128xf32, #tpu.memory_space<vmem>> -> memref<100x128xf32, #tpu.memory_space<vmem>>
        %dma_start3A_113 = arith.constant 0 : i32
        %dma_start3A_114 = tpu.memref_slice %arg8[%add3A_108, %dma_start3A_113] : memref<50x100xi32, #tpu.memory_space<vmem>> -> memref<1x100xi32, #tpu.memory_space<vmem>>
        %dma_start3A_115 = tpu.memref_squeeze %dma_start3A_114 : memref<1x100xi32, #tpu.memory_space<vmem>> -> memref<100xi32, #tpu.memory_space<vmem>>
        %dma_start3A_116 = arith.constant 0 : i32
        %dma_start3A_117 = arith.constant 0 : i32
        %dma_start3A_118 = tpu.memref_slice %arg2[%dma_start3A_116, %dma_start3A_117] : memref<10000x128xf32, #tpu.memory_space<hbm>> -> memref<10000x128xf32, #tpu.memory_space<hbm>>
        tpu.enqueue_indirect_dma source(%dma_start3A_118 : memref<10000x128xf32, #tpu.memory_space<hbm>>) target(%dma_start3A_112 : memref<100x128xf32, #tpu.memory_space<vmem>>) offsets(%dma_start3A_115 : memref<100xi32, #tpu.memory_space<vmem>>) semaphore(%arg12 : memref<!tpu.dma_semaphore, #tpu.memory_space<semaphore_mem>>)
      } else {
      }
      %add3A_105 = arith.constant 1 : i32
      %add3A_106 = arith.addi %mul3A_67, %add3A_105 : i32
      "tpu.region"() ({
        %run_scoped3A = tpu.sem_alloc : memref<!tpu.dma_semaphore, #tpu.memory_space<semaphore_mem>>
        %dma_start3A_107 = arith.constant 0 : i32
        %dma_start3A_108 = arith.constant 0 : i32
        %dma_start3A_109 = tpu.memref_slice %arg10[%scan3A_51, %dma_start3A_107, %dma_start3A_108] : memref<2x100x128xf32, #tpu.memory_space<vmem>> -> memref<1x100x128xf32, #tpu.memory_space<vmem>>
        %dma_start3A_110 = tpu.memref_squeeze %dma_start3A_109 : memref<1x100x128xf32, #tpu.memory_space<vmem>> -> memref<100x128xf32, #tpu.memory_space<vmem>>
        %dma_start3A_111 = arith.constant 0 : i32
        %dma_start3A_112 = tpu.memref_slice %arg9[%add3A_106, %dma_start3A_111] : memref<50x100xi32, #tpu.memory_space<vmem>> -> memref<1x100xi32, #tpu.memory_space<vmem>>
        %dma_start3A_113 = tpu.memref_squeeze %dma_start3A_112 : memref<1x100xi32, #tpu.memory_space<vmem>> -> memref<100xi32, #tpu.memory_space<vmem>>
        %dma_start3A_114 = arith.constant 0 : i32
        %dma_start3A_115 = arith.constant 0 : i32
        %dma_start3A_116 = tpu.memref_slice %arg11[%dma_start3A_114, %dma_start3A_115] : memref<10240x128xf32, #tpu.memory_space<vmem_shared>> -> memref<10240x128xf32, #tpu.memory_space<vmem_shared>>
        tpu.enqueue_indirect_dma source(%dma_start3A_110 : memref<100x128xf32, #tpu.memory_space<vmem>>) target(%dma_start3A_116 : memref<10240x128xf32, #tpu.memory_space<vmem_shared>>) offsets(%dma_start3A_113 : memref<100xi32, #tpu.memory_space<vmem>>) semaphore(%run_scoped3A : memref<!tpu.dma_semaphore, #tpu.memory_space<semaphore_mem>>) {add = true}
        %dma_wait3A_117 = arith.constant 0 : i32
        %dma_wait3A_118 = arith.constant 0 : i32
        %dma_wait3A_119 = tpu.memref_slice %arg10[%scan3A_51, %dma_wait3A_117, %dma_wait3A_118] : memref<2x100x128xf32, #tpu.memory_space<vmem>> -> memref<1x100x128xf32, #tpu.memory_space<vmem>>
        %dma_wait3A_120 = tpu.memref_squeeze %dma_wait3A_119 : memref<1x100x128xf32, #tpu.memory_space<vmem>> -> memref<100x128xf32, #tpu.memory_space<vmem>>
        %dma_wait3A_121 = arith.constant 0 : i32
        %dma_wait3A_122 = tpu.memref_slice %arg9[%add3A_106, %dma_wait3A_121] : memref<50x100xi32, #tpu.memory_space<vmem>> -> memref<1x100xi32, #tpu.memory_space<vmem>>
        %dma_wait3A_123 = tpu.memref_squeeze %dma_wait3A_122 : memref<1x100xi32, #tpu.memory_space<vmem>> -> memref<100xi32, #tpu.memory_space<vmem>>
        %dma_wait3A_124 = arith.constant 0 : i32
        %dma_wait3A_125 = arith.constant 0 : i32
        %dma_wait3A_126 = tpu.memref_slice %arg11[%dma_wait3A_124, %dma_wait3A_125] : memref<10240x128xf32, #tpu.memory_space<vmem_shared>> -> memref<10240x128xf32, #tpu.memory_space<vmem_shared>>
        tpu.wait_indirect_dma semaphore(%run_scoped3A : memref<!tpu.dma_semaphore, #tpu.memory_space<semaphore_mem>>) src(%dma_wait3A_120 : memref<100x128xf32, #tpu.memory_space<vmem>>) dst(%dma_wait3A_126 : memref<10240x128xf32, #tpu.memory_space<vmem_shared>>)
        tpu.yield
      }) : () -> ()
    }
    %scan3A_56 = arith.constant 25 : i32
    %barrier3A_57 = arith.constant 0 : index
    tpu.barrier barrier_id(%barrier3A_57)
    %eq3A = arith.constant 0 : i32
    %eq3A_58 = arith.cmpi eq, %arg0, %eq3A : i32
    %convert_element_type3A = arith.extui %eq3A_58 : i1 to i32
    %cond3A = arith.constant 0 : i32
    %cond3A_59 = arith.cmpi ne, %convert_element_type3A, %cond3A : i32
    scf.if %cond3A_59 {
      %mul3A_65 = arith.constant 640 : i32
      %mul3A_66 = arith.muli %arg1, %mul3A_65 : i32
      %mul3A_67 = arith.constant 640 : i32
      %mul3A_68 = arith.muli %arg1, %mul3A_67 : i32
      "tpu.region"() ({
        %run_scoped3A = tpu.sem_alloc : memref<!tpu.dma_semaphore, #tpu.memory_space<semaphore_mem>>
        %dma_start3A_69 = arith.constant 0 : i32
        %dma_start3A_70 = tpu.memref_slice %arg6[%mul3A_68, %dma_start3A_69] : memref<10240x128xf32, #tpu.memory_space<hbm>> -> memref<640x128xf32, #tpu.memory_space<hbm>>
        %dma_start3A_71 = arith.constant 0 : i32
        %dma_start3A_72 = tpu.memref_slice %arg11[%mul3A_66, %dma_start3A_71] : memref<10240x128xf32, #tpu.memory_space<vmem_shared>> -> memref<640x128xf32, #tpu.memory_space<vmem_shared>>
        tpu.enqueue_dma source(%dma_start3A_72 : memref<640x128xf32, #tpu.memory_space<vmem_shared>>) target(%dma_start3A_70 : memref<640x128xf32, #tpu.memory_space<hbm>>) target_semaphore(%run_scoped3A : memref<!tpu.dma_semaphore, #tpu.memory_space<semaphore_mem>>)
        %dma_wait3A = arith.constant 0 : i32
        %dma_wait3A_73 = tpu.memref_slice %arg6[%mul3A_68, %dma_wait3A] : memref<10240x128xf32, #tpu.memory_space<hbm>> -> memref<640x128xf32, #tpu.memory_space<hbm>>
        %dma_wait3A_74 = arith.constant 0 : i32
        %dma_wait3A_75 = tpu.memref_slice %arg11[%mul3A_66, %dma_wait3A_74] : memref<10240x128xf32, #tpu.memory_space<vmem_shared>> -> memref<640x128xf32, #tpu.memory_space<vmem_shared>>
        tpu.wait_dma2 semaphore(%run_scoped3A : memref<!tpu.dma_semaphore, #tpu.memory_space<semaphore_mem>>) src(%dma_wait3A_75 : memref<640x128xf32, #tpu.memory_space<vmem_shared>>) dst(%dma_wait3A_73 : memref<640x128xf32, #tpu.memory_space<hbm>>)
        tpu.yield
      }) : () -> ()
    } else {
    }
    %eq3A_60 = arith.constant 1 : i32
    %eq3A_61 = arith.cmpi eq, %arg0, %eq3A_60 : i32
    %convert_element_type3A_62 = arith.extui %eq3A_61 : i1 to i32
    %cond3A_63 = arith.constant 0 : i32
    %cond3A_64 = arith.cmpi ne, %convert_element_type3A_62, %cond3A_63 : i32
    scf.if %cond3A_64 {
      %mul3A_65 = arith.constant 640 : i32
      %mul3A_66 = arith.muli %arg1, %mul3A_65 : i32
      %mul3A_67 = arith.constant 640 : i32
      %mul3A_68 = arith.muli %arg1, %mul3A_67 : i32
      "tpu.region"() ({
        %run_scoped3A = tpu.sem_alloc : memref<!tpu.dma_semaphore, #tpu.memory_space<semaphore_mem>>
        %dma_start3A_69 = arith.constant 0 : i32
        %dma_start3A_70 = tpu.memref_slice %arg7[%mul3A_68, %dma_start3A_69] : memref<10240x128xf32, #tpu.memory_space<hbm>> -> memref<640x128xf32, #tpu.memory_space<hbm>>
        %dma_start3A_71 = arith.constant 0 : i32
        %dma_start3A_72 = tpu.memref_slice %arg11[%mul3A_66, %dma_start3A_71] : memref<10240x128xf32, #tpu.memory_space<vmem_shared>> -> memref<640x128xf32, #tpu.memory_space<vmem_shared>>
        tpu.enqueue_dma source(%dma_start3A_72 : memref<640x128xf32, #tpu.memory_space<vmem_shared>>) target(%dma_start3A_70 : memref<640x128xf32, #tpu.memory_space<hbm>>) target_semaphore(%run_scoped3A : memref<!tpu.dma_semaphore, #tpu.memory_space<semaphore_mem>>)
        %dma_wait3A = arith.constant 0 : i32
        %dma_wait3A_73 = tpu.memref_slice %arg7[%mul3A_68, %dma_wait3A] : memref<10240x128xf32, #tpu.memory_space<hbm>> -> memref<640x128xf32, #tpu.memory_space<hbm>>
        %dma_wait3A_74 = arith.constant 0 : i32
        %dma_wait3A_75 = tpu.memref_slice %arg11[%mul3A_66, %dma_wait3A_74] : memref<10240x128xf32, #tpu.memory_space<vmem_shared>> -> memref<640x128xf32, #tpu.memory_space<vmem_shared>>
        tpu.wait_dma2 semaphore(%run_scoped3A : memref<!tpu.dma_semaphore, #tpu.memory_space<semaphore_mem>>) src(%dma_wait3A_75 : memref<640x128xf32, #tpu.memory_space<vmem_shared>>) dst(%dma_wait3A_73 : memref<640x128xf32, #tpu.memory_space<hbm>>)
        tpu.yield
      }) : () -> ()
    } else {
    }
    return
  }
}

#map = affine_map<(d0, d1) -> (0, 0)>
#map1 = affine_map<(d0, d1) -> (0, 0, 0)>
module attributes {stable_mosaic.version = 14 : i64} {
  func.func @agg_k(%arg0: i32, %arg1: i32, %arg2: memref<10000x128xf32, #tpu.memory_space<hbm>>, %arg3: memref<64x50x100xi32, #tpu.memory_space<hbm>>, %arg4: memref<64x50x100xi32, #tpu.memory_space<hbm>>, %arg5: memref<640x128xf32, #tpu.memory_space<hbm>>, %arg6: memref<10240x128xf32, #tpu.memory_space<hbm>>, %arg7: memref<10240x128xf32, #tpu.memory_space<hbm>>, %arg8: memref<50x100xi32, #tpu.memory_space<vmem>>, %arg9: memref<50x100xi32, #tpu.memory_space<vmem>>, %arg10: memref<2x100x128xf32, #tpu.memory_space<vmem>>, %arg11: memref<10240x128xf32, #tpu.memory_space<vmem_shared>>, %arg12: memref<!tpu.dma_semaphore, #tpu.memory_space<semaphore_mem>>) attributes {dimension_semantics = [#tpu.dimension_semantics<core_parallel>, #tpu.dimension_semantics<subcore_parallel>], iteration_bounds = array<i64: 2, 16>, scalar_prefetch = 0 : i64, scratch_operands = 5 : i64, tpu.core_type = #tpu.core_type<sc_vector_subcore>, window_params = [{transform_indices = #map}, {transform_indices = #map1}, {transform_indices = #map1}, {transform_indices = #map}, {transform_indices = #map}, {transform_indices = #map}]} {
    %mul3A = arith.constant 2 : i32
    %mul3A_0 = arith.muli %arg1, %mul3A : i32
    %add3A = arith.addi %mul3A_0, %arg0 : i32
    %mul3A_1 = arith.constant 640 : i32
    %mul3A_2 = arith.muli %arg1, %mul3A_1 : i32
    "tpu.region"() ({
      %run_scoped3A = tpu.sem_alloc : memref<!tpu.dma_semaphore, #tpu.memory_space<semaphore_mem>>
      %dma_start3A_65 = arith.constant 0 : i32
      %dma_start3A_66 = tpu.memref_slice %arg11[%mul3A_2, %dma_start3A_65] : memref<10240x128xf32, #tpu.memory_space<vmem_shared>> -> memref<640x128xf32, #tpu.memory_space<vmem_shared>>
      tpu.enqueue_dma source(%arg5 : memref<640x128xf32, #tpu.memory_space<hbm>>) target(%dma_start3A_66 : memref<640x128xf32, #tpu.memory_space<vmem_shared>>) target_semaphore(%run_scoped3A : memref<!tpu.dma_semaphore, #tpu.memory_space<semaphore_mem>>)
      %dma_wait3A = arith.constant 0 : i32
      %dma_wait3A_67 = tpu.memref_slice %arg11[%mul3A_2, %dma_wait3A] : memref<10240x128xf32, #tpu.memory_space<vmem_shared>> -> memref<640x128xf32, #tpu.memory_space<vmem_shared>>
      tpu.wait_dma2 semaphore(%run_scoped3A : memref<!tpu.dma_semaphore, #tpu.memory_space<semaphore_mem>>) src(%arg5 : memref<640x128xf32, #tpu.memory_space<hbm>>) dst(%dma_wait3A_67 : memref<640x128xf32, #tpu.memory_space<vmem_shared>>)
      tpu.yield
    }) : () -> ()
    %barrier3A = arith.constant 0 : index
    tpu.barrier barrier_id(%barrier3A)
    %mul3A_3 = arith.constant 2 : i32
    %mul3A_4 = arith.muli %add3A, %mul3A_3 : i32
    %add3A_5 = arith.constant 0 : i32
    %add3A_6 = arith.addi %mul3A_4, %add3A_5 : i32
    "tpu.region"() ({
      %run_scoped3A = tpu.sem_alloc : memref<!tpu.dma_semaphore, #tpu.memory_space<semaphore_mem>>
      %dma_start3A_65 = arith.constant 0 : i32
      %dma_start3A_66 = arith.constant 0 : i32
      %dma_start3A_67 = tpu.memref_slice %arg3[%add3A_6, %dma_start3A_65, %dma_start3A_66] : memref<64x50x100xi32, #tpu.memory_space<hbm>> -> memref<1x50x100xi32, #tpu.memory_space<hbm>>
      %dma_start3A_68 = tpu.memref_squeeze %dma_start3A_67 : memref<1x50x100xi32, #tpu.memory_space<hbm>> -> memref<50x100xi32, #tpu.memory_space<hbm>>
      %dma_start3A_69 = arith.constant 0 : i32
      %dma_start3A_70 = arith.constant 0 : i32
      %dma_start3A_71 = tpu.memref_slice %arg3[%add3A_6, %dma_start3A_69, %dma_start3A_70] : memref<64x50x100xi32, #tpu.memory_space<hbm>> -> memref<1x50x100xi32, #tpu.memory_space<hbm>>
      %dma_start3A_72 = tpu.memref_squeeze %dma_start3A_71 : memref<1x50x100xi32, #tpu.memory_space<hbm>> -> memref<50x100xi32, #tpu.memory_space<hbm>>
      tpu.enqueue_dma source(%dma_start3A_72 : memref<50x100xi32, #tpu.memory_space<hbm>>) target(%arg8 : memref<50x100xi32, #tpu.memory_space<vmem>>) target_semaphore(%run_scoped3A : memref<!tpu.dma_semaphore, #tpu.memory_space<semaphore_mem>>)
      %dma_wait3A = arith.constant 0 : i32
      %dma_wait3A_73 = arith.constant 0 : i32
      %dma_wait3A_74 = tpu.memref_slice %arg3[%add3A_6, %dma_wait3A, %dma_wait3A_73] : memref<64x50x100xi32, #tpu.memory_space<hbm>> -> memref<1x50x100xi32, #tpu.memory_space<hbm>>
      %dma_wait3A_75 = tpu.memref_squeeze %dma_wait3A_74 : memref<1x50x100xi32, #tpu.memory_space<hbm>> -> memref<50x100xi32, #tpu.memory_space<hbm>>
      %dma_wait3A_76 = arith.constant 0 : i32
      %dma_wait3A_77 = arith.constant 0 : i32
      %dma_wait3A_78 = tpu.memref_slice %arg3[%add3A_6, %dma_wait3A_76, %dma_wait3A_77] : memref<64x50x100xi32, #tpu.memory_space<hbm>> -> memref<1x50x100xi32, #tpu.memory_space<hbm>>
      %dma_wait3A_79 = tpu.memref_squeeze %dma_wait3A_78 : memref<1x50x100xi32, #tpu.memory_space<hbm>> -> memref<50x100xi32, #tpu.memory_space<hbm>>
      tpu.wait_dma2 semaphore(%run_scoped3A : memref<!tpu.dma_semaphore, #tpu.memory_space<semaphore_mem>>) src(%dma_wait3A_79 : memref<50x100xi32, #tpu.memory_space<hbm>>) dst(%arg8 : memref<50x100xi32, #tpu.memory_space<vmem>>)
      tpu.yield
    }) : () -> ()
    %mul3A_7 = arith.constant 2 : i32
    %mul3A_8 = arith.muli %add3A, %mul3A_7 : i32
    %add3A_9 = arith.constant 0 : i32
    %add3A_10 = arith.addi %mul3A_8, %add3A_9 : i32
    "tpu.region"() ({
      %run_scoped3A = tpu.sem_alloc : memref<!tpu.dma_semaphore, #tpu.memory_space<semaphore_mem>>
      %dma_start3A_65 = arith.constant 0 : i32
      %dma_start3A_66 = arith.constant 0 : i32
      %dma_start3A_67 = tpu.memref_slice %arg4[%add3A_10, %dma_start3A_65, %dma_start3A_66] : memref<64x50x100xi32, #tpu.memory_space<hbm>> -> memref<1x50x100xi32, #tpu.memory_space<hbm>>
      %dma_start3A_68 = tpu.memref_squeeze %dma_start3A_67 : memref<1x50x100xi32, #tpu.memory_space<hbm>> -> memref<50x100xi32, #tpu.memory_space<hbm>>
      %dma_start3A_69 = arith.constant 0 : i32
      %dma_start3A_70 = arith.constant 0 : i32
      %dma_start3A_71 = tpu.memref_slice %arg4[%add3A_10, %dma_start3A_69, %dma_start3A_70] : memref<64x50x100xi32, #tpu.memory_space<hbm>> -> memref<1x50x100xi32, #tpu.memory_space<hbm>>
      %dma_start3A_72 = tpu.memref_squeeze %dma_start3A_71 : memref<1x50x100xi32, #tpu.memory_space<hbm>> -> memref<50x100xi32, #tpu.memory_space<hbm>>
      tpu.enqueue_dma source(%dma_start3A_72 : memref<50x100xi32, #tpu.memory_space<hbm>>) target(%arg9 : memref<50x100xi32, #tpu.memory_space<vmem>>) target_semaphore(%run_scoped3A : memref<!tpu.dma_semaphore, #tpu.memory_space<semaphore_mem>>)
      %dma_wait3A = arith.constant 0 : i32
      %dma_wait3A_73 = arith.constant 0 : i32
      %dma_wait3A_74 = tpu.memref_slice %arg4[%add3A_10, %dma_wait3A, %dma_wait3A_73] : memref<64x50x100xi32, #tpu.memory_space<hbm>> -> memref<1x50x100xi32, #tpu.memory_space<hbm>>
      %dma_wait3A_75 = tpu.memref_squeeze %dma_wait3A_74 : memref<1x50x100xi32, #tpu.memory_space<hbm>> -> memref<50x100xi32, #tpu.memory_space<hbm>>
      %dma_wait3A_76 = arith.constant 0 : i32
      %dma_wait3A_77 = arith.constant 0 : i32
      %dma_wait3A_78 = tpu.memref_slice %arg4[%add3A_10, %dma_wait3A_76, %dma_wait3A_77] : memref<64x50x100xi32, #tpu.memory_space<hbm>> -> memref<1x50x100xi32, #tpu.memory_space<hbm>>
      %dma_wait3A_79 = tpu.memref_squeeze %dma_wait3A_78 : memref<1x50x100xi32, #tpu.memory_space<hbm>> -> memref<50x100xi32, #tpu.memory_space<hbm>>
      tpu.wait_dma2 semaphore(%run_scoped3A : memref<!tpu.dma_semaphore, #tpu.memory_space<semaphore_mem>>) src(%dma_wait3A_79 : memref<50x100xi32, #tpu.memory_space<hbm>>) dst(%arg9 : memref<50x100xi32, #tpu.memory_space<vmem>>)
      tpu.yield
    }) : () -> ()
    %dma_start3A = arith.constant 0 : i32
    %dma_start3A_11 = arith.constant 0 : i32
    %dma_start3A_12 = arith.constant 0 : i32
    %dma_start3A_13 = arith.constant 0 : i32
    %dma_start3A_14 = tpu.memref_slice %arg10[%dma_start3A_11, %dma_start3A_12, %dma_start3A_13] : memref<2x100x128xf32, #tpu.memory_space<vmem>> -> memref<1x100x128xf32, #tpu.memory_space<vmem>>
    %dma_start3A_15 = tpu.memref_squeeze %dma_start3A_14 : memref<1x100x128xf32, #tpu.memory_space<vmem>> -> memref<100x128xf32, #tpu.memory_space<vmem>>
    %dma_start3A_16 = arith.constant 0 : i32
    %dma_start3A_17 = tpu.memref_slice %arg8[%dma_start3A, %dma_start3A_16] : memref<50x100xi32, #tpu.memory_space<vmem>> -> memref<1x100xi32, #tpu.memory_space<vmem>>
    %dma_start3A_18 = tpu.memref_squeeze %dma_start3A_17 : memref<1x100xi32, #tpu.memory_space<vmem>> -> memref<100xi32, #tpu.memory_space<vmem>>
    %dma_start3A_19 = arith.constant 0 : i32
    %dma_start3A_20 = arith.constant 0 : i32
    %dma_start3A_21 = tpu.memref_slice %arg2[%dma_start3A_19, %dma_start3A_20] : memref<10000x128xf32, #tpu.memory_space<hbm>> -> memref<10000x128xf32, #tpu.memory_space<hbm>>
    tpu.enqueue_indirect_dma source(%dma_start3A_21 : memref<10000x128xf32, #tpu.memory_space<hbm>>) target(%dma_start3A_15 : memref<100x128xf32, #tpu.memory_space<vmem>>) offsets(%dma_start3A_18 : memref<100xi32, #tpu.memory_space<vmem>>) semaphore(%arg12 : memref<!tpu.dma_semaphore, #tpu.memory_space<semaphore_mem>>)
    %scan3A = arith.constant 0 : i32
    %scan3A_22 = arith.constant 0 : i32
    %scan3A_23 = arith.constant 1 : i32
    %scan3A_24 = arith.constant 0 : i32
    %scan3A_25 = arith.constant 25 : i32
    %scan3A_26 = arith.addi %scan3A_24, %scan3A_25 : i32
    %scan3A_27 = arith.constant 1 : i32
    scf.for %scan3A_65 = %scan3A_24 to %scan3A_26 step %scan3A_27  : i32 {
      %mul3A_66 = arith.constant 2 : i32
      %mul3A_67 = arith.muli %mul3A_66, %scan3A_65 : i32
      %dma_wait3A = arith.constant 0 : i32
      %dma_wait3A_68 = arith.constant 0 : i32
      %dma_wait3A_69 = arith.constant 0 : i32
      %dma_wait3A_70 = tpu.memref_slice %arg10[%scan3A_22, %dma_wait3A_68, %dma_wait3A_69] : memref<2x100x128xf32, #tpu.memory_space<vmem>> -> memref<1x100x128xf32, #tpu.memory_space<vmem>>
      %dma_wait3A_71 = tpu.memref_squeeze %dma_wait3A_70 : memref<1x100x128xf32, #tpu.memory_space<vmem>> -> memref<100x128xf32, #tpu.memory_space<vmem>>
      %dma_wait3A_72 = arith.constant 0 : i32
      %dma_wait3A_73 = tpu.memref_slice %arg8[%dma_wait3A, %dma_wait3A_72] : memref<50x100xi32, #tpu.memory_space<vmem>> -> memref<1x100xi32, #tpu.memory_space<vmem>>
      %dma_wait3A_74 = tpu.memref_squeeze %dma_wait3A_73 : memref<1x100xi32, #tpu.memory_space<vmem>> -> memref<100xi32, #tpu.memory_space<vmem>>
      %dma_wait3A_75 = arith.constant 0 : i32
      %dma_wait3A_76 = arith.constant 0 : i32
      %dma_wait3A_77 = tpu.memref_slice %arg2[%dma_wait3A_75, %dma_wait3A_76] : memref<10000x128xf32, #tpu.memory_space<hbm>> -> memref<10000x128xf32, #tpu.memory_space<hbm>>
      tpu.wait_indirect_dma semaphore(%arg12 : memref<!tpu.dma_semaphore, #tpu.memory_space<semaphore_mem>>) src(%dma_wait3A_77 : memref<10000x128xf32, #tpu.memory_space<hbm>>) dst(%dma_wait3A_71 : memref<100x128xf32, #tpu.memory_space<vmem>>)
      %add3A_78 = arith.constant 1 : i32
      %add3A_79 = arith.addi %mul3A_67, %add3A_78 : i32
      %dma_start3A_80 = arith.constant 0 : i32
      %dma_start3A_81 = arith.constant 0 : i32
      %dma_start3A_82 = tpu.memref_slice %arg10[%scan3A_23, %dma_start3A_80, %dma_start3A_81] : memref<2x100x128xf32, #tpu.memory_space<vmem>> -> memref<1x100x128xf32, #tpu.memory_space<vmem>>
      %dma_start3A_83 = tpu.memref_squeeze %dma_start3A_82 : memref<1x100x128xf32, #tpu.memory_space<vmem>> -> memref<100x128xf32, #tpu.memory_space<vmem>>
      %dma_start3A_84 = arith.constant 0 : i32
      %dma_start3A_85 = tpu.memref_slice %arg8[%add3A_79, %dma_start3A_84] : memref<50x100xi32, #tpu.memory_space<vmem>> -> memref<1x100xi32, #tpu.memory_space<vmem>>
      %dma_start3A_86 = tpu.memref_squeeze %dma_start3A_85 : memref<1x100xi32, #tpu.memory_space<vmem>> -> memref<100xi32, #tpu.memory_space<vmem>>
      %dma_start3A_87 = arith.constant 0 : i32
      %dma_start3A_88 = arith.constant 0 : i32
      %dma_start3A_89 = tpu.memref_slice %arg2[%dma_start3A_87, %dma_start3A_88] : memref<10000x128xf32, #tpu.memory_space<hbm>> -> memref<10000x128xf32, #tpu.memory_space<hbm>>
      tpu.enqueue_indirect_dma source(%dma_start3A_89 : memref<10000x128xf32, #tpu.memory_space<hbm>>) target(%dma_start3A_83 : memref<100x128xf32, #tpu.memory_space<vmem>>) offsets(%dma_start3A_86 : memref<100xi32, #tpu.memory_space<vmem>>) semaphore(%arg12 : memref<!tpu.dma_semaphore, #tpu.memory_space<semaphore_mem>>)
      "tpu.region"() ({
        %run_scoped3A = tpu.sem_alloc : memref<!tpu.dma_semaphore, #tpu.memory_space<semaphore_mem>>
        %dma_start3A_107 = arith.constant 0 : i32
        %dma_start3A_108 = arith.constant 0 : i32
        %dma_start3A_109 = tpu.memref_slice %arg10[%scan3A_22, %dma_start3A_107, %dma_start3A_108] : memref<2x100x128xf32, #tpu.memory_space<vmem>> -> memref<1x100x128xf32, #tpu.memory_space<vmem>>
        %dma_start3A_110 = tpu.memref_squeeze %dma_start3A_109 : memref<1x100x128xf32, #tpu.memory_space<vmem>> -> memref<100x128xf32, #tpu.memory_space<vmem>>
        %dma_start3A_111 = arith.constant 0 : i32
        %dma_start3A_112 = tpu.memref_slice %arg9[%mul3A_67, %dma_start3A_111] : memref<50x100xi32, #tpu.memory_space<vmem>> -> memref<1x100xi32, #tpu.memory_space<vmem>>
        %dma_start3A_113 = tpu.memref_squeeze %dma_start3A_112 : memref<1x100xi32, #tpu.memory_space<vmem>> -> memref<100xi32, #tpu.memory_space<vmem>>
        %dma_start3A_114 = arith.constant 0 : i32
        %dma_start3A_115 = arith.constant 0 : i32
        %dma_start3A_116 = tpu.memref_slice %arg11[%dma_start3A_114, %dma_start3A_115] : memref<10240x128xf32, #tpu.memory_space<vmem_shared>> -> memref<10240x128xf32, #tpu.memory_space<vmem_shared>>
        tpu.enqueue_indirect_dma source(%dma_start3A_110 : memref<100x128xf32, #tpu.memory_space<vmem>>) target(%dma_start3A_116 : memref<10240x128xf32, #tpu.memory_space<vmem_shared>>) offsets(%dma_start3A_113 : memref<100xi32, #tpu.memory_space<vmem>>) semaphore(%run_scoped3A : memref<!tpu.dma_semaphore, #tpu.memory_space<semaphore_mem>>) {add = true}
        %dma_wait3A_117 = arith.constant 0 : i32
        %dma_wait3A_118 = arith.constant 0 : i32
        %dma_wait3A_119 = tpu.memref_slice %arg10[%scan3A_22, %dma_wait3A_117, %dma_wait3A_118] : memref<2x100x128xf32, #tpu.memory_space<vmem>> -> memref<1x100x128xf32, #tpu.memory_space<vmem>>
        %dma_wait3A_120 = tpu.memref_squeeze %dma_wait3A_119 : memref<1x100x128xf32, #tpu.memory_space<vmem>> -> memref<100x128xf32, #tpu.memory_space<vmem>>
        %dma_wait3A_121 = arith.constant 0 : i32
        %dma_wait3A_122 = tpu.memref_slice %arg9[%mul3A_67, %dma_wait3A_121] : memref<50x100xi32, #tpu.memory_space<vmem>> -> memref<1x100xi32, #tpu.memory_space<vmem>>
        %dma_wait3A_123 = tpu.memref_squeeze %dma_wait3A_122 : memref<1x100xi32, #tpu.memory_space<vmem>> -> memref<100xi32, #tpu.memory_space<vmem>>
        %dma_wait3A_124 = arith.constant 0 : i32
        %dma_wait3A_125 = arith.constant 0 : i32
        %dma_wait3A_126 = tpu.memref_slice %arg11[%dma_wait3A_124, %dma_wait3A_125] : memref<10240x128xf32, #tpu.memory_space<vmem_shared>> -> memref<10240x128xf32, #tpu.memory_space<vmem_shared>>
        tpu.wait_indirect_dma semaphore(%run_scoped3A : memref<!tpu.dma_semaphore, #tpu.memory_space<semaphore_mem>>) src(%dma_wait3A_120 : memref<100x128xf32, #tpu.memory_space<vmem>>) dst(%dma_wait3A_126 : memref<10240x128xf32, #tpu.memory_space<vmem_shared>>)
        tpu.yield
      }) : () -> ()
      %dma_wait3A_90 = arith.constant 0 : i32
      %dma_wait3A_91 = arith.constant 0 : i32
      %dma_wait3A_92 = arith.constant 0 : i32
      %dma_wait3A_93 = tpu.memref_slice %arg10[%scan3A_22, %dma_wait3A_91, %dma_wait3A_92] : memref<2x100x128xf32, #tpu.memory_space<vmem>> -> memref<1x100x128xf32, #tpu.memory_space<vmem>>
      %dma_wait3A_94 = tpu.memref_squeeze %dma_wait3A_93 : memref<1x100x128xf32, #tpu.memory_space<vmem>> -> memref<100x128xf32, #tpu.memory_space<vmem>>
      %dma_wait3A_95 = arith.constant 0 : i32
      %dma_wait3A_96 = tpu.memref_slice %arg8[%dma_wait3A_90, %dma_wait3A_95] : memref<50x100xi32, #tpu.memory_space<vmem>> -> memref<1x100xi32, #tpu.memory_space<vmem>>
      %dma_wait3A_97 = tpu.memref_squeeze %dma_wait3A_96 : memref<1x100xi32, #tpu.memory_space<vmem>> -> memref<100xi32, #tpu.memory_space<vmem>>
      %dma_wait3A_98 = arith.constant 0 : i32
      %dma_wait3A_99 = arith.constant 0 : i32
      %dma_wait3A_100 = tpu.memref_slice %arg2[%dma_wait3A_98, %dma_wait3A_99] : memref<10000x128xf32, #tpu.memory_space<hbm>> -> memref<10000x128xf32, #tpu.memory_space<hbm>>
      tpu.wait_indirect_dma semaphore(%arg12 : memref<!tpu.dma_semaphore, #tpu.memory_space<semaphore_mem>>) src(%dma_wait3A_100 : memref<10000x128xf32, #tpu.memory_space<hbm>>) dst(%dma_wait3A_94 : memref<100x128xf32, #tpu.memory_space<vmem>>)
      %lt3A = arith.constant 24 : i32
      %lt3A_101 = arith.cmpi slt, %scan3A_65, %lt3A : i32
      %convert_element_type3A_102 = arith.extui %lt3A_101 : i1 to i32
      %cond3A_103 = arith.constant 0 : i32
      %cond3A_104 = arith.cmpi ne, %convert_element_type3A_102, %cond3A_103 : i32
      scf.if %cond3A_104 {
        %add3A_107 = arith.constant 2 : i32
        %add3A_108 = arith.addi %mul3A_67, %add3A_107 : i32
        %dma_start3A_109 = arith.constant 0 : i32
        %dma_start3A_110 = arith.constant 0 : i32
        %dma_start3A_111 = tpu.memref_slice %arg10[%scan3A_22, %dma_start3A_109, %dma_start3A_110] : memref<2x100x128xf32, #tpu.memory_space<vmem>> -> memref<1x100x128xf32, #tpu.memory_space<vmem>>
        %dma_start3A_112 = tpu.memref_squeeze %dma_start3A_111 : memref<1x100x128xf32, #tpu.memory_space<vmem>> -> memref<100x128xf32, #tpu.memory_space<vmem>>
        %dma_start3A_113 = arith.constant 0 : i32
        %dma_start3A_114 = tpu.memref_slice %arg8[%add3A_108, %dma_start3A_113] : memref<50x100xi32, #tpu.memory_space<vmem>> -> memref<1x100xi32, #tpu.memory_space<vmem>>
        %dma_start3A_115 = tpu.memref_squeeze %dma_start3A_114 : memref<1x100xi32, #tpu.memory_space<vmem>> -> memref<100xi32, #tpu.memory_space<vmem>>
        %dma_start3A_116 = arith.constant 0 : i32
        %dma_start3A_117 = arith.constant 0 : i32
        %dma_start3A_118 = tpu.memref_slice %arg2[%dma_start3A_116, %dma_start3A_117] : memref<10000x128xf32, #tpu.memory_space<hbm>> -> memref<10000x128xf32, #tpu.memory_space<hbm>>
        tpu.enqueue_indirect_dma source(%dma_start3A_118 : memref<10000x128xf32, #tpu.memory_space<hbm>>) target(%dma_start3A_112 : memref<100x128xf32, #tpu.memory_space<vmem>>) offsets(%dma_start3A_115 : memref<100xi32, #tpu.memory_space<vmem>>) semaphore(%arg12 : memref<!tpu.dma_semaphore, #tpu.memory_space<semaphore_mem>>)
      } else {
      }
      %add3A_105 = arith.constant 1 : i32
      %add3A_106 = arith.addi %mul3A_67, %add3A_105 : i32
      "tpu.region"() ({
        %run_scoped3A = tpu.sem_alloc : memref<!tpu.dma_semaphore, #tpu.memory_space<semaphore_mem>>
        %dma_start3A_107 = arith.constant 0 : i32
        %dma_start3A_108 = arith.constant 0 : i32
        %dma_start3A_109 = tpu.memref_slice %arg10[%scan3A_23, %dma_start3A_107, %dma_start3A_108] : memref<2x100x128xf32, #tpu.memory_space<vmem>> -> memref<1x100x128xf32, #tpu.memory_space<vmem>>
        %dma_start3A_110 = tpu.memref_squeeze %dma_start3A_109 : memref<1x100x128xf32, #tpu.memory_space<vmem>> -> memref<100x128xf32, #tpu.memory_space<vmem>>
        %dma_start3A_111 = arith.constant 0 : i32
        %dma_start3A_112 = tpu.memref_slice %arg9[%add3A_106, %dma_start3A_111] : memref<50x100xi32, #tpu.memory_space<vmem>> -> memref<1x100xi32, #tpu.memory_space<vmem>>
        %dma_start3A_113 = tpu.memref_squeeze %dma_start3A_112 : memref<1x100xi32, #tpu.memory_space<vmem>> -> memref<100xi32, #tpu.memory_space<vmem>>
        %dma_start3A_114 = arith.constant 0 : i32
        %dma_start3A_115 = arith.constant 0 : i32
        %dma_start3A_116 = tpu.memref_slice %arg11[%dma_start3A_114, %dma_start3A_115] : memref<10240x128xf32, #tpu.memory_space<vmem_shared>> -> memref<10240x128xf32, #tpu.memory_space<vmem_shared>>
        tpu.enqueue_indirect_dma source(%dma_start3A_110 : memref<100x128xf32, #tpu.memory_space<vmem>>) target(%dma_start3A_116 : memref<10240x128xf32, #tpu.memory_space<vmem_shared>>) offsets(%dma_start3A_113 : memref<100xi32, #tpu.memory_space<vmem>>) semaphore(%run_scoped3A : memref<!tpu.dma_semaphore, #tpu.memory_space<semaphore_mem>>) {add = true}
        %dma_wait3A_117 = arith.constant 0 : i32
        %dma_wait3A_118 = arith.constant 0 : i32
        %dma_wait3A_119 = tpu.memref_slice %arg10[%scan3A_23, %dma_wait3A_117, %dma_wait3A_118] : memref<2x100x128xf32, #tpu.memory_space<vmem>> -> memref<1x100x128xf32, #tpu.memory_space<vmem>>
        %dma_wait3A_120 = tpu.memref_squeeze %dma_wait3A_119 : memref<1x100x128xf32, #tpu.memory_space<vmem>> -> memref<100x128xf32, #tpu.memory_space<vmem>>
        %dma_wait3A_121 = arith.constant 0 : i32
        %dma_wait3A_122 = tpu.memref_slice %arg9[%add3A_106, %dma_wait3A_121] : memref<50x100xi32, #tpu.memory_space<vmem>> -> memref<1x100xi32, #tpu.memory_space<vmem>>
        %dma_wait3A_123 = tpu.memref_squeeze %dma_wait3A_122 : memref<1x100xi32, #tpu.memory_space<vmem>> -> memref<100xi32, #tpu.memory_space<vmem>>
        %dma_wait3A_124 = arith.constant 0 : i32
        %dma_wait3A_125 = arith.constant 0 : i32
        %dma_wait3A_126 = tpu.memref_slice %arg11[%dma_wait3A_124, %dma_wait3A_125] : memref<10240x128xf32, #tpu.memory_space<vmem_shared>> -> memref<10240x128xf32, #tpu.memory_space<vmem_shared>>
        tpu.wait_indirect_dma semaphore(%run_scoped3A : memref<!tpu.dma_semaphore, #tpu.memory_space<semaphore_mem>>) src(%dma_wait3A_120 : memref<100x128xf32, #tpu.memory_space<vmem>>) dst(%dma_wait3A_126 : memref<10240x128xf32, #tpu.memory_space<vmem_shared>>)
        tpu.yield
      }) : () -> ()
    }
    %scan3A_28 = arith.constant 25 : i32
    %mul3A_29 = arith.constant 2 : i32
    %mul3A_30 = arith.muli %add3A, %mul3A_29 : i32
    %add3A_31 = arith.constant 1 : i32
    %add3A_32 = arith.addi %mul3A_30, %add3A_31 : i32
    "tpu.region"() ({
      %run_scoped3A = tpu.sem_alloc : memref<!tpu.dma_semaphore, #tpu.memory_space<semaphore_mem>>
      %dma_start3A_65 = arith.constant 0 : i32
      %dma_start3A_66 = arith.constant 0 : i32
      %dma_start3A_67 = tpu.memref_slice %arg3[%add3A_32, %dma_start3A_65, %dma_start3A_66] : memref<64x50x100xi32, #tpu.memory_space<hbm>> -> memref<1x50x100xi32, #tpu.memory_space<hbm>>
      %dma_start3A_68 = tpu.memref_squeeze %dma_start3A_67 : memref<1x50x100xi32, #tpu.memory_space<hbm>> -> memref<50x100xi32, #tpu.memory_space<hbm>>
      %dma_start3A_69 = arith.constant 0 : i32
      %dma_start3A_70 = arith.constant 0 : i32
      %dma_start3A_71 = tpu.memref_slice %arg3[%add3A_32, %dma_start3A_69, %dma_start3A_70] : memref<64x50x100xi32, #tpu.memory_space<hbm>> -> memref<1x50x100xi32, #tpu.memory_space<hbm>>
      %dma_start3A_72 = tpu.memref_squeeze %dma_start3A_71 : memref<1x50x100xi32, #tpu.memory_space<hbm>> -> memref<50x100xi32, #tpu.memory_space<hbm>>
      tpu.enqueue_dma source(%dma_start3A_72 : memref<50x100xi32, #tpu.memory_space<hbm>>) target(%arg8 : memref<50x100xi32, #tpu.memory_space<vmem>>) target_semaphore(%run_scoped3A : memref<!tpu.dma_semaphore, #tpu.memory_space<semaphore_mem>>)
      %dma_wait3A = arith.constant 0 : i32
      %dma_wait3A_73 = arith.constant 0 : i32
      %dma_wait3A_74 = tpu.memref_slice %arg3[%add3A_32, %dma_wait3A, %dma_wait3A_73] : memref<64x50x100xi32, #tpu.memory_space<hbm>> -> memref<1x50x100xi32, #tpu.memory_space<hbm>>
      %dma_wait3A_75 = tpu.memref_squeeze %dma_wait3A_74 : memref<1x50x100xi32, #tpu.memory_space<hbm>> -> memref<50x100xi32, #tpu.memory_space<hbm>>
      %dma_wait3A_76 = arith.constant 0 : i32
      %dma_wait3A_77 = arith.constant 0 : i32
      %dma_wait3A_78 = tpu.memref_slice %arg3[%add3A_32, %dma_wait3A_76, %dma_wait3A_77] : memref<64x50x100xi32, #tpu.memory_space<hbm>> -> memref<1x50x100xi32, #tpu.memory_space<hbm>>
      %dma_wait3A_79 = tpu.memref_squeeze %dma_wait3A_78 : memref<1x50x100xi32, #tpu.memory_space<hbm>> -> memref<50x100xi32, #tpu.memory_space<hbm>>
      tpu.wait_dma2 semaphore(%run_scoped3A : memref<!tpu.dma_semaphore, #tpu.memory_space<semaphore_mem>>) src(%dma_wait3A_79 : memref<50x100xi32, #tpu.memory_space<hbm>>) dst(%arg8 : memref<50x100xi32, #tpu.memory_space<vmem>>)
      tpu.yield
    }) : () -> ()
    %mul3A_33 = arith.constant 2 : i32
    %mul3A_34 = arith.muli %add3A, %mul3A_33 : i32
    %add3A_35 = arith.constant 1 : i32
    %add3A_36 = arith.addi %mul3A_34, %add3A_35 : i32
    "tpu.region"() ({
      %run_scoped3A = tpu.sem_alloc : memref<!tpu.dma_semaphore, #tpu.memory_space<semaphore_mem>>
      %dma_start3A_65 = arith.constant 0 : i32
      %dma_start3A_66 = arith.constant 0 : i32
      %dma_start3A_67 = tpu.memref_slice %arg4[%add3A_36, %dma_start3A_65, %dma_start3A_66] : memref<64x50x100xi32, #tpu.memory_space<hbm>> -> memref<1x50x100xi32, #tpu.memory_space<hbm>>
      %dma_start3A_68 = tpu.memref_squeeze %dma_start3A_67 : memref<1x50x100xi32, #tpu.memory_space<hbm>> -> memref<50x100xi32, #tpu.memory_space<hbm>>
      %dma_start3A_69 = arith.constant 0 : i32
      %dma_start3A_70 = arith.constant 0 : i32
      %dma_start3A_71 = tpu.memref_slice %arg4[%add3A_36, %dma_start3A_69, %dma_start3A_70] : memref<64x50x100xi32, #tpu.memory_space<hbm>> -> memref<1x50x100xi32, #tpu.memory_space<hbm>>
      %dma_start3A_72 = tpu.memref_squeeze %dma_start3A_71 : memref<1x50x100xi32, #tpu.memory_space<hbm>> -> memref<50x100xi32, #tpu.memory_space<hbm>>
      tpu.enqueue_dma source(%dma_start3A_72 : memref<50x100xi32, #tpu.memory_space<hbm>>) target(%arg9 : memref<50x100xi32, #tpu.memory_space<vmem>>) target_semaphore(%run_scoped3A : memref<!tpu.dma_semaphore, #tpu.memory_space<semaphore_mem>>)
      %dma_wait3A = arith.constant 0 : i32
      %dma_wait3A_73 = arith.constant 0 : i32
      %dma_wait3A_74 = tpu.memref_slice %arg4[%add3A_36, %dma_wait3A, %dma_wait3A_73] : memref<64x50x100xi32, #tpu.memory_space<hbm>> -> memref<1x50x100xi32, #tpu.memory_space<hbm>>
      %dma_wait3A_75 = tpu.memref_squeeze %dma_wait3A_74 : memref<1x50x100xi32, #tpu.memory_space<hbm>> -> memref<50x100xi32, #tpu.memory_space<hbm>>
      %dma_wait3A_76 = arith.constant 0 : i32
      %dma_wait3A_77 = arith.constant 0 : i32
      %dma_wait3A_78 = tpu.memref_slice %arg4[%add3A_36, %dma_wait3A_76, %dma_wait3A_77] : memref<64x50x100xi32, #tpu.memory_space<hbm>> -> memref<1x50x100xi32, #tpu.memory_space<hbm>>
      %dma_wait3A_79 = tpu.memref_squeeze %dma_wait3A_78 : memref<1x50x100xi32, #tpu.memory_space<hbm>> -> memref<50x100xi32, #tpu.memory_space<hbm>>
      tpu.wait_dma2 semaphore(%run_scoped3A : memref<!tpu.dma_semaphore, #tpu.memory_space<semaphore_mem>>) src(%dma_wait3A_79 : memref<50x100xi32, #tpu.memory_space<hbm>>) dst(%arg9 : memref<50x100xi32, #tpu.memory_space<vmem>>)
      tpu.yield
    }) : () -> ()
    %dma_start3A_37 = arith.constant 0 : i32
    %dma_start3A_38 = arith.constant 0 : i32
    %dma_start3A_39 = arith.constant 0 : i32
    %dma_start3A_40 = arith.constant 0 : i32
    %dma_start3A_41 = tpu.memref_slice %arg10[%dma_start3A_38, %dma_start3A_39, %dma_start3A_40] : memref<2x100x128xf32, #tpu.memory_space<vmem>> -> memref<1x100x128xf32, #tpu.memory_space<vmem>>
    %dma_start3A_42 = tpu.memref_squeeze %dma_start3A_41 : memref<1x100x128xf32, #tpu.memory_space<vmem>> -> memref<100x128xf32, #tpu.memory_space<vmem>>
    %dma_start3A_43 = arith.constant 0 : i32
    %dma_start3A_44 = tpu.memref_slice %arg8[%dma_start3A_37, %dma_start3A_43] : memref<50x100xi32, #tpu.memory_space<vmem>> -> memref<1x100xi32, #tpu.memory_space<vmem>>
    %dma_start3A_45 = tpu.memref_squeeze %dma_start3A_44 : memref<1x100xi32, #tpu.memory_space<vmem>> -> memref<100xi32, #tpu.memory_space<vmem>>
    %dma_start3A_46 = arith.constant 0 : i32
    %dma_start3A_47 = arith.constant 0 : i32
    %dma_start3A_48 = tpu.memref_slice %arg2[%dma_start3A_46, %dma_start3A_47] : memref<10000x128xf32, #tpu.memory_space<hbm>> -> memref<10000x128xf32, #tpu.memory_space<hbm>>
    tpu.enqueue_indirect_dma source(%dma_start3A_48 : memref<10000x128xf32, #tpu.memory_space<hbm>>) target(%dma_start3A_42 : memref<100x128xf32, #tpu.memory_space<vmem>>) offsets(%dma_start3A_45 : memref<100xi32, #tpu.memory_space<vmem>>) semaphore(%arg12 : memref<!tpu.dma_semaphore, #tpu.memory_space<semaphore_mem>>)
    %scan3A_49 = arith.constant 0 : i32
    %scan3A_50 = arith.constant 0 : i32
    %scan3A_51 = arith.constant 1 : i32
    %scan3A_52 = arith.constant 0 : i32
    %scan3A_53 = arith.constant 25 : i32
    %scan3A_54 = arith.addi %scan3A_52, %scan3A_53 : i32
    %scan3A_55 = arith.constant 1 : i32
    scf.for %scan3A_65 = %scan3A_52 to %scan3A_54 step %scan3A_55  : i32 {
      %mul3A_66 = arith.constant 2 : i32
      %mul3A_67 = arith.muli %mul3A_66, %scan3A_65 : i32
      %dma_wait3A = arith.constant 0 : i32
      %dma_wait3A_68 = arith.constant 0 : i32
      %dma_wait3A_69 = arith.constant 0 : i32
      %dma_wait3A_70 = tpu.memref_slice %arg10[%scan3A_50, %dma_wait3A_68, %dma_wait3A_69] : memref<2x100x128xf32, #tpu.memory_space<vmem>> -> memref<1x100x128xf32, #tpu.memory_space<vmem>>
      %dma_wait3A_71 = tpu.memref_squeeze %dma_wait3A_70 : memref<1x100x128xf32, #tpu.memory_space<vmem>> -> memref<100x128xf32, #tpu.memory_space<vmem>>
      %dma_wait3A_72 = arith.constant 0 : i32
      %dma_wait3A_73 = tpu.memref_slice %arg8[%dma_wait3A, %dma_wait3A_72] : memref<50x100xi32, #tpu.memory_space<vmem>> -> memref<1x100xi32, #tpu.memory_space<vmem>>
      %dma_wait3A_74 = tpu.memref_squeeze %dma_wait3A_73 : memref<1x100xi32, #tpu.memory_space<vmem>> -> memref<100xi32, #tpu.memory_space<vmem>>
      %dma_wait3A_75 = arith.constant 0 : i32
      %dma_wait3A_76 = arith.constant 0 : i32
      %dma_wait3A_77 = tpu.memref_slice %arg2[%dma_wait3A_75, %dma_wait3A_76] : memref<10000x128xf32, #tpu.memory_space<hbm>> -> memref<10000x128xf32, #tpu.memory_space<hbm>>
      tpu.wait_indirect_dma semaphore(%arg12 : memref<!tpu.dma_semaphore, #tpu.memory_space<semaphore_mem>>) src(%dma_wait3A_77 : memref<10000x128xf32, #tpu.memory_space<hbm>>) dst(%dma_wait3A_71 : memref<100x128xf32, #tpu.memory_space<vmem>>)
      %add3A_78 = arith.constant 1 : i32
      %add3A_79 = arith.addi %mul3A_67, %add3A_78 : i32
      %dma_start3A_80 = arith.constant 0 : i32
      %dma_start3A_81 = arith.constant 0 : i32
      %dma_start3A_82 = tpu.memref_slice %arg10[%scan3A_51, %dma_start3A_80, %dma_start3A_81] : memref<2x100x128xf32, #tpu.memory_space<vmem>> -> memref<1x100x128xf32, #tpu.memory_space<vmem>>
      %dma_start3A_83 = tpu.memref_squeeze %dma_start3A_82 : memref<1x100x128xf32, #tpu.memory_space<vmem>> -> memref<100x128xf32, #tpu.memory_space<vmem>>
      %dma_start3A_84 = arith.constant 0 : i32
      %dma_start3A_85 = tpu.memref_slice %arg8[%add3A_79, %dma_start3A_84] : memref<50x100xi32, #tpu.memory_space<vmem>> -> memref<1x100xi32, #tpu.memory_space<vmem>>
      %dma_start3A_86 = tpu.memref_squeeze %dma_start3A_85 : memref<1x100xi32, #tpu.memory_space<vmem>> -> memref<100xi32, #tpu.memory_space<vmem>>
      %dma_start3A_87 = arith.constant 0 : i32
      %dma_start3A_88 = arith.constant 0 : i32
      %dma_start3A_89 = tpu.memref_slice %arg2[%dma_start3A_87, %dma_start3A_88] : memref<10000x128xf32, #tpu.memory_space<hbm>> -> memref<10000x128xf32, #tpu.memory_space<hbm>>
      tpu.enqueue_indirect_dma source(%dma_start3A_89 : memref<10000x128xf32, #tpu.memory_space<hbm>>) target(%dma_start3A_83 : memref<100x128xf32, #tpu.memory_space<vmem>>) offsets(%dma_start3A_86 : memref<100xi32, #tpu.memory_space<vmem>>) semaphore(%arg12 : memref<!tpu.dma_semaphore, #tpu.memory_space<semaphore_mem>>)
      "tpu.region"() ({
        %run_scoped3A = tpu.sem_alloc : memref<!tpu.dma_semaphore, #tpu.memory_space<semaphore_mem>>
        %dma_start3A_107 = arith.constant 0 : i32
        %dma_start3A_108 = arith.constant 0 : i32
        %dma_start3A_109 = tpu.memref_slice %arg10[%scan3A_50, %dma_start3A_107, %dma_start3A_108] : memref<2x100x128xf32, #tpu.memory_space<vmem>> -> memref<1x100x128xf32, #tpu.memory_space<vmem>>
        %dma_start3A_110 = tpu.memref_squeeze %dma_start3A_109 : memref<1x100x128xf32, #tpu.memory_space<vmem>> -> memref<100x128xf32, #tpu.memory_space<vmem>>
        %dma_start3A_111 = arith.constant 0 : i32
        %dma_start3A_112 = tpu.memref_slice %arg9[%mul3A_67, %dma_start3A_111] : memref<50x100xi32, #tpu.memory_space<vmem>> -> memref<1x100xi32, #tpu.memory_space<vmem>>
        %dma_start3A_113 = tpu.memref_squeeze %dma_start3A_112 : memref<1x100xi32, #tpu.memory_space<vmem>> -> memref<100xi32, #tpu.memory_space<vmem>>
        %dma_start3A_114 = arith.constant 0 : i32
        %dma_start3A_115 = arith.constant 0 : i32
        %dma_start3A_116 = tpu.memref_slice %arg11[%dma_start3A_114, %dma_start3A_115] : memref<10240x128xf32, #tpu.memory_space<vmem_shared>> -> memref<10240x128xf32, #tpu.memory_space<vmem_shared>>
        tpu.enqueue_indirect_dma source(%dma_start3A_110 : memref<100x128xf32, #tpu.memory_space<vmem>>) target(%dma_start3A_116 : memref<10240x128xf32, #tpu.memory_space<vmem_shared>>) offsets(%dma_start3A_113 : memref<100xi32, #tpu.memory_space<vmem>>) semaphore(%run_scoped3A : memref<!tpu.dma_semaphore, #tpu.memory_space<semaphore_mem>>) {add = true}
        %dma_wait3A_117 = arith.constant 0 : i32
        %dma_wait3A_118 = arith.constant 0 : i32
        %dma_wait3A_119 = tpu.memref_slice %arg10[%scan3A_50, %dma_wait3A_117, %dma_wait3A_118] : memref<2x100x128xf32, #tpu.memory_space<vmem>> -> memref<1x100x128xf32, #tpu.memory_space<vmem>>
        %dma_wait3A_120 = tpu.memref_squeeze %dma_wait3A_119 : memref<1x100x128xf32, #tpu.memory_space<vmem>> -> memref<100x128xf32, #tpu.memory_space<vmem>>
        %dma_wait3A_121 = arith.constant 0 : i32
        %dma_wait3A_122 = tpu.memref_slice %arg9[%mul3A_67, %dma_wait3A_121] : memref<50x100xi32, #tpu.memory_space<vmem>> -> memref<1x100xi32, #tpu.memory_space<vmem>>
        %dma_wait3A_123 = tpu.memref_squeeze %dma_wait3A_122 : memref<1x100xi32, #tpu.memory_space<vmem>> -> memref<100xi32, #tpu.memory_space<vmem>>
        %dma_wait3A_124 = arith.constant 0 : i32
        %dma_wait3A_125 = arith.constant 0 : i32
        %dma_wait3A_126 = tpu.memref_slice %arg11[%dma_wait3A_124, %dma_wait3A_125] : memref<10240x128xf32, #tpu.memory_space<vmem_shared>> -> memref<10240x128xf32, #tpu.memory_space<vmem_shared>>
        tpu.wait_indirect_dma semaphore(%run_scoped3A : memref<!tpu.dma_semaphore, #tpu.memory_space<semaphore_mem>>) src(%dma_wait3A_120 : memref<100x128xf32, #tpu.memory_space<vmem>>) dst(%dma_wait3A_126 : memref<10240x128xf32, #tpu.memory_space<vmem_shared>>)
        tpu.yield
      }) : () -> ()
      %dma_wait3A_90 = arith.constant 0 : i32
      %dma_wait3A_91 = arith.constant 0 : i32
      %dma_wait3A_92 = arith.constant 0 : i32
      %dma_wait3A_93 = tpu.memref_slice %arg10[%scan3A_50, %dma_wait3A_91, %dma_wait3A_92] : memref<2x100x128xf32, #tpu.memory_space<vmem>> -> memref<1x100x128xf32, #tpu.memory_space<vmem>>
      %dma_wait3A_94 = tpu.memref_squeeze %dma_wait3A_93 : memref<1x100x128xf32, #tpu.memory_space<vmem>> -> memref<100x128xf32, #tpu.memory_space<vmem>>
      %dma_wait3A_95 = arith.constant 0 : i32
      %dma_wait3A_96 = tpu.memref_slice %arg8[%dma_wait3A_90, %dma_wait3A_95] : memref<50x100xi32, #tpu.memory_space<vmem>> -> memref<1x100xi32, #tpu.memory_space<vmem>>
      %dma_wait3A_97 = tpu.memref_squeeze %dma_wait3A_96 : memref<1x100xi32, #tpu.memory_space<vmem>> -> memref<100xi32, #tpu.memory_space<vmem>>
      %dma_wait3A_98 = arith.constant 0 : i32
      %dma_wait3A_99 = arith.constant 0 : i32
      %dma_wait3A_100 = tpu.memref_slice %arg2[%dma_wait3A_98, %dma_wait3A_99] : memref<10000x128xf32, #tpu.memory_space<hbm>> -> memref<10000x128xf32, #tpu.memory_space<hbm>>
      tpu.wait_indirect_dma semaphore(%arg12 : memref<!tpu.dma_semaphore, #tpu.memory_space<semaphore_mem>>) src(%dma_wait3A_100 : memref<10000x128xf32, #tpu.memory_space<hbm>>) dst(%dma_wait3A_94 : memref<100x128xf32, #tpu.memory_space<vmem>>)
      %lt3A = arith.constant 24 : i32
      %lt3A_101 = arith.cmpi slt, %scan3A_65, %lt3A : i32
      %convert_element_type3A_102 = arith.extui %lt3A_101 : i1 to i32
      %cond3A_103 = arith.constant 0 : i32
      %cond3A_104 = arith.cmpi ne, %convert_element_type3A_102, %cond3A_103 : i32
      scf.if %cond3A_104 {
        %add3A_107 = arith.constant 2 : i32
        %add3A_108 = arith.addi %mul3A_67, %add3A_107 : i32
        %dma_start3A_109 = arith.constant 0 : i32
        %dma_start3A_110 = arith.constant 0 : i32
        %dma_start3A_111 = tpu.memref_slice %arg10[%scan3A_50, %dma_start3A_109, %dma_start3A_110] : memref<2x100x128xf32, #tpu.memory_space<vmem>> -> memref<1x100x128xf32, #tpu.memory_space<vmem>>
        %dma_start3A_112 = tpu.memref_squeeze %dma_start3A_111 : memref<1x100x128xf32, #tpu.memory_space<vmem>> -> memref<100x128xf32, #tpu.memory_space<vmem>>
        %dma_start3A_113 = arith.constant 0 : i32
        %dma_start3A_114 = tpu.memref_slice %arg8[%add3A_108, %dma_start3A_113] : memref<50x100xi32, #tpu.memory_space<vmem>> -> memref<1x100xi32, #tpu.memory_space<vmem>>
        %dma_start3A_115 = tpu.memref_squeeze %dma_start3A_114 : memref<1x100xi32, #tpu.memory_space<vmem>> -> memref<100xi32, #tpu.memory_space<vmem>>
        %dma_start3A_116 = arith.constant 0 : i32
        %dma_start3A_117 = arith.constant 0 : i32
        %dma_start3A_118 = tpu.memref_slice %arg2[%dma_start3A_116, %dma_start3A_117] : memref<10000x128xf32, #tpu.memory_space<hbm>> -> memref<10000x128xf32, #tpu.memory_space<hbm>>
        tpu.enqueue_indirect_dma source(%dma_start3A_118 : memref<10000x128xf32, #tpu.memory_space<hbm>>) target(%dma_start3A_112 : memref<100x128xf32, #tpu.memory_space<vmem>>) offsets(%dma_start3A_115 : memref<100xi32, #tpu.memory_space<vmem>>) semaphore(%arg12 : memref<!tpu.dma_semaphore, #tpu.memory_space<semaphore_mem>>)
      } else {
      }
      %add3A_105 = arith.constant 1 : i32
      %add3A_106 = arith.addi %mul3A_67, %add3A_105 : i32
      "tpu.region"() ({
        %run_scoped3A = tpu.sem_alloc : memref<!tpu.dma_semaphore, #tpu.memory_space<semaphore_mem>>
        %dma_start3A_107 = arith.constant 0 : i32
        %dma_start3A_108 = arith.constant 0 : i32
        %dma_start3A_109 = tpu.memref_slice %arg10[%scan3A_51, %dma_start3A_107, %dma_start3A_108] : memref<2x100x128xf32, #tpu.memory_space<vmem>> -> memref<1x100x128xf32, #tpu.memory_space<vmem>>
        %dma_start3A_110 = tpu.memref_squeeze %dma_start3A_109 : memref<1x100x128xf32, #tpu.memory_space<vmem>> -> memref<100x128xf32, #tpu.memory_space<vmem>>
        %dma_start3A_111 = arith.constant 0 : i32
        %dma_start3A_112 = tpu.memref_slice %arg9[%add3A_106, %dma_start3A_111] : memref<50x100xi32, #tpu.memory_space<vmem>> -> memref<1x100xi32, #tpu.memory_space<vmem>>
        %dma_start3A_113 = tpu.memref_squeeze %dma_start3A_112 : memref<1x100xi32, #tpu.memory_space<vmem>> -> memref<100xi32, #tpu.memory_space<vmem>>
        %dma_start3A_114 = arith.constant 0 : i32
        %dma_start3A_115 = arith.constant 0 : i32
        %dma_start3A_116 = tpu.memref_slice %arg11[%dma_start3A_114, %dma_start3A_115] : memref<10240x128xf32, #tpu.memory_space<vmem_shared>> -> memref<10240x128xf32, #tpu.memory_space<vmem_shared>>
        tpu.enqueue_indirect_dma source(%dma_start3A_110 : memref<100x128xf32, #tpu.memory_space<vmem>>) target(%dma_start3A_116 : memref<10240x128xf32, #tpu.memory_space<vmem_shared>>) offsets(%dma_start3A_113 : memref<100xi32, #tpu.memory_space<vmem>>) semaphore(%run_scoped3A : memref<!tpu.dma_semaphore, #tpu.memory_space<semaphore_mem>>) {add = true}
        %dma_wait3A_117 = arith.constant 0 : i32
        %dma_wait3A_118 = arith.constant 0 : i32
        %dma_wait3A_119 = tpu.memref_slice %arg10[%scan3A_51, %dma_wait3A_117, %dma_wait3A_118] : memref<2x100x128xf32, #tpu.memory_space<vmem>> -> memref<1x100x128xf32, #tpu.memory_space<vmem>>
        %dma_wait3A_120 = tpu.memref_squeeze %dma_wait3A_119 : memref<1x100x128xf32, #tpu.memory_space<vmem>> -> memref<100x128xf32, #tpu.memory_space<vmem>>
        %dma_wait3A_121 = arith.constant 0 : i32
        %dma_wait3A_122 = tpu.memref_slice %arg9[%add3A_106, %dma_wait3A_121] : memref<50x100xi32, #tpu.memory_space<vmem>> -> memref<1x100xi32, #tpu.memory_space<vmem>>
        %dma_wait3A_123 = tpu.memref_squeeze %dma_wait3A_122 : memref<1x100xi32, #tpu.memory_space<vmem>> -> memref<100xi32, #tpu.memory_space<vmem>>
        %dma_wait3A_124 = arith.constant 0 : i32
        %dma_wait3A_125 = arith.constant 0 : i32
        %dma_wait3A_126 = tpu.memref_slice %arg11[%dma_wait3A_124, %dma_wait3A_125] : memref<10240x128xf32, #tpu.memory_space<vmem_shared>> -> memref<10240x128xf32, #tpu.memory_space<vmem_shared>>
        tpu.wait_indirect_dma semaphore(%run_scoped3A : memref<!tpu.dma_semaphore, #tpu.memory_space<semaphore_mem>>) src(%dma_wait3A_120 : memref<100x128xf32, #tpu.memory_space<vmem>>) dst(%dma_wait3A_126 : memref<10240x128xf32, #tpu.memory_space<vmem_shared>>)
        tpu.yield
      }) : () -> ()
    }
    %scan3A_56 = arith.constant 25 : i32
    %barrier3A_57 = arith.constant 0 : index
    tpu.barrier barrier_id(%barrier3A_57)
    %eq3A = arith.constant 0 : i32
    %eq3A_58 = arith.cmpi eq, %arg0, %eq3A : i32
    %convert_element_type3A = arith.extui %eq3A_58 : i1 to i32
    %cond3A = arith.constant 0 : i32
    %cond3A_59 = arith.cmpi ne, %convert_element_type3A, %cond3A : i32
    scf.if %cond3A_59 {
      %mul3A_65 = arith.constant 640 : i32
      %mul3A_66 = arith.muli %arg1, %mul3A_65 : i32
      %mul3A_67 = arith.constant 640 : i32
      %mul3A_68 = arith.muli %arg1, %mul3A_67 : i32
      "tpu.region"() ({
        %run_scoped3A = tpu.sem_alloc : memref<!tpu.dma_semaphore, #tpu.memory_space<semaphore_mem>>
        %dma_start3A_69 = arith.constant 0 : i32
        %dma_start3A_70 = tpu.memref_slice %arg6[%mul3A_68, %dma_start3A_69] : memref<10240x128xf32, #tpu.memory_space<hbm>> -> memref<640x128xf32, #tpu.memory_space<hbm>>
        %dma_start3A_71 = arith.constant 0 : i32
        %dma_start3A_72 = tpu.memref_slice %arg11[%mul3A_66, %dma_start3A_71] : memref<10240x128xf32, #tpu.memory_space<vmem_shared>> -> memref<640x128xf32, #tpu.memory_space<vmem_shared>>
        tpu.enqueue_dma source(%dma_start3A_72 : memref<640x128xf32, #tpu.memory_space<vmem_shared>>) target(%dma_start3A_70 : memref<640x128xf32, #tpu.memory_space<hbm>>) target_semaphore(%run_scoped3A : memref<!tpu.dma_semaphore, #tpu.memory_space<semaphore_mem>>)
        %dma_wait3A = arith.constant 0 : i32
        %dma_wait3A_73 = tpu.memref_slice %arg6[%mul3A_68, %dma_wait3A] : memref<10240x128xf32, #tpu.memory_space<hbm>> -> memref<640x128xf32, #tpu.memory_space<hbm>>
        %dma_wait3A_74 = arith.constant 0 : i32
        %dma_wait3A_75 = tpu.memref_slice %arg11[%mul3A_66, %dma_wait3A_74] : memref<10240x128xf32, #tpu.memory_space<vmem_shared>> -> memref<640x128xf32, #tpu.memory_space<vmem_shared>>
        tpu.wait_dma2 semaphore(%run_scoped3A : memref<!tpu.dma_semaphore, #tpu.memory_space<semaphore_mem>>) src(%dma_wait3A_75 : memref<640x128xf32, #tpu.memory_space<vmem_shared>>) dst(%dma_wait3A_73 : memref<640x128xf32, #tpu.memory_space<hbm>>)
        tpu.yield
      }) : () -> ()
    } else {
    }
    %eq3A_60 = arith.constant 1 : i32
    %eq3A_61 = arith.cmpi eq, %arg0, %eq3A_60 : i32
    %convert_element_type3A_62 = arith.extui %eq3A_61 : i1 to i32
    %cond3A_63 = arith.constant 0 : i32
    %cond3A_64 = arith.cmpi ne, %convert_element_type3A_62, %cond3A_63 : i32
    scf.if %cond3A_64 {
      %mul3A_65 = arith.constant 640 : i32
      %mul3A_66 = arith.muli %arg1, %mul3A_65 : i32
      %mul3A_67 = arith.constant 640 : i32
      %mul3A_68 = arith.muli %arg1, %mul3A_67 : i32
      "tpu.region"() ({
        %run_scoped3A = tpu.sem_alloc : memref<!tpu.dma_semaphore, #tpu.memory_space<semaphore_mem>>
        %dma_start3A_69 = arith.constant 0 : i32
        %dma_start3A_70 = tpu.memref_slice %arg7[%mul3A_68, %dma_start3A_69] : memref<10240x128xf32, #tpu.memory_space<hbm>> -> memref<640x128xf32, #tpu.memory_space<hbm>>
        %dma_start3A_71 = arith.constant 0 : i32
        %dma_start3A_72 = tpu.memref_slice %arg11[%mul3A_66, %dma_start3A_71] : memref<10240x128xf32, #tpu.memory_space<vmem_shared>> -> memref<640x128xf32, #tpu.memory_space<vmem_shared>>
        tpu.enqueue_dma source(%dma_start3A_72 : memref<640x128xf32, #tpu.memory_space<vmem_shared>>) target(%dma_start3A_70 : memref<640x128xf32, #tpu.memory_space<hbm>>) target_semaphore(%run_scoped3A : memref<!tpu.dma_semaphore, #tpu.memory_space<semaphore_mem>>)
        %dma_wait3A = arith.constant 0 : i32
        %dma_wait3A_73 = tpu.memref_slice %arg7[%mul3A_68, %dma_wait3A] : memref<10240x128xf32, #tpu.memory_space<hbm>> -> memref<640x128xf32, #tpu.memory_space<hbm>>
        %dma_wait3A_74 = arith.constant 0 : i32
        %dma_wait3A_75 = tpu.memref_slice %arg11[%mul3A_66, %dma_wait3A_74] : memref<10240x128xf32, #tpu.memory_space<vmem_shared>> -> memref<640x128xf32, #tpu.memory_space<vmem_shared>>
        tpu.wait_dma2 semaphore(%run_scoped3A : memref<!tpu.dma_semaphore, #tpu.memory_space<semaphore_mem>>) src(%dma_wait3A_75 : memref<640x128xf32, #tpu.memory_space<vmem_shared>>) dst(%dma_wait3A_73 : memref<640x128xf32, #tpu.memory_space<hbm>>)
        tpu.yield
      }) : () -> ()
    } else {
    }
    return
  }
}

module attributes {stable_mosaic.version = 14 : i64} {
  func.func @body(%arg0: i32, %arg1: memref<1000x128xf32, #tpu.memory_space<vmem>>, %arg2: memref<128x128xf32, #tpu.memory_space<vmem>>, %arg3: memref<128x128xf32, #tpu.memory_space<vmem>>, %arg4: memref<1000x128xf32, #tpu.memory_space<vmem>>, %arg5: memref<1000x128xf32, #tpu.memory_space<vmem>>) attributes {dimension_semantics = [#tpu.dimension_semantics<arbitrary>], iteration_bounds = array<i64: 10>, scalar_prefetch = 0 : i64, scratch_operands = 0 : i64, tpu.core_type = #tpu.core_type<tc>, window_params = [{transform_indices = @transform_0, window_bounds = array<i64: 1000, 128>}, {pipeline_mode = #tpu.pipeline_mode<synchronous>, transform_indices = @transform_1, window_bounds = array<i64: 128, 128>}, {pipeline_mode = #tpu.pipeline_mode<synchronous>, transform_indices = @transform_2, window_bounds = array<i64: 128, 128>}, {transform_indices = @transform_3, window_bounds = array<i64: 1000, 128>}, {transform_indices = @transform_4, window_bounds = array<i64: 1000, 128>}]} {
    %get3A = arith.constant 0 : index
    %get3A_0 = arith.constant 0 : index
    %get3A_1 = vector.load %arg1[%get3A, %get3A_0] : memref<1000x128xf32, #tpu.memory_space<vmem>>, vector<1000x128xf32>
    %get3A_2 = arith.constant 0 : index
    %get3A_3 = arith.constant 0 : index
    %get3A_4 = vector.load %arg2[%get3A_2, %get3A_3] : memref<128x128xf32, #tpu.memory_space<vmem>>, vector<128x128xf32>
    %dot_general3A = arith.constant dense<0.000000e+00> : vector<1000x128xf32>
    %dot_general3A_5 = tpu.matmul %get3A_1, %get3A_4, %dot_general3A {dimension_numbers = #tpu.dot_dimension_numbers<[1], [0], [0], [1], [0, 0, 1, 1], [], []>, transpose_lhs_hint = false} : vector<1000x128xf32>, vector<128x128xf32>, vector<1000x128xf32> -> vector<1000x128xf32>
    %tanh3A = math.tanh %dot_general3A_5 : vector<1000x128xf32>
    %swap3A = arith.constant 0 : index
    %swap3A_6 = arith.constant 0 : index
    %swap3A_7 = vector.load %arg4[%swap3A, %swap3A_6] : memref<1000x128xf32, #tpu.memory_space<vmem>>, vector<1000x128xf32>
    tpu.vector_store %arg4[%swap3A, %swap3A_6], %tanh3A {strides = array<i32>} : memref<1000x128xf32, #tpu.memory_space<vmem>>, vector<1000x128xf32>,
    %get3A_8 = arith.constant 0 : index
    %get3A_9 = arith.constant 0 : index
    %get3A_10 = vector.load %arg3[%get3A_8, %get3A_9] : memref<128x128xf32, #tpu.memory_space<vmem>>, vector<128x128xf32>
    %dot_general3A_11 = arith.constant dense<0.000000e+00> : vector<1000x128xf32>
    %dot_general3A_12 = tpu.matmul %tanh3A, %get3A_10, %dot_general3A_11 {dimension_numbers = #tpu.dot_dimension_numbers<[1], [0], [0], [1], [0, 0, 1, 1], [], []>, transpose_lhs_hint = false} : vector<1000x128xf32>, vector<128x128xf32>, vector<1000x128xf32> -> vector<1000x128xf32>
    %swap3A_13 = arith.constant 0 : index
    %swap3A_14 = arith.constant 0 : index
    %swap3A_15 = vector.load %arg5[%swap3A_13, %swap3A_14] : memref<1000x128xf32, #tpu.memory_space<vmem>>, vector<1000x128xf32>
    tpu.vector_store %arg5[%swap3A_13, %swap3A_14], %dot_general3A_12 {strides = array<i32>} : memref<1000x128xf32, #tpu.memory_space<vmem>>, vector<1000x128xf32>,
    return
  }
  func.func @transform_0(%arg0: i32) -> (i32, i32) {
    %c0_i32 = arith.constant 0 : i32
    %c0_i32_0 = arith.constant 0 : i32
    return %arg0, %c0_i32 : i32, i32
  }
  func.func @transform_1(%arg0: i32) -> (i32, i32) {
    %c0_i32 = arith.constant 0 : i32
    %c0_i32_0 = arith.constant 0 : i32
    %c0_i32_1 = arith.constant 0 : i32
    return %c0_i32, %c0_i32_0 : i32, i32
  }
  func.func @transform_2(%arg0: i32) -> (i32, i32) {
    %c0_i32 = arith.constant 0 : i32
    %c0_i32_0 = arith.constant 0 : i32
    %c0_i32_1 = arith.constant 0 : i32
    return %c0_i32, %c0_i32_0 : i32, i32
  }
  func.func @transform_3(%arg0: i32) -> (i32, i32) {
    %c0_i32 = arith.constant 0 : i32
    %c0_i32_0 = arith.constant 0 : i32
    return %arg0, %c0_i32 : i32, i32
  }
  func.func @transform_4(%arg0: i32) -> (i32, i32) {
    %c0_i32 = arith.constant 0 : i32
    %c0_i32_0 = arith.constant 0 : i32
    return %arg0, %c0_i32 : i32, i32
  }
}

module attributes {stable_mosaic.version = 14 : i64} {
  func.func @body(%arg0: i32, %arg1: memref<1000x128xf32, #tpu.memory_space<vmem>>, %arg2: memref<1000x128xf32, #tpu.memory_space<vmem>>, %arg3: memref<1000x128xf32, #tpu.memory_space<vmem>>, %arg4: memref<128x384xf32, #tpu.memory_space<vmem>>, %arg5: memref<1x384xf32, #tpu.memory_space<vmem>>, %arg6: memref<128x128xf32, #tpu.memory_space<vmem>>, %arg7: memref<128x384xf32, #tpu.memory_space<vmem>>, %arg8: memref<1x384xf32, #tpu.memory_space<vmem>>, %arg9: memref<1000x128xf32, #tpu.memory_space<vmem>>, %arg10: memref<1000x128xf32, #tpu.memory_space<vmem>>) attributes {dimension_semantics = [#tpu.dimension_semantics<arbitrary>], iteration_bounds = array<i64: 10>, scalar_prefetch = 0 : i64, scratch_operands = 0 : i64, tpu.core_type = #tpu.core_type<tc>, window_params = [{transform_indices = @transform_0, window_bounds = array<i64: 1000, 128>}, {transform_indices = @transform_1, window_bounds = array<i64: 1000, 128>}, {transform_indices = @transform_2, window_bounds = array<i64: 1000, 128>}, {pipeline_mode = #tpu.pipeline_mode<synchronous>, transform_indices = @transform_3, window_bounds = array<i64: 128, 384>}, {pipeline_mode = #tpu.pipeline_mode<synchronous>, transform_indices = @transform_4, window_bounds = array<i64: 1, 384>}, {pipeline_mode = #tpu.pipeline_mode<synchronous>, transform_indices = @transform_5, window_bounds = array<i64: 128, 128>}, {pipeline_mode = #tpu.pipeline_mode<synchronous>, transform_indices = @transform_6, window_bounds = array<i64: 128, 384>}, {pipeline_mode = #tpu.pipeline_mode<synchronous>, transform_indices = @transform_7, window_bounds = array<i64: 1, 384>}, {transform_indices = @transform_8, window_bounds = array<i64: 1000, 128>}, {transform_indices = @transform_9, window_bounds = array<i64: 1000, 128>}]} {
    %get3A = arith.constant 0 : index
    %get3A_0 = arith.constant 0 : index
    %get3A_1 = vector.load %arg1[%get3A, %get3A_0] : memref<1000x128xf32, #tpu.memory_space<vmem>>, vector<1000x128xf32>
    %get3A_2 = arith.constant 0 : index
    %get3A_3 = arith.constant 0 : index
    %get3A_4 = vector.load %arg2[%get3A_2, %get3A_3] : memref<1000x128xf32, #tpu.memory_space<vmem>>, vector<1000x128xf32>
    %get3A_5 = arith.constant 0 : index
    %get3A_6 = arith.constant 0 : index
    %get3A_7 = vector.load %arg3[%get3A_5, %get3A_6] : memref<1000x128xf32, #tpu.memory_space<vmem>>, vector<1000x128xf32>
    %get3A_8 = arith.constant 0 : index
    %get3A_9 = arith.constant 0 : index
    %get3A_10 = vector.load %arg4[%get3A_8, %get3A_9] : memref<128x384xf32, #tpu.memory_space<vmem>>, vector<128x384xf32>
    %get3A_11 = arith.constant 0 : index
    %get3A_12 = arith.constant 0 : index
    %get3A_13 = vector.load %arg5[%get3A_11, %get3A_12] : memref<1x384xf32, #tpu.memory_space<vmem>>, vector<1x384xf32>
    %get3A_14 = arith.constant 0 : index
    %get3A_15 = arith.constant 0 : index
    %get3A_16 = vector.load %arg7[%get3A_14, %get3A_15] : memref<128x384xf32, #tpu.memory_space<vmem>>, vector<128x384xf32>
    %get3A_17 = arith.constant 0 : index
    %get3A_18 = arith.constant 0 : index
    %get3A_19 = vector.load %arg8[%get3A_17, %get3A_18] : memref<1x384xf32, #tpu.memory_space<vmem>>, vector<1x384xf32>
    %add3A = arith.addf %get3A_1, %get3A_4 : vector<1000x128xf32>
    %dot_general3A = arith.constant dense<0.000000e+00> : vector<1000x384xf32>
    %dot_general3A_20 = tpu.matmul %add3A, %get3A_10, %dot_general3A {dimension_numbers = #tpu.dot_dimension_numbers<[1], [0], [0], [1], [0, 0, 1, 1], [], []>, transpose_lhs_hint = false} : vector<1000x128xf32>, vector<128x384xf32>, vector<1000x384xf32> -> vector<1000x384xf32>
    %add3A_21 = vector.broadcast %get3A_13 : vector<1x384xf32> to vector<1000x384xf32>
    %add3A_22 = arith.addf %dot_general3A_20, %add3A_21 : vector<1000x384xf32>
    %dot_general3A_23 = arith.constant dense<0.000000e+00> : vector<1000x384xf32>
    %dot_general3A_24 = tpu.matmul %get3A_7, %get3A_16, %dot_general3A_23 {dimension_numbers = #tpu.dot_dimension_numbers<[1], [0], [0], [1], [0, 0, 1, 1], [], []>, transpose_lhs_hint = false} : vector<1000x128xf32>, vector<128x384xf32>, vector<1000x384xf32> -> vector<1000x384xf32>
    %add3A_25 = vector.broadcast %get3A_19 : vector<1x384xf32> to vector<1000x384xf32>
    %add3A_26 = arith.addf %dot_general3A_24, %add3A_25 : vector<1000x384xf32>
    %slice3A = vector.extract_strided_slice %add3A_22 {offsets = [0, 0], sizes = [1000, 128], strides = [1, 1]} : vector<1000x384xf32> to vector<1000x128xf32>
    %slice3A_27 = vector.extract_strided_slice %add3A_26 {offsets = [0, 0], sizes = [1000, 128], strides = [1, 1]} : vector<1000x384xf32> to vector<1000x128xf32>
    %add3A_28 = arith.addf %slice3A, %slice3A_27 : vector<1000x128xf32>
    %logistic3A = arith.negf %add3A_28 : vector<1000x128xf32>
    %logistic3A_29 = math.exp %logistic3A : vector<1000x128xf32>
    %logistic3A_30 = arith.constant 1.000000e+00 : f32
    %logistic3A_31 = vector.broadcast %logistic3A_30 : f32 to vector<1000x128xf32>
    %logistic3A_32 = arith.addf %logistic3A_31, %logistic3A_29 : vector<1000x128xf32>
    %logistic3A_33 = arith.divf %logistic3A_31, %logistic3A_32 : vector<1000x128xf32>
    %slice3A_34 = vector.extract_strided_slice %add3A_22 {offsets = [0, 128], sizes = [1000, 128], strides = [1, 1]} : vector<1000x384xf32> to vector<1000x128xf32>
    %slice3A_35 = vector.extract_strided_slice %add3A_26 {offsets = [0, 128], sizes = [1000, 128], strides = [1, 1]} : vector<1000x384xf32> to vector<1000x128xf32>
    %add3A_36 = arith.addf %slice3A_34, %slice3A_35 : vector<1000x128xf32>
    %logistic3A_37 = arith.negf %add3A_36 : vector<1000x128xf32>
    %logistic3A_38 = math.exp %logistic3A_37 : vector<1000x128xf32>
    %logistic3A_39 = arith.constant 1.000000e+00 : f32
    %logistic3A_40 = vector.broadcast %logistic3A_39 : f32 to vector<1000x128xf32>
    %logistic3A_41 = arith.addf %logistic3A_40, %logistic3A_38 : vector<1000x128xf32>
    %logistic3A_42 = arith.divf %logistic3A_40, %logistic3A_41 : vector<1000x128xf32>
    %slice3A_43 = vector.extract_strided_slice %add3A_22 {offsets = [0, 256], sizes = [1000, 128], strides = [1, 1]} : vector<1000x384xf32> to vector<1000x128xf32>
    %slice3A_44 = vector.extract_strided_slice %add3A_26 {offsets = [0, 256], sizes = [1000, 128], strides = [1, 1]} : vector<1000x384xf32> to vector<1000x128xf32>
    %mul3A = arith.mulf %logistic3A_33, %slice3A_44 : vector<1000x128xf32>
    %add3A_45 = arith.addf %slice3A_43, %mul3A : vector<1000x128xf32>
    %tanh3A = math.tanh %add3A_45 : vector<1000x128xf32>
    %sub3A = arith.constant 1.000000e+00 : f32
    %sub3A_46 = vector.broadcast %sub3A : f32 to vector<1000x128xf32>
    %sub3A_47 = arith.subf %sub3A_46, %logistic3A_42 : vector<1000x128xf32>
    %mul3A_48 = arith.mulf %sub3A_47, %tanh3A : vector<1000x128xf32>
    %mul3A_49 = arith.mulf %logistic3A_42, %get3A_7 : vector<1000x128xf32>
    %add3A_50 = arith.addf %mul3A_48, %mul3A_49 : vector<1000x128xf32>
    %swap3A = arith.constant 0 : index
    %swap3A_51 = arith.constant 0 : index
    %swap3A_52 = vector.load %arg9[%swap3A, %swap3A_51] : memref<1000x128xf32, #tpu.memory_space<vmem>>, vector<1000x128xf32>
    tpu.vector_store %arg9[%swap3A, %swap3A_51], %add3A_50 {strides = array<i32>} : memref<1000x128xf32, #tpu.memory_space<vmem>>, vector<1000x128xf32>,
    %get3A_53 = arith.constant 0 : index
    %get3A_54 = arith.constant 0 : index
    %get3A_55 = vector.load %arg6[%get3A_53, %get3A_54] : memref<128x128xf32, #tpu.memory_space<vmem>>, vector<128x128xf32>
    %dot_general3A_56 = arith.constant dense<0.000000e+00> : vector<1000x128xf32>
    %dot_general3A_57 = tpu.matmul %add3A_50, %get3A_55, %dot_general3A_56 {dimension_numbers = #tpu.dot_dimension_numbers<[1], [0], [0], [1], [0, 0, 1, 1], [], []>, transpose_lhs_hint = false} : vector<1000x128xf32>, vector<128x128xf32>, vector<1000x128xf32> -> vector<1000x128xf32>
    %swap3A_58 = arith.constant 0 : index
    %swap3A_59 = arith.constant 0 : index
    %swap3A_60 = vector.load %arg10[%swap3A_58, %swap3A_59] : memref<1000x128xf32, #tpu.memory_space<vmem>>, vector<1000x128xf32>
    tpu.vector_store %arg10[%swap3A_58, %swap3A_59], %dot_general3A_57 {strides = array<i32>} : memref<1000x128xf32, #tpu.memory_space<vmem>>, vector<1000x128xf32>,
    return
  }
  func.func @transform_0(%arg0: i32) -> (i32, i32) {
    %c0_i32 = arith.constant 0 : i32
    %c0_i32_0 = arith.constant 0 : i32
    return %arg0, %c0_i32 : i32, i32
  }
  func.func @transform_1(%arg0: i32) -> (i32, i32) {
    %c0_i32 = arith.constant 0 : i32
    %c0_i32_0 = arith.constant 0 : i32
    return %arg0, %c0_i32 : i32, i32
  }
  func.func @transform_2(%arg0: i32) -> (i32, i32) {
    %c0_i32 = arith.constant 0 : i32
    %c0_i32_0 = arith.constant 0 : i32
    return %arg0, %c0_i32 : i32, i32
  }
  func.func @transform_3(%arg0: i32) -> (i32, i32) {
    %c0_i32 = arith.constant 0 : i32
    %c0_i32_0 = arith.constant 0 : i32
    %c0_i32_1 = arith.constant 0 : i32
    return %c0_i32, %c0_i32_0 : i32, i32
  }
  func.func @transform_4(%arg0: i32) -> (i32, i32) {
    %c0_i32 = arith.constant 0 : i32
    %c0_i32_0 = arith.constant 0 : i32
    %c0_i32_1 = arith.constant 0 : i32
    return %c0_i32, %c0_i32_0 : i32, i32
  }
  func.func @transform_5(%arg0: i32) -> (i32, i32) {
    %c0_i32 = arith.constant 0 : i32
    %c0_i32_0 = arith.constant 0 : i32
    %c0_i32_1 = arith.constant 0 : i32
    return %c0_i32, %c0_i32_0 : i32, i32
  }
  func.func @transform_6(%arg0: i32) -> (i32, i32) {
    %c0_i32 = arith.constant 0 : i32
    %c0_i32_0 = arith.constant 0 : i32
    %c0_i32_1 = arith.constant 0 : i32
    return %c0_i32, %c0_i32_0 : i32, i32
  }
  func.func @transform_7(%arg0: i32) -> (i32, i32) {
    %c0_i32 = arith.constant 0 : i32
    %c0_i32_0 = arith.constant 0 : i32
    %c0_i32_1 = arith.constant 0 : i32
    return %c0_i32, %c0_i32_0 : i32, i32
  }
  func.func @transform_8(%arg0: i32) -> (i32, i32) {
    %c0_i32 = arith.constant 0 : i32
    %c0_i32_0 = arith.constant 0 : i32
    return %arg0, %c0_i32 : i32, i32
  }
  func.func @transform_9(%arg0: i32) -> (i32, i32) {
    %c0_i32 = arith.constant 0 : i32
    %c0_i32_0 = arith.constant 0 : i32
    return %arg0, %c0_i32 : i32, i32
  }
}

module attributes {stable_mosaic.version = 14 : i64} {
  func.func @body(%arg0: i32, %arg1: memref<1000x128xf32, #tpu.memory_space<vmem>>, %arg2: memref<1000x128xf32, #tpu.memory_space<vmem>>, %arg3: memref<1000x128xf32, #tpu.memory_space<vmem>>, %arg4: memref<128x384xf32, #tpu.memory_space<vmem>>, %arg5: memref<1x384xf32, #tpu.memory_space<vmem>>, %arg6: memref<128x384xf32, #tpu.memory_space<vmem>>, %arg7: memref<1x384xf32, #tpu.memory_space<vmem>>, %arg8: memref<1x1x1000xi32, #tpu.memory_space<vmem>>, %arg9: memref<1x128xf32, #tpu.memory_space<vmem>>, %arg10: memref<1x1xf32, #tpu.memory_space<vmem>>, %arg11: memref<1x64xf32, #tpu.memory_space<vmem>>, %arg12: memref<64x128xf32, #tpu.memory_space<vmem>>, %arg13: memref<64x1xf32, #tpu.memory_space<vmem>>) attributes {dimension_semantics = [#tpu.dimension_semantics<arbitrary>], iteration_bounds = array<i64: 10>, scalar_prefetch = 0 : i64, scratch_operands = 2 : i64, tpu.core_type = #tpu.core_type<tc>, window_params = [{transform_indices = @transform_0, window_bounds = array<i64: 1000, 128>}, {transform_indices = @transform_1, window_bounds = array<i64: 1000, 128>}, {transform_indices = @transform_2, window_bounds = array<i64: 1000, 128>}, {pipeline_mode = #tpu.pipeline_mode<synchronous>, transform_indices = @transform_3, window_bounds = array<i64: 128, 384>}, {pipeline_mode = #tpu.pipeline_mode<synchronous>, transform_indices = @transform_4, window_bounds = array<i64: 1, 384>}, {pipeline_mode = #tpu.pipeline_mode<synchronous>, transform_indices = @transform_5, window_bounds = array<i64: 128, 384>}, {pipeline_mode = #tpu.pipeline_mode<synchronous>, transform_indices = @transform_6, window_bounds = array<i64: 1, 384>}, {transform_indices = @transform_7, window_bounds = array<i64: 1, 1, 1000>}, {pipeline_mode = #tpu.pipeline_mode<synchronous>, transform_indices = @transform_8, window_bounds = array<i64: 1, 128>}, {pipeline_mode = #tpu.pipeline_mode<synchronous>, transform_indices = @transform_9, window_bounds = array<i64: 1, 1>}, {pipeline_mode = #tpu.pipeline_mode<synchronous>, transform_indices = @transform_10, window_bounds = array<i64: 1, 64>}]} {
    %get3A = arith.constant 0 : index
    %get3A_0 = arith.constant 0 : index
    %get3A_1 = vector.load %arg1[%get3A, %get3A_0] : memref<1000x128xf32, #tpu.memory_space<vmem>>, vector<1000x128xf32>
    %get3A_2 = arith.constant 0 : index
    %get3A_3 = arith.constant 0 : index
    %get3A_4 = vector.load %arg2[%get3A_2, %get3A_3] : memref<1000x128xf32, #tpu.memory_space<vmem>>, vector<1000x128xf32>
    %get3A_5 = arith.constant 0 : index
    %get3A_6 = arith.constant 0 : index
    %get3A_7 = vector.load %arg3[%get3A_5, %get3A_6] : memref<1000x128xf32, #tpu.memory_space<vmem>>, vector<1000x128xf32>
    %get3A_8 = arith.constant 0 : index
    %get3A_9 = arith.constant 0 : index
    %get3A_10 = vector.load %arg4[%get3A_8, %get3A_9] : memref<128x384xf32, #tpu.memory_space<vmem>>, vector<128x384xf32>
    %get3A_11 = arith.constant 0 : index
    %get3A_12 = arith.constant 0 : index
    %get3A_13 = vector.load %arg5[%get3A_11, %get3A_12] : memref<1x384xf32, #tpu.memory_space<vmem>>, vector<1x384xf32>
    %get3A_14 = arith.constant 0 : index
    %get3A_15 = arith.constant 0 : index
    %get3A_16 = vector.load %arg6[%get3A_14, %get3A_15] : memref<128x384xf32, #tpu.memory_space<vmem>>, vector<128x384xf32>
    %get3A_17 = arith.constant 0 : index
    %get3A_18 = arith.constant 0 : index
    %get3A_19 = vector.load %arg7[%get3A_17, %get3A_18] : memref<1x384xf32, #tpu.memory_space<vmem>>, vector<1x384xf32>
    %add3A = arith.addf %get3A_1, %get3A_4 : vector<1000x128xf32>
    %dot_general3A = arith.constant dense<0.000000e+00> : vector<1000x384xf32>
    %dot_general3A_20 = tpu.matmul %add3A, %get3A_10, %dot_general3A {dimension_numbers = #tpu.dot_dimension_numbers<[1], [0], [0], [1], [0, 0, 1, 1], [], []>, transpose_lhs_hint = false} : vector<1000x128xf32>, vector<128x384xf32>, vector<1000x384xf32> -> vector<1000x384xf32>
    %add3A_21 = vector.broadcast %get3A_13 : vector<1x384xf32> to vector<1000x384xf32>
    %add3A_22 = arith.addf %dot_general3A_20, %add3A_21 : vector<1000x384xf32>
    %dot_general3A_23 = arith.constant dense<0.000000e+00> : vector<1000x384xf32>
    %dot_general3A_24 = tpu.matmul %get3A_7, %get3A_16, %dot_general3A_23 {dimension_numbers = #tpu.dot_dimension_numbers<[1], [0], [0], [1], [0, 0, 1, 1], [], []>, transpose_lhs_hint = false} : vector<1000x128xf32>, vector<128x384xf32>, vector<1000x384xf32> -> vector<1000x384xf32>
    %add3A_25 = vector.broadcast %get3A_19 : vector<1x384xf32> to vector<1000x384xf32>
    %add3A_26 = arith.addf %dot_general3A_24, %add3A_25 : vector<1000x384xf32>
    %slice3A = vector.extract_strided_slice %add3A_22 {offsets = [0, 0], sizes = [1000, 128], strides = [1, 1]} : vector<1000x384xf32> to vector<1000x128xf32>
    %slice3A_27 = vector.extract_strided_slice %add3A_26 {offsets = [0, 0], sizes = [1000, 128], strides = [1, 1]} : vector<1000x384xf32> to vector<1000x128xf32>
    %add3A_28 = arith.addf %slice3A, %slice3A_27 : vector<1000x128xf32>
    %logistic3A = arith.negf %add3A_28 : vector<1000x128xf32>
    %logistic3A_29 = math.exp %logistic3A : vector<1000x128xf32>
    %logistic3A_30 = arith.constant 1.000000e+00 : f32
    %logistic3A_31 = vector.broadcast %logistic3A_30 : f32 to vector<1000x128xf32>
    %logistic3A_32 = arith.addf %logistic3A_31, %logistic3A_29 : vector<1000x128xf32>
    %logistic3A_33 = arith.divf %logistic3A_31, %logistic3A_32 : vector<1000x128xf32>
    %slice3A_34 = vector.extract_strided_slice %add3A_22 {offsets = [0, 128], sizes = [1000, 128], strides = [1, 1]} : vector<1000x384xf32> to vector<1000x128xf32>
    %slice3A_35 = vector.extract_strided_slice %add3A_26 {offsets = [0, 128], sizes = [1000, 128], strides = [1, 1]} : vector<1000x384xf32> to vector<1000x128xf32>
    %add3A_36 = arith.addf %slice3A_34, %slice3A_35 : vector<1000x128xf32>
    %logistic3A_37 = arith.negf %add3A_36 : vector<1000x128xf32>
    %logistic3A_38 = math.exp %logistic3A_37 : vector<1000x128xf32>
    %logistic3A_39 = arith.constant 1.000000e+00 : f32
    %logistic3A_40 = vector.broadcast %logistic3A_39 : f32 to vector<1000x128xf32>
    %logistic3A_41 = arith.addf %logistic3A_40, %logistic3A_38 : vector<1000x128xf32>
    %logistic3A_42 = arith.divf %logistic3A_40, %logistic3A_41 : vector<1000x128xf32>
    %slice3A_43 = vector.extract_strided_slice %add3A_22 {offsets = [0, 256], sizes = [1000, 128], strides = [1, 1]} : vector<1000x384xf32> to vector<1000x128xf32>
    %slice3A_44 = vector.extract_strided_slice %add3A_26 {offsets = [0, 256], sizes = [1000, 128], strides = [1, 1]} : vector<1000x384xf32> to vector<1000x128xf32>
    %mul3A = arith.mulf %logistic3A_33, %slice3A_44 : vector<1000x128xf32>
    %add3A_45 = arith.addf %slice3A_43, %mul3A : vector<1000x128xf32>
    %tanh3A = math.tanh %add3A_45 : vector<1000x128xf32>
    %sub3A = arith.constant 1.000000e+00 : f32
    %sub3A_46 = vector.broadcast %sub3A : f32 to vector<1000x128xf32>
    %sub3A_47 = arith.subf %sub3A_46, %logistic3A_42 : vector<1000x128xf32>
    %mul3A_48 = arith.mulf %sub3A_47, %tanh3A : vector<1000x128xf32>
    %mul3A_49 = arith.mulf %logistic3A_42, %get3A_7 : vector<1000x128xf32>
    %add3A_50 = arith.addf %mul3A_48, %mul3A_49 : vector<1000x128xf32>
    %get3A_51 = arith.constant 0 : index
    %get3A_52 = arith.constant 0 : index
    %get3A_53 = arith.constant 0 : index
    %get3A_54 = vector.load %arg8[%get3A_51, %get3A_52, %get3A_53] : memref<1x1x1000xi32, #tpu.memory_space<vmem>>, vector<1x1x1000xi32>
    %get3A_55 = vector.shape_cast %get3A_54 : vector<1x1x1000xi32> to vector<1x1000xi32>
    %iota3A = tpu.iota {dimensions = array<i32: 0>} : vector<64x1000xi32>
    %eq3A = vector.broadcast %get3A_55 : vector<1x1000xi32> to vector<64x1000xi32>
    %eq3A_56 = arith.cmpi eq, %iota3A, %eq3A : vector<64x1000xi32>
    %convert_element_type3A = arith.extui %eq3A_56 : vector<64x1000xi1> to vector<64x1000xi32>
    %convert_element_type3A_57 = arith.sitofp %convert_element_type3A : vector<64x1000xi32> to vector<64x1000xf32>
    %eq3A_58 = arith.constant 0 : i32
    %eq3A_59 = arith.cmpi eq, %arg0, %eq3A_58 : i32
    %convert_element_type3A_60 = arith.extui %eq3A_59 : i1 to i32
    %cond3A = arith.constant 0 : i32
    %cond3A_61 = arith.cmpi ne, %convert_element_type3A_60, %cond3A : i32
    scf.if %cond3A_61 {
      %broadcast_in_dim3A_97 = arith.constant 0.000000e+00 : f32
      %broadcast_in_dim3A_98 = vector.broadcast %broadcast_in_dim3A_97 : f32 to vector<64x128xf32>
      %swap3A_99 = arith.constant 0 : index
      %swap3A_100 = arith.constant 0 : index
      %swap3A_101 = vector.load %arg12[%swap3A_99, %swap3A_100] : memref<64x128xf32, #tpu.memory_space<vmem>>, vector<64x128xf32>
      tpu.vector_store %arg12[%swap3A_99, %swap3A_100], %broadcast_in_dim3A_98 {strides = array<i32>} : memref<64x128xf32, #tpu.memory_space<vmem>>, vector<64x128xf32>,
      %broadcast_in_dim3A_102 = arith.constant 0.000000e+00 : f32
      %broadcast_in_dim3A_103 = vector.broadcast %broadcast_in_dim3A_102 : f32 to vector<64x1xf32>
      %swap3A_104 = arith.constant 0 : index
      %swap3A_105 = arith.constant 0 : index
      %swap3A_106 = vector.load %arg13[%swap3A_104, %swap3A_105] : memref<64x1xf32, #tpu.memory_space<vmem>>, vector<64x1xf32>
      tpu.vector_store %arg13[%swap3A_104, %swap3A_105], %broadcast_in_dim3A_103 {strides = array<i32>} : memref<64x1xf32, #tpu.memory_space<vmem>>, vector<64x1xf32>,
    } else {
    }
    %convert_element_type3A_62 = arith.truncf %convert_element_type3A_57 : vector<64x1000xf32> to vector<64x1000xbf16>
    %convert_element_type3A_63 = arith.truncf %add3A_50 : vector<1000x128xf32> to vector<1000x128xbf16>
    %convert_element_type3A_64 = arith.extf %convert_element_type3A_63 : vector<1000x128xbf16> to vector<1000x128xf32>
    %sub3A_65 = arith.subf %add3A_50, %convert_element_type3A_64 : vector<1000x128xf32>
    %convert_element_type3A_66 = arith.truncf %sub3A_65 : vector<1000x128xf32> to vector<1000x128xbf16>
    %convert_element_type3A_67 = arith.extf %convert_element_type3A_66 : vector<1000x128xbf16> to vector<1000x128xf32>
    %sub3A_68 = arith.subf %sub3A_65, %convert_element_type3A_67 : vector<1000x128xf32>
    %convert_element_type3A_69 = arith.truncf %sub3A_68 : vector<1000x128xf32> to vector<1000x128xbf16>
    %dot_general3A_70 = arith.constant dense<0.000000e+00> : vector<64x128xf32>
    %dot_general3A_71 = tpu.matmul %convert_element_type3A_62, %convert_element_type3A_69, %dot_general3A_70 {dimension_numbers = #tpu.dot_dimension_numbers<[1], [0], [0], [1], [0, 0, 1, 1], [], []>, transpose_lhs_hint = false} : vector<64x1000xbf16>, vector<1000x128xbf16>, vector<64x128xf32> -> vector<64x128xf32>
    %dot_general3A_72 = arith.constant dense<0.000000e+00> : vector<64x128xf32>
    %dot_general3A_73 = tpu.matmul %convert_element_type3A_62, %convert_element_type3A_66, %dot_general3A_72 {dimension_numbers = #tpu.dot_dimension_numbers<[1], [0], [0], [1], [0, 0, 1, 1], [], []>, transpose_lhs_hint = false} : vector<64x1000xbf16>, vector<1000x128xbf16>, vector<64x128xf32> -> vector<64x128xf32>
    %add3A_74 = arith.addf %dot_general3A_71, %dot_general3A_73 : vector<64x128xf32>
    %dot_general3A_75 = arith.constant dense<0.000000e+00> : vector<64x128xf32>
    %dot_general3A_76 = tpu.matmul %convert_element_type3A_62, %convert_element_type3A_63, %dot_general3A_75 {dimension_numbers = #tpu.dot_dimension_numbers<[1], [0], [0], [1], [0, 0, 1, 1], [], []>, transpose_lhs_hint = false} : vector<64x1000xbf16>, vector<1000x128xbf16>, vector<64x128xf32> -> vector<64x128xf32>
    %add3A_77 = arith.addf %add3A_74, %dot_general3A_76 : vector<64x128xf32>
    %get3A_78 = arith.constant 0 : index
    %get3A_79 = arith.constant 0 : index
    %get3A_80 = vector.load %arg12[%get3A_78, %get3A_79] : memref<64x128xf32, #tpu.memory_space<vmem>>, vector<64x128xf32>
    %add3A_81 = arith.addf %get3A_80, %add3A_77 : vector<64x128xf32>
    %swap3A = arith.constant 0 : index
    %swap3A_82 = arith.constant 0 : index
    %swap3A_83 = vector.load %arg12[%swap3A, %swap3A_82] : memref<64x128xf32, #tpu.memory_space<vmem>>, vector<64x128xf32>
    tpu.vector_store %arg12[%swap3A, %swap3A_82], %add3A_81 {strides = array<i32>} : memref<64x128xf32, #tpu.memory_space<vmem>>, vector<64x128xf32>,
    %get3A_84 = arith.constant 0 : index
    %get3A_85 = arith.constant 0 : index
    %get3A_86 = vector.load %arg13[%get3A_84, %get3A_85] : memref<64x1xf32, #tpu.memory_space<vmem>>, vector<64x1xf32>
    %reduce_sum3A = arith.constant dense<0.000000e+00> : vector<64xf32>
    %reduce_sum3A_87 = vector.multi_reduction <add>, %convert_element_type3A_57, %reduce_sum3A [1] : vector<64x1000xf32> to vector<64xf32>
    %broadcast_in_dim3A = vector.shape_cast %reduce_sum3A_87 : vector<64xf32> to vector<64x1xf32>
    %add3A_88 = arith.addf %get3A_86, %broadcast_in_dim3A : vector<64x1xf32>
    %swap3A_89 = arith.constant 0 : index
    %swap3A_90 = arith.constant 0 : index
    %swap3A_91 = vector.load %arg13[%swap3A_89, %swap3A_90] : memref<64x1xf32, #tpu.memory_space<vmem>>, vector<64x1xf32>
    tpu.vector_store %arg13[%swap3A_89, %swap3A_90], %add3A_88 {strides = array<i32>} : memref<64x1xf32, #tpu.memory_space<vmem>>, vector<64x1xf32>,
    %eq3A_92 = arith.constant 9 : i32
    %eq3A_93 = arith.cmpi eq, %arg0, %eq3A_92 : i32
    %convert_element_type3A_94 = arith.extui %eq3A_93 : i1 to i32
    %cond3A_95 = arith.constant 0 : i32
    %cond3A_96 = arith.cmpi ne, %convert_element_type3A_94, %cond3A_95 : i32
    scf.if %cond3A_96 {
      %get3A_97 = arith.constant 0 : index
      %get3A_98 = arith.constant 0 : index
      %get3A_99 = vector.load %arg12[%get3A_97, %get3A_98] : memref<64x128xf32, #tpu.memory_space<vmem>>, vector<64x128xf32>
      %get3A_100 = arith.constant 0 : index
      %get3A_101 = arith.constant 0 : index
      %get3A_102 = vector.load %arg13[%get3A_100, %get3A_101] : memref<64x1xf32, #tpu.memory_space<vmem>>, vector<64x1xf32>
      %max3A = arith.constant 1.000000e+00 : f32
      %max3A_103 = vector.broadcast %max3A : f32 to vector<64x1xf32>
      %max3A_104 = arith.maximumf %get3A_102, %max3A_103 : vector<64x1xf32>
      %div3A = vector.broadcast %max3A_104 : vector<64x1xf32> to vector<64x128xf32>
      %div3A_105 = arith.divf %get3A_99, %div3A : vector<64x128xf32>
      %max3A_106 = arith.constant 0.000000e+00 : f32
      %max3A_107 = vector.broadcast %max3A_106 : f32 to vector<64x128xf32>
      %max3A_108 = arith.maximumf %div3A_105, %max3A_107 : vector<64x128xf32>
      %get3A_109 = arith.constant 0 : index
      %get3A_110 = arith.constant 0 : index
      %get3A_111 = vector.load %arg9[%get3A_109, %get3A_110] : memref<1x128xf32, #tpu.memory_space<vmem>>, vector<1x128xf32>
      %dot_general3A_112 = arith.constant dense<0.000000e+00> : vector<1x64xf32>
      %dot_general3A_113 = tpu.matmul %get3A_111, %max3A_108, %dot_general3A_112 {dimension_numbers = #tpu.dot_dimension_numbers<[1], [1], [0], [0], [0, 0, 1, 0], [], []>, transpose_lhs_hint = false} : vector<1x128xf32>, vector<64x128xf32>, vector<1x64xf32> -> vector<1x64xf32>
      %get3A_114 = arith.constant 0 : index
      %get3A_115 = arith.constant 0 : index
      %get3A_116 = vector.load %arg10[%get3A_114, %get3A_115] : memref<1x1xf32, #tpu.memory_space<vmem>>, vector<1x1xf32>
      %add3A_117 = vector.broadcast %get3A_116 : vector<1x1xf32> to vector<1x64xf32>
      %add3A_118 = arith.addf %dot_general3A_113, %add3A_117 : vector<1x64xf32>
      %swap3A_119 = arith.constant 0 : index
      %swap3A_120 = arith.constant 0 : index
      %swap3A_121 = vector.load %arg11[%swap3A_119, %swap3A_120] : memref<1x64xf32, #tpu.memory_space<vmem>>, vector<1x64xf32>
      tpu.vector_store %arg11[%swap3A_119, %swap3A_120], %add3A_118 {strides = array<i32>} : memref<1x64xf32, #tpu.memory_space<vmem>>, vector<1x64xf32>,
    } else {
    }
    return
  }
  func.func @transform_0(%arg0: i32) -> (i32, i32) {
    %c0_i32 = arith.constant 0 : i32
    %c0_i32_0 = arith.constant 0 : i32
    return %arg0, %c0_i32 : i32, i32
  }
  func.func @transform_1(%arg0: i32) -> (i32, i32) {
    %c0_i32 = arith.constant 0 : i32
    %c0_i32_0 = arith.constant 0 : i32
    return %arg0, %c0_i32 : i32, i32
  }
  func.func @transform_2(%arg0: i32) -> (i32, i32) {
    %c0_i32 = arith.constant 0 : i32
    %c0_i32_0 = arith.constant 0 : i32
    return %arg0, %c0_i32 : i32, i32
  }
  func.func @transform_3(%arg0: i32) -> (i32, i32) {
    %c0_i32 = arith.constant 0 : i32
    %c0_i32_0 = arith.constant 0 : i32
    %c0_i32_1 = arith.constant 0 : i32
    return %c0_i32, %c0_i32_0 : i32, i32
  }
  func.func @transform_4(%arg0: i32) -> (i32, i32) {
    %c0_i32 = arith.constant 0 : i32
    %c0_i32_0 = arith.constant 0 : i32
    %c0_i32_1 = arith.constant 0 : i32
    return %c0_i32, %c0_i32_0 : i32, i32
  }
  func.func @transform_5(%arg0: i32) -> (i32, i32) {
    %c0_i32 = arith.constant 0 : i32
    %c0_i32_0 = arith.constant 0 : i32
    %c0_i32_1 = arith.constant 0 : i32
    return %c0_i32, %c0_i32_0 : i32, i32
  }
  func.func @transform_6(%arg0: i32) -> (i32, i32) {
    %c0_i32 = arith.constant 0 : i32
    %c0_i32_0 = arith.constant 0 : i32
    %c0_i32_1 = arith.constant 0 : i32
    return %c0_i32, %c0_i32_0 : i32, i32
  }
  func.func @transform_7(%arg0: i32) -> (i32, i32, i32) {
    %c0_i32 = arith.constant 0 : i32
    %c0_i32_0 = arith.constant 0 : i32
    %c0_i32_1 = arith.constant 0 : i32
    return %arg0, %c0_i32, %c0_i32_0 : i32, i32, i32
  }
  func.func @transform_8(%arg0: i32) -> (i32, i32) {
    %c0_i32 = arith.constant 0 : i32
    %c0_i32_0 = arith.constant 0 : i32
    %c0_i32_1 = arith.constant 0 : i32
    return %c0_i32, %c0_i32_0 : i32, i32
  }
  func.func @transform_9(%arg0: i32) -> (i32, i32) {
    %c0_i32 = arith.constant 0 : i32
    %c0_i32_0 = arith.constant 0 : i32
    %c0_i32_1 = arith.constant 0 : i32
    return %c0_i32, %c0_i32_0 : i32, i32
  }
  func.func @transform_10(%arg0: i32) -> (i32, i32) {
    %c0_i32 = arith.constant 0 : i32
    %c0_i32_0 = arith.constant 0 : i32
    %c0_i32_1 = arith.constant 0 : i32
    return %c0_i32, %c0_i32_0 : i32, i32
  }
}

</mosaic_0001>

<sc_bundles>
// kernel: kernel.11.cloned.1.call-start
scs
__scs_entry_jumppad:
0x0: {  	(pc) =	sbr.rel $0x88, $3  }
0x1: {  	(tag) =	ssettag $0x0;
	lr =	simm.s32 $0x1  }
0x2: {  	[smem:$0x3F96] =	sst lr;
	_ =	strace $0xD0000000  }
0x3: {  	_ = 	snop  }
0x4: {  	_ = 	snop  }
0x5: {  	_ = 	snop  }
0x6: {  	_ = 	snop  }
0x7: {  	_ = 	snop  }
__scs_overlays_trampoline_lowered:
0x8: {  	[smem:$0x3FA5] =	sst s0  }
0x9: {  	[smem:$0x3FA6] =	sst s1  }
0xa: {  	[smem:$0x3FA7] =	sst s2  }
0xb: {  	[smem:$0x3FA8] =	sst s3  }
0xc: {  	[smem:$0x3FA9] =	sst s4  }
0xd: {  	[smem:$0x3FAA] =	sst s5  }
0xe: {  	[smem:$0x3FAB] =	sst s6  }
0xf: {  	[smem:$0x3FAC] =	sst s7  }
0x10: {  	[smem:$0x3FAD] =	sst s8  }
0x11: {  	[smem:$0x3FAE] =	sst s9;
	s0 =	simm.s32 @!p0 $0x0  }
0x12: {  	s1 =	sld [smem:$0x3F94];
	s0 =	simm.s32 @p0 $0x1  }
0x13: {  	[smem:$0x3FAF] =	sst s0;
	s0 =	simm.s32 @!p1 $0x0  }
0x14: {  	s2 =	sld [smem:$0x3F93];
	s0 =	simm.s32 @p1 $0x1  }
0x15: {  	[smem:$0x3FB0] =	sst s0;
	s0 =	simm.s32 @!p2 $0x0  }
0x16: {  	s3 =	sld [smem:$0x3FDB];
	s0 =	simm.s32 @p2 $0x1  }
0x17: {  	s4 =	simm.s32 $0x1BF5;
	[smem:$0x3FB2] =	sst s0  }
0x18: {  	s0 =	sld [smem:$0x3F95];
	_ =	swait.ge [sflag:s4], $0x0  }
0x19: {  	s7 =	sld [smem:$0x3F96]  }
0x1a: {  	s8 =	sadd.s32 $0xFFFFE003, lr  }
0x1b: {  	s9 =	sadd.s32 $0xFFFFFEF7, lr;
	s5 =	simm.s32 $0xFFFFFFFF;
	p2 =	slt.u32 s8, $0xFFFFF086  }
0x1c: {  	p1 =	slt.u32 s9, $0xF7A;
	s5 =	simm.s32 @!p2 $0x0  }
0x1d: {  	s5 =	simm.s32 @p1 $0x1;
	p0 =	seq.s32 s7, s2  }
0x1e: {  	s7 =	smul.u32 @!p0 $0xF7A, s2;
	p2 =	seq.s32 @!p0 s5, $0x0  }
0x1f: {  	s9 =	smul.u32 $0xF7A, s1;
	s8 =	simm.s32 @!p0 $0x1BF5;
	p2 =	por !p2, p0  }
0x20: {  	[sflag:s8] =	ssyncset.s32 @!p0 $0xFFFFF086;
	s6 =	sadd.s32 @!p0 s3, s7;
	s7 =	simm.s32 @!p0 $0x108  }
0x21: {  	s3 =	sadd.s32 s3, s9;
	s6 =	sadd.s32 @!p0 $0x88, s6;
	s7 =	simm.s32 @p2 $0x1082  }
0x22: {  	[simem:s7], [sflag:s8] =	dma.local @!p0 [hbm:s6], $0xF7A  }
0x23: {  	s9 =	sor.u32 $0xD0000000, s2;
	s6 =	simm.s32 $0x108;
	_ =	swait.ge @!p0 [sflag:s8], $0x0  }
0x24: {  	s3 =	sadd.s32 $0x88, s3;
	s6 =	simm.s32 @!p1 $0x1082;
	[sflag:s4] =	ssyncset.s32 $0xFFFFF086  }
0x25: {  	[simem:s6], [sflag:s4] =	dma.local [hbm:s3], $0xF7A  }
0x26: {  	[smem:$0x3F96] =	sst s1;
	(tag) =	ssettag s2;
	_ =	strace s9  }
0x27: {  	s1 =	sld [smem:$0x3FA6]  }
0x28: {  	s2 =	sld [smem:$0x3FA7]  }
0x29: {  	s4 =	sld [smem:$0x3FA9]  }
0x2a: {  	p0 =	seq.s32 s5, $0x0;
	s5 =	sld [smem:$0x3FAA]  }
0x2b: {  	s6 =	sld [smem:$0x3FAB]  }
0x2c: {  	s7 =	sld [smem:$0x3FAC]  }
0x2d: {  	s3 =	simm.s32 $0x108;
	s8 =	sld [smem:$0x3FAD]  }
0x2e: {  	s3 =	simm.s32 @!p0 $0x1082;
	s9 =	sld [smem:$0x3FAE]  }
0x2f: {  	lr =	sadd.s32 s0, s3;
	s0 =	sld [smem:$0x3FA5]  }
0x30: {  	s3 =	sld [smem:$0x3FA8]  }
0x31: {  	[smem:$0x3FB1] =	sst s10  }
0x32: {  	s10 =	sld [smem:$0x3FAF];
	_ =	sdelay $0x3  }
0x33: {  	p0 =	seq.s32 s10, $0x1;
	s10 =	sld [smem:$0x3FB1];
	_ =	sdelay $0x3  }
0x34: {  	[smem:$0x3FB1] =	sst s10  }
0x35: {  	s10 =	sld [smem:$0x3FB0];
	_ =	sdelay $0x3  }
0x36: {  	p1 =	seq.s32 s10, $0x1;
	s10 =	sld [smem:$0x3FB1];
	_ =	sdelay $0x3  }
0x37: {  	[smem:$0x3FB1] =	sst s10  }
0x38: {  	s10 =	sld [smem:$0x3FB2]  }
0x39: {  	_ = 	snop;
	(pc) =	sbr.ind lr, $3  }
0x3a: {  	_ = 	snop  }
0x3b: {  	_ = 	snop  }
0x3c: {  	p2 =	seq.s32 s10, $0x1;
	s10 =	sld [smem:$0x3FB1]  }
0x3d: {  	_ =	shalt  }
0x3e: {  	_ =	shalt  }
0x3f: {  	_ =	shalt  }
0x40: {  	_ =	shalt  }
0x41: {  	_ =	shalt  }
0x42: {  	_ =	shalt  }
0x43: {  	_ =	shalt  }
0x44: {  	_ =	shalt  }
0x45: {  	_ =	shalt  }
0x46: {  	_ =	shalt  }
0x47: {  	_ =	shalt  }
0x48: {  	_ =	shalt  }
0x49: {  	_ =	shalt  }
0x4a: {  	_ =	shalt  }
0x4b: {  	_ =	shalt  }
0x4c: {  	_ =	shalt  }
0x4d: {  	_ =	shalt  }
0x4e: {  	_ =	shalt  }
0x4f: {  	_ =	shalt  }
0x50: {  	_ =	shalt  }
0x51: {  	_ =	shalt  }
0x52: {  	_ =	shalt  }
0x53: {  	_ =	shalt  }
0x54: {  	_ =	shalt  }
0x55: {  	_ =	shalt  }
0x56: {  	_ =	shalt  }
0x57: {  	_ =	shalt  }
0x58: {  	_ =	shalt  }
0x59: {  	_ =	shalt  }
0x5a: {  	_ =	shalt  }
0x5b: {  	_ =	shalt  }
0x5c: {  	_ =	shalt  }
0x5d: {  	_ =	shalt  }
0x5e: {  	_ =	shalt  }
0x5f: {  	_ =	shalt  }
0x60: {  	_ =	shalt  }
0x61: {  	_ =	shalt  }
0x62: {  	_ =	shalt  }
0x63: {  	_ =	shalt  }
0x64: {  	_ =	shalt  }
0x65: {  	_ =	shalt  }
0x66: {  	_ =	shalt  }
0x67: {  	_ =	shalt  }
0x68: {  	_ =	shalt  }
0x69: {  	_ =	shalt  }
0x6a: {  	_ =	shalt  }
0x6b: {  	_ =	shalt  }
0x6c: {  	_ =	shalt  }
0x6d: {  	_ =	shalt  }
0x6e: {  	_ =	shalt  }
0x6f: {  	_ =	shalt  }
0x70: {  	_ =	shalt  }
0x71: {  	_ =	shalt  }
0x72: {  	_ =	shalt  }
0x73: {  	_ =	shalt  }
0x74: {  	_ =	shalt  }
0x75: {  	_ =	shalt  }
0x76: {  	_ =	shalt  }
0x77: {  	_ =	shalt  }
0x78: {  	_ =	shalt  }
0x79: {  	_ =	shalt  }
0x7a: {  	_ =	shalt  }
0x7b: {  	_ =	shalt  }
0x7c: {  	_ =	shalt  }
0x7d: {  	_ =	shalt  }
0x7e: {  	_ =	shalt  }
0x7f: {  	_ =	shalt  }
0x80: {  	_ =	shalt  }
0x81: {  	_ =	shalt  }
0x82: {  	_ =	shalt  }
0x83: {  	_ =	shalt  }
0x84: {  	_ =	shalt  }
0x85: {  	_ =	shalt  }
0x86: {  	_ =	shalt  }
0x87: {  	_ =	shalt  }
.Lfunc_end0:
.L_simem_size_0:
called_computation_lowered:
.L_overlay_start_0:
0x88: {  	s2 =	sld [smem:$0x3FD9]  }
0x89: {  	s3 =	sld [smem:$0x3FFE];
	_ =	sdelay $0x1  }
0x8a: {  	s1 =	srdreg.scid  }
0x8b: {  	s0 =	sand.u32 $0x1, s1  }
0x8c: {  	s16 =	sshll.u32 s0, $0xA;
	s2 =	sadd.s32 s3, s2  }
0x8d: {  	s2 =	sadd.s32 s2, s16  }
0x8e: {  	[smem:$0x3FBD] =	sst s2  }
0x8f: {  	_ = 	snop  }
0x90: {  	(tm) =	ssettm $0x1  }
0x91: {  	s17 =	sld [smem:$0x3FFB];
	_ =	sdelay $0x3  }
0x92: {  	_ =	strace s17  }
0x93: {  	s2 =	sld [smem:$0x3FFC];
	_ =	sdelay $0x3  }
0x94: {  	_ =	strace s2  }
0x95: {  	s2 =	sld [smem:$0x3FFD];
	_ =	sdelay $0x3  }
0x96: {  	_ =	strace s2  }
0x97: {  	_ =	strace $0x8FFFFFFF  }
0x98: {  	s18 =	sld [smem:$0x3FDB];
	_ =	sdelay $0x1  }
0x99: {  	s19 =	simm.s32 $_scs_section_size  }
0x9a: {  	s4 =	simm.s32 $_size__tile_overlayer_lowered;
	s5 =	simm.s32 $_tile_overlayer_lowered  }
0x9b: {  	s22 =	simm.s32 $0x1BFF;
	s21 =	sshll.u32 s5, $0x1;
	s2 =	sadd.s32 s19, s18  }
0x9c: {  	s6 =	simm.s32 $0x0;
	s20 =	sshll.u32 s4, $0x1;
	s4 =	sadd.s32 s21, s2  }
0x9d: {  	[timem:s6], [sflag:s22] =	dma.local [hbm:s4], s20  }
0x9e: {  	_ =	swait.ge [sflag:s22], s20  }
0x9f: {  	s3 =	ssub.s32 $0x0, s20;
	[sflag:s22] =	ssyncset.done $0x0  }
0xa0: {  	[sflag:s22] =	ssyncadd.s32 s3;
	_ =	sdelay $0x1  }
0xa1: {  	s23 =	simm.s32 $0x1B8B  }
0xa2: {  	_ =	swait.ge [sflag:s23], $0x1  }
0xa3: {  	[sflag:s23] =	ssyncset.done $0x0  }
0xa4: {  	s25 =	simm.s32 $0x1B8E;
	s24 =	sld [smem:$0x3FFE];
	[sflag:s23] =	ssyncadd.s32 $0xFFFFFFFF  }
0xa5: {  	s26 =	simm.s32 $execute0_lowered;
	[smem:$0x3FD2] =	sst s25  }
0xa6: {  	s4 =	sshll.u32 s26, $0x1;
	_ =	strace $0x80000046;
	[dreg:$0x1] =	wrdreg $0xFFFFFFFF  }
0xa7: {  	s28 =	simm.s32 $_size_execute0_lowered;
	s2 =	sadd.s32 s2, s4;
	[dreg:$0x0] =	wrdreg $0x0  }
0xa8: {  	s4 =	sshll.u32 s28, $0x1;
	[dreg:$0x2] =	wrdreg s2  }
0xa9: {  	[dreg:$0x3] =	wrdreg s4  }
0xaa: {  	[dreg:$0x4] =	wrdreg $0xC0  }
0xab: {  	_ =	task [dreg:s6], $0x5FFFF  }
0xac: {  	[dreg:$0x1] =	wrdreg $0xFFFFFFFF  }
0xad: {  	[dreg:$0x0] =	wrdreg $0x60  }
0xae: {  	[dreg:$0x2] =	wrdreg s24  }
0xaf: {  	[dreg:$0x3] =	wrdreg $0xA0000  }
0xb0: {  	[dreg:$0x4] =	wrdreg $0x9  }
0xb1: {  	_ =	task.clear_ibuf [dreg:s6], $0x5FFFF;
	_ =	strace $0x90000046  }
0xb2: {  	s29 =	simm.s32 $0x9;
	_ =	strace $0x80000048  }
0xb3: {  	_ =	swait.ge [sflag:s29], $0x1  }
0xb4: {  	[sflag:s29] =	ssyncadd.s32 $0xFFFFFFFF  }
0xb5: {  	_ =	strace $0x90000048  }
0xb6: {  	_ =	sfence  }
0xb7: {  	s30 =	sld [smem:$0x0];
	_ =	sdelay $0x2  }
0xb8: {  	s31 =	sshll.u32 s1, $0xD;
	s1 =	sshrl.u32 s1, $0x2  }
0xb9: {  	s3 =	sand.u32 $0x4000, s31;
	s1 =	sadd.s32 s1, s30  }
0xba: {  	s0 =	sor.u32 s3, s0;
	s1 =	sshll.u32 s1, $0x11  }
0xbb: {  	s0 =	sor.u32 s1, s0  }
0xbc: {  	s0 =	sadd.s32 $0x8F2B, s0  }
0xbd: {  	[sflag:s0] =	ssyncadd.remote.s32 $0x1  }
0xbe: {  	_ =	sfence.sel $0xFFFF  }
0xbf: {  	[dreg:$0x0] =	wrdreg $0xFFFFFFFF;
	(pc) =	sbr.abs _section_cstart, $3  }
0xc0: {  	[dreg:$0x1] =	wrdreg $0xFFFFFFFF  }
0xc1: {  	_ =	task.clear_ibuf [dreg:s6], $0x2FFFF;
	_ =	strace $0x9FFFFFFF  }
0xc2: {  	(tm) =	ssettm $0x7FFFFFFF  }
0xc3: {  	_ =	shalt  }
tec
execute0_lowered:
.L_overlay_start_1:
0x0: {  	(tag) =	ssettag $0x1  }
0x1: {  	s12 =	rddreg [dreg:$0x0]  }
0x2: {  	s1 =	rddreg [dreg:$0x1]  }
0x3: {  	s0 =	rddreg [dreg:$0x2];
	s2 =	simm.s32 $0x0;
	s5 =	srdreg.scid  }
0x4: {  	s3 =	stileid.u32;
	s18 =	simm.s32 $0x1;
	s19 =	simm.s32 $0x6C00  }
0x5: {  	s20 =	simm.s32 $0x1880;
	s21 =	simm.s32 $0x3400;
	s22 =	simm.s32 $0x3480  }
0x6: {  	s23 =	simm.s32 $0x0;
	[smem:$0x7FF] =	sst s2;
	s4 =	sadd.s32 $0x20200, s12  }
0x7: {  	s9 =	sadd.s32 $0x4200, s12;
	s10 =	sand.u32 $0x1, s5;
	s11 =	sadd.s32 $0x12200, s12  }
0x8: {  	s29 =	sshll.u32 s3, $0x2;
	s8 =	smul.u32 $0x50000, s3;
	s5 =	sadd.s32 $0x47400, s12  }
0x9: {  	s15 =	sshll.u32 s3, $0x6;
	s31 =	smul.u32 $0x2800, s3;
	s6 =	sshll.u32 s10, $0x1  }
0xa: {  	_ =	strace $0x80000047;
	s7 =	ssub.s32 $0x2, s10;
	s6 =	sor.u32 s6, s29  }
0xb: {  	p0 =	seq.s32 s10, $0x1;
	s13 =	sshrl.u32 s7, $0x1;
	s14 =	smul.u32 $0x380, s6  }
0xc: {  	s8 =	sshrl.u32 s8, $0x2;
	s16 =	smul.u32 $0x1C00, s6;
	s13 =	ssub.s32 s7, s13  }
0xd: {  	s17 =	sadd.s32 s8, s1;
	s6 =	sor.u32 $0x1C02, s15;
	s15 =	simm.s32 $0x71C00  }
0xe: {  	s15 =	simm.s32 @!p0 $0x49C00;
	s7 =	sadd.s32 s9, s14;
	s8 =	sadd.s32 s11, s14  }
0xf: {  	s30 =	sshrl.u32 s16, $0x3;
	s12 =	sadd.s32 s15, s12;
	s15 =	simm.s32 $0x1C00  }
0x10: {  	s16 =	simm.s32 $0x64;
	s14 =	sadd.s32 $0x380, s30;
	s12 =	sadd.s32 s12, s31  }
0x11: {  	s9 =	sadd.s32 s9, s14;
	s10 =	sadd.s32 s11, s14;
	s11 =	smax.u32 s13, $0x1  }
0x12: {  	s13 =	sshrl.u32 s17, $0x3;
	s14 =	simm.s32 $0x2;
	s17 =	simm.s32 $0x3800  }
.LBB2_1:
0x13: {  	[spmem:s13], [sflag:s6] =	dma.local [hbm:s5], $0x2800  }
0x14: {  	_ =	swait.ge [sflag:s14], $0x2800  }
0x15: {  	[sflag:s14] =	ssyncset.done $0x0  }
0x16: {  	[sflag:s14] =	ssyncadd.s32 $0xFFFFD800  }
0x17: {  	[bflag:$0x0] =	sbarrier.arrive $0xFFFF  }
0x18: {  	[tilespmem:s2], [sflag:$0x2] =	stream.linear.gather [hbm4b:s7+s2], $0x1900, $0x38;
	[tilespmem:$0x1E000] =	vst v63  }
0x19: {  	_ =	swait.ge [sflag:s14], $0x1900  }
0x1a: {  	[sflag:s14] =	ssyncset.done $0x0  }
0x1b: {  	[sflag:s14] =	ssyncadd.s32 $0xFFFFE700  }
0x1c: {  	[tilespmem:s15], [sflag:$0x2] =	stream.linear.gather [hbm4b:s8+s2], $0x1900, $0x38;
	[tilespmem:$0x1E000] =	vst v63  }
0x1d: {  	_ =	swait.ge [sflag:s14], $0x1900  }
0x1e: {  	[sflag:s14] =	ssyncset.done $0x0  }
0x1f: {  	[sflag:s14] =	ssyncadd.s32 $0xFFFFE700  }
0x20: {  	[tilespmem:s17], [sflag:$0x1] =	stream.indirect.gather [hbm4b:s4+s16], $0x80, s2, s16, $0xb8;
	[tilespmem:$0x1E000] =	vst v63  }
0x21: {  	_ =	swait.ge [sflag:s18], $0x3200  }
0x22: {  	[sflag:s18] =	ssyncset.done $0x0  }
0x23: {  	s24 =	simm.s32 $0x80;
	[sflag:s18] =	ssyncadd.s32 $0xFFFFCE00  }
0x24: {  	[tilespmem:s19], [sflag:$0x1] =	stream.indirect.gather [hbm4b:s4+s16], $0x80, s24, s16, $0xb8;
	[tilespmem:$0x1E000] =	vst v63  }
0x25: {  	s29 =	simm.s32 $0x1C00  }
0x26: {  	[spmem:s1] =	stream.indirect.scatter.add.f32 [tilespmem:s17], [sflag:$0x2], $0x80, s29, s16, $0xb8;
	[tilespmem:$0x1E000] =	vst v63  }
0x27: {  	_ =	swait.ge [sflag:s14], $0x3200  }
0x28: {  	[sflag:s14] =	ssyncset.done $0x0  }
0x29: {  	[sflag:s14] =	ssyncadd.s32 $0xFFFFCE00  }
0x2a: {  	_ =	swait.ge [sflag:s18], $0x3200  }
0x2b: {  	[sflag:s18] =	ssyncset.done $0x0  }
0x2c: {  	s30 =	simm.s32 $0x100;
	[sflag:s18] =	ssyncadd.s32 $0xFFFFCE00  }
0x2d: {  	[tilespmem:s17], [sflag:$0x1] =	stream.indirect.gather [hbm4b:s4+s16], $0x80, s30, s16, $0xb8;
	[tilespmem:$0x1E000] =	vst v63  }
0x2e: {  	s31 =	simm.s32 $0x1C80  }
0x2f: {  	[spmem:s1] =	stream.indirect.scatter.add.f32 [tilespmem:s19], [sflag:$0x2], $0x80, s31, s16, $0xb8;
	[tilespmem:$0x1E000] =	vst v63  }
0x30: {  	_ =	swait.ge [sflag:s14], $0x3200  }
0x31: {  	s24 =	simm.s32 $0x400;
	[sflag:s14] =	ssyncset.done $0x0  }
.LBB2_2:
0x32: {  	p0 =	sne.s32 s24, $0x5C00  }
0x33: {  	[sflag:s14] =	ssyncadd.s32 $0xFFFFCE00;
	s25 =	smov.u32 s24;
	s24 =	sadd.s32 $0x400, s24  }
0x34: {  	_ = 	snop  }
0x35: {  	_ =	swait.ge [sflag:s18], $0x3200  }
0x36: {  	s25 =	sshra.s32 s25, $0x2;
	[sflag:s18] =	ssyncset.done $0x0  }
0x37: {  	s26 =	sadd.s32 $0x80, s25;
	[sflag:s18] =	ssyncadd.s32 $0xFFFFCE00  }
0x38: {  	[tilespmem:s19], [sflag:$0x1] =	stream.indirect.gather [hbm4b:s4+s16], $0x80, s26, s16, $0xb8;
	[tilespmem:$0x1E000] =	vst v63  }
0x39: {  	s26 =	sadd.s32 $0x1C00, s25  }
0x3a: {  	[spmem:s1] =	stream.indirect.scatter.add.f32 [tilespmem:s17], [sflag:$0x2], $0x80, s26, s16, $0xb8;
	[tilespmem:$0x1E000] =	vst v63  }
0x3b: {  	_ =	swait.ge [sflag:s14], $0x3200  }
0x3c: {  	[sflag:s14] =	ssyncset.done $0x0  }
0x3d: {  	[sflag:s14] =	ssyncadd.s32 $0xFFFFCE00  }
0x3e: {  	_ =	swait.ge [sflag:s18], $0x3200  }
0x3f: {  	[sflag:s18] =	ssyncset.done $0x0  }
0x40: {  	s26 =	sadd.s32 $0x100, s25;
	[sflag:s18] =	ssyncadd.s32 $0xFFFFCE00  }
0x41: {  	[tilespmem:s17], [sflag:$0x1] =	stream.indirect.gather [hbm4b:s4+s16], $0x80, s26, s16, $0xb8;
	[tilespmem:$0x1E000] =	vst v63  }
.Ltmp0:
0x42: {  	_ = 	snop;
	(pc) =	sbr.rel @p0 .LBB2_2-.Ltmp0, $4  }
0x43: {  	s25 =	sadd.s32 $0x1C80, s25  }
0x44: {  	[spmem:s1] =	stream.indirect.scatter.add.f32 [tilespmem:s19], [sflag:$0x2], $0x80, s25, s16, $0xb8;
	[tilespmem:$0x1E000] =	vst v63  }
0x45: {  	_ =	swait.ge [sflag:s14], $0x3200  }
0x46: {  	[sflag:s14] =	ssyncset.done $0x0  }
0x47: {  	[sflag:s14] =	ssyncadd.s32 $0xFFFFCE00  }
0x48: {  	_ =	swait.ge [sflag:s18], $0x3200  }
0x49: {  	[sflag:s18] =	ssyncset.done $0x0  }
0x4a: {  	[sflag:s18] =	ssyncadd.s32 $0xFFFFCE00  }
0x4b: {  	[tilespmem:s19], [sflag:$0x1] =	stream.indirect.gather [hbm4b:s4+s16], $0x80, s20, s16, $0xb8;
	[tilespmem:$0x1E000] =	vst v63  }
0x4c: {  	_ = 	snop  }
0x4d: {  	[spmem:s1] =	stream.indirect.scatter.add.f32 [tilespmem:s17], [sflag:$0x2], $0x80, s21, s16, $0xb8;
	[tilespmem:$0x1E000] =	vst v63  }
0x4e: {  	_ =	swait.ge [sflag:s14], $0x3200  }
0x4f: {  	[sflag:s14] =	ssyncset.done $0x0  }
0x50: {  	[sflag:s14] =	ssyncadd.s32 $0xFFFFCE00  }
0x51: {  	_ =	swait.ge [sflag:s18], $0x3200  }
0x52: {  	[sflag:s18] =	ssyncset.done $0x0  }
0x53: {  	[sflag:s18] =	ssyncadd.s32 $0xFFFFCE00  }
0x54: {  	[spmem:s1] =	stream.indirect.scatter.add.f32 [tilespmem:s19], [sflag:$0x2], $0x80, s22, s16, $0xb8;
	[tilespmem:$0x1E000] =	vst v63  }
0x55: {  	_ =	swait.ge [sflag:s14], $0x3200  }
0x56: {  	[sflag:s14] =	ssyncset.done $0x0  }
0x57: {  	s24 =	simm.s32 $0x0;
	[sflag:s14] =	ssyncadd.s32 $0xFFFFCE00  }
0x58: {  	[tilespmem:s24], [sflag:$0x2] =	stream.linear.gather [hbm4b:s9+s24], $0x1900, $0x38;
	[tilespmem:$0x1E000] =	vst v63  }
0x59: {  	_ =	swait.ge [sflag:s14], $0x1900  }
0x5a: {  	[sflag:s14] =	ssyncset.done $0x0  }
0x5b: {  	[sflag:s14] =	ssyncadd.s32 $0xFFFFE700  }
0x5c: {  	[tilespmem:s15], [sflag:$0x2] =	stream.linear.gather [hbm4b:s10+s24], $0x1900, $0x38;
	[tilespmem:$0x1E000] =	vst v63  }
0x5d: {  	_ =	swait.ge [sflag:s14], $0x1900  }
0x5e: {  	[sflag:s14] =	ssyncset.done $0x0  }
0x5f: {  	[sflag:s14] =	ssyncadd.s32 $0xFFFFE700  }
0x60: {  	[tilespmem:s17], [sflag:$0x1] =	stream.indirect.gather [hbm4b:s4+s16], $0x80, s24, s16, $0xb8;
	[tilespmem:$0x1E000] =	vst v63  }
0x61: {  	_ =	swait.ge [sflag:s18], $0x3200  }
0x62: {  	[sflag:s18] =	ssyncset.done $0x0  }
0x63: {  	s28 =	simm.s32 $0x80;
	[sflag:s18] =	ssyncadd.s32 $0xFFFFCE00  }
0x64: {  	[tilespmem:s19], [sflag:$0x1] =	stream.indirect.gather [hbm4b:s4+s16], $0x80, s28, s16, $0xb8;
	[tilespmem:$0x1E000] =	vst v63  }
0x65: {  	s29 =	simm.s32 $0x1C00  }
0x66: {  	[spmem:s1] =	stream.indirect.scatter.add.f32 [tilespmem:s17], [sflag:$0x2], $0x80, s29, s16, $0xb8;
	[tilespmem:$0x1E000] =	vst v63  }
0x67: {  	_ =	swait.ge [sflag:s14], $0x3200  }
0x68: {  	[sflag:s14] =	ssyncset.done $0x0  }
0x69: {  	[sflag:s14] =	ssyncadd.s32 $0xFFFFCE00  }
0x6a: {  	_ =	swait.ge [sflag:s18], $0x3200  }
0x6b: {  	[sflag:s18] =	ssyncset.done $0x0  }
0x6c: {  	s30 =	simm.s32 $0x100;
	[sflag:s18] =	ssyncadd.s32 $0xFFFFCE00  }
0x6d: {  	[tilespmem:s17], [sflag:$0x1] =	stream.indirect.gather [hbm4b:s4+s16], $0x80, s30, s16, $0xb8;
	[tilespmem:$0x1E000] =	vst v63  }
0x6e: {  	s31 =	simm.s32 $0x1C80  }
0x6f: {  	[spmem:s1] =	stream.indirect.scatter.add.f32 [tilespmem:s19], [sflag:$0x2], $0x80, s31, s16, $0xb8;
	[tilespmem:$0x1E000] =	vst v63  }
0x70: {  	_ =	swait.ge [sflag:s14], $0x3200  }
0x71: {  	s24 =	simm.s32 $0x400;
	[sflag:s14] =	ssyncset.done $0x0  }
.LBB2_4:
0x72: {  	p0 =	sne.s32 s24, $0x5C00  }
0x73: {  	[sflag:s14] =	ssyncadd.s32 $0xFFFFCE00;
	s25 =	smov.u32 s24;
	s24 =	sadd.s32 $0x400, s24  }
0x74: {  	_ = 	snop  }
0x75: {  	_ =	swait.ge [sflag:s18], $0x3200  }
0x76: {  	s25 =	sshra.s32 s25, $0x2;
	[sflag:s18] =	ssyncset.done $0x0  }
0x77: {  	s26 =	sadd.s32 $0x80, s25;
	[sflag:s18] =	ssyncadd.s32 $0xFFFFCE00  }
0x78: {  	[tilespmem:s19], [sflag:$0x1] =	stream.indirect.gather [hbm4b:s4+s16], $0x80, s26, s16, $0xb8;
	[tilespmem:$0x1E000] =	vst v63  }
0x79: {  	s26 =	sadd.s32 $0x1C00, s25  }
0x7a: {  	[spmem:s1] =	stream.indirect.scatter.add.f32 [tilespmem:s17], [sflag:$0x2], $0x80, s26, s16, $0xb8;
	[tilespmem:$0x1E000] =	vst v63  }
0x7b: {  	_ =	swait.ge [sflag:s14], $0x3200  }
0x7c: {  	[sflag:s14] =	ssyncset.done $0x0  }
0x7d: {  	[sflag:s14] =	ssyncadd.s32 $0xFFFFCE00  }
0x7e: {  	_ =	swait.ge [sflag:s18], $0x3200  }
0x7f: {  	[sflag:s18] =	ssyncset.done $0x0  }
0x80: {  	s26 =	sadd.s32 $0x100, s25;
	[sflag:s18] =	ssyncadd.s32 $0xFFFFCE00  }
0x81: {  	[tilespmem:s17], [sflag:$0x1] =	stream.indirect.gather [hbm4b:s4+s16], $0x80, s26, s16, $0xb8;
	[tilespmem:$0x1E000] =	vst v63  }
.Ltmp1:
0x82: {  	_ = 	snop;
	(pc) =	sbr.rel @p0 .LBB2_4-.Ltmp1, $4  }
0x83: {  	s25 =	sadd.s32 $0x1C80, s25  }
0x84: {  	[spmem:s1] =	stream.indirect.scatter.add.f32 [tilespmem:s19], [sflag:$0x2], $0x80, s25, s16, $0xb8;
	[tilespmem:$0x1E000] =	vst v63  }
0x85: {  	_ =	swait.ge [sflag:s14], $0x3200  }
0x86: {  	[sflag:s14] =	ssyncset.done $0x0  }
0x87: {  	[sflag:s14] =	ssyncadd.s32 $0xFFFFCE00  }
0x88: {  	_ =	swait.ge [sflag:s18], $0x3200  }
0x89: {  	[sflag:s18] =	ssyncset.done $0x0  }
0x8a: {  	[sflag:s18] =	ssyncadd.s32 $0xFFFFCE00  }
0x8b: {  	[tilespmem:s19], [sflag:$0x1] =	stream.indirect.gather [hbm4b:s4+s16], $0x80, s20, s16, $0xb8;
	[tilespmem:$0x1E000] =	vst v63  }
0x8c: {  	_ = 	snop  }
0x8d: {  	[spmem:s1] =	stream.indirect.scatter.add.f32 [tilespmem:s17], [sflag:$0x2], $0x80, s21, s16, $0xb8;
	[tilespmem:$0x1E000] =	vst v63  }
0x8e: {  	_ =	swait.ge [sflag:s14], $0x3200  }
0x8f: {  	[sflag:s14] =	ssyncset.done $0x0  }
0x90: {  	[sflag:s14] =	ssyncadd.s32 $0xFFFFCE00  }
0x91: {  	_ =	swait.ge [sflag:s18], $0x3200  }
0x92: {  	[sflag:s18] =	ssyncset.done $0x0  }
0x93: {  	[sflag:s18] =	ssyncadd.s32 $0xFFFFCE00  }
0x94: {  	[spmem:s1] =	stream.indirect.scatter.add.f32 [tilespmem:s19], [sflag:$0x2], $0x80, s22, s16, $0xb8;
	[tilespmem:$0x1E000] =	vst v63  }
0x95: {  	_ =	swait.ge [sflag:s14], $0x3200  }
0x96: {  	s23 =	sadd.s32 $0x1, s23;
	[sflag:s14] =	ssyncset.done $0x0  }
0x97: {  	p0 =	sne.s32 s23, s11;
	[sflag:s14] =	ssyncadd.s32 $0xFFFFCE00  }
.Ltmp2:
0x98: {  	[bflag:$0x0] =	sbarrier.arrive $0xFFFF;
	(pc) =	sbr.rel @p0 .LBB2_1-.Ltmp2, $4  }
0x99: {  	[hbm:s12], [sflag:s6] =	dma.local [spmem:s13], $0x2800  }
0x9a: {  	_ =	swait.ge [sflag:s14], $0x2800  }
0x9b: {  	[sflag:s14] =	ssyncset.done $0x0  }
0x9c: {  	[sflag:s14] =	ssyncadd.s32 $0xFFFFD800  }
0x9d: {  	_ =	sfence.sel $0x180000  }
0x9e: {  	[bflag:$0x0] =	sbarrier.arrive $0xFFFF  }
0x9f: {  	p0 =	sne.s32 s3, $0x0;
	_ =	strace $0x90000047  }
0xa0: {  	s0 =	sadd.s32 @!p0 $0x100000, s0;
	[bflag:$0x2] =	sbarrier.arrive $0xFFFF  }
0xa1: {  	[sflag:s0] =	ssyncadd.tile.s32 @!p0 $0x1;
	_ =	shalt  }
.Lfunc_end2:
_tile_overlayer_lowered:
.L_overlay_start_2:
0xa2: {  	(tag) =	ssettag $0x2  }
0xa3: {  	s0 =	rddreg [dreg:$0x0];
	s2 =	stileid.u32  }
0xa4: {  	s1 =	rddreg [dreg:$0x1];
	p0 =	sne.s32 s2, $0x0  }
0xa5: {  	s3 =	rddreg [dreg:$0x2];
	[bflag:$0x3] =	sbarrier.arrive $0xFFFF;
	s2 =	simm.s32 @!p0 $0x1C02  }
0xa6: {  	[timem:s3], [sflag:s2] =	dma.local @!p0 [hbm:s0], s1  }
0xa7: {  	s0 =	simm.s32 @!p0 $0x2  }
0xa8: {  	_ =	swait.ge @!p0 [sflag:s0], s1  }
0xa9: {  	s1 =	ssub.s32 @!p0 $0x0, s1;
	[sflag:s0] =	ssyncset.done @!p0 $0x0  }
0xaa: {  	[sflag:s0] =	ssyncadd.s32 @!p0 s1  }
0xab: {  	[bflag:$0x3] =	sbarrier.arrive $0xFFFF  }
0xac: {  	_ =	shalt  }

// kernel: kernel.14.cloned.1.call-start
scs
__scs_entry_jumppad:
0x0: {  	(pc) =	sbr.rel $0x88, $3  }
0x1: {  	(tag) =	ssettag $0x0;
	lr =	simm.s32 $0x1  }
0x2: {  	[smem:$0x3F96] =	sst lr;
	_ =	strace $0xD0000000  }
0x3: {  	_ = 	snop  }
0x4: {  	_ = 	snop  }
0x5: {  	_ = 	snop  }
0x6: {  	_ = 	snop  }
0x7: {  	_ = 	snop  }
__scs_overlays_trampoline_lowered:
0x8: {  	[smem:$0x3FA5] =	sst s0  }
0x9: {  	[smem:$0x3FA6] =	sst s1  }
0xa: {  	[smem:$0x3FA7] =	sst s2  }
0xb: {  	[smem:$0x3FA8] =	sst s3  }
0xc: {  	[smem:$0x3FA9] =	sst s4  }
0xd: {  	[smem:$0x3FAA] =	sst s5  }
0xe: {  	[smem:$0x3FAB] =	sst s6  }
0xf: {  	[smem:$0x3FAC] =	sst s7  }
0x10: {  	[smem:$0x3FAD] =	sst s8  }
0x11: {  	[smem:$0x3FAE] =	sst s9;
	s0 =	simm.s32 @!p0 $0x0  }
0x12: {  	s1 =	sld [smem:$0x3F94];
	s0 =	simm.s32 @p0 $0x1  }
0x13: {  	[smem:$0x3FAF] =	sst s0;
	s0 =	simm.s32 @!p1 $0x0  }
0x14: {  	s2 =	sld [smem:$0x3F93];
	s0 =	simm.s32 @p1 $0x1  }
0x15: {  	[smem:$0x3FB0] =	sst s0;
	s0 =	simm.s32 @!p2 $0x0  }
0x16: {  	s3 =	sld [smem:$0x3FDB];
	s0 =	simm.s32 @p2 $0x1  }
0x17: {  	s4 =	simm.s32 $0x1BF5;
	[smem:$0x3FB2] =	sst s0  }
0x18: {  	s0 =	sld [smem:$0x3F95];
	_ =	swait.ge [sflag:s4], $0x0  }
0x19: {  	s7 =	sld [smem:$0x3F96]  }
0x1a: {  	s8 =	sadd.s32 $0xFFFFE003, lr  }
0x1b: {  	s9 =	sadd.s32 $0xFFFFFEF7, lr;
	s5 =	simm.s32 $0xFFFFFFFF;
	p2 =	slt.u32 s8, $0xFFFFF086  }
0x1c: {  	p1 =	slt.u32 s9, $0xF7A;
	s5 =	simm.s32 @!p2 $0x0  }
0x1d: {  	s5 =	simm.s32 @p1 $0x1;
	p0 =	seq.s32 s7, s2  }
0x1e: {  	s7 =	smul.u32 @!p0 $0xF7A, s2;
	p2 =	seq.s32 @!p0 s5, $0x0  }
0x1f: {  	s9 =	smul.u32 $0xF7A, s1;
	s8 =	simm.s32 @!p0 $0x1BF5;
	p2 =	por !p2, p0  }
0x20: {  	[sflag:s8] =	ssyncset.s32 @!p0 $0xFFFFF086;
	s6 =	sadd.s32 @!p0 s3, s7;
	s7 =	simm.s32 @!p0 $0x108  }
0x21: {  	s3 =	sadd.s32 s3, s9;
	s6 =	sadd.s32 @!p0 $0x88, s6;
	s7 =	simm.s32 @p2 $0x1082  }
0x22: {  	[simem:s7], [sflag:s8] =	dma.local @!p0 [hbm:s6], $0xF7A  }
0x23: {  	s9 =	sor.u32 $0xD0000000, s2;
	s6 =	simm.s32 $0x108;
	_ =	swait.ge @!p0 [sflag:s8], $0x0  }
0x24: {  	s3 =	sadd.s32 $0x88, s3;
	s6 =	simm.s32 @!p1 $0x1082;
	[sflag:s4] =	ssyncset.s32 $0xFFFFF086  }
0x25: {  	[simem:s6], [sflag:s4] =	dma.local [hbm:s3], $0xF7A  }
0x26: {  	[smem:$0x3F96] =	sst s1;
	(tag) =	ssettag s2;
	_ =	strace s9  }
0x27: {  	s1 =	sld [smem:$0x3FA6]  }
0x28: {  	s2 =	sld [smem:$0x3FA7]  }
0x29: {  	s4 =	sld [smem:$0x3FA9]  }
0x2a: {  	p0 =	seq.s32 s5, $0x0;
	s5 =	sld [smem:$0x3FAA]  }
0x2b: {  	s6 =	sld [smem:$0x3FAB]  }
0x2c: {  	s7 =	sld [smem:$0x3FAC]  }
0x2d: {  	s3 =	simm.s32 $0x108;
	s8 =	sld [smem:$0x3FAD]  }
0x2e: {  	s3 =	simm.s32 @!p0 $0x1082;
	s9 =	sld [smem:$0x3FAE]  }
0x2f: {  	lr =	sadd.s32 s0, s3;
	s0 =	sld [smem:$0x3FA5]  }
0x30: {  	s3 =	sld [smem:$0x3FA8]  }
0x31: {  	[smem:$0x3FB1] =	sst s10  }
0x32: {  	s10 =	sld [smem:$0x3FAF];
	_ =	sdelay $0x3  }
0x33: {  	p0 =	seq.s32 s10, $0x1;
	s10 =	sld [smem:$0x3FB1];
	_ =	sdelay $0x3  }
0x34: {  	[smem:$0x3FB1] =	sst s10  }
0x35: {  	s10 =	sld [smem:$0x3FB0];
	_ =	sdelay $0x3  }
0x36: {  	p1 =	seq.s32 s10, $0x1;
	s10 =	sld [smem:$0x3FB1];
	_ =	sdelay $0x3  }
0x37: {  	[smem:$0x3FB1] =	sst s10  }
0x38: {  	s10 =	sld [smem:$0x3FB2]  }
0x39: {  	_ = 	snop;
	(pc) =	sbr.ind lr, $3  }
0x3a: {  	_ = 	snop  }
0x3b: {  	_ = 	snop  }
0x3c: {  	p2 =	seq.s32 s10, $0x1;
	s10 =	sld [smem:$0x3FB1]  }
0x3d: {  	_ =	shalt  }
0x3e: {  	_ =	shalt  }
0x3f: {  	_ =	shalt  }
0x40: {  	_ =	shalt  }
0x41: {  	_ =	shalt  }
0x42: {  	_ =	shalt  }
0x43: {  	_ =	shalt  }
0x44: {  	_ =	shalt  }
0x45: {  	_ =	shalt  }
0x46: {  	_ =	shalt  }
0x47: {  	_ =	shalt  }
0x48: {  	_ =	shalt  }
0x49: {  	_ =	shalt  }
0x4a: {  	_ =	shalt  }
0x4b: {  	_ =	shalt  }
0x4c: {  	_ =	shalt  }
0x4d: {  	_ =	shalt  }
0x4e: {  	_ =	shalt  }
0x4f: {  	_ =	shalt  }
0x50: {  	_ =	shalt  }
0x51: {  	_ =	shalt  }
0x52: {  	_ =	shalt  }
0x53: {  	_ =	shalt  }
0x54: {  	_ =	shalt  }
0x55: {  	_ =	shalt  }
0x56: {  	_ =	shalt  }
0x57: {  	_ =	shalt  }
0x58: {  	_ =	shalt  }
0x59: {  	_ =	shalt  }
0x5a: {  	_ =	shalt  }
0x5b: {  	_ =	shalt  }
0x5c: {  	_ =	shalt  }
0x5d: {  	_ =	shalt  }
0x5e: {  	_ =	shalt  }
0x5f: {  	_ =	shalt  }
0x60: {  	_ =	shalt  }
0x61: {  	_ =	shalt  }
0x62: {  	_ =	shalt  }
0x63: {  	_ =	shalt  }
0x64: {  	_ =	shalt  }
0x65: {  	_ =	shalt  }
0x66: {  	_ =	shalt  }
0x67: {  	_ =	shalt  }
0x68: {  	_ =	shalt  }
0x69: {  	_ =	shalt  }
0x6a: {  	_ =	shalt  }
0x6b: {  	_ =	shalt  }
0x6c: {  	_ =	shalt  }
0x6d: {  	_ =	shalt  }
0x6e: {  	_ =	shalt  }
0x6f: {  	_ =	shalt  }
0x70: {  	_ =	shalt  }
0x71: {  	_ =	shalt  }
0x72: {  	_ =	shalt  }
0x73: {  	_ =	shalt  }
0x74: {  	_ =	shalt  }
0x75: {  	_ =	shalt  }
0x76: {  	_ =	shalt  }
0x77: {  	_ =	shalt  }
0x78: {  	_ =	shalt  }
0x79: {  	_ =	shalt  }
0x7a: {  	_ =	shalt  }
0x7b: {  	_ =	shalt  }
0x7c: {  	_ =	shalt  }
0x7d: {  	_ =	shalt  }
0x7e: {  	_ =	shalt  }
0x7f: {  	_ =	shalt  }
0x80: {  	_ =	shalt  }
0x81: {  	_ =	shalt  }
0x82: {  	_ =	shalt  }
0x83: {  	_ =	shalt  }
0x84: {  	_ =	shalt  }
0x85: {  	_ =	shalt  }
0x86: {  	_ =	shalt  }
0x87: {  	_ =	shalt  }
.Lfunc_end0:
.L_simem_size_0:
called_computation.1_lowered:
.L_overlay_start_0:
0x88: {  	s2 =	sld [smem:$0x3FD9]  }
0x89: {  	s3 =	sld [smem:$0x3FFE];
	_ =	sdelay $0x1  }
0x8a: {  	s1 =	srdreg.scid  }
0x8b: {  	s0 =	sand.u32 $0x1, s1  }
0x8c: {  	s16 =	sshll.u32 s0, $0xA;
	s2 =	sadd.s32 s3, s2  }
0x8d: {  	s2 =	sadd.s32 s2, s16  }
0x8e: {  	[smem:$0x3FBD] =	sst s2  }
0x8f: {  	_ = 	snop  }
0x90: {  	(tm) =	ssettm $0x1  }
0x91: {  	s17 =	sld [smem:$0x3FFB];
	_ =	sdelay $0x3  }
0x92: {  	_ =	strace s17  }
0x93: {  	s2 =	sld [smem:$0x3FFC];
	_ =	sdelay $0x3  }
0x94: {  	_ =	strace s2  }
0x95: {  	s2 =	sld [smem:$0x3FFD];
	_ =	sdelay $0x3  }
0x96: {  	_ =	strace s2  }
0x97: {  	_ =	strace $0x8FFFFFFF  }
0x98: {  	s18 =	sld [smem:$0x3FDB];
	_ =	sdelay $0x1  }
0x99: {  	s19 =	simm.s32 $_scs_section_size  }
0x9a: {  	s4 =	simm.s32 $_size__tile_overlayer_lowered;
	s5 =	simm.s32 $_tile_overlayer_lowered  }
0x9b: {  	s22 =	simm.s32 $0x1BFF;
	s21 =	sshll.u32 s5, $0x1;
	s2 =	sadd.s32 s19, s18  }
0x9c: {  	s6 =	simm.s32 $0x0;
	s20 =	sshll.u32 s4, $0x1;
	s4 =	sadd.s32 s21, s2  }
0x9d: {  	[timem:s6], [sflag:s22] =	dma.local [hbm:s4], s20  }
0x9e: {  	_ =	swait.ge [sflag:s22], s20  }
0x9f: {  	s3 =	ssub.s32 $0x0, s20;
	[sflag:s22] =	ssyncset.done $0x0  }
0xa0: {  	[sflag:s22] =	ssyncadd.s32 s3;
	_ =	sdelay $0x1  }
0xa1: {  	s23 =	simm.s32 $0x1B8B  }
0xa2: {  	_ =	swait.ge [sflag:s23], $0x1  }
0xa3: {  	[sflag:s23] =	ssyncset.done $0x0  }
0xa4: {  	s25 =	simm.s32 $0x1B8E;
	s24 =	sld [smem:$0x3FFE];
	[sflag:s23] =	ssyncadd.s32 $0xFFFFFFFF  }
0xa5: {  	s26 =	simm.s32 $execute0_lowered;
	[smem:$0x3FD2] =	sst s25  }
0xa6: {  	s4 =	sshll.u32 s26, $0x1;
	_ =	strace $0x80000049;
	[dreg:$0x1] =	wrdreg $0xFFFFFFFF  }
0xa7: {  	s28 =	simm.s32 $_size_execute0_lowered;
	s2 =	sadd.s32 s2, s4;
	[dreg:$0x0] =	wrdreg $0x0  }
0xa8: {  	s4 =	sshll.u32 s28, $0x1;
	[dreg:$0x2] =	wrdreg s2  }
0xa9: {  	[dreg:$0x3] =	wrdreg s4  }
0xaa: {  	[dreg:$0x4] =	wrdreg $0xC0  }
0xab: {  	_ =	task [dreg:s6], $0x5FFFF  }
0xac: {  	[dreg:$0x1] =	wrdreg $0xFFFFFFFF  }
0xad: {  	[dreg:$0x0] =	wrdreg $0x60  }
0xae: {  	[dreg:$0x2] =	wrdreg s24  }
0xaf: {  	[dreg:$0x3] =	wrdreg $0xA0000  }
0xb0: {  	[dreg:$0x4] =	wrdreg $0x9  }
0xb1: {  	_ =	task.clear_ibuf [dreg:s6], $0x5FFFF;
	_ =	strace $0x90000049  }
0xb2: {  	s29 =	simm.s32 $0x9;
	_ =	strace $0x8000004B  }
0xb3: {  	_ =	swait.ge [sflag:s29], $0x1  }
0xb4: {  	[sflag:s29] =	ssyncadd.s32 $0xFFFFFFFF  }
0xb5: {  	_ =	strace $0x9000004B  }
0xb6: {  	_ =	sfence  }
0xb7: {  	s30 =	sld [smem:$0x0];
	_ =	sdelay $0x2  }
0xb8: {  	s31 =	sshll.u32 s1, $0xD;
	s1 =	sshrl.u32 s1, $0x2  }
0xb9: {  	s3 =	sand.u32 $0x4000, s31;
	s1 =	sadd.s32 s1, s30  }
0xba: {  	s0 =	sor.u32 s3, s0;
	s1 =	sshll.u32 s1, $0x11  }
0xbb: {  	s0 =	sor.u32 s1, s0  }
0xbc: {  	s0 =	sadd.s32 $0x8F2B, s0  }
0xbd: {  	[sflag:s0] =	ssyncadd.remote.s32 $0x1  }
0xbe: {  	_ =	sfence.sel $0xFFFF  }
0xbf: {  	[dreg:$0x0] =	wrdreg $0xFFFFFFFF;
	(pc) =	sbr.abs _section_cstart, $3  }
0xc0: {  	[dreg:$0x1] =	wrdreg $0xFFFFFFFF  }
0xc1: {  	_ =	task.clear_ibuf [dreg:s6], $0x2FFFF;
	_ =	strace $0x9FFFFFFF  }
0xc2: {  	(tm) =	ssettm $0x7FFFFFFF  }
0xc3: {  	_ =	shalt  }
tec
execute0_lowered:
.L_overlay_start_1:
0x0: {  	(tag) =	ssettag $0x1  }
0x1: {  	s12 =	rddreg [dreg:$0x0]  }
0x2: {  	s1 =	rddreg [dreg:$0x1]  }
0x3: {  	s0 =	rddreg [dreg:$0x2];
	s2 =	simm.s32 $0x0;
	s5 =	srdreg.scid  }
0x4: {  	s3 =	stileid.u32;
	s18 =	simm.s32 $0x1;
	s19 =	simm.s32 $0x6C00  }
0x5: {  	s20 =	simm.s32 $0x1880;
	s21 =	simm.s32 $0x3400;
	s22 =	simm.s32 $0x3480  }
0x6: {  	s23 =	simm.s32 $0x0;
	[smem:$0x7FF] =	sst s2;
	s4 =	sadd.s32 $0x20200, s12  }
0x7: {  	s9 =	sadd.s32 $0x4200, s12;
	s10 =	sand.u32 $0x1, s5;
	s11 =	sadd.s32 $0x12200, s12  }
0x8: {  	s29 =	sshll.u32 s3, $0x2;
	s8 =	smul.u32 $0x50000, s3;
	s5 =	sadd.s32 $0x47400, s12  }
0x9: {  	s15 =	sshll.u32 s3, $0x6;
	s31 =	smul.u32 $0x2800, s3;
	s6 =	sshll.u32 s10, $0x1  }
0xa: {  	_ =	strace $0x8000004A;
	s7 =	ssub.s32 $0x2, s10;
	s6 =	sor.u32 s6, s29  }
0xb: {  	p0 =	seq.s32 s10, $0x1;
	s13 =	sshrl.u32 s7, $0x1;
	s14 =	smul.u32 $0x380, s6  }
0xc: {  	s8 =	sshrl.u32 s8, $0x2;
	s16 =	smul.u32 $0x1C00, s6;
	s13 =	ssub.s32 s7, s13  }
0xd: {  	s17 =	sadd.s32 s8, s1;
	s6 =	sor.u32 $0x1C02, s15;
	s15 =	simm.s32 $0x71C00  }
0xe: {  	s15 =	simm.s32 @!p0 $0x49C00;
	s7 =	sadd.s32 s9, s14;
	s8 =	sadd.s32 s11, s14  }
0xf: {  	s30 =	sshrl.u32 s16, $0x3;
	s12 =	sadd.s32 s15, s12;
	s15 =	simm.s32 $0x1C00  }
0x10: {  	s16 =	simm.s32 $0x64;
	s14 =	sadd.s32 $0x380, s30;
	s12 =	sadd.s32 s12, s31  }
0x11: {  	s9 =	sadd.s32 s9, s14;
	s10 =	sadd.s32 s11, s14;
	s11 =	smax.u32 s13, $0x1  }
0x12: {  	s13 =	sshrl.u32 s17, $0x3;
	s14 =	simm.s32 $0x2;
	s17 =	simm.s32 $0x3800  }
.LBB2_1:
0x13: {  	[spmem:s13], [sflag:s6] =	dma.local [hbm:s5], $0x2800  }
0x14: {  	_ =	swait.ge [sflag:s14], $0x2800  }
0x15: {  	[sflag:s14] =	ssyncset.done $0x0  }
0x16: {  	[sflag:s14] =	ssyncadd.s32 $0xFFFFD800  }
0x17: {  	[bflag:$0x0] =	sbarrier.arrive $0xFFFF  }
0x18: {  	[tilespmem:s2], [sflag:$0x2] =	stream.linear.gather [hbm4b:s7+s2], $0x1900, $0x38;
	[tilespmem:$0x1E000] =	vst v63  }
0x19: {  	_ =	swait.ge [sflag:s14], $0x1900  }
0x1a: {  	[sflag:s14] =	ssyncset.done $0x0  }
0x1b: {  	[sflag:s14] =	ssyncadd.s32 $0xFFFFE700  }
0x1c: {  	[tilespmem:s15], [sflag:$0x2] =	stream.linear.gather [hbm4b:s8+s2], $0x1900, $0x38;
	[tilespmem:$0x1E000] =	vst v63  }
0x1d: {  	_ =	swait.ge [sflag:s14], $0x1900  }
0x1e: {  	[sflag:s14] =	ssyncset.done $0x0  }
0x1f: {  	[sflag:s14] =	ssyncadd.s32 $0xFFFFE700  }
0x20: {  	[tilespmem:s17], [sflag:$0x1] =	stream.indirect.gather [hbm4b:s4+s16], $0x80, s2, s16, $0xb8;
	[tilespmem:$0x1E000] =	vst v63  }
0x21: {  	_ =	swait.ge [sflag:s18], $0x3200  }
0x22: {  	[sflag:s18] =	ssyncset.done $0x0  }
0x23: {  	s24 =	simm.s32 $0x80;
	[sflag:s18] =	ssyncadd.s32 $0xFFFFCE00  }
0x24: {  	[tilespmem:s19], [sflag:$0x1] =	stream.indirect.gather [hbm4b:s4+s16], $0x80, s24, s16, $0xb8;
	[tilespmem:$0x1E000] =	vst v63  }
0x25: {  	s29 =	simm.s32 $0x1C00  }
0x26: {  	[spmem:s1] =	stream.indirect.scatter.add.f32 [tilespmem:s17], [sflag:$0x2], $0x80, s29, s16, $0xb8;
	[tilespmem:$0x1E000] =	vst v63  }
0x27: {  	_ =	swait.ge [sflag:s14], $0x3200  }
0x28: {  	[sflag:s14] =	ssyncset.done $0x0  }
0x29: {  	[sflag:s14] =	ssyncadd.s32 $0xFFFFCE00  }
0x2a: {  	_ =	swait.ge [sflag:s18], $0x3200  }
0x2b: {  	[sflag:s18] =	ssyncset.done $0x0  }
0x2c: {  	s30 =	simm.s32 $0x100;
	[sflag:s18] =	ssyncadd.s32 $0xFFFFCE00  }
0x2d: {  	[tilespmem:s17], [sflag:$0x1] =	stream.indirect.gather [hbm4b:s4+s16], $0x80, s30, s16, $0xb8;
	[tilespmem:$0x1E000] =	vst v63  }
0x2e: {  	s31 =	simm.s32 $0x1C80  }
0x2f: {  	[spmem:s1] =	stream.indirect.scatter.add.f32 [tilespmem:s19], [sflag:$0x2], $0x80, s31, s16, $0xb8;
	[tilespmem:$0x1E000] =	vst v63  }
0x30: {  	_ =	swait.ge [sflag:s14], $0x3200  }
0x31: {  	s24 =	simm.s32 $0x400;
	[sflag:s14] =	ssyncset.done $0x0  }
.LBB2_2:
0x32: {  	p0 =	sne.s32 s24, $0x5C00  }
0x33: {  	[sflag:s14] =	ssyncadd.s32 $0xFFFFCE00;
	s25 =	smov.u32 s24;
	s24 =	sadd.s32 $0x400, s24  }
0x34: {  	_ = 	snop  }
0x35: {  	_ =	swait.ge [sflag:s18], $0x3200  }
0x36: {  	s25 =	sshra.s32 s25, $0x2;
	[sflag:s18] =	ssyncset.done $0x0  }
0x37: {  	s26 =	sadd.s32 $0x80, s25;
	[sflag:s18] =	ssyncadd.s32 $0xFFFFCE00  }
0x38: {  	[tilespmem:s19], [sflag:$0x1] =	stream.indirect.gather [hbm4b:s4+s16], $0x80, s26, s16, $0xb8;
	[tilespmem:$0x1E000] =	vst v63  }
0x39: {  	s26 =	sadd.s32 $0x1C00, s25  }
0x3a: {  	[spmem:s1] =	stream.indirect.scatter.add.f32 [tilespmem:s17], [sflag:$0x2], $0x80, s26, s16, $0xb8;
	[tilespmem:$0x1E000] =	vst v63  }
0x3b: {  	_ =	swait.ge [sflag:s14], $0x3200  }
0x3c: {  	[sflag:s14] =	ssyncset.done $0x0  }
0x3d: {  	[sflag:s14] =	ssyncadd.s32 $0xFFFFCE00  }
0x3e: {  	_ =	swait.ge [sflag:s18], $0x3200  }
0x3f: {  	[sflag:s18] =	ssyncset.done $0x0  }
0x40: {  	s26 =	sadd.s32 $0x100, s25;
	[sflag:s18] =	ssyncadd.s32 $0xFFFFCE00  }
0x41: {  	[tilespmem:s17], [sflag:$0x1] =	stream.indirect.gather [hbm4b:s4+s16], $0x80, s26, s16, $0xb8;
	[tilespmem:$0x1E000] =	vst v63  }
.Ltmp0:
0x42: {  	_ = 	snop;
	(pc) =	sbr.rel @p0 .LBB2_2-.Ltmp0, $4  }
0x43: {  	s25 =	sadd.s32 $0x1C80, s25  }
0x44: {  	[spmem:s1] =	stream.indirect.scatter.add.f32 [tilespmem:s19], [sflag:$0x2], $0x80, s25, s16, $0xb8;
	[tilespmem:$0x1E000] =	vst v63  }
0x45: {  	_ =	swait.ge [sflag:s14], $0x3200  }
0x46: {  	[sflag:s14] =	ssyncset.done $0x0  }
0x47: {  	[sflag:s14] =	ssyncadd.s32 $0xFFFFCE00  }
0x48: {  	_ =	swait.ge [sflag:s18], $0x3200  }
0x49: {  	[sflag:s18] =	ssyncset.done $0x0  }
0x4a: {  	[sflag:s18] =	ssyncadd.s32 $0xFFFFCE00  }
0x4b: {  	[tilespmem:s19], [sflag:$0x1] =	stream.indirect.gather [hbm4b:s4+s16], $0x80, s20, s16, $0xb8;
	[tilespmem:$0x1E000] =	vst v63  }
0x4c: {  	_ = 	snop  }
0x4d: {  	[spmem:s1] =	stream.indirect.scatter.add.f32 [tilespmem:s17], [sflag:$0x2], $0x80, s21, s16, $0xb8;
	[tilespmem:$0x1E000] =	vst v63  }
0x4e: {  	_ =	swait.ge [sflag:s14], $0x3200  }
0x4f: {  	[sflag:s14] =	ssyncset.done $0x0  }
0x50: {  	[sflag:s14] =	ssyncadd.s32 $0xFFFFCE00  }
0x51: {  	_ =	swait.ge [sflag:s18], $0x3200  }
0x52: {  	[sflag:s18] =	ssyncset.done $0x0  }
0x53: {  	[sflag:s18] =	ssyncadd.s32 $0xFFFFCE00  }
0x54: {  	[spmem:s1] =	stream.indirect.scatter.add.f32 [tilespmem:s19], [sflag:$0x2], $0x80, s22, s16, $0xb8;
	[tilespmem:$0x1E000] =	vst v63  }
0x55: {  	_ =	swait.ge [sflag:s14], $0x3200  }
0x56: {  	[sflag:s14] =	ssyncset.done $0x0  }
0x57: {  	s24 =	simm.s32 $0x0;
	[sflag:s14] =	ssyncadd.s32 $0xFFFFCE00  }
0x58: {  	[tilespmem:s24], [sflag:$0x2] =	stream.linear.gather [hbm4b:s9+s24], $0x1900, $0x38;
	[tilespmem:$0x1E000] =	vst v63  }
0x59: {  	_ =	swait.ge [sflag:s14], $0x1900  }
0x5a: {  	[sflag:s14] =	ssyncset.done $0x0  }
0x5b: {  	[sflag:s14] =	ssyncadd.s32 $0xFFFFE700  }
0x5c: {  	[tilespmem:s15], [sflag:$0x2] =	stream.linear.gather [hbm4b:s10+s24], $0x1900, $0x38;
	[tilespmem:$0x1E000] =	vst v63  }
0x5d: {  	_ =	swait.ge [sflag:s14], $0x1900  }
0x5e: {  	[sflag:s14] =	ssyncset.done $0x0  }
0x5f: {  	[sflag:s14] =	ssyncadd.s32 $0xFFFFE700  }
0x60: {  	[tilespmem:s17], [sflag:$0x1] =	stream.indirect.gather [hbm4b:s4+s16], $0x80, s24, s16, $0xb8;
	[tilespmem:$0x1E000] =	vst v63  }
0x61: {  	_ =	swait.ge [sflag:s18], $0x3200  }
0x62: {  	[sflag:s18] =	ssyncset.done $0x0  }
0x63: {  	s28 =	simm.s32 $0x80;
	[sflag:s18] =	ssyncadd.s32 $0xFFFFCE00  }
0x64: {  	[tilespmem:s19], [sflag:$0x1] =	stream.indirect.gather [hbm4b:s4+s16], $0x80, s28, s16, $0xb8;
	[tilespmem:$0x1E000] =	vst v63  }
0x65: {  	s29 =	simm.s32 $0x1C00  }
0x66: {  	[spmem:s1] =	stream.indirect.scatter.add.f32 [tilespmem:s17], [sflag:$0x2], $0x80, s29, s16, $0xb8;
	[tilespmem:$0x1E000] =	vst v63  }
0x67: {  	_ =	swait.ge [sflag:s14], $0x3200  }
0x68: {  	[sflag:s14] =	ssyncset.done $0x0  }
0x69: {  	[sflag:s14] =	ssyncadd.s32 $0xFFFFCE00  }
0x6a: {  	_ =	swait.ge [sflag:s18], $0x3200  }
0x6b: {  	[sflag:s18] =	ssyncset.done $0x0  }
0x6c: {  	s30 =	simm.s32 $0x100;
	[sflag:s18] =	ssyncadd.s32 $0xFFFFCE00  }
0x6d: {  	[tilespmem:s17], [sflag:$0x1] =	stream.indirect.gather [hbm4b:s4+s16], $0x80, s30, s16, $0xb8;
	[tilespmem:$0x1E000] =	vst v63  }
0x6e: {  	s31 =	simm.s32 $0x1C80  }
0x6f: {  	[spmem:s1] =	stream.indirect.scatter.add.f32 [tilespmem:s19], [sflag:$0x2], $0x80, s31, s16, $0xb8;
	[tilespmem:$0x1E000] =	vst v63  }
0x70: {  	_ =	swait.ge [sflag:s14], $0x3200  }
0x71: {  	s24 =	simm.s32 $0x400;
	[sflag:s14] =	ssyncset.done $0x0  }
.LBB2_4:
0x72: {  	p0 =	sne.s32 s24, $0x5C00  }
0x73: {  	[sflag:s14] =	ssyncadd.s32 $0xFFFFCE00;
	s25 =	smov.u32 s24;
	s24 =	sadd.s32 $0x400, s24  }
0x74: {  	_ = 	snop  }
0x75: {  	_ =	swait.ge [sflag:s18], $0x3200  }
0x76: {  	s25 =	sshra.s32 s25, $0x2;
	[sflag:s18] =	ssyncset.done $0x0  }
0x77: {  	s26 =	sadd.s32 $0x80, s25;
	[sflag:s18] =	ssyncadd.s32 $0xFFFFCE00  }
0x78: {  	[tilespmem:s19], [sflag:$0x1] =	stream.indirect.gather [hbm4b:s4+s16], $0x80, s26, s16, $0xb8;
	[tilespmem:$0x1E000] =	vst v63  }
0x79: {  	s26 =	sadd.s32 $0x1C00, s25  }
0x7a: {  	[spmem:s1] =	stream.indirect.scatter.add.f32 [tilespmem:s17], [sflag:$0x2], $0x80, s26, s16, $0xb8;
	[tilespmem:$0x1E000] =	vst v63  }
0x7b: {  	_ =	swait.ge [sflag:s14], $0x3200  }
0x7c: {  	[sflag:s14] =	ssyncset.done $0x0  }
0x7d: {  	[sflag:s14] =	ssyncadd.s32 $0xFFFFCE00  }
0x7e: {  	_ =	swait.ge [sflag:s18], $0x3200  }
0x7f: {  	[sflag:s18] =	ssyncset.done $0x0  }
0x80: {  	s26 =	sadd.s32 $0x100, s25;
	[sflag:s18] =	ssyncadd.s32 $0xFFFFCE00  }
0x81: {  	[tilespmem:s17], [sflag:$0x1] =	stream.indirect.gather [hbm4b:s4+s16], $0x80, s26, s16, $0xb8;
	[tilespmem:$0x1E000] =	vst v63  }
.Ltmp1:
0x82: {  	_ = 	snop;
	(pc) =	sbr.rel @p0 .LBB2_4-.Ltmp1, $4  }
0x83: {  	s25 =	sadd.s32 $0x1C80, s25  }
0x84: {  	[spmem:s1] =	stream.indirect.scatter.add.f32 [tilespmem:s19], [sflag:$0x2], $0x80, s25, s16, $0xb8;
	[tilespmem:$0x1E000] =	vst v63  }
0x85: {  	_ =	swait.ge [sflag:s14], $0x3200  }
0x86: {  	[sflag:s14] =	ssyncset.done $0x0  }
0x87: {  	[sflag:s14] =	ssyncadd.s32 $0xFFFFCE00  }
0x88: {  	_ =	swait.ge [sflag:s18], $0x3200  }
0x89: {  	[sflag:s18] =	ssyncset.done $0x0  }
0x8a: {  	[sflag:s18] =	ssyncadd.s32 $0xFFFFCE00  }
0x8b: {  	[tilespmem:s19], [sflag:$0x1] =	stream.indirect.gather [hbm4b:s4+s16], $0x80, s20, s16, $0xb8;
	[tilespmem:$0x1E000] =	vst v63  }
0x8c: {  	_ = 	snop  }
0x8d: {  	[spmem:s1] =	stream.indirect.scatter.add.f32 [tilespmem:s17], [sflag:$0x2], $0x80, s21, s16, $0xb8;
	[tilespmem:$0x1E000] =	vst v63  }
0x8e: {  	_ =	swait.ge [sflag:s14], $0x3200  }
0x8f: {  	[sflag:s14] =	ssyncset.done $0x0  }
0x90: {  	[sflag:s14] =	ssyncadd.s32 $0xFFFFCE00  }
0x91: {  	_ =	swait.ge [sflag:s18], $0x3200  }
0x92: {  	[sflag:s18] =	ssyncset.done $0x0  }
0x93: {  	[sflag:s18] =	ssyncadd.s32 $0xFFFFCE00  }
0x94: {  	[spmem:s1] =	stream.indirect.scatter.add.f32 [tilespmem:s19], [sflag:$0x2], $0x80, s22, s16, $0xb8;
	[tilespmem:$0x1E000] =	vst v63  }
0x95: {  	_ =	swait.ge [sflag:s14], $0x3200  }
0x96: {  	s23 =	sadd.s32 $0x1, s23;
	[sflag:s14] =	ssyncset.done $0x0  }
0x97: {  	p0 =	sne.s32 s23, s11;
	[sflag:s14] =	ssyncadd.s32 $0xFFFFCE00  }
.Ltmp2:
0x98: {  	[bflag:$0x0] =	sbarrier.arrive $0xFFFF;
	(pc) =	sbr.rel @p0 .LBB2_1-.Ltmp2, $4  }
0x99: {  	[hbm:s12], [sflag:s6] =	dma.local [spmem:s13], $0x2800  }
0x9a: {  	_ =	swait.ge [sflag:s14], $0x2800  }
0x9b: {  	[sflag:s14] =	ssyncset.done $0x0  }
0x9c: {  	[sflag:s14] =	ssyncadd.s32 $0xFFFFD800  }
0x9d: {  	_ =	sfence.sel $0x180000  }
0x9e: {  	[bflag:$0x0] =	sbarrier.arrive $0xFFFF  }
0x9f: {  	p0 =	sne.s32 s3, $0x0;
	_ =	strace $0x9000004A  }
0xa0: {  	s0 =	sadd.s32 @!p0 $0x100000, s0;
	[bflag:$0x2] =	sbarrier.arrive $0xFFFF  }
0xa1: {  	[sflag:s0] =	ssyncadd.tile.s32 @!p0 $0x1;
	_ =	shalt  }
.Lfunc_end2:
_tile_overlayer_lowered:
.L_overlay_start_2:
0xa2: {  	(tag) =	ssettag $0x2  }
0xa3: {  	s0 =	rddreg [dreg:$0x0];
	s2 =	stileid.u32  }
0xa4: {  	s1 =	rddreg [dreg:$0x1];
	p0 =	sne.s32 s2, $0x0  }
0xa5: {  	s3 =	rddreg [dreg:$0x2];
	[bflag:$0x3] =	sbarrier.arrive $0xFFFF;
	s2 =	simm.s32 @!p0 $0x1C02  }
0xa6: {  	[timem:s3], [sflag:s2] =	dma.local @!p0 [hbm:s0], s1  }
0xa7: {  	s0 =	simm.s32 @!p0 $0x2  }
0xa8: {  	_ =	swait.ge @!p0 [sflag:s0], s1  }
0xa9: {  	s1 =	ssub.s32 @!p0 $0x0, s1;
	[sflag:s0] =	ssyncset.done @!p0 $0x0  }
0xaa: {  	[sflag:s0] =	ssyncadd.s32 @!p0 s1  }
0xab: {  	[bflag:$0x3] =	sbarrier.arrive $0xFFFF  }
0xac: {  	_ =	shalt  }

// kernel: kernel.17.cloned.1.call-start
scs
__scs_entry_jumppad:
0x0: {  	(pc) =	sbr.rel $0x88, $3  }
0x1: {  	(tag) =	ssettag $0x0;
	lr =	simm.s32 $0x1  }
0x2: {  	[smem:$0x3F96] =	sst lr;
	_ =	strace $0xD0000000  }
0x3: {  	_ = 	snop  }
0x4: {  	_ = 	snop  }
0x5: {  	_ = 	snop  }
0x6: {  	_ = 	snop  }
0x7: {  	_ = 	snop  }
__scs_overlays_trampoline_lowered:
0x8: {  	[smem:$0x3FA5] =	sst s0  }
0x9: {  	[smem:$0x3FA6] =	sst s1  }
0xa: {  	[smem:$0x3FA7] =	sst s2  }
0xb: {  	[smem:$0x3FA8] =	sst s3  }
0xc: {  	[smem:$0x3FA9] =	sst s4  }
0xd: {  	[smem:$0x3FAA] =	sst s5  }
0xe: {  	[smem:$0x3FAB] =	sst s6  }
0xf: {  	[smem:$0x3FAC] =	sst s7  }
0x10: {  	[smem:$0x3FAD] =	sst s8  }
0x11: {  	[smem:$0x3FAE] =	sst s9;
	s0 =	simm.s32 @!p0 $0x0  }
0x12: {  	s1 =	sld [smem:$0x3F94];
	s0 =	simm.s32 @p0 $0x1  }
0x13: {  	[smem:$0x3FAF] =	sst s0;
	s0 =	simm.s32 @!p1 $0x0  }
0x14: {  	s2 =	sld [smem:$0x3F93];
	s0 =	simm.s32 @p1 $0x1  }
0x15: {  	[smem:$0x3FB0] =	sst s0;
	s0 =	simm.s32 @!p2 $0x0  }
0x16: {  	s3 =	sld [smem:$0x3FDB];
	s0 =	simm.s32 @p2 $0x1  }
0x17: {  	s4 =	simm.s32 $0x1BF5;
	[smem:$0x3FB2] =	sst s0  }
0x18: {  	s0 =	sld [smem:$0x3F95];
	_ =	swait.ge [sflag:s4], $0x0  }
0x19: {  	s7 =	sld [smem:$0x3F96]  }
0x1a: {  	s8 =	sadd.s32 $0xFFFFE003, lr  }
0x1b: {  	s9 =	sadd.s32 $0xFFFFFEF7, lr;
	s5 =	simm.s32 $0xFFFFFFFF;
	p2 =	slt.u32 s8, $0xFFFFF086  }
0x1c: {  	p1 =	slt.u32 s9, $0xF7A;
	s5 =	simm.s32 @!p2 $0x0  }
0x1d: {  	s5 =	simm.s32 @p1 $0x1;
	p0 =	seq.s32 s7, s2  }
0x1e: {  	s7 =	smul.u32 @!p0 $0xF7A, s2;
	p2 =	seq.s32 @!p0 s5, $0x0  }
0x1f: {  	s9 =	smul.u32 $0xF7A, s1;
	s8 =	simm.s32 @!p0 $0x1BF5;
	p2 =	por !p2, p0  }
0x20: {  	[sflag:s8] =	ssyncset.s32 @!p0 $0xFFFFF086;
	s6 =	sadd.s32 @!p0 s3, s7;
	s7 =	simm.s32 @!p0 $0x108  }
0x21: {  	s3 =	sadd.s32 s3, s9;
	s6 =	sadd.s32 @!p0 $0x88, s6;
	s7 =	simm.s32 @p2 $0x1082  }
0x22: {  	[simem:s7], [sflag:s8] =	dma.local @!p0 [hbm:s6], $0xF7A  }
0x23: {  	s9 =	sor.u32 $0xD0000000, s2;
	s6 =	simm.s32 $0x108;
	_ =	swait.ge @!p0 [sflag:s8], $0x0  }
0x24: {  	s3 =	sadd.s32 $0x88, s3;
	s6 =	simm.s32 @!p1 $0x1082;
	[sflag:s4] =	ssyncset.s32 $0xFFFFF086  }
0x25: {  	[simem:s6], [sflag:s4] =	dma.local [hbm:s3], $0xF7A  }
0x26: {  	[smem:$0x3F96] =	sst s1;
	(tag) =	ssettag s2;
	_ =	strace s9  }
0x27: {  	s1 =	sld [smem:$0x3FA6]  }
0x28: {  	s2 =	sld [smem:$0x3FA7]  }
0x29: {  	s4 =	sld [smem:$0x3FA9]  }
0x2a: {  	p0 =	seq.s32 s5, $0x0;
	s5 =	sld [smem:$0x3FAA]  }
0x2b: {  	s6 =	sld [smem:$0x3FAB]  }
0x2c: {  	s7 =	sld [smem:$0x3FAC]  }
0x2d: {  	s3 =	simm.s32 $0x108;
	s8 =	sld [smem:$0x3FAD]  }
0x2e: {  	s3 =	simm.s32 @!p0 $0x1082;
	s9 =	sld [smem:$0x3FAE]  }
0x2f: {  	lr =	sadd.s32 s0, s3;
	s0 =	sld [smem:$0x3FA5]  }
0x30: {  	s3 =	sld [smem:$0x3FA8]  }
0x31: {  	[smem:$0x3FB1] =	sst s10  }
0x32: {  	s10 =	sld [smem:$0x3FAF];
	_ =	sdelay $0x3  }
0x33: {  	p0 =	seq.s32 s10, $0x1;
	s10 =	sld [smem:$0x3FB1];
	_ =	sdelay $0x3  }
0x34: {  	[smem:$0x3FB1] =	sst s10  }
0x35: {  	s10 =	sld [smem:$0x3FB0];
	_ =	sdelay $0x3  }
0x36: {  	p1 =	seq.s32 s10, $0x1;
	s10 =	sld [smem:$0x3FB1];
	_ =	sdelay $0x3  }
0x37: {  	[smem:$0x3FB1] =	sst s10  }
0x38: {  	s10 =	sld [smem:$0x3FB2]  }
0x39: {  	_ = 	snop;
	(pc) =	sbr.ind lr, $3  }
0x3a: {  	_ = 	snop  }
0x3b: {  	_ = 	snop  }
0x3c: {  	p2 =	seq.s32 s10, $0x1;
	s10 =	sld [smem:$0x3FB1]  }
0x3d: {  	_ =	shalt  }
0x3e: {  	_ =	shalt  }
0x3f: {  	_ =	shalt  }
0x40: {  	_ =	shalt  }
0x41: {  	_ =	shalt  }
0x42: {  	_ =	shalt  }
0x43: {  	_ =	shalt  }
0x44: {  	_ =	shalt  }
0x45: {  	_ =	shalt  }
0x46: {  	_ =	shalt  }
0x47: {  	_ =	shalt  }
0x48: {  	_ =	shalt  }
0x49: {  	_ =	shalt  }
0x4a: {  	_ =	shalt  }
0x4b: {  	_ =	shalt  }
0x4c: {  	_ =	shalt  }
0x4d: {  	_ =	shalt  }
0x4e: {  	_ =	shalt  }
0x4f: {  	_ =	shalt  }
0x50: {  	_ =	shalt  }
0x51: {  	_ =	shalt  }
0x52: {  	_ =	shalt  }
0x53: {  	_ =	shalt  }
0x54: {  	_ =	shalt  }
0x55: {  	_ =	shalt  }
0x56: {  	_ =	shalt  }
0x57: {  	_ =	shalt  }
0x58: {  	_ =	shalt  }
0x59: {  	_ =	shalt  }
0x5a: {  	_ =	shalt  }
0x5b: {  	_ =	shalt  }
0x5c: {  	_ =	shalt  }
0x5d: {  	_ =	shalt  }
0x5e: {  	_ =	shalt  }
0x5f: {  	_ =	shalt  }
0x60: {  	_ =	shalt  }
0x61: {  	_ =	shalt  }
0x62: {  	_ =	shalt  }
0x63: {  	_ =	shalt  }
0x64: {  	_ =	shalt  }
0x65: {  	_ =	shalt  }
0x66: {  	_ =	shalt  }
0x67: {  	_ =	shalt  }
0x68: {  	_ =	shalt  }
0x69: {  	_ =	shalt  }
0x6a: {  	_ =	shalt  }
0x6b: {  	_ =	shalt  }
0x6c: {  	_ =	shalt  }
0x6d: {  	_ =	shalt  }
0x6e: {  	_ =	shalt  }
0x6f: {  	_ =	shalt  }
0x70: {  	_ =	shalt  }
0x71: {  	_ =	shalt  }
0x72: {  	_ =	shalt  }
0x73: {  	_ =	shalt  }
0x74: {  	_ =	shalt  }
0x75: {  	_ =	shalt  }
0x76: {  	_ =	shalt  }
0x77: {  	_ =	shalt  }
0x78: {  	_ =	shalt  }
0x79: {  	_ =	shalt  }
0x7a: {  	_ =	shalt  }
0x7b: {  	_ =	shalt  }
0x7c: {  	_ =	shalt  }
0x7d: {  	_ =	shalt  }
0x7e: {  	_ =	shalt  }
0x7f: {  	_ =	shalt  }
0x80: {  	_ =	shalt  }
0x81: {  	_ =	shalt  }
0x82: {  	_ =	shalt  }
0x83: {  	_ =	shalt  }
0x84: {  	_ =	shalt  }
0x85: {  	_ =	shalt  }
0x86: {  	_ =	shalt  }
0x87: {  	_ =	shalt  }
.Lfunc_end0:
.L_simem_size_0:
called_computation.2_lowered:
.L_overlay_start_0:
0x88: {  	s2 =	sld [smem:$0x3FD9]  }
0x89: {  	s3 =	sld [smem:$0x3FFE];
	_ =	sdelay $0x1  }
0x8a: {  	s1 =	srdreg.scid  }
0x8b: {  	s0 =	sand.u32 $0x1, s1  }
0x8c: {  	s16 =	sshll.u32 s0, $0xA;
	s2 =	sadd.s32 s3, s2  }
0x8d: {  	s2 =	sadd.s32 s2, s16  }
0x8e: {  	[smem:$0x3FBD] =	sst s2  }
0x8f: {  	_ = 	snop  }
0x90: {  	(tm) =	ssettm $0x1  }
0x91: {  	s17 =	sld [smem:$0x3FFB];
	_ =	sdelay $0x3  }
0x92: {  	_ =	strace s17  }
0x93: {  	s2 =	sld [smem:$0x3FFC];
	_ =	sdelay $0x3  }
0x94: {  	_ =	strace s2  }
0x95: {  	s2 =	sld [smem:$0x3FFD];
	_ =	sdelay $0x3  }
0x96: {  	_ =	strace s2  }
0x97: {  	_ =	strace $0x8FFFFFFF  }
0x98: {  	s18 =	sld [smem:$0x3FDB];
	_ =	sdelay $0x1  }
0x99: {  	s19 =	simm.s32 $_scs_section_size  }
0x9a: {  	s4 =	simm.s32 $_size__tile_overlayer_lowered;
	s5 =	simm.s32 $_tile_overlayer_lowered  }
0x9b: {  	s22 =	simm.s32 $0x1BFF;
	s21 =	sshll.u32 s5, $0x1;
	s2 =	sadd.s32 s19, s18  }
0x9c: {  	s6 =	simm.s32 $0x0;
	s20 =	sshll.u32 s4, $0x1;
	s4 =	sadd.s32 s21, s2  }
0x9d: {  	[timem:s6], [sflag:s22] =	dma.local [hbm:s4], s20  }
0x9e: {  	_ =	swait.ge [sflag:s22], s20  }
0x9f: {  	s3 =	ssub.s32 $0x0, s20;
	[sflag:s22] =	ssyncset.done $0x0  }
0xa0: {  	[sflag:s22] =	ssyncadd.s32 s3;
	_ =	sdelay $0x1  }
0xa1: {  	s23 =	simm.s32 $0x1B8B  }
0xa2: {  	_ =	swait.ge [sflag:s23], $0x1  }
0xa3: {  	[sflag:s23] =	ssyncset.done $0x0  }
0xa4: {  	s25 =	simm.s32 $0x1B8E;
	s24 =	sld [smem:$0x3FFE];
	[sflag:s23] =	ssyncadd.s32 $0xFFFFFFFF  }
0xa5: {  	s26 =	simm.s32 $execute0_lowered;
	[smem:$0x3FD2] =	sst s25  }
0xa6: {  	s4 =	sshll.u32 s26, $0x1;
	_ =	strace $0x8000004C;
	[dreg:$0x1] =	wrdreg $0xFFFFFFFF  }
0xa7: {  	s28 =	simm.s32 $_size_execute0_lowered;
	s2 =	sadd.s32 s2, s4;
	[dreg:$0x0] =	wrdreg $0x0  }
0xa8: {  	s4 =	sshll.u32 s28, $0x1;
	[dreg:$0x2] =	wrdreg s2  }
0xa9: {  	[dreg:$0x3] =	wrdreg s4  }
0xaa: {  	[dreg:$0x4] =	wrdreg $0xC0  }
0xab: {  	_ =	task [dreg:s6], $0x5FFFF  }
0xac: {  	[dreg:$0x1] =	wrdreg $0xFFFFFFFF  }
0xad: {  	[dreg:$0x0] =	wrdreg $0x60  }
0xae: {  	[dreg:$0x2] =	wrdreg s24  }
0xaf: {  	[dreg:$0x3] =	wrdreg $0xA0000  }
0xb0: {  	[dreg:$0x4] =	wrdreg $0x9  }
0xb1: {  	_ =	task.clear_ibuf [dreg:s6], $0x5FFFF;
	_ =	strace $0x9000004C  }
0xb2: {  	s29 =	simm.s32 $0x9;
	_ =	strace $0x8000004E  }
0xb3: {  	_ =	swait.ge [sflag:s29], $0x1  }
0xb4: {  	[sflag:s29] =	ssyncadd.s32 $0xFFFFFFFF  }
0xb5: {  	_ =	strace $0x9000004E  }
0xb6: {  	_ =	sfence  }
0xb7: {  	s30 =	sld [smem:$0x0];
	_ =	sdelay $0x2  }
0xb8: {  	s31 =	sshll.u32 s1, $0xD;
	s1 =	sshrl.u32 s1, $0x2  }
0xb9: {  	s3 =	sand.u32 $0x4000, s31;
	s1 =	sadd.s32 s1, s30  }
0xba: {  	s0 =	sor.u32 s3, s0;
	s1 =	sshll.u32 s1, $0x11  }
0xbb: {  	s0 =	sor.u32 s1, s0  }
0xbc: {  	s0 =	sadd.s32 $0x8F2B, s0  }
0xbd: {  	[sflag:s0] =	ssyncadd.remote.s32 $0x1  }
0xbe: {  	_ =	sfence.sel $0xFFFF  }
0xbf: {  	[dreg:$0x0] =	wrdreg $0xFFFFFFFF;
	(pc) =	sbr.abs _section_cstart, $3  }
0xc0: {  	[dreg:$0x1] =	wrdreg $0xFFFFFFFF  }
0xc1: {  	_ =	task.clear_ibuf [dreg:s6], $0x2FFFF;
	_ =	strace $0x9FFFFFFF  }
0xc2: {  	(tm) =	ssettm $0x7FFFFFFF  }
0xc3: {  	_ =	shalt  }
tec
execute0_lowered:
.L_overlay_start_1:
0x0: {  	(tag) =	ssettag $0x1  }
0x1: {  	s12 =	rddreg [dreg:$0x0]  }
0x2: {  	s1 =	rddreg [dreg:$0x1]  }
0x3: {  	s0 =	rddreg [dreg:$0x2];
	s2 =	simm.s32 $0x0;
	s5 =	srdreg.scid  }
0x4: {  	s3 =	stileid.u32;
	s18 =	simm.s32 $0x1;
	s19 =	simm.s32 $0x6C00  }
0x5: {  	s20 =	simm.s32 $0x1880;
	s21 =	simm.s32 $0x3400;
	s22 =	simm.s32 $0x3480  }
0x6: {  	s23 =	simm.s32 $0x0;
	[smem:$0x7FF] =	sst s2;
	s4 =	sadd.s32 $0x20200, s12  }
0x7: {  	s9 =	sadd.s32 $0x4200, s12;
	s10 =	sand.u32 $0x1, s5;
	s11 =	sadd.s32 $0x12200, s12  }
0x8: {  	s29 =	sshll.u32 s3, $0x2;
	s8 =	smul.u32 $0x50000, s3;
	s5 =	sadd.s32 $0x47400, s12  }
0x9: {  	s15 =	sshll.u32 s3, $0x6;
	s31 =	smul.u32 $0x2800, s3;
	s6 =	sshll.u32 s10, $0x1  }
0xa: {  	_ =	strace $0x8000004D;
	s7 =	ssub.s32 $0x2, s10;
	s6 =	sor.u32 s6, s29  }
0xb: {  	p0 =	seq.s32 s10, $0x1;
	s13 =	sshrl.u32 s7, $0x1;
	s14 =	smul.u32 $0x380, s6  }
0xc: {  	s8 =	sshrl.u32 s8, $0x2;
	s16 =	smul.u32 $0x1C00, s6;
	s13 =	ssub.s32 s7, s13  }
0xd: {  	s17 =	sadd.s32 s8, s1;
	s6 =	sor.u32 $0x1C02, s15;
	s15 =	simm.s32 $0x71C00  }
0xe: {  	s15 =	simm.s32 @!p0 $0x49C00;
	s7 =	sadd.s32 s9, s14;
	s8 =	sadd.s32 s11, s14  }
0xf: {  	s30 =	sshrl.u32 s16, $0x3;
	s12 =	sadd.s32 s15, s12;
	s15 =	simm.s32 $0x1C00  }
0x10: {  	s16 =	simm.s32 $0x64;
	s14 =	sadd.s32 $0x380, s30;
	s12 =	sadd.s32 s12, s31  }
0x11: {  	s9 =	sadd.s32 s9, s14;
	s10 =	sadd.s32 s11, s14;
	s11 =	smax.u32 s13, $0x1  }
0x12: {  	s13 =	sshrl.u32 s17, $0x3;
	s14 =	simm.s32 $0x2;
	s17 =	simm.s32 $0x3800  }
.LBB2_1:
0x13: {  	[spmem:s13], [sflag:s6] =	dma.local [hbm:s5], $0x2800  }
0x14: {  	_ =	swait.ge [sflag:s14], $0x2800  }
0x15: {  	[sflag:s14] =	ssyncset.done $0x0  }
0x16: {  	[sflag:s14] =	ssyncadd.s32 $0xFFFFD800  }
0x17: {  	[bflag:$0x0] =	sbarrier.arrive $0xFFFF  }
0x18: {  	[tilespmem:s2], [sflag:$0x2] =	stream.linear.gather [hbm4b:s7+s2], $0x1900, $0x38;
	[tilespmem:$0x1E000] =	vst v63  }
0x19: {  	_ =	swait.ge [sflag:s14], $0x1900  }
0x1a: {  	[sflag:s14] =	ssyncset.done $0x0  }
0x1b: {  	[sflag:s14] =	ssyncadd.s32 $0xFFFFE700  }
0x1c: {  	[tilespmem:s15], [sflag:$0x2] =	stream.linear.gather [hbm4b:s8+s2], $0x1900, $0x38;
	[tilespmem:$0x1E000] =	vst v63  }
0x1d: {  	_ =	swait.ge [sflag:s14], $0x1900  }
0x1e: {  	[sflag:s14] =	ssyncset.done $0x0  }
0x1f: {  	[sflag:s14] =	ssyncadd.s32 $0xFFFFE700  }
0x20: {  	[tilespmem:s17], [sflag:$0x1] =	stream.indirect.gather [hbm4b:s4+s16], $0x80, s2, s16, $0xb8;
	[tilespmem:$0x1E000] =	vst v63  }
0x21: {  	_ =	swait.ge [sflag:s18], $0x3200  }
0x22: {  	[sflag:s18] =	ssyncset.done $0x0  }
0x23: {  	s24 =	simm.s32 $0x80;
	[sflag:s18] =	ssyncadd.s32 $0xFFFFCE00  }
0x24: {  	[tilespmem:s19], [sflag:$0x1] =	stream.indirect.gather [hbm4b:s4+s16], $0x80, s24, s16, $0xb8;
	[tilespmem:$0x1E000] =	vst v63  }
0x25: {  	s29 =	simm.s32 $0x1C00  }
0x26: {  	[spmem:s1] =	stream.indirect.scatter.add.f32 [tilespmem:s17], [sflag:$0x2], $0x80, s29, s16, $0xb8;
	[tilespmem:$0x1E000] =	vst v63  }
0x27: {  	_ =	swait.ge [sflag:s14], $0x3200  }
0x28: {  	[sflag:s14] =	ssyncset.done $0x0  }
0x29: {  	[sflag:s14] =	ssyncadd.s32 $0xFFFFCE00  }
0x2a: {  	_ =	swait.ge [sflag:s18], $0x3200  }
0x2b: {  	[sflag:s18] =	ssyncset.done $0x0  }
0x2c: {  	s30 =	simm.s32 $0x100;
	[sflag:s18] =	ssyncadd.s32 $0xFFFFCE00  }
0x2d: {  	[tilespmem:s17], [sflag:$0x1] =	stream.indirect.gather [hbm4b:s4+s16], $0x80, s30, s16, $0xb8;
	[tilespmem:$0x1E000] =	vst v63  }
0x2e: {  	s31 =	simm.s32 $0x1C80  }
0x2f: {  	[spmem:s1] =	stream.indirect.scatter.add.f32 [tilespmem:s19], [sflag:$0x2], $0x80, s31, s16, $0xb8;
	[tilespmem:$0x1E000] =	vst v63  }
0x30: {  	_ =	swait.ge [sflag:s14], $0x3200  }
0x31: {  	s24 =	simm.s32 $0x400;
	[sflag:s14] =	ssyncset.done $0x0  }
.LBB2_2:
0x32: {  	p0 =	sne.s32 s24, $0x5C00  }
0x33: {  	[sflag:s14] =	ssyncadd.s32 $0xFFFFCE00;
	s25 =	smov.u32 s24;
	s24 =	sadd.s32 $0x400, s24  }
0x34: {  	_ = 	snop  }
0x35: {  	_ =	swait.ge [sflag:s18], $0x3200  }
0x36: {  	s25 =	sshra.s32 s25, $0x2;
	[sflag:s18] =	ssyncset.done $0x0  }
0x37: {  	s26 =	sadd.s32 $0x80, s25;
	[sflag:s18] =	ssyncadd.s32 $0xFFFFCE00  }
0x38: {  	[tilespmem:s19], [sflag:$0x1] =	stream.indirect.gather [hbm4b:s4+s16], $0x80, s26, s16, $0xb8;
	[tilespmem:$0x1E000] =	vst v63  }
0x39: {  	s26 =	sadd.s32 $0x1C00, s25  }
0x3a: {  	[spmem:s1] =	stream.indirect.scatter.add.f32 [tilespmem:s17], [sflag:$0x2], $0x80, s26, s16, $0xb8;
	[tilespmem:$0x1E000] =	vst v63  }
0x3b: {  	_ =	swait.ge [sflag:s14], $0x3200  }
0x3c: {  	[sflag:s14] =	ssyncset.done $0x0  }
0x3d: {  	[sflag:s14] =	ssyncadd.s32 $0xFFFFCE00  }
0x3e: {  	_ =	swait.ge [sflag:s18], $0x3200  }
0x3f: {  	[sflag:s18] =	ssyncset.done $0x0  }
0x40: {  	s26 =	sadd.s32 $0x100, s25;
	[sflag:s18] =	ssyncadd.s32 $0xFFFFCE00  }
0x41: {  	[tilespmem:s17], [sflag:$0x1] =	stream.indirect.gather [hbm4b:s4+s16], $0x80, s26, s16, $0xb8;
	[tilespmem:$0x1E000] =	vst v63  }
.Ltmp0:
0x42: {  	_ = 	snop;
	(pc) =	sbr.rel @p0 .LBB2_2-.Ltmp0, $4  }
0x43: {  	s25 =	sadd.s32 $0x1C80, s25  }
0x44: {  	[spmem:s1] =	stream.indirect.scatter.add.f32 [tilespmem:s19], [sflag:$0x2], $0x80, s25, s16, $0xb8;
	[tilespmem:$0x1E000] =	vst v63  }
0x45: {  	_ =	swait.ge [sflag:s14], $0x3200  }
0x46: {  	[sflag:s14] =	ssyncset.done $0x0  }
0x47: {  	[sflag:s14] =	ssyncadd.s32 $0xFFFFCE00  }
0x48: {  	_ =	swait.ge [sflag:s18], $0x3200  }
0x49: {  	[sflag:s18] =	ssyncset.done $0x0  }
0x4a: {  	[sflag:s18] =	ssyncadd.s32 $0xFFFFCE00  }
0x4b: {  	[tilespmem:s19], [sflag:$0x1] =	stream.indirect.gather [hbm4b:s4+s16], $0x80, s20, s16, $0xb8;
	[tilespmem:$0x1E000] =	vst v63  }
0x4c: {  	_ = 	snop  }
0x4d: {  	[spmem:s1] =	stream.indirect.scatter.add.f32 [tilespmem:s17], [sflag:$0x2], $0x80, s21, s16, $0xb8;
	[tilespmem:$0x1E000] =	vst v63  }
0x4e: {  	_ =	swait.ge [sflag:s14], $0x3200  }
0x4f: {  	[sflag:s14] =	ssyncset.done $0x0  }
0x50: {  	[sflag:s14] =	ssyncadd.s32 $0xFFFFCE00  }
0x51: {  	_ =	swait.ge [sflag:s18], $0x3200  }
0x52: {  	[sflag:s18] =	ssyncset.done $0x0  }
0x53: {  	[sflag:s18] =	ssyncadd.s32 $0xFFFFCE00  }
0x54: {  	[spmem:s1] =	stream.indirect.scatter.add.f32 [tilespmem:s19], [sflag:$0x2], $0x80, s22, s16, $0xb8;
	[tilespmem:$0x1E000] =	vst v63  }
0x55: {  	_ =	swait.ge [sflag:s14], $0x3200  }
0x56: {  	[sflag:s14] =	ssyncset.done $0x0  }
0x57: {  	s24 =	simm.s32 $0x0;
	[sflag:s14] =	ssyncadd.s32 $0xFFFFCE00  }
0x58: {  	[tilespmem:s24], [sflag:$0x2] =	stream.linear.gather [hbm4b:s9+s24], $0x1900, $0x38;
	[tilespmem:$0x1E000] =	vst v63  }
0x59: {  	_ =	swait.ge [sflag:s14], $0x1900  }
0x5a: {  	[sflag:s14] =	ssyncset.done $0x0  }
0x5b: {  	[sflag:s14] =	ssyncadd.s32 $0xFFFFE700  }
0x5c: {  	[tilespmem:s15], [sflag:$0x2] =	stream.linear.gather [hbm4b:s10+s24], $0x1900, $0x38;
	[tilespmem:$0x1E000] =	vst v63  }
0x5d: {  	_ =	swait.ge [sflag:s14], $0x1900  }
0x5e: {  	[sflag:s14] =	ssyncset.done $0x0  }
0x5f: {  	[sflag:s14] =	ssyncadd.s32 $0xFFFFE700  }
0x60: {  	[tilespmem:s17], [sflag:$0x1] =	stream.indirect.gather [hbm4b:s4+s16], $0x80, s24, s16, $0xb8;
	[tilespmem:$0x1E000] =	vst v63  }
0x61: {  	_ =	swait.ge [sflag:s18], $0x3200  }
0x62: {  	[sflag:s18] =	ssyncset.done $0x0  }
0x63: {  	s28 =	simm.s32 $0x80;
	[sflag:s18] =	ssyncadd.s32 $0xFFFFCE00  }
0x64: {  	[tilespmem:s19], [sflag:$0x1] =	stream.indirect.gather [hbm4b:s4+s16], $0x80, s28, s16, $0xb8;
	[tilespmem:$0x1E000] =	vst v63  }
0x65: {  	s29 =	simm.s32 $0x1C00  }
0x66: {  	[spmem:s1] =	stream.indirect.scatter.add.f32 [tilespmem:s17], [sflag:$0x2], $0x80, s29, s16, $0xb8;
	[tilespmem:$0x1E000] =	vst v63  }
0x67: {  	_ =	swait.ge [sflag:s14], $0x3200  }
0x68: {  	[sflag:s14] =	ssyncset.done $0x0  }
0x69: {  	[sflag:s14] =	ssyncadd.s32 $0xFFFFCE00  }
0x6a: {  	_ =	swait.ge [sflag:s18], $0x3200  }
0x6b: {  	[sflag:s18] =	ssyncset.done $0x0  }
0x6c: {  	s30 =	simm.s32 $0x100;
	[sflag:s18] =	ssyncadd.s32 $0xFFFFCE00  }
0x6d: {  	[tilespmem:s17], [sflag:$0x1] =	stream.indirect.gather [hbm4b:s4+s16], $0x80, s30, s16, $0xb8;
	[tilespmem:$0x1E000] =	vst v63  }
0x6e: {  	s31 =	simm.s32 $0x1C80  }
0x6f: {  	[spmem:s1] =	stream.indirect.scatter.add.f32 [tilespmem:s19], [sflag:$0x2], $0x80, s31, s16, $0xb8;
	[tilespmem:$0x1E000] =	vst v63  }
0x70: {  	_ =	swait.ge [sflag:s14], $0x3200  }
0x71: {  	s24 =	simm.s32 $0x400;
	[sflag:s14] =	ssyncset.done $0x0  }
.LBB2_4:
0x72: {  	p0 =	sne.s32 s24, $0x5C00  }
0x73: {  	[sflag:s14] =	ssyncadd.s32 $0xFFFFCE00;
	s25 =	smov.u32 s24;
	s24 =	sadd.s32 $0x400, s24  }
0x74: {  	_ = 	snop  }
0x75: {  	_ =	swait.ge [sflag:s18], $0x3200  }
0x76: {  	s25 =	sshra.s32 s25, $0x2;
	[sflag:s18] =	ssyncset.done $0x0  }
0x77: {  	s26 =	sadd.s32 $0x80, s25;
	[sflag:s18] =	ssyncadd.s32 $0xFFFFCE00  }
0x78: {  	[tilespmem:s19], [sflag:$0x1] =	stream.indirect.gather [hbm4b:s4+s16], $0x80, s26, s16, $0xb8;
	[tilespmem:$0x1E000] =	vst v63  }
0x79: {  	s26 =	sadd.s32 $0x1C00, s25  }
0x7a: {  	[spmem:s1] =	stream.indirect.scatter.add.f32 [tilespmem:s17], [sflag:$0x2], $0x80, s26, s16, $0xb8;
	[tilespmem:$0x1E000] =	vst v63  }
0x7b: {  	_ =	swait.ge [sflag:s14], $0x3200  }
0x7c: {  	[sflag:s14] =	ssyncset.done $0x0  }
0x7d: {  	[sflag:s14] =	ssyncadd.s32 $0xFFFFCE00  }
0x7e: {  	_ =	swait.ge [sflag:s18], $0x3200  }
0x7f: {  	[sflag:s18] =	ssyncset.done $0x0  }
0x80: {  	s26 =	sadd.s32 $0x100, s25;
	[sflag:s18] =	ssyncadd.s32 $0xFFFFCE00  }
0x81: {  	[tilespmem:s17], [sflag:$0x1] =	stream.indirect.gather [hbm4b:s4+s16], $0x80, s26, s16, $0xb8;
	[tilespmem:$0x1E000] =	vst v63  }
.Ltmp1:
0x82: {  	_ = 	snop;
	(pc) =	sbr.rel @p0 .LBB2_4-.Ltmp1, $4  }
0x83: {  	s25 =	sadd.s32 $0x1C80, s25  }
0x84: {  	[spmem:s1] =	stream.indirect.scatter.add.f32 [tilespmem:s19], [sflag:$0x2], $0x80, s25, s16, $0xb8;
	[tilespmem:$0x1E000] =	vst v63  }
0x85: {  	_ =	swait.ge [sflag:s14], $0x3200  }
0x86: {  	[sflag:s14] =	ssyncset.done $0x0  }
0x87: {  	[sflag:s14] =	ssyncadd.s32 $0xFFFFCE00  }
0x88: {  	_ =	swait.ge [sflag:s18], $0x3200  }
0x89: {  	[sflag:s18] =	ssyncset.done $0x0  }
0x8a: {  	[sflag:s18] =	ssyncadd.s32 $0xFFFFCE00  }
0x8b: {  	[tilespmem:s19], [sflag:$0x1] =	stream.indirect.gather [hbm4b:s4+s16], $0x80, s20, s16, $0xb8;
	[tilespmem:$0x1E000] =	vst v63  }
0x8c: {  	_ = 	snop  }
0x8d: {  	[spmem:s1] =	stream.indirect.scatter.add.f32 [tilespmem:s17], [sflag:$0x2], $0x80, s21, s16, $0xb8;
	[tilespmem:$0x1E000] =	vst v63  }
0x8e: {  	_ =	swait.ge [sflag:s14], $0x3200  }
0x8f: {  	[sflag:s14] =	ssyncset.done $0x0  }
0x90: {  	[sflag:s14] =	ssyncadd.s32 $0xFFFFCE00  }
0x91: {  	_ =	swait.ge [sflag:s18], $0x3200  }
0x92: {  	[sflag:s18] =	ssyncset.done $0x0  }
0x93: {  	[sflag:s18] =	ssyncadd.s32 $0xFFFFCE00  }
0x94: {  	[spmem:s1] =	stream.indirect.scatter.add.f32 [tilespmem:s19], [sflag:$0x2], $0x80, s22, s16, $0xb8;
	[tilespmem:$0x1E000] =	vst v63  }
0x95: {  	_ =	swait.ge [sflag:s14], $0x3200  }
0x96: {  	s23 =	sadd.s32 $0x1, s23;
	[sflag:s14] =	ssyncset.done $0x0  }
0x97: {  	p0 =	sne.s32 s23, s11;
	[sflag:s14] =	ssyncadd.s32 $0xFFFFCE00  }
.Ltmp2:
0x98: {  	[bflag:$0x0] =	sbarrier.arrive $0xFFFF;
	(pc) =	sbr.rel @p0 .LBB2_1-.Ltmp2, $4  }
0x99: {  	[hbm:s12], [sflag:s6] =	dma.local [spmem:s13], $0x2800  }
0x9a: {  	_ =	swait.ge [sflag:s14], $0x2800  }
0x9b: {  	[sflag:s14] =	ssyncset.done $0x0  }
0x9c: {  	[sflag:s14] =	ssyncadd.s32 $0xFFFFD800  }
0x9d: {  	_ =	sfence.sel $0x180000  }
0x9e: {  	[bflag:$0x0] =	sbarrier.arrive $0xFFFF  }
0x9f: {  	p0 =	sne.s32 s3, $0x0;
	_ =	strace $0x9000004D  }
0xa0: {  	s0 =	sadd.s32 @!p0 $0x100000, s0;
	[bflag:$0x2] =	sbarrier.arrive $0xFFFF  }
0xa1: {  	[sflag:s0] =	ssyncadd.tile.s32 @!p0 $0x1;
	_ =	shalt  }
.Lfunc_end2:
_tile_overlayer_lowered:
.L_overlay_start_2:
0xa2: {  	(tag) =	ssettag $0x2  }
0xa3: {  	s0 =	rddreg [dreg:$0x0];
	s2 =	stileid.u32  }
0xa4: {  	s1 =	rddreg [dreg:$0x1];
	p0 =	sne.s32 s2, $0x0  }
0xa5: {  	s3 =	rddreg [dreg:$0x2];
	[bflag:$0x3] =	sbarrier.arrive $0xFFFF;
	s2 =	simm.s32 @!p0 $0x1C02  }
0xa6: {  	[timem:s3], [sflag:s2] =	dma.local @!p0 [hbm:s0], s1  }
0xa7: {  	s0 =	simm.s32 @!p0 $0x2  }
0xa8: {  	_ =	swait.ge @!p0 [sflag:s0], s1  }
0xa9: {  	s1 =	ssub.s32 @!p0 $0x0, s1;
	[sflag:s0] =	ssyncset.done @!p0 $0x0  }
0xaa: {  	[sflag:s0] =	ssyncadd.s32 @!p0 s1  }
0xab: {  	[bflag:$0x3] =	sbarrier.arrive $0xFFFF  }
0xac: {  	_ =	shalt  }

// kernel: kernel.20.cloned.1.call-start
scs
__scs_entry_jumppad:
0x0: {  	(pc) =	sbr.rel $0x88, $3  }
0x1: {  	(tag) =	ssettag $0x0;
	lr =	simm.s32 $0x1  }
0x2: {  	[smem:$0x3F96] =	sst lr;
	_ =	strace $0xD0000000  }
0x3: {  	_ = 	snop  }
0x4: {  	_ = 	snop  }
0x5: {  	_ = 	snop  }
0x6: {  	_ = 	snop  }
0x7: {  	_ = 	snop  }
__scs_overlays_trampoline_lowered:
0x8: {  	[smem:$0x3FA5] =	sst s0  }
0x9: {  	[smem:$0x3FA6] =	sst s1  }
0xa: {  	[smem:$0x3FA7] =	sst s2  }
0xb: {  	[smem:$0x3FA8] =	sst s3  }
0xc: {  	[smem:$0x3FA9] =	sst s4  }
0xd: {  	[smem:$0x3FAA] =	sst s5  }
0xe: {  	[smem:$0x3FAB] =	sst s6  }
0xf: {  	[smem:$0x3FAC] =	sst s7  }
0x10: {  	[smem:$0x3FAD] =	sst s8  }
0x11: {  	[smem:$0x3FAE] =	sst s9;
	s0 =	simm.s32 @!p0 $0x0  }
0x12: {  	s1 =	sld [smem:$0x3F94];
	s0 =	simm.s32 @p0 $0x1  }
0x13: {  	[smem:$0x3FAF] =	sst s0;
	s0 =	simm.s32 @!p1 $0x0  }
0x14: {  	s2 =	sld [smem:$0x3F93];
	s0 =	simm.s32 @p1 $0x1  }
0x15: {  	[smem:$0x3FB0] =	sst s0;
	s0 =	simm.s32 @!p2 $0x0  }
0x16: {  	s3 =	sld [smem:$0x3FDB];
	s0 =	simm.s32 @p2 $0x1  }
0x17: {  	s4 =	simm.s32 $0x1BF5;
	[smem:$0x3FB2] =	sst s0  }
0x18: {  	s0 =	sld [smem:$0x3F95];
	_ =	swait.ge [sflag:s4], $0x0  }
0x19: {  	s7 =	sld [smem:$0x3F96]  }
0x1a: {  	s8 =	sadd.s32 $0xFFFFE003, lr  }
0x1b: {  	s9 =	sadd.s32 $0xFFFFFEF7, lr;
	s5 =	simm.s32 $0xFFFFFFFF;
	p2 =	slt.u32 s8, $0xFFFFF086  }
0x1c: {  	p1 =	slt.u32 s9, $0xF7A;
	s5 =	simm.s32 @!p2 $0x0  }
0x1d: {  	s5 =	simm.s32 @p1 $0x1;
	p0 =	seq.s32 s7, s2  }
0x1e: {  	s7 =	smul.u32 @!p0 $0xF7A, s2;
	p2 =	seq.s32 @!p0 s5, $0x0  }
0x1f: {  	s9 =	smul.u32 $0xF7A, s1;
	s8 =	simm.s32 @!p0 $0x1BF5;
	p2 =	por !p2, p0  }
0x20: {  	[sflag:s8] =	ssyncset.s32 @!p0 $0xFFFFF086;
	s6 =	sadd.s32 @!p0 s3, s7;
	s7 =	simm.s32 @!p0 $0x108  }
0x21: {  	s3 =	sadd.s32 s3, s9;
	s6 =	sadd.s32 @!p0 $0x88, s6;
	s7 =	simm.s32 @p2 $0x1082  }
0x22: {  	[simem:s7], [sflag:s8] =	dma.local @!p0 [hbm:s6], $0xF7A  }
0x23: {  	s9 =	sor.u32 $0xD0000000, s2;
	s6 =	simm.s32 $0x108;
	_ =	swait.ge @!p0 [sflag:s8], $0x0  }
0x24: {  	s3 =	sadd.s32 $0x88, s3;
	s6 =	simm.s32 @!p1 $0x1082;
	[sflag:s4] =	ssyncset.s32 $0xFFFFF086  }
0x25: {  	[simem:s6], [sflag:s4] =	dma.local [hbm:s3], $0xF7A  }
0x26: {  	[smem:$0x3F96] =	sst s1;
	(tag) =	ssettag s2;
	_ =	strace s9  }
0x27: {  	s1 =	sld [smem:$0x3FA6]  }
0x28: {  	s2 =	sld [smem:$0x3FA7]  }
0x29: {  	s4 =	sld [smem:$0x3FA9]  }
0x2a: {  	p0 =	seq.s32 s5, $0x0;
	s5 =	sld [smem:$0x3FAA]  }
0x2b: {  	s6 =	sld [smem:$0x3FAB]  }
0x2c: {  	s7 =	sld [smem:$0x3FAC]  }
0x2d: {  	s3 =	simm.s32 $0x108;
	s8 =	sld [smem:$0x3FAD]  }
0x2e: {  	s3 =	simm.s32 @!p0 $0x1082;
	s9 =	sld [smem:$0x3FAE]  }
0x2f: {  	lr =	sadd.s32 s0, s3;
	s0 =	sld [smem:$0x3FA5]  }
0x30: {  	s3 =	sld [smem:$0x3FA8]  }
0x31: {  	[smem:$0x3FB1] =	sst s10  }
0x32: {  	s10 =	sld [smem:$0x3FAF];
	_ =	sdelay $0x3  }
0x33: {  	p0 =	seq.s32 s10, $0x1;
	s10 =	sld [smem:$0x3FB1];
	_ =	sdelay $0x3  }
0x34: {  	[smem:$0x3FB1] =	sst s10  }
0x35: {  	s10 =	sld [smem:$0x3FB0];
	_ =	sdelay $0x3  }
0x36: {  	p1 =	seq.s32 s10, $0x1;
	s10 =	sld [smem:$0x3FB1];
	_ =	sdelay $0x3  }
0x37: {  	[smem:$0x3FB1] =	sst s10  }
0x38: {  	s10 =	sld [smem:$0x3FB2]  }
0x39: {  	_ = 	snop;
	(pc) =	sbr.ind lr, $3  }
0x3a: {  	_ = 	snop  }
0x3b: {  	_ = 	snop  }
0x3c: {  	p2 =	seq.s32 s10, $0x1;
	s10 =	sld [smem:$0x3FB1]  }
0x3d: {  	_ =	shalt  }
0x3e: {  	_ =	shalt  }
0x3f: {  	_ =	shalt  }
0x40: {  	_ =	shalt  }
0x41: {  	_ =	shalt  }
0x42: {  	_ =	shalt  }
0x43: {  	_ =	shalt  }
0x44: {  	_ =	shalt  }
0x45: {  	_ =	shalt  }
0x46: {  	_ =	shalt  }
0x47: {  	_ =	shalt  }
0x48: {  	_ =	shalt  }
0x49: {  	_ =	shalt  }
0x4a: {  	_ =	shalt  }
0x4b: {  	_ =	shalt  }
0x4c: {  	_ =	shalt  }
0x4d: {  	_ =	shalt  }
0x4e: {  	_ =	shalt  }
0x4f: {  	_ =	shalt  }
0x50: {  	_ =	shalt  }
0x51: {  	_ =	shalt  }
0x52: {  	_ =	shalt  }
0x53: {  	_ =	shalt  }
0x54: {  	_ =	shalt  }
0x55: {  	_ =	shalt  }
0x56: {  	_ =	shalt  }
0x57: {  	_ =	shalt  }
0x58: {  	_ =	shalt  }
0x59: {  	_ =	shalt  }
0x5a: {  	_ =	shalt  }
0x5b: {  	_ =	shalt  }
0x5c: {  	_ =	shalt  }
0x5d: {  	_ =	shalt  }
0x5e: {  	_ =	shalt  }
0x5f: {  	_ =	shalt  }
0x60: {  	_ =	shalt  }
0x61: {  	_ =	shalt  }
0x62: {  	_ =	shalt  }
0x63: {  	_ =	shalt  }
0x64: {  	_ =	shalt  }
0x65: {  	_ =	shalt  }
0x66: {  	_ =	shalt  }
0x67: {  	_ =	shalt  }
0x68: {  	_ =	shalt  }
0x69: {  	_ =	shalt  }
0x6a: {  	_ =	shalt  }
0x6b: {  	_ =	shalt  }
0x6c: {  	_ =	shalt  }
0x6d: {  	_ =	shalt  }
0x6e: {  	_ =	shalt  }
0x6f: {  	_ =	shalt  }
0x70: {  	_ =	shalt  }
0x71: {  	_ =	shalt  }
0x72: {  	_ =	shalt  }
0x73: {  	_ =	shalt  }
0x74: {  	_ =	shalt  }
0x75: {  	_ =	shalt  }
0x76: {  	_ =	shalt  }
0x77: {  	_ =	shalt  }
0x78: {  	_ =	shalt  }
0x79: {  	_ =	shalt  }
0x7a: {  	_ =	shalt  }
0x7b: {  	_ =	shalt  }
0x7c: {  	_ =	shalt  }
0x7d: {  	_ =	shalt  }
0x7e: {  	_ =	shalt  }
0x7f: {  	_ =	shalt  }
0x80: {  	_ =	shalt  }
0x81: {  	_ =	shalt  }
0x82: {  	_ =	shalt  }
0x83: {  	_ =	shalt  }
0x84: {  	_ =	shalt  }
0x85: {  	_ =	shalt  }
0x86: {  	_ =	shalt  }
0x87: {  	_ =	shalt  }
.Lfunc_end0:
.L_simem_size_0:
called_computation.3_lowered:
.L_overlay_start_0:
0x88: {  	s2 =	sld [smem:$0x3FD9]  }
0x89: {  	s3 =	sld [smem:$0x3FFE];
	_ =	sdelay $0x1  }
0x8a: {  	s1 =	srdreg.scid  }
0x8b: {  	s0 =	sand.u32 $0x1, s1  }
0x8c: {  	s16 =	sshll.u32 s0, $0xA;
	s2 =	sadd.s32 s3, s2  }
0x8d: {  	s2 =	sadd.s32 s2, s16  }
0x8e: {  	[smem:$0x3FBD] =	sst s2  }
0x8f: {  	_ = 	snop  }
0x90: {  	(tm) =	ssettm $0x1  }
0x91: {  	s17 =	sld [smem:$0x3FFB];
	_ =	sdelay $0x3  }
0x92: {  	_ =	strace s17  }
0x93: {  	s2 =	sld [smem:$0x3FFC];
	_ =	sdelay $0x3  }
0x94: {  	_ =	strace s2  }
0x95: {  	s2 =	sld [smem:$0x3FFD];
	_ =	sdelay $0x3  }
0x96: {  	_ =	strace s2  }
0x97: {  	_ =	strace $0x8FFFFFFF  }
0x98: {  	s18 =	sld [smem:$0x3FDB];
	_ =	sdelay $0x1  }
0x99: {  	s19 =	simm.s32 $_scs_section_size  }
0x9a: {  	s4 =	simm.s32 $_size__tile_overlayer_lowered;
	s5 =	simm.s32 $_tile_overlayer_lowered  }
0x9b: {  	s22 =	simm.s32 $0x1BFF;
	s21 =	sshll.u32 s5, $0x1;
	s2 =	sadd.s32 s19, s18  }
0x9c: {  	s6 =	simm.s32 $0x0;
	s20 =	sshll.u32 s4, $0x1;
	s4 =	sadd.s32 s21, s2  }
0x9d: {  	[timem:s6], [sflag:s22] =	dma.local [hbm:s4], s20  }
0x9e: {  	_ =	swait.ge [sflag:s22], s20  }
0x9f: {  	s3 =	ssub.s32 $0x0, s20;
	[sflag:s22] =	ssyncset.done $0x0  }
0xa0: {  	[sflag:s22] =	ssyncadd.s32 s3;
	_ =	sdelay $0x1  }
0xa1: {  	s23 =	simm.s32 $0x1B8B  }
0xa2: {  	_ =	swait.ge [sflag:s23], $0x1  }
0xa3: {  	[sflag:s23] =	ssyncset.done $0x0  }
0xa4: {  	s25 =	simm.s32 $0x1B8E;
	s24 =	sld [smem:$0x3FFE];
	[sflag:s23] =	ssyncadd.s32 $0xFFFFFFFF  }
0xa5: {  	s26 =	simm.s32 $execute0_lowered;
	[smem:$0x3FD2] =	sst s25  }
0xa6: {  	s4 =	sshll.u32 s26, $0x1;
	_ =	strace $0x8000004F;
	[dreg:$0x1] =	wrdreg $0xFFFFFFFF  }
0xa7: {  	s28 =	simm.s32 $_size_execute0_lowered;
	s2 =	sadd.s32 s2, s4;
	[dreg:$0x0] =	wrdreg $0x0  }
0xa8: {  	s4 =	sshll.u32 s28, $0x1;
	[dreg:$0x2] =	wrdreg s2  }
0xa9: {  	[dreg:$0x3] =	wrdreg s4  }
0xaa: {  	[dreg:$0x4] =	wrdreg $0xC0  }
0xab: {  	_ =	task [dreg:s6], $0x5FFFF  }
0xac: {  	[dreg:$0x1] =	wrdreg $0xFFFFFFFF  }
0xad: {  	[dreg:$0x0] =	wrdreg $0x60  }
0xae: {  	[dreg:$0x2] =	wrdreg s24  }
0xaf: {  	[dreg:$0x3] =	wrdreg $0xA0000  }
0xb0: {  	[dreg:$0x4] =	wrdreg $0x9  }
0xb1: {  	_ =	task.clear_ibuf [dreg:s6], $0x5FFFF;
	_ =	strace $0x9000004F  }
0xb2: {  	s29 =	simm.s32 $0x9;
	_ =	strace $0x80000051  }
0xb3: {  	_ =	swait.ge [sflag:s29], $0x1  }
0xb4: {  	[sflag:s29] =	ssyncadd.s32 $0xFFFFFFFF  }
0xb5: {  	_ =	strace $0x90000051  }
0xb6: {  	_ =	sfence  }
0xb7: {  	s30 =	sld [smem:$0x0];
	_ =	sdelay $0x2  }
0xb8: {  	s31 =	sshll.u32 s1, $0xD;
	s1 =	sshrl.u32 s1, $0x2  }
0xb9: {  	s3 =	sand.u32 $0x4000, s31;
	s1 =	sadd.s32 s1, s30  }
0xba: {  	s0 =	sor.u32 s3, s0;
	s1 =	sshll.u32 s1, $0x11  }
0xbb: {  	s0 =	sor.u32 s1, s0  }
0xbc: {  	s0 =	sadd.s32 $0x8F2B, s0  }
0xbd: {  	[sflag:s0] =	ssyncadd.remote.s32 $0x1  }
0xbe: {  	_ =	sfence.sel $0xFFFF  }
0xbf: {  	[dreg:$0x0] =	wrdreg $0xFFFFFFFF;
	(pc) =	sbr.abs _section_cstart, $3  }
0xc0: {  	[dreg:$0x1] =	wrdreg $0xFFFFFFFF  }
0xc1: {  	_ =	task.clear_ibuf [dreg:s6], $0x2FFFF;
	_ =	strace $0x9FFFFFFF  }
0xc2: {  	(tm) =	ssettm $0x7FFFFFFF  }
0xc3: {  	_ =	shalt  }
tec
execute0_lowered:
.L_overlay_start_1:
0x0: {  	(tag) =	ssettag $0x1  }
0x1: {  	s12 =	rddreg [dreg:$0x0]  }
0x2: {  	s1 =	rddreg [dreg:$0x1]  }
0x3: {  	s0 =	rddreg [dreg:$0x2];
	s2 =	simm.s32 $0x0;
	s5 =	srdreg.scid  }
0x4: {  	s3 =	stileid.u32;
	s18 =	simm.s32 $0x1;
	s19 =	simm.s32 $0x6C00  }
0x5: {  	s20 =	simm.s32 $0x1880;
	s21 =	simm.s32 $0x3400;
	s22 =	simm.s32 $0x3480  }
0x6: {  	s23 =	simm.s32 $0x0;
	[smem:$0x7FF] =	sst s2;
	s4 =	sadd.s32 $0x20200, s12  }
0x7: {  	s9 =	sadd.s32 $0x4200, s12;
	s10 =	sand.u32 $0x1, s5;
	s11 =	sadd.s32 $0x12200, s12  }
0x8: {  	s29 =	sshll.u32 s3, $0x2;
	s8 =	smul.u32 $0x50000, s3;
	s5 =	sadd.s32 $0x47400, s12  }
0x9: {  	s15 =	sshll.u32 s3, $0x6;
	s31 =	smul.u32 $0x2800, s3;
	s6 =	sshll.u32 s10, $0x1  }
0xa: {  	_ =	strace $0x80000050;
	s7 =	ssub.s32 $0x2, s10;
	s6 =	sor.u32 s6, s29  }
0xb: {  	p0 =	seq.s32 s10, $0x1;
	s13 =	sshrl.u32 s7, $0x1;
	s14 =	smul.u32 $0x380, s6  }
0xc: {  	s8 =	sshrl.u32 s8, $0x2;
	s16 =	smul.u32 $0x1C00, s6;
	s13 =	ssub.s32 s7, s13  }
0xd: {  	s17 =	sadd.s32 s8, s1;
	s6 =	sor.u32 $0x1C02, s15;
	s15 =	simm.s32 $0x71C00  }
0xe: {  	s15 =	simm.s32 @!p0 $0x49C00;
	s7 =	sadd.s32 s9, s14;
	s8 =	sadd.s32 s11, s14  }
0xf: {  	s30 =	sshrl.u32 s16, $0x3;
	s12 =	sadd.s32 s15, s12;
	s15 =	simm.s32 $0x1C00  }
0x10: {  	s16 =	simm.s32 $0x64;
	s14 =	sadd.s32 $0x380, s30;
	s12 =	sadd.s32 s12, s31  }
0x11: {  	s9 =	sadd.s32 s9, s14;
	s10 =	sadd.s32 s11, s14;
	s11 =	smax.u32 s13, $0x1  }
0x12: {  	s13 =	sshrl.u32 s17, $0x3;
	s14 =	simm.s32 $0x2;
	s17 =	simm.s32 $0x3800  }
.LBB2_1:
0x13: {  	[spmem:s13], [sflag:s6] =	dma.local [hbm:s5], $0x2800  }
0x14: {  	_ =	swait.ge [sflag:s14], $0x2800  }
0x15: {  	[sflag:s14] =	ssyncset.done $0x0  }
0x16: {  	[sflag:s14] =	ssyncadd.s32 $0xFFFFD800  }
0x17: {  	[bflag:$0x0] =	sbarrier.arrive $0xFFFF  }
0x18: {  	[tilespmem:s2], [sflag:$0x2] =	stream.linear.gather [hbm4b:s7+s2], $0x1900, $0x38;
	[tilespmem:$0x1E000] =	vst v63  }
0x19: {  	_ =	swait.ge [sflag:s14], $0x1900  }
0x1a: {  	[sflag:s14] =	ssyncset.done $0x0  }
0x1b: {  	[sflag:s14] =	ssyncadd.s32 $0xFFFFE700  }
0x1c: {  	[tilespmem:s15], [sflag:$0x2] =	stream.linear.gather [hbm4b:s8+s2], $0x1900, $0x38;
	[tilespmem:$0x1E000] =	vst v63  }
0x1d: {  	_ =	swait.ge [sflag:s14], $0x1900  }
0x1e: {  	[sflag:s14] =	ssyncset.done $0x0  }
0x1f: {  	[sflag:s14] =	ssyncadd.s32 $0xFFFFE700  }
0x20: {  	[tilespmem:s17], [sflag:$0x1] =	stream.indirect.gather [hbm4b:s4+s16], $0x80, s2, s16, $0xb8;
	[tilespmem:$0x1E000] =	vst v63  }
0x21: {  	_ =	swait.ge [sflag:s18], $0x3200  }
0x22: {  	[sflag:s18] =	ssyncset.done $0x0  }
0x23: {  	s24 =	simm.s32 $0x80;
	[sflag:s18] =	ssyncadd.s32 $0xFFFFCE00  }
0x24: {  	[tilespmem:s19], [sflag:$0x1] =	stream.indirect.gather [hbm4b:s4+s16], $0x80, s24, s16, $0xb8;
	[tilespmem:$0x1E000] =	vst v63  }
0x25: {  	s29 =	simm.s32 $0x1C00  }
0x26: {  	[spmem:s1] =	stream.indirect.scatter.add.f32 [tilespmem:s17], [sflag:$0x2], $0x80, s29, s16, $0xb8;
	[tilespmem:$0x1E000] =	vst v63  }
0x27: {  	_ =	swait.ge [sflag:s14], $0x3200  }
0x28: {  	[sflag:s14] =	ssyncset.done $0x0  }
0x29: {  	[sflag:s14] =	ssyncadd.s32 $0xFFFFCE00  }
0x2a: {  	_ =	swait.ge [sflag:s18], $0x3200  }
0x2b: {  	[sflag:s18] =	ssyncset.done $0x0  }
0x2c: {  	s30 =	simm.s32 $0x100;
	[sflag:s18] =	ssyncadd.s32 $0xFFFFCE00  }
0x2d: {  	[tilespmem:s17], [sflag:$0x1] =	stream.indirect.gather [hbm4b:s4+s16], $0x80, s30, s16, $0xb8;
	[tilespmem:$0x1E000] =	vst v63  }
0x2e: {  	s31 =	simm.s32 $0x1C80  }
0x2f: {  	[spmem:s1] =	stream.indirect.scatter.add.f32 [tilespmem:s19], [sflag:$0x2], $0x80, s31, s16, $0xb8;
	[tilespmem:$0x1E000] =	vst v63  }
0x30: {  	_ =	swait.ge [sflag:s14], $0x3200  }
0x31: {  	s24 =	simm.s32 $0x400;
	[sflag:s14] =	ssyncset.done $0x0  }
.LBB2_2:
0x32: {  	p0 =	sne.s32 s24, $0x5C00  }
0x33: {  	[sflag:s14] =	ssyncadd.s32 $0xFFFFCE00;
	s25 =	smov.u32 s24;
	s24 =	sadd.s32 $0x400, s24  }
0x34: {  	_ = 	snop  }
0x35: {  	_ =	swait.ge [sflag:s18], $0x3200  }
0x36: {  	s25 =	sshra.s32 s25, $0x2;
	[sflag:s18] =	ssyncset.done $0x0  }
0x37: {  	s26 =	sadd.s32 $0x80, s25;
	[sflag:s18] =	ssyncadd.s32 $0xFFFFCE00  }
0x38: {  	[tilespmem:s19], [sflag:$0x1] =	stream.indirect.gather [hbm4b:s4+s16], $0x80, s26, s16, $0xb8;
	[tilespmem:$0x1E000] =	vst v63  }
0x39: {  	s26 =	sadd.s32 $0x1C00, s25  }
0x3a: {  	[spmem:s1] =	stream.indirect.scatter.add.f32 [tilespmem:s17], [sflag:$0x2], $0x80, s26, s16, $0xb8;
	[tilespmem:$0x1E000] =	vst v63  }
0x3b: {  	_ =	swait.ge [sflag:s14], $0x3200  }
0x3c: {  	[sflag:s14] =	ssyncset.done $0x0  }
0x3d: {  	[sflag:s14] =	ssyncadd.s32 $0xFFFFCE00  }
0x3e: {  	_ =	swait.ge [sflag:s18], $0x3200  }
0x3f: {  	[sflag:s18] =	ssyncset.done $0x0  }
0x40: {  	s26 =	sadd.s32 $0x100, s25;
	[sflag:s18] =	ssyncadd.s32 $0xFFFFCE00  }
0x41: {  	[tilespmem:s17], [sflag:$0x1] =	stream.indirect.gather [hbm4b:s4+s16], $0x80, s26, s16, $0xb8;
	[tilespmem:$0x1E000] =	vst v63  }
.Ltmp0:
0x42: {  	_ = 	snop;
	(pc) =	sbr.rel @p0 .LBB2_2-.Ltmp0, $4  }
0x43: {  	s25 =	sadd.s32 $0x1C80, s25  }
0x44: {  	[spmem:s1] =	stream.indirect.scatter.add.f32 [tilespmem:s19], [sflag:$0x2], $0x80, s25, s16, $0xb8;
	[tilespmem:$0x1E000] =	vst v63  }
0x45: {  	_ =	swait.ge [sflag:s14], $0x3200  }
0x46: {  	[sflag:s14] =	ssyncset.done $0x0  }
0x47: {  	[sflag:s14] =	ssyncadd.s32 $0xFFFFCE00  }
0x48: {  	_ =	swait.ge [sflag:s18], $0x3200  }
0x49: {  	[sflag:s18] =	ssyncset.done $0x0  }
0x4a: {  	[sflag:s18] =	ssyncadd.s32 $0xFFFFCE00  }
0x4b: {  	[tilespmem:s19], [sflag:$0x1] =	stream.indirect.gather [hbm4b:s4+s16], $0x80, s20, s16, $0xb8;
	[tilespmem:$0x1E000] =	vst v63  }
0x4c: {  	_ = 	snop  }
0x4d: {  	[spmem:s1] =	stream.indirect.scatter.add.f32 [tilespmem:s17], [sflag:$0x2], $0x80, s21, s16, $0xb8;
	[tilespmem:$0x1E000] =	vst v63  }
0x4e: {  	_ =	swait.ge [sflag:s14], $0x3200  }
0x4f: {  	[sflag:s14] =	ssyncset.done $0x0  }
0x50: {  	[sflag:s14] =	ssyncadd.s32 $0xFFFFCE00  }
0x51: {  	_ =	swait.ge [sflag:s18], $0x3200  }
0x52: {  	[sflag:s18] =	ssyncset.done $0x0  }
0x53: {  	[sflag:s18] =	ssyncadd.s32 $0xFFFFCE00  }
0x54: {  	[spmem:s1] =	stream.indirect.scatter.add.f32 [tilespmem:s19], [sflag:$0x2], $0x80, s22, s16, $0xb8;
	[tilespmem:$0x1E000] =	vst v63  }
0x55: {  	_ =	swait.ge [sflag:s14], $0x3200  }
0x56: {  	[sflag:s14] =	ssyncset.done $0x0  }
0x57: {  	s24 =	simm.s32 $0x0;
	[sflag:s14] =	ssyncadd.s32 $0xFFFFCE00  }
0x58: {  	[tilespmem:s24], [sflag:$0x2] =	stream.linear.gather [hbm4b:s9+s24], $0x1900, $0x38;
	[tilespmem:$0x1E000] =	vst v63  }
0x59: {  	_ =	swait.ge [sflag:s14], $0x1900  }
0x5a: {  	[sflag:s14] =	ssyncset.done $0x0  }
0x5b: {  	[sflag:s14] =	ssyncadd.s32 $0xFFFFE700  }
0x5c: {  	[tilespmem:s15], [sflag:$0x2] =	stream.linear.gather [hbm4b:s10+s24], $0x1900, $0x38;
	[tilespmem:$0x1E000] =	vst v63  }
0x5d: {  	_ =	swait.ge [sflag:s14], $0x1900  }
0x5e: {  	[sflag:s14] =	ssyncset.done $0x0  }
0x5f: {  	[sflag:s14] =	ssyncadd.s32 $0xFFFFE700  }
0x60: {  	[tilespmem:s17], [sflag:$0x1] =	stream.indirect.gather [hbm4b:s4+s16], $0x80, s24, s16, $0xb8;
	[tilespmem:$0x1E000] =	vst v63  }
0x61: {  	_ =	swait.ge [sflag:s18], $0x3200  }
0x62: {  	[sflag:s18] =	ssyncset.done $0x0  }
0x63: {  	s28 =	simm.s32 $0x80;
	[sflag:s18] =	ssyncadd.s32 $0xFFFFCE00  }
0x64: {  	[tilespmem:s19], [sflag:$0x1] =	stream.indirect.gather [hbm4b:s4+s16], $0x80, s28, s16, $0xb8;
	[tilespmem:$0x1E000] =	vst v63  }
0x65: {  	s29 =	simm.s32 $0x1C00  }
0x66: {  	[spmem:s1] =	stream.indirect.scatter.add.f32 [tilespmem:s17], [sflag:$0x2], $0x80, s29, s16, $0xb8;
	[tilespmem:$0x1E000] =	vst v63  }
0x67: {  	_ =	swait.ge [sflag:s14], $0x3200  }
0x68: {  	[sflag:s14] =	ssyncset.done $0x0  }
0x69: {  	[sflag:s14] =	ssyncadd.s32 $0xFFFFCE00  }
0x6a: {  	_ =	swait.ge [sflag:s18], $0x3200  }
0x6b: {  	[sflag:s18] =	ssyncset.done $0x0  }
0x6c: {  	s30 =	simm.s32 $0x100;
	[sflag:s18] =	ssyncadd.s32 $0xFFFFCE00  }
0x6d: {  	[tilespmem:s17], [sflag:$0x1] =	stream.indirect.gather [hbm4b:s4+s16], $0x80, s30, s16, $0xb8;
	[tilespmem:$0x1E000] =	vst v63  }
0x6e: {  	s31 =	simm.s32 $0x1C80  }
0x6f: {  	[spmem:s1] =	stream.indirect.scatter.add.f32 [tilespmem:s19], [sflag:$0x2], $0x80, s31, s16, $0xb8;
	[tilespmem:$0x1E000] =	vst v63  }
0x70: {  	_ =	swait.ge [sflag:s14], $0x3200  }
0x71: {  	s24 =	simm.s32 $0x400;
	[sflag:s14] =	ssyncset.done $0x0  }
.LBB2_4:
0x72: {  	p0 =	sne.s32 s24, $0x5C00  }
0x73: {  	[sflag:s14] =	ssyncadd.s32 $0xFFFFCE00;
	s25 =	smov.u32 s24;
	s24 =	sadd.s32 $0x400, s24  }
0x74: {  	_ = 	snop  }
0x75: {  	_ =	swait.ge [sflag:s18], $0x3200  }
0x76: {  	s25 =	sshra.s32 s25, $0x2;
	[sflag:s18] =	ssyncset.done $0x0  }
0x77: {  	s26 =	sadd.s32 $0x80, s25;
	[sflag:s18] =	ssyncadd.s32 $0xFFFFCE00  }
0x78: {  	[tilespmem:s19], [sflag:$0x1] =	stream.indirect.gather [hbm4b:s4+s16], $0x80, s26, s16, $0xb8;
	[tilespmem:$0x1E000] =	vst v63  }
0x79: {  	s26 =	sadd.s32 $0x1C00, s25  }
0x7a: {  	[spmem:s1] =	stream.indirect.scatter.add.f32 [tilespmem:s17], [sflag:$0x2], $0x80, s26, s16, $0xb8;
	[tilespmem:$0x1E000] =	vst v63  }
0x7b: {  	_ =	swait.ge [sflag:s14], $0x3200  }
0x7c: {  	[sflag:s14] =	ssyncset.done $0x0  }
0x7d: {  	[sflag:s14] =	ssyncadd.s32 $0xFFFFCE00  }
0x7e: {  	_ =	swait.ge [sflag:s18], $0x3200  }
0x7f: {  	[sflag:s18] =	ssyncset.done $0x0  }
0x80: {  	s26 =	sadd.s32 $0x100, s25;
	[sflag:s18] =	ssyncadd.s32 $0xFFFFCE00  }
0x81: {  	[tilespmem:s17], [sflag:$0x1] =	stream.indirect.gather [hbm4b:s4+s16], $0x80, s26, s16, $0xb8;
	[tilespmem:$0x1E000] =	vst v63  }
.Ltmp1:
0x82: {  	_ = 	snop;
	(pc) =	sbr.rel @p0 .LBB2_4-.Ltmp1, $4  }
0x83: {  	s25 =	sadd.s32 $0x1C80, s25  }
0x84: {  	[spmem:s1] =	stream.indirect.scatter.add.f32 [tilespmem:s19], [sflag:$0x2], $0x80, s25, s16, $0xb8;
	[tilespmem:$0x1E000] =	vst v63  }
0x85: {  	_ =	swait.ge [sflag:s14], $0x3200  }
0x86: {  	[sflag:s14] =	ssyncset.done $0x0  }
0x87: {  	[sflag:s14] =	ssyncadd.s32 $0xFFFFCE00  }
0x88: {  	_ =	swait.ge [sflag:s18], $0x3200  }
0x89: {  	[sflag:s18] =	ssyncset.done $0x0  }
0x8a: {  	[sflag:s18] =	ssyncadd.s32 $0xFFFFCE00  }
0x8b: {  	[tilespmem:s19], [sflag:$0x1] =	stream.indirect.gather [hbm4b:s4+s16], $0x80, s20, s16, $0xb8;
	[tilespmem:$0x1E000] =	vst v63  }
0x8c: {  	_ = 	snop  }
0x8d: {  	[spmem:s1] =	stream.indirect.scatter.add.f32 [tilespmem:s17], [sflag:$0x2], $0x80, s21, s16, $0xb8;
	[tilespmem:$0x1E000] =	vst v63  }
0x8e: {  	_ =	swait.ge [sflag:s14], $0x3200  }
0x8f: {  	[sflag:s14] =	ssyncset.done $0x0  }
0x90: {  	[sflag:s14] =	ssyncadd.s32 $0xFFFFCE00  }
0x91: {  	_ =	swait.ge [sflag:s18], $0x3200  }
0x92: {  	[sflag:s18] =	ssyncset.done $0x0  }
0x93: {  	[sflag:s18] =	ssyncadd.s32 $0xFFFFCE00  }
0x94: {  	[spmem:s1] =	stream.indirect.scatter.add.f32 [tilespmem:s19], [sflag:$0x2], $0x80, s22, s16, $0xb8;
	[tilespmem:$0x1E000] =	vst v63  }
0x95: {  	_ =	swait.ge [sflag:s14], $0x3200  }
0x96: {  	s23 =	sadd.s32 $0x1, s23;
	[sflag:s14] =	ssyncset.done $0x0  }
0x97: {  	p0 =	sne.s32 s23, s11;
	[sflag:s14] =	ssyncadd.s32 $0xFFFFCE00  }
.Ltmp2:
0x98: {  	[bflag:$0x0] =	sbarrier.arrive $0xFFFF;
	(pc) =	sbr.rel @p0 .LBB2_1-.Ltmp2, $4  }
0x99: {  	[hbm:s12], [sflag:s6] =	dma.local [spmem:s13], $0x2800  }
0x9a: {  	_ =	swait.ge [sflag:s14], $0x2800  }
0x9b: {  	[sflag:s14] =	ssyncset.done $0x0  }
0x9c: {  	[sflag:s14] =	ssyncadd.s32 $0xFFFFD800  }
0x9d: {  	_ =	sfence.sel $0x180000  }
0x9e: {  	[bflag:$0x0] =	sbarrier.arrive $0xFFFF  }
0x9f: {  	p0 =	sne.s32 s3, $0x0;
	_ =	strace $0x90000050  }
0xa0: {  	s0 =	sadd.s32 @!p0 $0x100000, s0;
	[bflag:$0x2] =	sbarrier.arrive $0xFFFF  }
0xa1: {  	[sflag:s0] =	ssyncadd.tile.s32 @!p0 $0x1;
	_ =	shalt  }
.Lfunc_end2:
_tile_overlayer_lowered:
.L_overlay_start_2:
0xa2: {  	(tag) =	ssettag $0x2  }
0xa3: {  	s0 =	rddreg [dreg:$0x0];
	s2 =	stileid.u32  }
0xa4: {  	s1 =	rddreg [dreg:$0x1];
	p0 =	sne.s32 s2, $0x0  }
0xa5: {  	s3 =	rddreg [dreg:$0x2];
	[bflag:$0x3] =	sbarrier.arrive $0xFFFF;
	s2 =	simm.s32 @!p0 $0x1C02  }
0xa6: {  	[timem:s3], [sflag:s2] =	dma.local @!p0 [hbm:s0], s1  }
0xa7: {  	s0 =	simm.s32 @!p0 $0x2  }
0xa8: {  	_ =	swait.ge @!p0 [sflag:s0], s1  }
0xa9: {  	s1 =	ssub.s32 @!p0 $0x0, s1;
	[sflag:s0] =	ssyncset.done @!p0 $0x0  }
0xaa: {  	[sflag:s0] =	ssyncadd.s32 @!p0 s1  }
0xab: {  	[bflag:$0x3] =	sbarrier.arrive $0xFFFF  }
0xac: {  	_ =	shalt  }

</sc_bundles>
